<compile_context>
chip_gen: v7x
topology: tpu7x:2x2x1
jax: 0.10.2.dev20260603
libtpu: 0.0.44.dev20260713+nightly
codegen_flags: <defaults>
</compile_context>

<pallas_src>
import functools

import jax
import jax.numpy as jnp
from jax import lax
from jax.experimental import pallas as pl
from jax.experimental.pallas import tpu as pltpu
from jax.experimental.pallas import tpu_sc as plsc

_INFO = plsc.get_sparse_core_info()
_NC = _INFO.num_cores
_NS = _INFO.num_subcores
_NL = _INFO.num_lanes
_NW = _NC * _NS

_BATCH = 16384
_DIM = 64
_BPW = _BATCH // _NW
_CHUNK = 128
_NCHUNK = _BPW // _CHUNK

_ENT = 1000000
_REL = 1000


def _rsqrt(x):
    xi = plsc.bitcast(x, jnp.int32)
    y = plsc.bitcast(jnp.int32(0x5F3759DF) - (xi >> 1), jnp.float32)
    for _ in range(3):
        y = y * (1.5 - 0.5 * x * y * y)
    return y


def _body(bh, bt, br, entf, relf, out, idx_h, idx_t, idx_r,
          ph, pt, pr, hb, tb, rb, out_v, sem_i, s0, s1):
    wid = lax.axis_index("s") * _NC + lax.axis_index("c")
    base = wid * _BPW

    ci = [pltpu.async_copy(src.at[pl.ds(base, _BPW)], dst, sem_i)
          for src, dst in ((bh, idx_h), (bt, idx_t), (br, idx_r))]
    for cp in ci:
        cp.wait()

    zf = jnp.zeros((_NL,), jnp.float32)
    sems = (s0, s1)

    def build(c, buf):
        def grp(g, _):
            s = pl.ds(c * _CHUNK + g * _NL, _NL)
            ihv = idx_h[s]
            itv = idx_t[s]
            irv = idx_r[s]

            def feat(j, _):
                d = pl.ds(j * _CHUNK + g * _NL, _NL)
                ph[buf, d] = ihv + j * _ENT
                pt[buf, d] = itv + j * _ENT
                pr[buf, d] = irv + j * _REL
                return 0

            lax.fori_loop(0, _DIM, feat, 0)
            return 0

        lax.fori_loop(0, _CHUNK // _NL, grp, 0)

    def fire(buf):
        return [
            pltpu.async_copy(entf.at[ph.at[buf]], hb.at[buf], sems[buf]),
            pltpu.async_copy(entf.at[pt.at[buf]], tb.at[buf], sems[buf]),
            pltpu.async_copy(relf.at[pr.at[buf]], rb.at[buf], sems[buf]),
        ]

    build(0, 0)
    pend = fire(0)
    for c in range(_NCHUNK):
        cur = c % 2
        if c + 1 < _NCHUNK:
            build(c + 1, 1 - cur)
        for cp in pend:
            cp.wait()
        if c + 1 < _NCHUNK:
            pend = fire(1 - cur)
        hc, tc, rc = hb.at[cur], tb.at[cur], rb.at[cur]

        def group(gi, _, hc=hc, tc=tc, rc=rc, c=c):

            def pass_a(jb, carry):
                hs, rs, ts = carry
                for jo in range(8):
                    j = jb * 8 + jo
                    d = pl.ds(j * _CHUNK + gi * _NL, _NL)
                    hj = hc[d]
                    tj = tc[d]
                    rj = rc[d]
                    hs = hs + hj * hj
                    ts = ts + tj * tj
                    rs = rs + rj * rj
                return hs, rs, ts

            hs, rs, ts = lax.fori_loop(0, _DIM // 8, pass_a, (zf, zf, zf))
            ih = _rsqrt(jnp.maximum(hs, 1e-24))
            ir = _rsqrt(jnp.maximum(rs, 1e-24))
            it = _rsqrt(jnp.maximum(ts, 1e-24))

            def pass_b(jb, score):
                for jo in range(8):
                    j = jb * 8 + jo
                    d = pl.ds(j * _CHUNK + gi * _NL, _NL)
                    hj = hc[d]
                    tj = tc[d]
                    rj = rc[d]
                    score = score + jnp.abs(hj * ih + rj * ir - tj * it)
                return score

            score = lax.fori_loop(0, _DIM // 8, pass_b, zf)
            out_v[pl.ds(c * _CHUNK + gi * _NL, _NL)] = score
            return 0

        lax.fori_loop(0, _CHUNK // _NL, group, 0)

    pltpu.sync_copy(out_v, out.at[pl.ds(base, _BPW)])


def kernel(batch_h, batch_t, batch_r, ent_emb, rel_emb):
    mesh = plsc.VectorSubcoreMesh(core_axis_name="c", subcore_axis_name="s")
    f = functools.partial(
        pl.kernel,
        mesh=mesh,
        compiler_params=pltpu.CompilerParams(
            needs_layout_passes=False, use_tc_tiling_on_sc=False),
        out_type=jax.ShapeDtypeStruct((_BATCH,), jnp.float32),
        scratch_types=[
            pltpu.VMEM((_BPW,), jnp.int32),
            pltpu.VMEM((_BPW,), jnp.int32),
            pltpu.VMEM((_BPW,), jnp.int32),
            pltpu.VMEM((2, _DIM * _CHUNK), jnp.int32),
            pltpu.VMEM((2, _DIM * _CHUNK), jnp.int32),
            pltpu.VMEM((2, _DIM * _CHUNK), jnp.int32),
            pltpu.VMEM((2, _DIM * _CHUNK), jnp.float32),
            pltpu.VMEM((2, _DIM * _CHUNK), jnp.float32),
            pltpu.VMEM((2, _DIM * _CHUNK), jnp.float32),
            pltpu.VMEM((_BPW,), jnp.float32),
            pltpu.SemaphoreType.DMA,
            pltpu.SemaphoreType.DMA,
            pltpu.SemaphoreType.DMA,
        ],
    )(_body)
    return f(batch_h, batch_t, batch_r,
             ent_emb.T.reshape(-1), rel_emb.T.reshape(-1))

# --- scband reference (transcript-rebuilt; emitter-appended) ---
"""Pipeline reference for scband-trans-e-bmt-14620068676134 (READ-ONLY COPY).

The authoritative reference and input builder live on the scoring server;
editing this copy changes nothing except your own understanding.
"""

import jax, jax.numpy as jnp
import numpy as np

ENT_TOT = 1000000
REL_TOT = 1000
DIM = 64
BATCH = 16384


def setup_inputs(seed: int = 0) -> dict:
    key = jax.random.key(seed)
    k1, k2, k3, k4, k5 = jax.random.split(key, 5)
    batch_h = jax.random.randint(k1, (BATCH,), 0, ENT_TOT, dtype=jnp.int32)
    batch_t = jax.random.randint(k2, (BATCH,), 0, ENT_TOT, dtype=jnp.int32)
    batch_r = jax.random.randint(k3, (BATCH,), 0, REL_TOT, dtype=jnp.int32)
    # xavier_uniform-like init for embedding tables
    bound_ent = float(np.sqrt(6.0 / (ENT_TOT + DIM)))
    bound_rel = float(np.sqrt(6.0 / (REL_TOT + DIM)))
    ent_emb = jax.random.uniform(k4, (ENT_TOT, DIM), minval=-bound_ent, maxval=bound_ent, dtype=jnp.float32)
    rel_emb = jax.random.uniform(k5, (REL_TOT, DIM), minval=-bound_rel, maxval=bound_rel, dtype=jnp.float32)
    return {
        "batch_h": batch_h,
        "batch_t": batch_t,
        "batch_r": batch_r,
        "ent_emb": ent_emb,
        "rel_emb": rel_emb,
    }


def _l2_normalize(x, eps=1e-12):
    # matches torch F.normalize(x, 2, -1)
    n = jnp.linalg.norm(x, ord=2, axis=-1, keepdims=True)
    return x / jnp.maximum(n, eps)


def reference(batch_h, batch_t, batch_r, ent_emb, rel_emb):
    # mode == 'normal', world_size == 1, local_rank == 0, norm_flag == True,
    # p_norm == 1, margin_flag == False
    h = jnp.take(ent_emb, batch_h, axis=0)
    t = jnp.take(ent_emb, batch_t, axis=0)
    r = jnp.take(rel_emb, batch_r, axis=0)
    h = _l2_normalize(h)
    r = _l2_normalize(r)
    t = _l2_normalize(t)
    # dim slice with world_size=1 is the full dim
    score = h + r - t
    # all_gather_into_tensor with world_size=1 is identity; concat is identity
    gather_score = score
    # torch.norm(x, p=1, dim=-1) == sum of abs
    gather_score = jnp.sum(jnp.abs(gather_score), axis=-1).reshape(-1)
    return gather_score

if __name__ == "__main__":
    import jax
    _d = setup_inputs()
    print(jax.jit(kernel)(*tuple(_d.values())))

</pallas_src>

<mosaic_0001>
#map = affine_map<(d0, d1) -> (0)>
module attributes {stable_mosaic.version = 14 : i64} {
  func.func @_body(%arg0: i32, %arg1: i32, %arg2: memref<16384xi32, #tpu.memory_space<hbm>>, %arg3: memref<16384xi32, #tpu.memory_space<hbm>>, %arg4: memref<16384xi32, #tpu.memory_space<hbm>>, %arg5: memref<64000000xf32, #tpu.memory_space<hbm>>, %arg6: memref<64000xf32, #tpu.memory_space<hbm>>, %arg7: memref<16384xf32, #tpu.memory_space<hbm>>, %arg8: memref<512xi32, #tpu.memory_space<vmem>>, %arg9: memref<512xi32, #tpu.memory_space<vmem>>, %arg10: memref<512xi32, #tpu.memory_space<vmem>>, %arg11: memref<2x8192xi32, #tpu.memory_space<vmem>>, %arg12: memref<2x8192xi32, #tpu.memory_space<vmem>>, %arg13: memref<2x8192xi32, #tpu.memory_space<vmem>>, %arg14: memref<2x8192xf32, #tpu.memory_space<vmem>>, %arg15: memref<2x8192xf32, #tpu.memory_space<vmem>>, %arg16: memref<2x8192xf32, #tpu.memory_space<vmem>>, %arg17: memref<512xf32, #tpu.memory_space<vmem>>, %arg18: memref<!tpu.dma_semaphore, #tpu.memory_space<semaphore_mem>>, %arg19: memref<!tpu.dma_semaphore, #tpu.memory_space<semaphore_mem>>, %arg20: memref<!tpu.dma_semaphore, #tpu.memory_space<semaphore_mem>>) attributes {dimension_semantics = [#tpu.dimension_semantics<core_parallel>, #tpu.dimension_semantics<subcore_parallel>], iteration_bounds = array<i64: 2, 16>, scalar_prefetch = 0 : i64, scratch_operands = 13 : i64, tpu.core_type = #tpu.core_type<sc_vector_subcore>, window_params = [{transform_indices = #map}, {transform_indices = #map}, {transform_indices = #map}, {transform_indices = #map}, {transform_indices = #map}, {transform_indices = #map}]} {
    %mul3A = arith.constant 2 : i32
    %mul3A_0 = arith.muli %arg1, %mul3A : i32
    %add3A = arith.addi %mul3A_0, %arg0 : i32
    %mul3A_1 = arith.constant 512 : i32
    %mul3A_2 = arith.muli %add3A, %mul3A_1 : i32
    %dma_start3A = tpu.memref_slice %arg2[%mul3A_2] : memref<16384xi32, #tpu.memory_space<hbm>> -> memref<512xi32, #tpu.memory_space<hbm>>
    %dma_start3A_3 = tpu.memref_slice %arg2[%mul3A_2] : memref<16384xi32, #tpu.memory_space<hbm>> -> memref<512xi32, #tpu.memory_space<hbm>>
    tpu.enqueue_dma source(%dma_start3A_3 : memref<512xi32, #tpu.memory_space<hbm>>) target(%arg8 : memref<512xi32, #tpu.memory_space<vmem>>) target_semaphore(%arg18 : memref<!tpu.dma_semaphore, #tpu.memory_space<semaphore_mem>>)
    %dma_start3A_4 = tpu.memref_slice %arg3[%mul3A_2] : memref<16384xi32, #tpu.memory_space<hbm>> -> memref<512xi32, #tpu.memory_space<hbm>>
    %dma_start3A_5 = tpu.memref_slice %arg3[%mul3A_2] : memref<16384xi32, #tpu.memory_space<hbm>> -> memref<512xi32, #tpu.memory_space<hbm>>
    tpu.enqueue_dma source(%dma_start3A_5 : memref<512xi32, #tpu.memory_space<hbm>>) target(%arg9 : memref<512xi32, #tpu.memory_space<vmem>>) target_semaphore(%arg18 : memref<!tpu.dma_semaphore, #tpu.memory_space<semaphore_mem>>)
    %dma_start3A_6 = tpu.memref_slice %arg4[%mul3A_2] : memref<16384xi32, #tpu.memory_space<hbm>> -> memref<512xi32, #tpu.memory_space<hbm>>
    %dma_start3A_7 = tpu.memref_slice %arg4[%mul3A_2] : memref<16384xi32, #tpu.memory_space<hbm>> -> memref<512xi32, #tpu.memory_space<hbm>>
    tpu.enqueue_dma source(%dma_start3A_7 : memref<512xi32, #tpu.memory_space<hbm>>) target(%arg10 : memref<512xi32, #tpu.memory_space<vmem>>) target_semaphore(%arg18 : memref<!tpu.dma_semaphore, #tpu.memory_space<semaphore_mem>>)
    %dma_wait3A = tpu.memref_slice %arg2[%mul3A_2] : memref<16384xi32, #tpu.memory_space<hbm>> -> memref<512xi32, #tpu.memory_space<hbm>>
    %dma_wait3A_8 = tpu.memref_slice %arg2[%mul3A_2] : memref<16384xi32, #tpu.memory_space<hbm>> -> memref<512xi32, #tpu.memory_space<hbm>>
    tpu.wait_dma2 semaphore(%arg18 : memref<!tpu.dma_semaphore, #tpu.memory_space<semaphore_mem>>) src(%dma_wait3A_8 : memref<512xi32, #tpu.memory_space<hbm>>) dst(%arg8 : memref<512xi32, #tpu.memory_space<vmem>>)
    %dma_wait3A_9 = tpu.memref_slice %arg3[%mul3A_2] : memref<16384xi32, #tpu.memory_space<hbm>> -> memref<512xi32, #tpu.memory_space<hbm>>
    %dma_wait3A_10 = tpu.memref_slice %arg3[%mul3A_2] : memref<16384xi32, #tpu.memory_space<hbm>> -> memref<512xi32, #tpu.memory_space<hbm>>
    tpu.wait_dma2 semaphore(%arg18 : memref<!tpu.dma_semaphore, #tpu.memory_space<semaphore_mem>>) src(%dma_wait3A_10 : memref<512xi32, #tpu.memory_space<hbm>>) dst(%arg9 : memref<512xi32, #tpu.memory_space<vmem>>)
    %dma_wait3A_11 = tpu.memref_slice %arg4[%mul3A_2] : memref<16384xi32, #tpu.memory_space<hbm>> -> memref<512xi32, #tpu.memory_space<hbm>>
    %dma_wait3A_12 = tpu.memref_slice %arg4[%mul3A_2] : memref<16384xi32, #tpu.memory_space<hbm>> -> memref<512xi32, #tpu.memory_space<hbm>>
    tpu.wait_dma2 semaphore(%arg18 : memref<!tpu.dma_semaphore, #tpu.memory_space<semaphore_mem>>) src(%dma_wait3A_12 : memref<512xi32, #tpu.memory_space<hbm>>) dst(%arg10 : memref<512xi32, #tpu.memory_space<vmem>>)
    %broadcast_in_dim3A = arith.constant 0.000000e+00 : f32
    %broadcast_in_dim3A_13 = vector.broadcast %broadcast_in_dim3A : f32 to vector<16xf32>
    %scan3A = arith.constant 0 : i32
    %scan3A_14 = arith.constant 0 : i32
    %scan3A_15 = arith.constant 8 : i32
    %scan3A_16 = arith.addi %scan3A_14, %scan3A_15 : i32
    %scan3A_17 = arith.constant 1 : i32
    %scan3A_18 = scf.for %scan3A_321 = %scan3A_14 to %scan3A_16 step %scan3A_17 iter_args(%scan3A_322 = %scan3A) -> (i32)  : i32 {
      %mul3A_323 = arith.constant 16 : i32
      %mul3A_324 = arith.muli %scan3A_321, %mul3A_323 : i32
      %add3A_325 = arith.constant 0 : i32
      %add3A_326 = arith.addi %add3A_325, %mul3A_324 : i32
      %get3A = arith.index_cast %add3A_326 : i32 to index
      %get3A_327 = tpu.vector_load %arg8[%get3A] {strides = array<i32>} : memref<512xi32, #tpu.memory_space<vmem>>, vector<16xi32>,
      %get3A_328 = arith.index_cast %add3A_326 : i32 to index
      %get3A_329 = tpu.vector_load %arg9[%get3A_328] {strides = array<i32>} : memref<512xi32, #tpu.memory_space<vmem>>, vector<16xi32>,
      %get3A_330 = arith.index_cast %add3A_326 : i32 to index
      %get3A_331 = tpu.vector_load %arg10[%get3A_330] {strides = array<i32>} : memref<512xi32, #tpu.memory_space<vmem>>, vector<16xi32>,
      %scan3A_332 = arith.constant 0 : i32
      %scan3A_333 = arith.constant 0 : i32
      %scan3A_334 = arith.constant 64 : i32
      %scan3A_335 = arith.addi %scan3A_333, %scan3A_334 : i32
      %scan3A_336 = arith.constant 1 : i32
      %scan3A_337 = scf.for %scan3A_340 = %scan3A_333 to %scan3A_335 step %scan3A_336 iter_args(%scan3A_341 = %scan3A_332) -> (i32)  : i32 {
        %mul3A_342 = arith.constant 128 : i32
        %mul3A_343 = arith.muli %scan3A_340, %mul3A_342 : i32
        %mul3A_344 = arith.constant 16 : i32
        %mul3A_345 = arith.muli %scan3A_321, %mul3A_344 : i32
        %add3A_346 = arith.addi %mul3A_343, %mul3A_345 : i32
        %mul3A_347 = arith.constant 1000000 : i32
        %mul3A_348 = arith.muli %scan3A_340, %mul3A_347 : i32
        %add3A_349 = vector.broadcast %mul3A_348 : i32 to vector<16xi32>
        %add3A_350 = arith.addi %get3A_327, %add3A_349 : vector<16xi32>
        %swap3A = arith.constant 0 : i32
        %swap3A_351 = arith.index_cast %swap3A : i32 to index
        %swap3A_352 = arith.index_cast %add3A_346 : i32 to index
        %swap3A_353 = tpu.vector_load %arg11[%swap3A_351, %swap3A_352] {strides = array<i32>} : memref<2x8192xi32, #tpu.memory_space<vmem>>, vector<16xi32>,
        tpu.vector_store %arg11[%swap3A_351, %swap3A_352], %add3A_350 {strides = array<i32>} : memref<2x8192xi32, #tpu.memory_space<vmem>>, vector<16xi32>,
        %mul3A_354 = arith.constant 1000000 : i32
        %mul3A_355 = arith.muli %scan3A_340, %mul3A_354 : i32
        %add3A_356 = vector.broadcast %mul3A_355 : i32 to vector<16xi32>
        %add3A_357 = arith.addi %get3A_329, %add3A_356 : vector<16xi32>
        %swap3A_358 = arith.constant 0 : i32
        %swap3A_359 = arith.index_cast %swap3A_358 : i32 to index
        %swap3A_360 = arith.index_cast %add3A_346 : i32 to index
        %swap3A_361 = tpu.vector_load %arg12[%swap3A_359, %swap3A_360] {strides = array<i32>} : memref<2x8192xi32, #tpu.memory_space<vmem>>, vector<16xi32>,
        tpu.vector_store %arg12[%swap3A_359, %swap3A_360], %add3A_357 {strides = array<i32>} : memref<2x8192xi32, #tpu.memory_space<vmem>>, vector<16xi32>,
        %mul3A_362 = arith.constant 1000 : i32
        %mul3A_363 = arith.muli %scan3A_340, %mul3A_362 : i32
        %add3A_364 = vector.broadcast %mul3A_363 : i32 to vector<16xi32>
        %add3A_365 = arith.addi %get3A_331, %add3A_364 : vector<16xi32>
        %swap3A_366 = arith.constant 0 : i32
        %swap3A_367 = arith.index_cast %swap3A_366 : i32 to index
        %swap3A_368 = arith.index_cast %add3A_346 : i32 to index
        %swap3A_369 = tpu.vector_load %arg13[%swap3A_367, %swap3A_368] {strides = array<i32>} : memref<2x8192xi32, #tpu.memory_space<vmem>>, vector<16xi32>,
        tpu.vector_store %arg13[%swap3A_367, %swap3A_368], %add3A_365 {strides = array<i32>} : memref<2x8192xi32, #tpu.memory_space<vmem>>, vector<16xi32>,
        %scan3A_370 = arith.constant 0 : i32
        scf.yield %scan3A_370 : i32
      }
      %scan3A_338 = arith.constant 64 : i32
      %scan3A_339 = arith.constant 0 : i32
      scf.yield %scan3A_339 : i32
    }
    %scan3A_19 = arith.constant 8 : i32
    %dma_start3A_20 = arith.constant 0 : i32
    %dma_start3A_21 = arith.constant 0 : i32
    %dma_start3A_22 = arith.constant 0 : i32
    %dma_start3A_23 = tpu.memref_slice %arg14[%dma_start3A_21, %dma_start3A_22] : memref<2x8192xf32, #tpu.memory_space<vmem>> -> memref<1x8192xf32, #tpu.memory_space<vmem>>
    %dma_start3A_24 = tpu.memref_squeeze %dma_start3A_23 : memref<1x8192xf32, #tpu.memory_space<vmem>> -> memref<8192xf32, #tpu.memory_space<vmem>>
    %dma_start3A_25 = arith.constant 0 : i32
    %dma_start3A_26 = tpu.memref_slice %arg11[%dma_start3A_20, %dma_start3A_25] : memref<2x8192xi32, #tpu.memory_space<vmem>> -> memref<1x8192xi32, #tpu.memory_space<vmem>>
    %dma_start3A_27 = tpu.memref_squeeze %dma_start3A_26 : memref<1x8192xi32, #tpu.memory_space<vmem>> -> memref<8192xi32, #tpu.memory_space<vmem>>
    %dma_start3A_28 = arith.constant 0 : i32
    %dma_start3A_29 = tpu.memref_slice %arg5[%dma_start3A_28] : memref<64000000xf32, #tpu.memory_space<hbm>> -> memref<64000000xf32, #tpu.memory_space<hbm>>
    tpu.enqueue_indirect_dma source(%dma_start3A_29 : memref<64000000xf32, #tpu.memory_space<hbm>>) target(%dma_start3A_24 : memref<8192xf32, #tpu.memory_space<vmem>>) offsets(%dma_start3A_27 : memref<8192xi32, #tpu.memory_space<vmem>>) semaphore(%arg19 : memref<!tpu.dma_semaphore, #tpu.memory_space<semaphore_mem>>)
    %dma_start3A_30 = arith.constant 0 : i32
    %dma_start3A_31 = arith.constant 0 : i32
    %dma_start3A_32 = arith.constant 0 : i32
    %dma_start3A_33 = tpu.memref_slice %arg15[%dma_start3A_31, %dma_start3A_32] : memref<2x8192xf32, #tpu.memory_space<vmem>> -> memref<1x8192xf32, #tpu.memory_space<vmem>>
    %dma_start3A_34 = tpu.memref_squeeze %dma_start3A_33 : memref<1x8192xf32, #tpu.memory_space<vmem>> -> memref<8192xf32, #tpu.memory_space<vmem>>
    %dma_start3A_35 = arith.constant 0 : i32
    %dma_start3A_36 = tpu.memref_slice %arg12[%dma_start3A_30, %dma_start3A_35] : memref<2x8192xi32, #tpu.memory_space<vmem>> -> memref<1x8192xi32, #tpu.memory_space<vmem>>
    %dma_start3A_37 = tpu.memref_squeeze %dma_start3A_36 : memref<1x8192xi32, #tpu.memory_space<vmem>> -> memref<8192xi32, #tpu.memory_space<vmem>>
    %dma_start3A_38 = arith.constant 0 : i32
    %dma_start3A_39 = tpu.memref_slice %arg5[%dma_start3A_38] : memref<64000000xf32, #tpu.memory_space<hbm>> -> memref<64000000xf32, #tpu.memory_space<hbm>>
    tpu.enqueue_indirect_dma source(%dma_start3A_39 : memref<64000000xf32, #tpu.memory_space<hbm>>) target(%dma_start3A_34 : memref<8192xf32, #tpu.memory_space<vmem>>) offsets(%dma_start3A_37 : memref<8192xi32, #tpu.memory_space<vmem>>) semaphore(%arg19 : memref<!tpu.dma_semaphore, #tpu.memory_space<semaphore_mem>>)
    %dma_start3A_40 = arith.constant 0 : i32
    %dma_start3A_41 = arith.constant 0 : i32
    %dma_start3A_42 = arith.constant 0 : i32
    %dma_start3A_43 = tpu.memref_slice %arg16[%dma_start3A_41, %dma_start3A_42] : memref<2x8192xf32, #tpu.memory_space<vmem>> -> memref<1x8192xf32, #tpu.memory_space<vmem>>
    %dma_start3A_44 = tpu.memref_squeeze %dma_start3A_43 : memref<1x8192xf32, #tpu.memory_space<vmem>> -> memref<8192xf32, #tpu.memory_space<vmem>>
    %dma_start3A_45 = arith.constant 0 : i32
    %dma_start3A_46 = tpu.memref_slice %arg13[%dma_start3A_40, %dma_start3A_45] : memref<2x8192xi32, #tpu.memory_space<vmem>> -> memref<1x8192xi32, #tpu.memory_space<vmem>>
    %dma_start3A_47 = tpu.memref_squeeze %dma_start3A_46 : memref<1x8192xi32, #tpu.memory_space<vmem>> -> memref<8192xi32, #tpu.memory_space<vmem>>
    %dma_start3A_48 = arith.constant 0 : i32
    %dma_start3A_49 = tpu.memref_slice %arg6[%dma_start3A_48] : memref<64000xf32, #tpu.memory_space<hbm>> -> memref<64000xf32, #tpu.memory_space<hbm>>
    tpu.enqueue_indirect_dma source(%dma_start3A_49 : memref<64000xf32, #tpu.memory_space<hbm>>) target(%dma_start3A_44 : memref<8192xf32, #tpu.memory_space<vmem>>) offsets(%dma_start3A_47 : memref<8192xi32, #tpu.memory_space<vmem>>) semaphore(%arg19 : memref<!tpu.dma_semaphore, #tpu.memory_space<semaphore_mem>>)
    %scan3A_50 = arith.constant 0 : i32
    %scan3A_51 = arith.constant 0 : i32
    %scan3A_52 = arith.constant 8 : i32
    %scan3A_53 = arith.addi %scan3A_51, %scan3A_52 : i32
    %scan3A_54 = arith.constant 1 : i32
    %scan3A_55 = scf.for %scan3A_321 = %scan3A_51 to %scan3A_53 step %scan3A_54 iter_args(%scan3A_322 = %scan3A_50) -> (i32)  : i32 {
      %mul3A_323 = arith.constant 16 : i32
      %mul3A_324 = arith.muli %scan3A_321, %mul3A_323 : i32
      %add3A_325 = arith.constant 128 : i32
      %add3A_326 = arith.addi %add3A_325, %mul3A_324 : i32
      %get3A = arith.index_cast %add3A_326 : i32 to index
      %get3A_327 = tpu.vector_load %arg8[%get3A] {strides = array<i32>} : memref<512xi32, #tpu.memory_space<vmem>>, vector<16xi32>,
      %get3A_328 = arith.index_cast %add3A_326 : i32 to index
      %get3A_329 = tpu.vector_load %arg9[%get3A_328] {strides = array<i32>} : memref<512xi32, #tpu.memory_space<vmem>>, vector<16xi32>,
      %get3A_330 = arith.index_cast %add3A_326 : i32 to index
      %get3A_331 = tpu.vector_load %arg10[%get3A_330] {strides = array<i32>} : memref<512xi32, #tpu.memory_space<vmem>>, vector<16xi32>,
      %scan3A_332 = arith.constant 0 : i32
      %scan3A_333 = arith.constant 0 : i32
      %scan3A_334 = arith.constant 64 : i32
      %scan3A_335 = arith.addi %scan3A_333, %scan3A_334 : i32
      %scan3A_336 = arith.constant 1 : i32
      %scan3A_337 = scf.for %scan3A_340 = %scan3A_333 to %scan3A_335 step %scan3A_336 iter_args(%scan3A_341 = %scan3A_332) -> (i32)  : i32 {
        %mul3A_342 = arith.constant 128 : i32
        %mul3A_343 = arith.muli %scan3A_340, %mul3A_342 : i32
        %mul3A_344 = arith.constant 16 : i32
        %mul3A_345 = arith.muli %scan3A_321, %mul3A_344 : i32
        %add3A_346 = arith.addi %mul3A_343, %mul3A_345 : i32
        %mul3A_347 = arith.constant 1000000 : i32
        %mul3A_348 = arith.muli %scan3A_340, %mul3A_347 : i32
        %add3A_349 = vector.broadcast %mul3A_348 : i32 to vector<16xi32>
        %add3A_350 = arith.addi %get3A_327, %add3A_349 : vector<16xi32>
        %swap3A = arith.constant 1 : i32
        %swap3A_351 = arith.index_cast %swap3A : i32 to index
        %swap3A_352 = arith.index_cast %add3A_346 : i32 to index
        %swap3A_353 = tpu.vector_load %arg11[%swap3A_351, %swap3A_352] {strides = array<i32>} : memref<2x8192xi32, #tpu.memory_space<vmem>>, vector<16xi32>,
        tpu.vector_store %arg11[%swap3A_351, %swap3A_352], %add3A_350 {strides = array<i32>} : memref<2x8192xi32, #tpu.memory_space<vmem>>, vector<16xi32>,
        %mul3A_354 = arith.constant 1000000 : i32
        %mul3A_355 = arith.muli %scan3A_340, %mul3A_354 : i32
        %add3A_356 = vector.broadcast %mul3A_355 : i32 to vector<16xi32>
        %add3A_357 = arith.addi %get3A_329, %add3A_356 : vector<16xi32>
        %swap3A_358 = arith.constant 1 : i32
        %swap3A_359 = arith.index_cast %swap3A_358 : i32 to index
        %swap3A_360 = arith.index_cast %add3A_346 : i32 to index
        %swap3A_361 = tpu.vector_load %arg12[%swap3A_359, %swap3A_360] {strides = array<i32>} : memref<2x8192xi32, #tpu.memory_space<vmem>>, vector<16xi32>,
        tpu.vector_store %arg12[%swap3A_359, %swap3A_360], %add3A_357 {strides = array<i32>} : memref<2x8192xi32, #tpu.memory_space<vmem>>, vector<16xi32>,
        %mul3A_362 = arith.constant 1000 : i32
        %mul3A_363 = arith.muli %scan3A_340, %mul3A_362 : i32
        %add3A_364 = vector.broadcast %mul3A_363 : i32 to vector<16xi32>
        %add3A_365 = arith.addi %get3A_331, %add3A_364 : vector<16xi32>
        %swap3A_366 = arith.constant 1 : i32
        %swap3A_367 = arith.index_cast %swap3A_366 : i32 to index
        %swap3A_368 = arith.index_cast %add3A_346 : i32 to index
        %swap3A_369 = tpu.vector_load %arg13[%swap3A_367, %swap3A_368] {strides = array<i32>} : memref<2x8192xi32, #tpu.memory_space<vmem>>, vector<16xi32>,
        tpu.vector_store %arg13[%swap3A_367, %swap3A_368], %add3A_365 {strides = array<i32>} : memref<2x8192xi32, #tpu.memory_space<vmem>>, vector<16xi32>,
        %scan3A_370 = arith.constant 0 : i32
        scf.yield %scan3A_370 : i32
      }
      %scan3A_338 = arith.constant 64 : i32
      %scan3A_339 = arith.constant 0 : i32
      scf.yield %scan3A_339 : i32
    }
    %scan3A_56 = arith.constant 8 : i32
    %dma_wait3A_57 = arith.constant 0 : i32
    %dma_wait3A_58 = arith.constant 0 : i32
    %dma_wait3A_59 = arith.constant 0 : i32
    %dma_wait3A_60 = tpu.memref_slice %arg14[%dma_wait3A_58, %dma_wait3A_59] : memref<2x8192xf32, #tpu.memory_space<vmem>> -> memref<1x8192xf32, #tpu.memory_space<vmem>>
    %dma_wait3A_61 = tpu.memref_squeeze %dma_wait3A_60 : memref<1x8192xf32, #tpu.memory_space<vmem>> -> memref<8192xf32, #tpu.memory_space<vmem>>
    %dma_wait3A_62 = arith.constant 0 : i32
    %dma_wait3A_63 = tpu.memref_slice %arg11[%dma_wait3A_57, %dma_wait3A_62] : memref<2x8192xi32, #tpu.memory_space<vmem>> -> memref<1x8192xi32, #tpu.memory_space<vmem>>
    %dma_wait3A_64 = tpu.memref_squeeze %dma_wait3A_63 : memref<1x8192xi32, #tpu.memory_space<vmem>> -> memref<8192xi32, #tpu.memory_space<vmem>>
    %dma_wait3A_65 = arith.constant 0 : i32
    %dma_wait3A_66 = tpu.memref_slice %arg5[%dma_wait3A_65] : memref<64000000xf32, #tpu.memory_space<hbm>> -> memref<64000000xf32, #tpu.memory_space<hbm>>
    tpu.wait_indirect_dma semaphore(%arg19 : memref<!tpu.dma_semaphore, #tpu.memory_space<semaphore_mem>>) src(%dma_wait3A_66 : memref<64000000xf32, #tpu.memory_space<hbm>>) dst(%dma_wait3A_61 : memref<8192xf32, #tpu.memory_space<vmem>>)
    %dma_wait3A_67 = arith.constant 0 : i32
    %dma_wait3A_68 = arith.constant 0 : i32
    %dma_wait3A_69 = arith.constant 0 : i32
    %dma_wait3A_70 = tpu.memref_slice %arg15[%dma_wait3A_68, %dma_wait3A_69] : memref<2x8192xf32, #tpu.memory_space<vmem>> -> memref<1x8192xf32, #tpu.memory_space<vmem>>
    %dma_wait3A_71 = tpu.memref_squeeze %dma_wait3A_70 : memref<1x8192xf32, #tpu.memory_space<vmem>> -> memref<8192xf32, #tpu.memory_space<vmem>>
    %dma_wait3A_72 = arith.constant 0 : i32
    %dma_wait3A_73 = tpu.memref_slice %arg12[%dma_wait3A_67, %dma_wait3A_72] : memref<2x8192xi32, #tpu.memory_space<vmem>> -> memref<1x8192xi32, #tpu.memory_space<vmem>>
    %dma_wait3A_74 = tpu.memref_squeeze %dma_wait3A_73 : memref<1x8192xi32, #tpu.memory_space<vmem>> -> memref<8192xi32, #tpu.memory_space<vmem>>
    %dma_wait3A_75 = arith.constant 0 : i32
    %dma_wait3A_76 = tpu.memref_slice %arg5[%dma_wait3A_75] : memref<64000000xf32, #tpu.memory_space<hbm>> -> memref<64000000xf32, #tpu.memory_space<hbm>>
    tpu.wait_indirect_dma semaphore(%arg19 : memref<!tpu.dma_semaphore, #tpu.memory_space<semaphore_mem>>) src(%dma_wait3A_76 : memref<64000000xf32, #tpu.memory_space<hbm>>) dst(%dma_wait3A_71 : memref<8192xf32, #tpu.memory_space<vmem>>)
    %dma_wait3A_77 = arith.constant 0 : i32
    %dma_wait3A_78 = arith.constant 0 : i32
    %dma_wait3A_79 = arith.constant 0 : i32
    %dma_wait3A_80 = tpu.memref_slice %arg16[%dma_wait3A_78, %dma_wait3A_79] : memref<2x8192xf32, #tpu.memory_space<vmem>> -> memref<1x8192xf32, #tpu.memory_space<vmem>>
    %dma_wait3A_81 = tpu.memref_squeeze %dma_wait3A_80 : memref<1x8192xf32, #tpu.memory_space<vmem>> -> memref<8192xf32, #tpu.memory_space<vmem>>
    %dma_wait3A_82 = arith.constant 0 : i32
    %dma_wait3A_83 = tpu.memref_slice %arg13[%dma_wait3A_77, %dma_wait3A_82] : memref<2x8192xi32, #tpu.memory_space<vmem>> -> memref<1x8192xi32, #tpu.memory_space<vmem>>
    %dma_wait3A_84 = tpu.memref_squeeze %dma_wait3A_83 : memref<1x8192xi32, #tpu.memory_space<vmem>> -> memref<8192xi32, #tpu.memory_space<vmem>>
    %dma_wait3A_85 = arith.constant 0 : i32
    %dma_wait3A_86 = tpu.memref_slice %arg6[%dma_wait3A_85] : memref<64000xf32, #tpu.memory_space<hbm>> -> memref<64000xf32, #tpu.memory_space<hbm>>
    tpu.wait_indirect_dma semaphore(%arg19 : memref<!tpu.dma_semaphore, #tpu.memory_space<semaphore_mem>>) src(%dma_wait3A_86 : memref<64000xf32, #tpu.memory_space<hbm>>) dst(%dma_wait3A_81 : memref<8192xf32, #tpu.memory_space<vmem>>)
    %dma_start3A_87 = arith.constant 1 : i32
    %dma_start3A_88 = arith.constant 1 : i32
    %dma_start3A_89 = arith.constant 0 : i32
    %dma_start3A_90 = tpu.memref_slice %arg14[%dma_start3A_88, %dma_start3A_89] : memref<2x8192xf32, #tpu.memory_space<vmem>> -> memref<1x8192xf32, #tpu.memory_space<vmem>>
    %dma_start3A_91 = tpu.memref_squeeze %dma_start3A_90 : memref<1x8192xf32, #tpu.memory_space<vmem>> -> memref<8192xf32, #tpu.memory_space<vmem>>
    %dma_start3A_92 = arith.constant 0 : i32
    %dma_start3A_93 = tpu.memref_slice %arg11[%dma_start3A_87, %dma_start3A_92] : memref<2x8192xi32, #tpu.memory_space<vmem>> -> memref<1x8192xi32, #tpu.memory_space<vmem>>
    %dma_start3A_94 = tpu.memref_squeeze %dma_start3A_93 : memref<1x8192xi32, #tpu.memory_space<vmem>> -> memref<8192xi32, #tpu.memory_space<vmem>>
    %dma_start3A_95 = arith.constant 0 : i32
    %dma_start3A_96 = tpu.memref_slice %arg5[%dma_start3A_95] : memref<64000000xf32, #tpu.memory_space<hbm>> -> memref<64000000xf32, #tpu.memory_space<hbm>>
    tpu.enqueue_indirect_dma source(%dma_start3A_96 : memref<64000000xf32, #tpu.memory_space<hbm>>) target(%dma_start3A_91 : memref<8192xf32, #tpu.memory_space<vmem>>) offsets(%dma_start3A_94 : memref<8192xi32, #tpu.memory_space<vmem>>) semaphore(%arg20 : memref<!tpu.dma_semaphore, #tpu.memory_space<semaphore_mem>>)
    %dma_start3A_97 = arith.constant 1 : i32
    %dma_start3A_98 = arith.constant 1 : i32
    %dma_start3A_99 = arith.constant 0 : i32
    %dma_start3A_100 = tpu.memref_slice %arg15[%dma_start3A_98, %dma_start3A_99] : memref<2x8192xf32, #tpu.memory_space<vmem>> -> memref<1x8192xf32, #tpu.memory_space<vmem>>
    %dma_start3A_101 = tpu.memref_squeeze %dma_start3A_100 : memref<1x8192xf32, #tpu.memory_space<vmem>> -> memref<8192xf32, #tpu.memory_space<vmem>>
    %dma_start3A_102 = arith.constant 0 : i32
    %dma_start3A_103 = tpu.memref_slice %arg12[%dma_start3A_97, %dma_start3A_102] : memref<2x8192xi32, #tpu.memory_space<vmem>> -> memref<1x8192xi32, #tpu.memory_space<vmem>>
    %dma_start3A_104 = tpu.memref_squeeze %dma_start3A_103 : memref<1x8192xi32, #tpu.memory_space<vmem>> -> memref<8192xi32, #tpu.memory_space<vmem>>
    %dma_start3A_105 = arith.constant 0 : i32
    %dma_start3A_106 = tpu.memref_slice %arg5[%dma_start3A_105] : memref<64000000xf32, #tpu.memory_space<hbm>> -> memref<64000000xf32, #tpu.memory_space<hbm>>
    tpu.enqueue_indirect_dma source(%dma_start3A_106 : memref<64000000xf32, #tpu.memory_space<hbm>>) target(%dma_start3A_101 : memref<8192xf32, #tpu.memory_space<vmem>>) offsets(%dma_start3A_104 : memref<8192xi32, #tpu.memory_space<vmem>>) semaphore(%arg20 : memref<!tpu.dma_semaphore, #tpu.memory_space<semaphore_mem>>)
    %dma_start3A_107 = arith.constant 1 : i32
    %dma_start3A_108 = arith.constant 1 : i32
    %dma_start3A_109 = arith.constant 0 : i32
    %dma_start3A_110 = tpu.memref_slice %arg16[%dma_start3A_108, %dma_start3A_109] : memref<2x8192xf32, #tpu.memory_space<vmem>> -> memref<1x8192xf32, #tpu.memory_space<vmem>>
    %dma_start3A_111 = tpu.memref_squeeze %dma_start3A_110 : memref<1x8192xf32, #tpu.memory_space<vmem>> -> memref<8192xf32, #tpu.memory_space<vmem>>
    %dma_start3A_112 = arith.constant 0 : i32
    %dma_start3A_113 = tpu.memref_slice %arg13[%dma_start3A_107, %dma_start3A_112] : memref<2x8192xi32, #tpu.memory_space<vmem>> -> memref<1x8192xi32, #tpu.memory_space<vmem>>
    %dma_start3A_114 = tpu.memref_squeeze %dma_start3A_113 : memref<1x8192xi32, #tpu.memory_space<vmem>> -> memref<8192xi32, #tpu.memory_space<vmem>>
    %dma_start3A_115 = arith.constant 0 : i32
    %dma_start3A_116 = tpu.memref_slice %arg6[%dma_start3A_115] : memref<64000xf32, #tpu.memory_space<hbm>> -> memref<64000xf32, #tpu.memory_space<hbm>>
    tpu.enqueue_indirect_dma source(%dma_start3A_116 : memref<64000xf32, #tpu.memory_space<hbm>>) target(%dma_start3A_111 : memref<8192xf32, #tpu.memory_space<vmem>>) offsets(%dma_start3A_114 : memref<8192xi32, #tpu.memory_space<vmem>>) semaphore(%arg20 : memref<!tpu.dma_semaphore, #tpu.memory_space<semaphore_mem>>)
    %scan3A_117 = arith.constant 0 : i32
    %scan3A_118 = arith.constant 0 : i32
    %scan3A_119 = arith.constant 0 : i32
    %scan3A_120 = arith.constant 0 : i32
    %scan3A_121 = arith.constant 0 : i32
    %scan3A_122 = arith.constant 8 : i32
    %scan3A_123 = arith.addi %scan3A_121, %scan3A_122 : i32
    %scan3A_124 = arith.constant 1 : i32
    %scan3A_125 = scf.for %scan3A_321 = %scan3A_121 to %scan3A_123 step %scan3A_124 iter_args(%scan3A_322 = %scan3A_120) -> (i32)  : i32 {
      %scan3A_323 = arith.constant 0 : i32
      %scan3A_324 = arith.constant 8 : i32
      %scan3A_325 = arith.addi %scan3A_323, %scan3A_324 : i32
      %scan3A_326 = arith.constant 1 : i32
      %scan3A_327:3 = scf.for %scan3A_451 = %scan3A_323 to %scan3A_325 step %scan3A_326 iter_args(%scan3A_452 = %broadcast_in_dim3A_13, %scan3A_453 = %broadcast_in_dim3A_13, %scan3A_454 = %broadcast_in_dim3A_13) -> (vector<16xf32>, vector<16xf32>, vector<16xf32>)  : i32 {
        %mul3A_455 = arith.constant 8 : i32
        %mul3A_456 = arith.muli %scan3A_451, %mul3A_455 : i32
        %add3A_457 = arith.constant 0 : i32
        %add3A_458 = arith.addi %mul3A_456, %add3A_457 : i32
        %mul3A_459 = arith.constant 128 : i32
        %mul3A_460 = arith.muli %add3A_458, %mul3A_459 : i32
        %mul3A_461 = arith.constant 16 : i32
        %mul3A_462 = arith.muli %scan3A_321, %mul3A_461 : i32
        %add3A_463 = arith.addi %mul3A_460, %mul3A_462 : i32
        %get3A = arith.constant 0 : i32
        %get3A_464 = tpu.memref_slice %arg14[%scan3A_117, %get3A] : memref<2x8192xf32, #tpu.memory_space<vmem>> -> memref<1x8192xf32, #tpu.memory_space<vmem>>
        %get3A_465 = tpu.memref_squeeze %get3A_464 : memref<1x8192xf32, #tpu.memory_space<vmem>> -> memref<8192xf32, #tpu.memory_space<vmem>>
        %get3A_466 = arith.index_cast %add3A_463 : i32 to index
        %get3A_467 = tpu.vector_load %get3A_465[%get3A_466] {strides = array<i32>} : memref<8192xf32, #tpu.memory_space<vmem>>, vector<16xf32>,
        %get3A_468 = arith.constant 0 : i32
        %get3A_469 = tpu.memref_slice %arg15[%scan3A_118, %get3A_468] : memref<2x8192xf32, #tpu.memory_space<vmem>> -> memref<1x8192xf32, #tpu.memory_space<vmem>>
        %get3A_470 = tpu.memref_squeeze %get3A_469 : memref<1x8192xf32, #tpu.memory_space<vmem>> -> memref<8192xf32, #tpu.memory_space<vmem>>
        %get3A_471 = arith.index_cast %add3A_463 : i32 to index
        %get3A_472 = tpu.vector_load %get3A_470[%get3A_471] {strides = array<i32>} : memref<8192xf32, #tpu.memory_space<vmem>>, vector<16xf32>,
        %get3A_473 = arith.constant 0 : i32
        %get3A_474 = tpu.memref_slice %arg16[%scan3A_119, %get3A_473] : memref<2x8192xf32, #tpu.memory_space<vmem>> -> memref<1x8192xf32, #tpu.memory_space<vmem>>
        %get3A_475 = tpu.memref_squeeze %get3A_474 : memref<1x8192xf32, #tpu.memory_space<vmem>> -> memref<8192xf32, #tpu.memory_space<vmem>>
        %get3A_476 = arith.index_cast %add3A_463 : i32 to index
        %get3A_477 = tpu.vector_load %get3A_475[%get3A_476] {strides = array<i32>} : memref<8192xf32, #tpu.memory_space<vmem>>, vector<16xf32>,
        %mul3A_478 = arith.mulf %get3A_467, %get3A_467 : vector<16xf32>
        %add3A_479 = arith.addf %scan3A_452, %mul3A_478 : vector<16xf32>
        %mul3A_480 = arith.mulf %get3A_472, %get3A_472 : vector<16xf32>
        %add3A_481 = arith.addf %scan3A_454, %mul3A_480 : vector<16xf32>
        %mul3A_482 = arith.mulf %get3A_477, %get3A_477 : vector<16xf32>
        %add3A_483 = arith.addf %scan3A_453, %mul3A_482 : vector<16xf32>
        %mul3A_484 = arith.constant 8 : i32
        %mul3A_485 = arith.muli %scan3A_451, %mul3A_484 : i32
        %add3A_486 = arith.constant 1 : i32
        %add3A_487 = arith.addi %mul3A_485, %add3A_486 : i32
        %mul3A_488 = arith.constant 128 : i32
        %mul3A_489 = arith.muli %add3A_487, %mul3A_488 : i32
        %mul3A_490 = arith.constant 16 : i32
        %mul3A_491 = arith.muli %scan3A_321, %mul3A_490 : i32
        %add3A_492 = arith.addi %mul3A_489, %mul3A_491 : i32
        %get3A_493 = arith.constant 0 : i32
        %get3A_494 = tpu.memref_slice %arg14[%scan3A_117, %get3A_493] : memref<2x8192xf32, #tpu.memory_space<vmem>> -> memref<1x8192xf32, #tpu.memory_space<vmem>>
        %get3A_495 = tpu.memref_squeeze %get3A_494 : memref<1x8192xf32, #tpu.memory_space<vmem>> -> memref<8192xf32, #tpu.memory_space<vmem>>
        %get3A_496 = arith.index_cast %add3A_492 : i32 to index
        %get3A_497 = tpu.vector_load %get3A_495[%get3A_496] {strides = array<i32>} : memref<8192xf32, #tpu.memory_space<vmem>>, vector<16xf32>,
        %get3A_498 = arith.constant 0 : i32
        %get3A_499 = tpu.memref_slice %arg15[%scan3A_118, %get3A_498] : memref<2x8192xf32, #tpu.memory_space<vmem>> -> memref<1x8192xf32, #tpu.memory_space<vmem>>
        %get3A_500 = tpu.memref_squeeze %get3A_499 : memref<1x8192xf32, #tpu.memory_space<vmem>> -> memref<8192xf32, #tpu.memory_space<vmem>>
        %get3A_501 = arith.index_cast %add3A_492 : i32 to index
        %get3A_502 = tpu.vector_load %get3A_500[%get3A_501] {strides = array<i32>} : memref<8192xf32, #tpu.memory_space<vmem>>, vector<16xf32>,
        %get3A_503 = arith.constant 0 : i32
        %get3A_504 = tpu.memref_slice %arg16[%scan3A_119, %get3A_503] : memref<2x8192xf32, #tpu.memory_space<vmem>> -> memref<1x8192xf32, #tpu.memory_space<vmem>>
        %get3A_505 = tpu.memref_squeeze %get3A_504 : memref<1x8192xf32, #tpu.memory_space<vmem>> -> memref<8192xf32, #tpu.memory_space<vmem>>
        %get3A_506 = arith.index_cast %add3A_492 : i32 to index
        %get3A_507 = tpu.vector_load %get3A_505[%get3A_506] {strides = array<i32>} : memref<8192xf32, #tpu.memory_space<vmem>>, vector<16xf32>,
        %mul3A_508 = arith.mulf %get3A_497, %get3A_497 : vector<16xf32>
        %add3A_509 = arith.addf %add3A_479, %mul3A_508 : vector<16xf32>
        %mul3A_510 = arith.mulf %get3A_502, %get3A_502 : vector<16xf32>
        %add3A_511 = arith.addf %add3A_481, %mul3A_510 : vector<16xf32>
        %mul3A_512 = arith.mulf %get3A_507, %get3A_507 : vector<16xf32>
        %add3A_513 = arith.addf %add3A_483, %mul3A_512 : vector<16xf32>
        %mul3A_514 = arith.constant 8 : i32
        %mul3A_515 = arith.muli %scan3A_451, %mul3A_514 : i32
        %add3A_516 = arith.constant 2 : i32
        %add3A_517 = arith.addi %mul3A_515, %add3A_516 : i32
        %mul3A_518 = arith.constant 128 : i32
        %mul3A_519 = arith.muli %add3A_517, %mul3A_518 : i32
        %mul3A_520 = arith.constant 16 : i32
        %mul3A_521 = arith.muli %scan3A_321, %mul3A_520 : i32
        %add3A_522 = arith.addi %mul3A_519, %mul3A_521 : i32
        %get3A_523 = arith.constant 0 : i32
        %get3A_524 = tpu.memref_slice %arg14[%scan3A_117, %get3A_523] : memref<2x8192xf32, #tpu.memory_space<vmem>> -> memref<1x8192xf32, #tpu.memory_space<vmem>>
        %get3A_525 = tpu.memref_squeeze %get3A_524 : memref<1x8192xf32, #tpu.memory_space<vmem>> -> memref<8192xf32, #tpu.memory_space<vmem>>
        %get3A_526 = arith.index_cast %add3A_522 : i32 to index
        %get3A_527 = tpu.vector_load %get3A_525[%get3A_526] {strides = array<i32>} : memref<8192xf32, #tpu.memory_space<vmem>>, vector<16xf32>,
        %get3A_528 = arith.constant 0 : i32
        %get3A_529 = tpu.memref_slice %arg15[%scan3A_118, %get3A_528] : memref<2x8192xf32, #tpu.memory_space<vmem>> -> memref<1x8192xf32, #tpu.memory_space<vmem>>
        %get3A_530 = tpu.memref_squeeze %get3A_529 : memref<1x8192xf32, #tpu.memory_space<vmem>> -> memref<8192xf32, #tpu.memory_space<vmem>>
        %get3A_531 = arith.index_cast %add3A_522 : i32 to index
        %get3A_532 = tpu.vector_load %get3A_530[%get3A_531] {strides = array<i32>} : memref<8192xf32, #tpu.memory_space<vmem>>, vector<16xf32>,
        %get3A_533 = arith.constant 0 : i32
        %get3A_534 = tpu.memref_slice %arg16[%scan3A_119, %get3A_533] : memref<2x8192xf32, #tpu.memory_space<vmem>> -> memref<1x8192xf32, #tpu.memory_space<vmem>>
        %get3A_535 = tpu.memref_squeeze %get3A_534 : memref<1x8192xf32, #tpu.memory_space<vmem>> -> memref<8192xf32, #tpu.memory_space<vmem>>
        %get3A_536 = arith.index_cast %add3A_522 : i32 to index
        %get3A_537 = tpu.vector_load %get3A_535[%get3A_536] {strides = array<i32>} : memref<8192xf32, #tpu.memory_space<vmem>>, vector<16xf32>,
        %mul3A_538 = arith.mulf %get3A_527, %get3A_527 : vector<16xf32>
        %add3A_539 = arith.addf %add3A_509, %mul3A_538 : vector<16xf32>
        %mul3A_540 = arith.mulf %get3A_532, %get3A_532 : vector<16xf32>
        %add3A_541 = arith.addf %add3A_511, %mul3A_540 : vector<16xf32>
        %mul3A_542 = arith.mulf %get3A_537, %get3A_537 : vector<16xf32>
        %add3A_543 = arith.addf %add3A_513, %mul3A_542 : vector<16xf32>
        %mul3A_544 = arith.constant 8 : i32
        %mul3A_545 = arith.muli %scan3A_451, %mul3A_544 : i32
        %add3A_546 = arith.constant 3 : i32
        %add3A_547 = arith.addi %mul3A_545, %add3A_546 : i32
        %mul3A_548 = arith.constant 128 : i32
        %mul3A_549 = arith.muli %add3A_547, %mul3A_548 : i32
        %mul3A_550 = arith.constant 16 : i32
        %mul3A_551 = arith.muli %scan3A_321, %mul3A_550 : i32
        %add3A_552 = arith.addi %mul3A_549, %mul3A_551 : i32
        %get3A_553 = arith.constant 0 : i32
        %get3A_554 = tpu.memref_slice %arg14[%scan3A_117, %get3A_553] : memref<2x8192xf32, #tpu.memory_space<vmem>> -> memref<1x8192xf32, #tpu.memory_space<vmem>>
        %get3A_555 = tpu.memref_squeeze %get3A_554 : memref<1x8192xf32, #tpu.memory_space<vmem>> -> memref<8192xf32, #tpu.memory_space<vmem>>
        %get3A_556 = arith.index_cast %add3A_552 : i32 to index
        %get3A_557 = tpu.vector_load %get3A_555[%get3A_556] {strides = array<i32>} : memref<8192xf32, #tpu.memory_space<vmem>>, vector<16xf32>,
        %get3A_558 = arith.constant 0 : i32
        %get3A_559 = tpu.memref_slice %arg15[%scan3A_118, %get3A_558] : memref<2x8192xf32, #tpu.memory_space<vmem>> -> memref<1x8192xf32, #tpu.memory_space<vmem>>
        %get3A_560 = tpu.memref_squeeze %get3A_559 : memref<1x8192xf32, #tpu.memory_space<vmem>> -> memref<8192xf32, #tpu.memory_space<vmem>>
        %get3A_561 = arith.index_cast %add3A_552 : i32 to index
        %get3A_562 = tpu.vector_load %get3A_560[%get3A_561] {strides = array<i32>} : memref<8192xf32, #tpu.memory_space<vmem>>, vector<16xf32>,
        %get3A_563 = arith.constant 0 : i32
        %get3A_564 = tpu.memref_slice %arg16[%scan3A_119, %get3A_563] : memref<2x8192xf32, #tpu.memory_space<vmem>> -> memref<1x8192xf32, #tpu.memory_space<vmem>>
        %get3A_565 = tpu.memref_squeeze %get3A_564 : memref<1x8192xf32, #tpu.memory_space<vmem>> -> memref<8192xf32, #tpu.memory_space<vmem>>
        %get3A_566 = arith.index_cast %add3A_552 : i32 to index
        %get3A_567 = tpu.vector_load %get3A_565[%get3A_566] {strides = array<i32>} : memref<8192xf32, #tpu.memory_space<vmem>>, vector<16xf32>,
        %mul3A_568 = arith.mulf %get3A_557, %get3A_557 : vector<16xf32>
        %add3A_569 = arith.addf %add3A_539, %mul3A_568 : vector<16xf32>
        %mul3A_570 = arith.mulf %get3A_562, %get3A_562 : vector<16xf32>
        %add3A_571 = arith.addf %add3A_541, %mul3A_570 : vector<16xf32>
        %mul3A_572 = arith.mulf %get3A_567, %get3A_567 : vector<16xf32>
        %add3A_573 = arith.addf %add3A_543, %mul3A_572 : vector<16xf32>
        %mul3A_574 = arith.constant 8 : i32
        %mul3A_575 = arith.muli %scan3A_451, %mul3A_574 : i32
        %add3A_576 = arith.constant 4 : i32
        %add3A_577 = arith.addi %mul3A_575, %add3A_576 : i32
        %mul3A_578 = arith.constant 128 : i32
        %mul3A_579 = arith.muli %add3A_577, %mul3A_578 : i32
        %mul3A_580 = arith.constant 16 : i32
        %mul3A_581 = arith.muli %scan3A_321, %mul3A_580 : i32
        %add3A_582 = arith.addi %mul3A_579, %mul3A_581 : i32
        %get3A_583 = arith.constant 0 : i32
        %get3A_584 = tpu.memref_slice %arg14[%scan3A_117, %get3A_583] : memref<2x8192xf32, #tpu.memory_space<vmem>> -> memref<1x8192xf32, #tpu.memory_space<vmem>>
        %get3A_585 = tpu.memref_squeeze %get3A_584 : memref<1x8192xf32, #tpu.memory_space<vmem>> -> memref<8192xf32, #tpu.memory_space<vmem>>
        %get3A_586 = arith.index_cast %add3A_582 : i32 to index
        %get3A_587 = tpu.vector_load %get3A_585[%get3A_586] {strides = array<i32>} : memref<8192xf32, #tpu.memory_space<vmem>>, vector<16xf32>,
        %get3A_588 = arith.constant 0 : i32
        %get3A_589 = tpu.memref_slice %arg15[%scan3A_118, %get3A_588] : memref<2x8192xf32, #tpu.memory_space<vmem>> -> memref<1x8192xf32, #tpu.memory_space<vmem>>
        %get3A_590 = tpu.memref_squeeze %get3A_589 : memref<1x8192xf32, #tpu.memory_space<vmem>> -> memref<8192xf32, #tpu.memory_space<vmem>>
        %get3A_591 = arith.index_cast %add3A_582 : i32 to index
        %get3A_592 = tpu.vector_load %get3A_590[%get3A_591] {strides = array<i32>} : memref<8192xf32, #tpu.memory_space<vmem>>, vector<16xf32>,
        %get3A_593 = arith.constant 0 : i32
        %get3A_594 = tpu.memref_slice %arg16[%scan3A_119, %get3A_593] : memref<2x8192xf32, #tpu.memory_space<vmem>> -> memref<1x8192xf32, #tpu.memory_space<vmem>>
        %get3A_595 = tpu.memref_squeeze %get3A_594 : memref<1x8192xf32, #tpu.memory_space<vmem>> -> memref<8192xf32, #tpu.memory_space<vmem>>
        %get3A_596 = arith.index_cast %add3A_582 : i32 to index
        %get3A_597 = tpu.vector_load %get3A_595[%get3A_596] {strides = array<i32>} : memref<8192xf32, #tpu.memory_space<vmem>>, vector<16xf32>,
        %mul3A_598 = arith.mulf %get3A_587, %get3A_587 : vector<16xf32>
        %add3A_599 = arith.addf %add3A_569, %mul3A_598 : vector<16xf32>
        %mul3A_600 = arith.mulf %get3A_592, %get3A_592 : vector<16xf32>
        %add3A_601 = arith.addf %add3A_571, %mul3A_600 : vector<16xf32>
        %mul3A_602 = arith.mulf %get3A_597, %get3A_597 : vector<16xf32>
        %add3A_603 = arith.addf %add3A_573, %mul3A_602 : vector<16xf32>
        %mul3A_604 = arith.constant 8 : i32
        %mul3A_605 = arith.muli %scan3A_451, %mul3A_604 : i32
        %add3A_606 = arith.constant 5 : i32
        %add3A_607 = arith.addi %mul3A_605, %add3A_606 : i32
        %mul3A_608 = arith.constant 128 : i32
        %mul3A_609 = arith.muli %add3A_607, %mul3A_608 : i32
        %mul3A_610 = arith.constant 16 : i32
        %mul3A_611 = arith.muli %scan3A_321, %mul3A_610 : i32
        %add3A_612 = arith.addi %mul3A_609, %mul3A_611 : i32
        %get3A_613 = arith.constant 0 : i32
        %get3A_614 = tpu.memref_slice %arg14[%scan3A_117, %get3A_613] : memref<2x8192xf32, #tpu.memory_space<vmem>> -> memref<1x8192xf32, #tpu.memory_space<vmem>>
        %get3A_615 = tpu.memref_squeeze %get3A_614 : memref<1x8192xf32, #tpu.memory_space<vmem>> -> memref<8192xf32, #tpu.memory_space<vmem>>
        %get3A_616 = arith.index_cast %add3A_612 : i32 to index
        %get3A_617 = tpu.vector_load %get3A_615[%get3A_616] {strides = array<i32>} : memref<8192xf32, #tpu.memory_space<vmem>>, vector<16xf32>,
        %get3A_618 = arith.constant 0 : i32
        %get3A_619 = tpu.memref_slice %arg15[%scan3A_118, %get3A_618] : memref<2x8192xf32, #tpu.memory_space<vmem>> -> memref<1x8192xf32, #tpu.memory_space<vmem>>
        %get3A_620 = tpu.memref_squeeze %get3A_619 : memref<1x8192xf32, #tpu.memory_space<vmem>> -> memref<8192xf32, #tpu.memory_space<vmem>>
        %get3A_621 = arith.index_cast %add3A_612 : i32 to index
        %get3A_622 = tpu.vector_load %get3A_620[%get3A_621] {strides = array<i32>} : memref<8192xf32, #tpu.memory_space<vmem>>, vector<16xf32>,
        %get3A_623 = arith.constant 0 : i32
        %get3A_624 = tpu.memref_slice %arg16[%scan3A_119, %get3A_623] : memref<2x8192xf32, #tpu.memory_space<vmem>> -> memref<1x8192xf32, #tpu.memory_space<vmem>>
        %get3A_625 = tpu.memref_squeeze %get3A_624 : memref<1x8192xf32, #tpu.memory_space<vmem>> -> memref<8192xf32, #tpu.memory_space<vmem>>
        %get3A_626 = arith.index_cast %add3A_612 : i32 to index
        %get3A_627 = tpu.vector_load %get3A_625[%get3A_626] {strides = array<i32>} : memref<8192xf32, #tpu.memory_space<vmem>>, vector<16xf32>,
        %mul3A_628 = arith.mulf %get3A_617, %get3A_617 : vector<16xf32>
        %add3A_629 = arith.addf %add3A_599, %mul3A_628 : vector<16xf32>
        %mul3A_630 = arith.mulf %get3A_622, %get3A_622 : vector<16xf32>
        %add3A_631 = arith.addf %add3A_601, %mul3A_630 : vector<16xf32>
        %mul3A_632 = arith.mulf %get3A_627, %get3A_627 : vector<16xf32>
        %add3A_633 = arith.addf %add3A_603, %mul3A_632 : vector<16xf32>
        %mul3A_634 = arith.constant 8 : i32
        %mul3A_635 = arith.muli %scan3A_451, %mul3A_634 : i32
        %add3A_636 = arith.constant 6 : i32
        %add3A_637 = arith.addi %mul3A_635, %add3A_636 : i32
        %mul3A_638 = arith.constant 128 : i32
        %mul3A_639 = arith.muli %add3A_637, %mul3A_638 : i32
        %mul3A_640 = arith.constant 16 : i32
        %mul3A_641 = arith.muli %scan3A_321, %mul3A_640 : i32
        %add3A_642 = arith.addi %mul3A_639, %mul3A_641 : i32
        %get3A_643 = arith.constant 0 : i32
        %get3A_644 = tpu.memref_slice %arg14[%scan3A_117, %get3A_643] : memref<2x8192xf32, #tpu.memory_space<vmem>> -> memref<1x8192xf32, #tpu.memory_space<vmem>>
        %get3A_645 = tpu.memref_squeeze %get3A_644 : memref<1x8192xf32, #tpu.memory_space<vmem>> -> memref<8192xf32, #tpu.memory_space<vmem>>
        %get3A_646 = arith.index_cast %add3A_642 : i32 to index
        %get3A_647 = tpu.vector_load %get3A_645[%get3A_646] {strides = array<i32>} : memref<8192xf32, #tpu.memory_space<vmem>>, vector<16xf32>,
        %get3A_648 = arith.constant 0 : i32
        %get3A_649 = tpu.memref_slice %arg15[%scan3A_118, %get3A_648] : memref<2x8192xf32, #tpu.memory_space<vmem>> -> memref<1x8192xf32, #tpu.memory_space<vmem>>
        %get3A_650 = tpu.memref_squeeze %get3A_649 : memref<1x8192xf32, #tpu.memory_space<vmem>> -> memref<8192xf32, #tpu.memory_space<vmem>>
        %get3A_651 = arith.index_cast %add3A_642 : i32 to index
        %get3A_652 = tpu.vector_load %get3A_650[%get3A_651] {strides = array<i32>} : memref<8192xf32, #tpu.memory_space<vmem>>, vector<16xf32>,
        %get3A_653 = arith.constant 0 : i32
        %get3A_654 = tpu.memref_slice %arg16[%scan3A_119, %get3A_653] : memref<2x8192xf32, #tpu.memory_space<vmem>> -> memref<1x8192xf32, #tpu.memory_space<vmem>>
        %get3A_655 = tpu.memref_squeeze %get3A_654 : memref<1x8192xf32, #tpu.memory_space<vmem>> -> memref<8192xf32, #tpu.memory_space<vmem>>
        %get3A_656 = arith.index_cast %add3A_642 : i32 to index
        %get3A_657 = tpu.vector_load %get3A_655[%get3A_656] {strides = array<i32>} : memref<8192xf32, #tpu.memory_space<vmem>>, vector<16xf32>,
        %mul3A_658 = arith.mulf %get3A_647, %get3A_647 : vector<16xf32>
        %add3A_659 = arith.addf %add3A_629, %mul3A_658 : vector<16xf32>
        %mul3A_660 = arith.mulf %get3A_652, %get3A_652 : vector<16xf32>
        %add3A_661 = arith.addf %add3A_631, %mul3A_660 : vector<16xf32>
        %mul3A_662 = arith.mulf %get3A_657, %get3A_657 : vector<16xf32>
        %add3A_663 = arith.addf %add3A_633, %mul3A_662 : vector<16xf32>
        %mul3A_664 = arith.constant 8 : i32
        %mul3A_665 = arith.muli %scan3A_451, %mul3A_664 : i32
        %add3A_666 = arith.constant 7 : i32
        %add3A_667 = arith.addi %mul3A_665, %add3A_666 : i32
        %mul3A_668 = arith.constant 128 : i32
        %mul3A_669 = arith.muli %add3A_667, %mul3A_668 : i32
        %mul3A_670 = arith.constant 16 : i32
        %mul3A_671 = arith.muli %scan3A_321, %mul3A_670 : i32
        %add3A_672 = arith.addi %mul3A_669, %mul3A_671 : i32
        %get3A_673 = arith.constant 0 : i32
        %get3A_674 = tpu.memref_slice %arg14[%scan3A_117, %get3A_673] : memref<2x8192xf32, #tpu.memory_space<vmem>> -> memref<1x8192xf32, #tpu.memory_space<vmem>>
        %get3A_675 = tpu.memref_squeeze %get3A_674 : memref<1x8192xf32, #tpu.memory_space<vmem>> -> memref<8192xf32, #tpu.memory_space<vmem>>
        %get3A_676 = arith.index_cast %add3A_672 : i32 to index
        %get3A_677 = tpu.vector_load %get3A_675[%get3A_676] {strides = array<i32>} : memref<8192xf32, #tpu.memory_space<vmem>>, vector<16xf32>,
        %get3A_678 = arith.constant 0 : i32
        %get3A_679 = tpu.memref_slice %arg15[%scan3A_118, %get3A_678] : memref<2x8192xf32, #tpu.memory_space<vmem>> -> memref<1x8192xf32, #tpu.memory_space<vmem>>
        %get3A_680 = tpu.memref_squeeze %get3A_679 : memref<1x8192xf32, #tpu.memory_space<vmem>> -> memref<8192xf32, #tpu.memory_space<vmem>>
        %get3A_681 = arith.index_cast %add3A_672 : i32 to index
        %get3A_682 = tpu.vector_load %get3A_680[%get3A_681] {strides = array<i32>} : memref<8192xf32, #tpu.memory_space<vmem>>, vector<16xf32>,
        %get3A_683 = arith.constant 0 : i32
        %get3A_684 = tpu.memref_slice %arg16[%scan3A_119, %get3A_683] : memref<2x8192xf32, #tpu.memory_space<vmem>> -> memref<1x8192xf32, #tpu.memory_space<vmem>>
        %get3A_685 = tpu.memref_squeeze %get3A_684 : memref<1x8192xf32, #tpu.memory_space<vmem>> -> memref<8192xf32, #tpu.memory_space<vmem>>
        %get3A_686 = arith.index_cast %add3A_672 : i32 to index
        %get3A_687 = tpu.vector_load %get3A_685[%get3A_686] {strides = array<i32>} : memref<8192xf32, #tpu.memory_space<vmem>>, vector<16xf32>,
        %mul3A_688 = arith.mulf %get3A_677, %get3A_677 : vector<16xf32>
        %add3A_689 = arith.addf %add3A_659, %mul3A_688 : vector<16xf32>
        %mul3A_690 = arith.mulf %get3A_682, %get3A_682 : vector<16xf32>
        %add3A_691 = arith.addf %add3A_661, %mul3A_690 : vector<16xf32>
        %mul3A_692 = arith.mulf %get3A_687, %get3A_687 : vector<16xf32>
        %add3A_693 = arith.addf %add3A_663, %mul3A_692 : vector<16xf32>
        scf.yield %add3A_689, %add3A_693, %add3A_691 : vector<16xf32>, vector<16xf32>, vector<16xf32>
      }
      %scan3A_328 = arith.constant 8 : i32
      %max3A = arith.constant 1.000000e-24 : f32
      %max3A_329 = vector.broadcast %max3A : f32 to vector<16xf32>
      %max3A_330 = arith.maximumf %scan3A_327#0, %max3A_329 : vector<16xf32>
      %bitcast3A = vector.bitcast %max3A_330 : vector<16xf32> to vector<16xi32>
      %shift_right_arithmetic3A = arith.constant 1 : i32
      %shift_right_arithmetic3A_331 = vector.broadcast %shift_right_arithmetic3A : i32 to vector<16xi32>
      %shift_right_arithmetic3A_332 = arith.shrsi %bitcast3A, %shift_right_arithmetic3A_331 : vector<16xi32>
      %sub3A = arith.constant 1597463007 : i32
      %sub3A_333 = vector.broadcast %sub3A : i32 to vector<16xi32>
      %sub3A_334 = arith.subi %sub3A_333, %shift_right_arithmetic3A_332 : vector<16xi32>
      %bitcast3A_335 = vector.bitcast %sub3A_334 : vector<16xi32> to vector<16xf32>
      %mul3A_336 = arith.constant 5.000000e-01 : f32
      %mul3A_337 = vector.broadcast %mul3A_336 : f32 to vector<16xf32>
      %mul3A_338 = arith.mulf %mul3A_337, %max3A_330 : vector<16xf32>
      %mul3A_339 = arith.mulf %mul3A_338, %bitcast3A_335 : vector<16xf32>
      %mul3A_340 = arith.mulf %mul3A_339, %bitcast3A_335 : vector<16xf32>
      %sub3A_341 = arith.constant 1.500000e+00 : f32
      %sub3A_342 = vector.broadcast %sub3A_341 : f32 to vector<16xf32>
      %sub3A_343 = arith.subf %sub3A_342, %mul3A_340 : vector<16xf32>
      %mul3A_344 = arith.mulf %bitcast3A_335, %sub3A_343 : vector<16xf32>
      %mul3A_345 = arith.constant 5.000000e-01 : f32
      %mul3A_346 = vector.broadcast %mul3A_345 : f32 to vector<16xf32>
      %mul3A_347 = arith.mulf %mul3A_346, %max3A_330 : vector<16xf32>
      %mul3A_348 = arith.mulf %mul3A_347, %mul3A_344 : vector<16xf32>
      %mul3A_349 = arith.mulf %mul3A_348, %mul3A_344 : vector<16xf32>
      %sub3A_350 = arith.constant 1.500000e+00 : f32
      %sub3A_351 = vector.broadcast %sub3A_350 : f32 to vector<16xf32>
      %sub3A_352 = arith.subf %sub3A_351, %mul3A_349 : vector<16xf32>
      %mul3A_353 = arith.mulf %mul3A_344, %sub3A_352 : vector<16xf32>
      %mul3A_354 = arith.constant 5.000000e-01 : f32
      %mul3A_355 = vector.broadcast %mul3A_354 : f32 to vector<16xf32>
      %mul3A_356 = arith.mulf %mul3A_355, %max3A_330 : vector<16xf32>
      %mul3A_357 = arith.mulf %mul3A_356, %mul3A_353 : vector<16xf32>
      %mul3A_358 = arith.mulf %mul3A_357, %mul3A_353 : vector<16xf32>
      %sub3A_359 = arith.constant 1.500000e+00 : f32
      %sub3A_360 = vector.broadcast %sub3A_359 : f32 to vector<16xf32>
      %sub3A_361 = arith.subf %sub3A_360, %mul3A_358 : vector<16xf32>
      %mul3A_362 = arith.mulf %mul3A_353, %sub3A_361 : vector<16xf32>
      %max3A_363 = arith.constant 1.000000e-24 : f32
      %max3A_364 = vector.broadcast %max3A_363 : f32 to vector<16xf32>
      %max3A_365 = arith.maximumf %scan3A_327#1, %max3A_364 : vector<16xf32>
      %bitcast3A_366 = vector.bitcast %max3A_365 : vector<16xf32> to vector<16xi32>
      %shift_right_arithmetic3A_367 = arith.constant 1 : i32
      %shift_right_arithmetic3A_368 = vector.broadcast %shift_right_arithmetic3A_367 : i32 to vector<16xi32>
      %shift_right_arithmetic3A_369 = arith.shrsi %bitcast3A_366, %shift_right_arithmetic3A_368 : vector<16xi32>
      %sub3A_370 = arith.constant 1597463007 : i32
      %sub3A_371 = vector.broadcast %sub3A_370 : i32 to vector<16xi32>
      %sub3A_372 = arith.subi %sub3A_371, %shift_right_arithmetic3A_369 : vector<16xi32>
      %bitcast3A_373 = vector.bitcast %sub3A_372 : vector<16xi32> to vector<16xf32>
      %mul3A_374 = arith.constant 5.000000e-01 : f32
      %mul3A_375 = vector.broadcast %mul3A_374 : f32 to vector<16xf32>
      %mul3A_376 = arith.mulf %mul3A_375, %max3A_365 : vector<16xf32>
      %mul3A_377 = arith.mulf %mul3A_376, %bitcast3A_373 : vector<16xf32>
      %mul3A_378 = arith.mulf %mul3A_377, %bitcast3A_373 : vector<16xf32>
      %sub3A_379 = arith.constant 1.500000e+00 : f32
      %sub3A_380 = vector.broadcast %sub3A_379 : f32 to vector<16xf32>
      %sub3A_381 = arith.subf %sub3A_380, %mul3A_378 : vector<16xf32>
      %mul3A_382 = arith.mulf %bitcast3A_373, %sub3A_381 : vector<16xf32>
      %mul3A_383 = arith.constant 5.000000e-01 : f32
      %mul3A_384 = vector.broadcast %mul3A_383 : f32 to vector<16xf32>
      %mul3A_385 = arith.mulf %mul3A_384, %max3A_365 : vector<16xf32>
      %mul3A_386 = arith.mulf %mul3A_385, %mul3A_382 : vector<16xf32>
      %mul3A_387 = arith.mulf %mul3A_386, %mul3A_382 : vector<16xf32>
      %sub3A_388 = arith.constant 1.500000e+00 : f32
      %sub3A_389 = vector.broadcast %sub3A_388 : f32 to vector<16xf32>
      %sub3A_390 = arith.subf %sub3A_389, %mul3A_387 : vector<16xf32>
      %mul3A_391 = arith.mulf %mul3A_382, %sub3A_390 : vector<16xf32>
      %mul3A_392 = arith.constant 5.000000e-01 : f32
      %mul3A_393 = vector.broadcast %mul3A_392 : f32 to vector<16xf32>
      %mul3A_394 = arith.mulf %mul3A_393, %max3A_365 : vector<16xf32>
      %mul3A_395 = arith.mulf %mul3A_394, %mul3A_391 : vector<16xf32>
      %mul3A_396 = arith.mulf %mul3A_395, %mul3A_391 : vector<16xf32>
      %sub3A_397 = arith.constant 1.500000e+00 : f32
      %sub3A_398 = vector.broadcast %sub3A_397 : f32 to vector<16xf32>
      %sub3A_399 = arith.subf %sub3A_398, %mul3A_396 : vector<16xf32>
      %mul3A_400 = arith.mulf %mul3A_391, %sub3A_399 : vector<16xf32>
      %max3A_401 = arith.constant 1.000000e-24 : f32
      %max3A_402 = vector.broadcast %max3A_401 : f32 to vector<16xf32>
      %max3A_403 = arith.maximumf %scan3A_327#2, %max3A_402 : vector<16xf32>
      %bitcast3A_404 = vector.bitcast %max3A_403 : vector<16xf32> to vector<16xi32>
      %shift_right_arithmetic3A_405 = arith.constant 1 : i32
      %shift_right_arithmetic3A_406 = vector.broadcast %shift_right_arithmetic3A_405 : i32 to vector<16xi32>
      %shift_right_arithmetic3A_407 = arith.shrsi %bitcast3A_404, %shift_right_arithmetic3A_406 : vector<16xi32>
      %sub3A_408 = arith.constant 1597463007 : i32
      %sub3A_409 = vector.broadcast %sub3A_408 : i32 to vector<16xi32>
      %sub3A_410 = arith.subi %sub3A_409, %shift_right_arithmetic3A_407 : vector<16xi32>
      %bitcast3A_411 = vector.bitcast %sub3A_410 : vector<16xi32> to vector<16xf32>
      %mul3A_412 = arith.constant 5.000000e-01 : f32
      %mul3A_413 = vector.broadcast %mul3A_412 : f32 to vector<16xf32>
      %mul3A_414 = arith.mulf %mul3A_413, %max3A_403 : vector<16xf32>
      %mul3A_415 = arith.mulf %mul3A_414, %bitcast3A_411 : vector<16xf32>
      %mul3A_416 = arith.mulf %mul3A_415, %bitcast3A_411 : vector<16xf32>
      %sub3A_417 = arith.constant 1.500000e+00 : f32
      %sub3A_418 = vector.broadcast %sub3A_417 : f32 to vector<16xf32>
      %sub3A_419 = arith.subf %sub3A_418, %mul3A_416 : vector<16xf32>
      %mul3A_420 = arith.mulf %bitcast3A_411, %sub3A_419 : vector<16xf32>
      %mul3A_421 = arith.constant 5.000000e-01 : f32
      %mul3A_422 = vector.broadcast %mul3A_421 : f32 to vector<16xf32>
      %mul3A_423 = arith.mulf %mul3A_422, %max3A_403 : vector<16xf32>
      %mul3A_424 = arith.mulf %mul3A_423, %mul3A_420 : vector<16xf32>
      %mul3A_425 = arith.mulf %mul3A_424, %mul3A_420 : vector<16xf32>
      %sub3A_426 = arith.constant 1.500000e+00 : f32
      %sub3A_427 = vector.broadcast %sub3A_426 : f32 to vector<16xf32>
      %sub3A_428 = arith.subf %sub3A_427, %mul3A_425 : vector<16xf32>
      %mul3A_429 = arith.mulf %mul3A_420, %sub3A_428 : vector<16xf32>
      %mul3A_430 = arith.constant 5.000000e-01 : f32
      %mul3A_431 = vector.broadcast %mul3A_430 : f32 to vector<16xf32>
      %mul3A_432 = arith.mulf %mul3A_431, %max3A_403 : vector<16xf32>
      %mul3A_433 = arith.mulf %mul3A_432, %mul3A_429 : vector<16xf32>
      %mul3A_434 = arith.mulf %mul3A_433, %mul3A_429 : vector<16xf32>
      %sub3A_435 = arith.constant 1.500000e+00 : f32
      %sub3A_436 = vector.broadcast %sub3A_435 : f32 to vector<16xf32>
      %sub3A_437 = arith.subf %sub3A_436, %mul3A_434 : vector<16xf32>
      %mul3A_438 = arith.mulf %mul3A_429, %sub3A_437 : vector<16xf32>
      %scan3A_439 = arith.constant 0 : i32
      %scan3A_440 = arith.constant 8 : i32
      %scan3A_441 = arith.addi %scan3A_439, %scan3A_440 : i32
      %scan3A_442 = arith.constant 1 : i32
      %scan3A_443 = scf.for %scan3A_451 = %scan3A_439 to %scan3A_441 step %scan3A_442 iter_args(%scan3A_452 = %broadcast_in_dim3A_13) -> (vector<16xf32>)  : i32 {
        %mul3A_453 = arith.constant 8 : i32
        %mul3A_454 = arith.muli %scan3A_451, %mul3A_453 : i32
        %add3A_455 = arith.constant 0 : i32
        %add3A_456 = arith.addi %mul3A_454, %add3A_455 : i32
        %mul3A_457 = arith.constant 128 : i32
        %mul3A_458 = arith.muli %add3A_456, %mul3A_457 : i32
        %mul3A_459 = arith.constant 16 : i32
        %mul3A_460 = arith.muli %scan3A_321, %mul3A_459 : i32
        %add3A_461 = arith.addi %mul3A_458, %mul3A_460 : i32
        %get3A = arith.constant 0 : i32
        %get3A_462 = tpu.memref_slice %arg14[%scan3A_117, %get3A] : memref<2x8192xf32, #tpu.memory_space<vmem>> -> memref<1x8192xf32, #tpu.memory_space<vmem>>
        %get3A_463 = tpu.memref_squeeze %get3A_462 : memref<1x8192xf32, #tpu.memory_space<vmem>> -> memref<8192xf32, #tpu.memory_space<vmem>>
        %get3A_464 = arith.index_cast %add3A_461 : i32 to index
        %get3A_465 = tpu.vector_load %get3A_463[%get3A_464] {strides = array<i32>} : memref<8192xf32, #tpu.memory_space<vmem>>, vector<16xf32>,
        %get3A_466 = arith.constant 0 : i32
        %get3A_467 = tpu.memref_slice %arg15[%scan3A_118, %get3A_466] : memref<2x8192xf32, #tpu.memory_space<vmem>> -> memref<1x8192xf32, #tpu.memory_space<vmem>>
        %get3A_468 = tpu.memref_squeeze %get3A_467 : memref<1x8192xf32, #tpu.memory_space<vmem>> -> memref<8192xf32, #tpu.memory_space<vmem>>
        %get3A_469 = arith.index_cast %add3A_461 : i32 to index
        %get3A_470 = tpu.vector_load %get3A_468[%get3A_469] {strides = array<i32>} : memref<8192xf32, #tpu.memory_space<vmem>>, vector<16xf32>,
        %get3A_471 = arith.constant 0 : i32
        %get3A_472 = tpu.memref_slice %arg16[%scan3A_119, %get3A_471] : memref<2x8192xf32, #tpu.memory_space<vmem>> -> memref<1x8192xf32, #tpu.memory_space<vmem>>
        %get3A_473 = tpu.memref_squeeze %get3A_472 : memref<1x8192xf32, #tpu.memory_space<vmem>> -> memref<8192xf32, #tpu.memory_space<vmem>>
        %get3A_474 = arith.index_cast %add3A_461 : i32 to index
        %get3A_475 = tpu.vector_load %get3A_473[%get3A_474] {strides = array<i32>} : memref<8192xf32, #tpu.memory_space<vmem>>, vector<16xf32>,
        %mul3A_476 = arith.mulf %get3A_465, %mul3A_362 : vector<16xf32>
        %mul3A_477 = arith.mulf %get3A_475, %mul3A_400 : vector<16xf32>
        %add3A_478 = arith.addf %mul3A_476, %mul3A_477 : vector<16xf32>
        %mul3A_479 = arith.mulf %get3A_470, %mul3A_438 : vector<16xf32>
        %sub3A_480 = arith.subf %add3A_478, %mul3A_479 : vector<16xf32>
        %abs3A = math.absf %sub3A_480 : vector<16xf32>
        %add3A_481 = arith.addf %scan3A_452, %abs3A : vector<16xf32>
        %mul3A_482 = arith.constant 8 : i32
        %mul3A_483 = arith.muli %scan3A_451, %mul3A_482 : i32
        %add3A_484 = arith.constant 1 : i32
        %add3A_485 = arith.addi %mul3A_483, %add3A_484 : i32
        %mul3A_486 = arith.constant 128 : i32
        %mul3A_487 = arith.muli %add3A_485, %mul3A_486 : i32
        %mul3A_488 = arith.constant 16 : i32
        %mul3A_489 = arith.muli %scan3A_321, %mul3A_488 : i32
        %add3A_490 = arith.addi %mul3A_487, %mul3A_489 : i32
        %get3A_491 = arith.constant 0 : i32
        %get3A_492 = tpu.memref_slice %arg14[%scan3A_117, %get3A_491] : memref<2x8192xf32, #tpu.memory_space<vmem>> -> memref<1x8192xf32, #tpu.memory_space<vmem>>
        %get3A_493 = tpu.memref_squeeze %get3A_492 : memref<1x8192xf32, #tpu.memory_space<vmem>> -> memref<8192xf32, #tpu.memory_space<vmem>>
        %get3A_494 = arith.index_cast %add3A_490 : i32 to index
        %get3A_495 = tpu.vector_load %get3A_493[%get3A_494] {strides = array<i32>} : memref<8192xf32, #tpu.memory_space<vmem>>, vector<16xf32>,
        %get3A_496 = arith.constant 0 : i32
        %get3A_497 = tpu.memref_slice %arg15[%scan3A_118, %get3A_496] : memref<2x8192xf32, #tpu.memory_space<vmem>> -> memref<1x8192xf32, #tpu.memory_space<vmem>>
        %get3A_498 = tpu.memref_squeeze %get3A_497 : memref<1x8192xf32, #tpu.memory_space<vmem>> -> memref<8192xf32, #tpu.memory_space<vmem>>
        %get3A_499 = arith.index_cast %add3A_490 : i32 to index
        %get3A_500 = tpu.vector_load %get3A_498[%get3A_499] {strides = array<i32>} : memref<8192xf32, #tpu.memory_space<vmem>>, vector<16xf32>,
        %get3A_501 = arith.constant 0 : i32
        %get3A_502 = tpu.memref_slice %arg16[%scan3A_119, %get3A_501] : memref<2x8192xf32, #tpu.memory_space<vmem>> -> memref<1x8192xf32, #tpu.memory_space<vmem>>
        %get3A_503 = tpu.memref_squeeze %get3A_502 : memref<1x8192xf32, #tpu.memory_space<vmem>> -> memref<8192xf32, #tpu.memory_space<vmem>>
        %get3A_504 = arith.index_cast %add3A_490 : i32 to index
        %get3A_505 = tpu.vector_load %get3A_503[%get3A_504] {strides = array<i32>} : memref<8192xf32, #tpu.memory_space<vmem>>, vector<16xf32>,
        %mul3A_506 = arith.mulf %get3A_495, %mul3A_362 : vector<16xf32>
        %mul3A_507 = arith.mulf %get3A_505, %mul3A_400 : vector<16xf32>
        %add3A_508 = arith.addf %mul3A_506, %mul3A_507 : vector<16xf32>
        %mul3A_509 = arith.mulf %get3A_500, %mul3A_438 : vector<16xf32>
        %sub3A_510 = arith.subf %add3A_508, %mul3A_509 : vector<16xf32>
        %abs3A_511 = math.absf %sub3A_510 : vector<16xf32>
        %add3A_512 = arith.addf %add3A_481, %abs3A_511 : vector<16xf32>
        %mul3A_513 = arith.constant 8 : i32
        %mul3A_514 = arith.muli %scan3A_451, %mul3A_513 : i32
        %add3A_515 = arith.constant 2 : i32
        %add3A_516 = arith.addi %mul3A_514, %add3A_515 : i32
        %mul3A_517 = arith.constant 128 : i32
        %mul3A_518 = arith.muli %add3A_516, %mul3A_517 : i32
        %mul3A_519 = arith.constant 16 : i32
        %mul3A_520 = arith.muli %scan3A_321, %mul3A_519 : i32
        %add3A_521 = arith.addi %mul3A_518, %mul3A_520 : i32
        %get3A_522 = arith.constant 0 : i32
        %get3A_523 = tpu.memref_slice %arg14[%scan3A_117, %get3A_522] : memref<2x8192xf32, #tpu.memory_space<vmem>> -> memref<1x8192xf32, #tpu.memory_space<vmem>>
        %get3A_524 = tpu.memref_squeeze %get3A_523 : memref<1x8192xf32, #tpu.memory_space<vmem>> -> memref<8192xf32, #tpu.memory_space<vmem>>
        %get3A_525 = arith.index_cast %add3A_521 : i32 to index
        %get3A_526 = tpu.vector_load %get3A_524[%get3A_525] {strides = array<i32>} : memref<8192xf32, #tpu.memory_space<vmem>>, vector<16xf32>,
        %get3A_527 = arith.constant 0 : i32
        %get3A_528 = tpu.memref_slice %arg15[%scan3A_118, %get3A_527] : memref<2x8192xf32, #tpu.memory_space<vmem>> -> memref<1x8192xf32, #tpu.memory_space<vmem>>
        %get3A_529 = tpu.memref_squeeze %get3A_528 : memref<1x8192xf32, #tpu.memory_space<vmem>> -> memref<8192xf32, #tpu.memory_space<vmem>>
        %get3A_530 = arith.index_cast %add3A_521 : i32 to index
        %get3A_531 = tpu.vector_load %get3A_529[%get3A_530] {strides = array<i32>} : memref<8192xf32, #tpu.memory_space<vmem>>, vector<16xf32>,
        %get3A_532 = arith.constant 0 : i32
        %get3A_533 = tpu.memref_slice %arg16[%scan3A_119, %get3A_532] : memref<2x8192xf32, #tpu.memory_space<vmem>> -> memref<1x8192xf32, #tpu.memory_space<vmem>>
        %get3A_534 = tpu.memref_squeeze %get3A_533 : memref<1x8192xf32, #tpu.memory_space<vmem>> -> memref<8192xf32, #tpu.memory_space<vmem>>
        %get3A_535 = arith.index_cast %add3A_521 : i32 to index
        %get3A_536 = tpu.vector_load %get3A_534[%get3A_535] {strides = array<i32>} : memref<8192xf32, #tpu.memory_space<vmem>>, vector<16xf32>,
        %mul3A_537 = arith.mulf %get3A_526, %mul3A_362 : vector<16xf32>
        %mul3A_538 = arith.mulf %get3A_536, %mul3A_400 : vector<16xf32>
        %add3A_539 = arith.addf %mul3A_537, %mul3A_538 : vector<16xf32>
        %mul3A_540 = arith.mulf %get3A_531, %mul3A_438 : vector<16xf32>
        %sub3A_541 = arith.subf %add3A_539, %mul3A_540 : vector<16xf32>
        %abs3A_542 = math.absf %sub3A_541 : vector<16xf32>
        %add3A_543 = arith.addf %add3A_512, %abs3A_542 : vector<16xf32>
        %mul3A_544 = arith.constant 8 : i32
        %mul3A_545 = arith.muli %scan3A_451, %mul3A_544 : i32
        %add3A_546 = arith.constant 3 : i32
        %add3A_547 = arith.addi %mul3A_545, %add3A_546 : i32
        %mul3A_548 = arith.constant 128 : i32
        %mul3A_549 = arith.muli %add3A_547, %mul3A_548 : i32
        %mul3A_550 = arith.constant 16 : i32
        %mul3A_551 = arith.muli %scan3A_321, %mul3A_550 : i32
        %add3A_552 = arith.addi %mul3A_549, %mul3A_551 : i32
        %get3A_553 = arith.constant 0 : i32
        %get3A_554 = tpu.memref_slice %arg14[%scan3A_117, %get3A_553] : memref<2x8192xf32, #tpu.memory_space<vmem>> -> memref<1x8192xf32, #tpu.memory_space<vmem>>
        %get3A_555 = tpu.memref_squeeze %get3A_554 : memref<1x8192xf32, #tpu.memory_space<vmem>> -> memref<8192xf32, #tpu.memory_space<vmem>>
        %get3A_556 = arith.index_cast %add3A_552 : i32 to index
        %get3A_557 = tpu.vector_load %get3A_555[%get3A_556] {strides = array<i32>} : memref<8192xf32, #tpu.memory_space<vmem>>, vector<16xf32>,
        %get3A_558 = arith.constant 0 : i32
        %get3A_559 = tpu.memref_slice %arg15[%scan3A_118, %get3A_558] : memref<2x8192xf32, #tpu.memory_space<vmem>> -> memref<1x8192xf32, #tpu.memory_space<vmem>>
        %get3A_560 = tpu.memref_squeeze %get3A_559 : memref<1x8192xf32, #tpu.memory_space<vmem>> -> memref<8192xf32, #tpu.memory_space<vmem>>
        %get3A_561 = arith.index_cast %add3A_552 : i32 to index
        %get3A_562 = tpu.vector_load %get3A_560[%get3A_561] {strides = array<i32>} : memref<8192xf32, #tpu.memory_space<vmem>>, vector<16xf32>,
        %get3A_563 = arith.constant 0 : i32
        %get3A_564 = tpu.memref_slice %arg16[%scan3A_119, %get3A_563] : memref<2x8192xf32, #tpu.memory_space<vmem>> -> memref<1x8192xf32, #tpu.memory_space<vmem>>
        %get3A_565 = tpu.memref_squeeze %get3A_564 : memref<1x8192xf32, #tpu.memory_space<vmem>> -> memref<8192xf32, #tpu.memory_space<vmem>>
        %get3A_566 = arith.index_cast %add3A_552 : i32 to index
        %get3A_567 = tpu.vector_load %get3A_565[%get3A_566] {strides = array<i32>} : memref<8192xf32, #tpu.memory_space<vmem>>, vector<16xf32>,
        %mul3A_568 = arith.mulf %get3A_557, %mul3A_362 : vector<16xf32>
        %mul3A_569 = arith.mulf %get3A_567, %mul3A_400 : vector<16xf32>
        %add3A_570 = arith.addf %mul3A_568, %mul3A_569 : vector<16xf32>
        %mul3A_571 = arith.mulf %get3A_562, %mul3A_438 : vector<16xf32>
        %sub3A_572 = arith.subf %add3A_570, %mul3A_571 : vector<16xf32>
        %abs3A_573 = math.absf %sub3A_572 : vector<16xf32>
        %add3A_574 = arith.addf %add3A_543, %abs3A_573 : vector<16xf32>
        %mul3A_575 = arith.constant 8 : i32
        %mul3A_576 = arith.muli %scan3A_451, %mul3A_575 : i32
        %add3A_577 = arith.constant 4 : i32
        %add3A_578 = arith.addi %mul3A_576, %add3A_577 : i32
        %mul3A_579 = arith.constant 128 : i32
        %mul3A_580 = arith.muli %add3A_578, %mul3A_579 : i32
        %mul3A_581 = arith.constant 16 : i32
        %mul3A_582 = arith.muli %scan3A_321, %mul3A_581 : i32
        %add3A_583 = arith.addi %mul3A_580, %mul3A_582 : i32
        %get3A_584 = arith.constant 0 : i32
        %get3A_585 = tpu.memref_slice %arg14[%scan3A_117, %get3A_584] : memref<2x8192xf32, #tpu.memory_space<vmem>> -> memref<1x8192xf32, #tpu.memory_space<vmem>>
        %get3A_586 = tpu.memref_squeeze %get3A_585 : memref<1x8192xf32, #tpu.memory_space<vmem>> -> memref<8192xf32, #tpu.memory_space<vmem>>
        %get3A_587 = arith.index_cast %add3A_583 : i32 to index
        %get3A_588 = tpu.vector_load %get3A_586[%get3A_587] {strides = array<i32>} : memref<8192xf32, #tpu.memory_space<vmem>>, vector<16xf32>,
        %get3A_589 = arith.constant 0 : i32
        %get3A_590 = tpu.memref_slice %arg15[%scan3A_118, %get3A_589] : memref<2x8192xf32, #tpu.memory_space<vmem>> -> memref<1x8192xf32, #tpu.memory_space<vmem>>
        %get3A_591 = tpu.memref_squeeze %get3A_590 : memref<1x8192xf32, #tpu.memory_space<vmem>> -> memref<8192xf32, #tpu.memory_space<vmem>>
        %get3A_592 = arith.index_cast %add3A_583 : i32 to index
        %get3A_593 = tpu.vector_load %get3A_591[%get3A_592] {strides = array<i32>} : memref<8192xf32, #tpu.memory_space<vmem>>, vector<16xf32>,
        %get3A_594 = arith.constant 0 : i32
        %get3A_595 = tpu.memref_slice %arg16[%scan3A_119, %get3A_594] : memref<2x8192xf32, #tpu.memory_space<vmem>> -> memref<1x8192xf32, #tpu.memory_space<vmem>>
        %get3A_596 = tpu.memref_squeeze %get3A_595 : memref<1x8192xf32, #tpu.memory_space<vmem>> -> memref<8192xf32, #tpu.memory_space<vmem>>
        %get3A_597 = arith.index_cast %add3A_583 : i32 to index
        %get3A_598 = tpu.vector_load %get3A_596[%get3A_597] {strides = array<i32>} : memref<8192xf32, #tpu.memory_space<vmem>>, vector<16xf32>,
        %mul3A_599 = arith.mulf %get3A_588, %mul3A_362 : vector<16xf32>
        %mul3A_600 = arith.mulf %get3A_598, %mul3A_400 : vector<16xf32>
        %add3A_601 = arith.addf %mul3A_599, %mul3A_600 : vector<16xf32>
        %mul3A_602 = arith.mulf %get3A_593, %mul3A_438 : vector<16xf32>
        %sub3A_603 = arith.subf %add3A_601, %mul3A_602 : vector<16xf32>
        %abs3A_604 = math.absf %sub3A_603 : vector<16xf32>
        %add3A_605 = arith.addf %add3A_574, %abs3A_604 : vector<16xf32>
        %mul3A_606 = arith.constant 8 : i32
        %mul3A_607 = arith.muli %scan3A_451, %mul3A_606 : i32
        %add3A_608 = arith.constant 5 : i32
        %add3A_609 = arith.addi %mul3A_607, %add3A_608 : i32
        %mul3A_610 = arith.constant 128 : i32
        %mul3A_611 = arith.muli %add3A_609, %mul3A_610 : i32
        %mul3A_612 = arith.constant 16 : i32
        %mul3A_613 = arith.muli %scan3A_321, %mul3A_612 : i32
        %add3A_614 = arith.addi %mul3A_611, %mul3A_613 : i32
        %get3A_615 = arith.constant 0 : i32
        %get3A_616 = tpu.memref_slice %arg14[%scan3A_117, %get3A_615] : memref<2x8192xf32, #tpu.memory_space<vmem>> -> memref<1x8192xf32, #tpu.memory_space<vmem>>
        %get3A_617 = tpu.memref_squeeze %get3A_616 : memref<1x8192xf32, #tpu.memory_space<vmem>> -> memref<8192xf32, #tpu.memory_space<vmem>>
        %get3A_618 = arith.index_cast %add3A_614 : i32 to index
        %get3A_619 = tpu.vector_load %get3A_617[%get3A_618] {strides = array<i32>} : memref<8192xf32, #tpu.memory_space<vmem>>, vector<16xf32>,
        %get3A_620 = arith.constant 0 : i32
        %get3A_621 = tpu.memref_slice %arg15[%scan3A_118, %get3A_620] : memref<2x8192xf32, #tpu.memory_space<vmem>> -> memref<1x8192xf32, #tpu.memory_space<vmem>>
        %get3A_622 = tpu.memref_squeeze %get3A_621 : memref<1x8192xf32, #tpu.memory_space<vmem>> -> memref<8192xf32, #tpu.memory_space<vmem>>
        %get3A_623 = arith.index_cast %add3A_614 : i32 to index
        %get3A_624 = tpu.vector_load %get3A_622[%get3A_623] {strides = array<i32>} : memref<8192xf32, #tpu.memory_space<vmem>>, vector<16xf32>,
        %get3A_625 = arith.constant 0 : i32
        %get3A_626 = tpu.memref_slice %arg16[%scan3A_119, %get3A_625] : memref<2x8192xf32, #tpu.memory_space<vmem>> -> memref<1x8192xf32, #tpu.memory_space<vmem>>
        %get3A_627 = tpu.memref_squeeze %get3A_626 : memref<1x8192xf32, #tpu.memory_space<vmem>> -> memref<8192xf32, #tpu.memory_space<vmem>>
        %get3A_628 = arith.index_cast %add3A_614 : i32 to index
        %get3A_629 = tpu.vector_load %get3A_627[%get3A_628] {strides = array<i32>} : memref<8192xf32, #tpu.memory_space<vmem>>, vector<16xf32>,
        %mul3A_630 = arith.mulf %get3A_619, %mul3A_362 : vector<16xf32>
        %mul3A_631 = arith.mulf %get3A_629, %mul3A_400 : vector<16xf32>
        %add3A_632 = arith.addf %mul3A_630, %mul3A_631 : vector<16xf32>
        %mul3A_633 = arith.mulf %get3A_624, %mul3A_438 : vector<16xf32>
        %sub3A_634 = arith.subf %add3A_632, %mul3A_633 : vector<16xf32>
        %abs3A_635 = math.absf %sub3A_634 : vector<16xf32>
        %add3A_636 = arith.addf %add3A_605, %abs3A_635 : vector<16xf32>
        %mul3A_637 = arith.constant 8 : i32
        %mul3A_638 = arith.muli %scan3A_451, %mul3A_637 : i32
        %add3A_639 = arith.constant 6 : i32
        %add3A_640 = arith.addi %mul3A_638, %add3A_639 : i32
        %mul3A_641 = arith.constant 128 : i32
        %mul3A_642 = arith.muli %add3A_640, %mul3A_641 : i32
        %mul3A_643 = arith.constant 16 : i32
        %mul3A_644 = arith.muli %scan3A_321, %mul3A_643 : i32
        %add3A_645 = arith.addi %mul3A_642, %mul3A_644 : i32
        %get3A_646 = arith.constant 0 : i32
        %get3A_647 = tpu.memref_slice %arg14[%scan3A_117, %get3A_646] : memref<2x8192xf32, #tpu.memory_space<vmem>> -> memref<1x8192xf32, #tpu.memory_space<vmem>>
        %get3A_648 = tpu.memref_squeeze %get3A_647 : memref<1x8192xf32, #tpu.memory_space<vmem>> -> memref<8192xf32, #tpu.memory_space<vmem>>
        %get3A_649 = arith.index_cast %add3A_645 : i32 to index
        %get3A_650 = tpu.vector_load %get3A_648[%get3A_649] {strides = array<i32>} : memref<8192xf32, #tpu.memory_space<vmem>>, vector<16xf32>,
        %get3A_651 = arith.constant 0 : i32
        %get3A_652 = tpu.memref_slice %arg15[%scan3A_118, %get3A_651] : memref<2x8192xf32, #tpu.memory_space<vmem>> -> memref<1x8192xf32, #tpu.memory_space<vmem>>
        %get3A_653 = tpu.memref_squeeze %get3A_652 : memref<1x8192xf32, #tpu.memory_space<vmem>> -> memref<8192xf32, #tpu.memory_space<vmem>>
        %get3A_654 = arith.index_cast %add3A_645 : i32 to index
        %get3A_655 = tpu.vector_load %get3A_653[%get3A_654] {strides = array<i32>} : memref<8192xf32, #tpu.memory_space<vmem>>, vector<16xf32>,
        %get3A_656 = arith.constant 0 : i32
        %get3A_657 = tpu.memref_slice %arg16[%scan3A_119, %get3A_656] : memref<2x8192xf32, #tpu.memory_space<vmem>> -> memref<1x8192xf32, #tpu.memory_space<vmem>>
        %get3A_658 = tpu.memref_squeeze %get3A_657 : memref<1x8192xf32, #tpu.memory_space<vmem>> -> memref<8192xf32, #tpu.memory_space<vmem>>
        %get3A_659 = arith.index_cast %add3A_645 : i32 to index
        %get3A_660 = tpu.vector_load %get3A_658[%get3A_659] {strides = array<i32>} : memref<8192xf32, #tpu.memory_space<vmem>>, vector<16xf32>,
        %mul3A_661 = arith.mulf %get3A_650, %mul3A_362 : vector<16xf32>
        %mul3A_662 = arith.mulf %get3A_660, %mul3A_400 : vector<16xf32>
        %add3A_663 = arith.addf %mul3A_661, %mul3A_662 : vector<16xf32>
        %mul3A_664 = arith.mulf %get3A_655, %mul3A_438 : vector<16xf32>
        %sub3A_665 = arith.subf %add3A_663, %mul3A_664 : vector<16xf32>
        %abs3A_666 = math.absf %sub3A_665 : vector<16xf32>
        %add3A_667 = arith.addf %add3A_636, %abs3A_666 : vector<16xf32>
        %mul3A_668 = arith.constant 8 : i32
        %mul3A_669 = arith.muli %scan3A_451, %mul3A_668 : i32
        %add3A_670 = arith.constant 7 : i32
        %add3A_671 = arith.addi %mul3A_669, %add3A_670 : i32
        %mul3A_672 = arith.constant 128 : i32
        %mul3A_673 = arith.muli %add3A_671, %mul3A_672 : i32
        %mul3A_674 = arith.constant 16 : i32
        %mul3A_675 = arith.muli %scan3A_321, %mul3A_674 : i32
        %add3A_676 = arith.addi %mul3A_673, %mul3A_675 : i32
        %get3A_677 = arith.constant 0 : i32
        %get3A_678 = tpu.memref_slice %arg14[%scan3A_117, %get3A_677] : memref<2x8192xf32, #tpu.memory_space<vmem>> -> memref<1x8192xf32, #tpu.memory_space<vmem>>
        %get3A_679 = tpu.memref_squeeze %get3A_678 : memref<1x8192xf32, #tpu.memory_space<vmem>> -> memref<8192xf32, #tpu.memory_space<vmem>>
        %get3A_680 = arith.index_cast %add3A_676 : i32 to index
        %get3A_681 = tpu.vector_load %get3A_679[%get3A_680] {strides = array<i32>} : memref<8192xf32, #tpu.memory_space<vmem>>, vector<16xf32>,
        %get3A_682 = arith.constant 0 : i32
        %get3A_683 = tpu.memref_slice %arg15[%scan3A_118, %get3A_682] : memref<2x8192xf32, #tpu.memory_space<vmem>> -> memref<1x8192xf32, #tpu.memory_space<vmem>>
        %get3A_684 = tpu.memref_squeeze %get3A_683 : memref<1x8192xf32, #tpu.memory_space<vmem>> -> memref<8192xf32, #tpu.memory_space<vmem>>
        %get3A_685 = arith.index_cast %add3A_676 : i32 to index
        %get3A_686 = tpu.vector_load %get3A_684[%get3A_685] {strides = array<i32>} : memref<8192xf32, #tpu.memory_space<vmem>>, vector<16xf32>,
        %get3A_687 = arith.constant 0 : i32
        %get3A_688 = tpu.memref_slice %arg16[%scan3A_119, %get3A_687] : memref<2x8192xf32, #tpu.memory_space<vmem>> -> memref<1x8192xf32, #tpu.memory_space<vmem>>
        %get3A_689 = tpu.memref_squeeze %get3A_688 : memref<1x8192xf32, #tpu.memory_space<vmem>> -> memref<8192xf32, #tpu.memory_space<vmem>>
        %get3A_690 = arith.index_cast %add3A_676 : i32 to index
        %get3A_691 = tpu.vector_load %get3A_689[%get3A_690] {strides = array<i32>} : memref<8192xf32, #tpu.memory_space<vmem>>, vector<16xf32>,
        %mul3A_692 = arith.mulf %get3A_681, %mul3A_362 : vector<16xf32>
        %mul3A_693 = arith.mulf %get3A_691, %mul3A_400 : vector<16xf32>
        %add3A_694 = arith.addf %mul3A_692, %mul3A_693 : vector<16xf32>
        %mul3A_695 = arith.mulf %get3A_686, %mul3A_438 : vector<16xf32>
        %sub3A_696 = arith.subf %add3A_694, %mul3A_695 : vector<16xf32>
        %abs3A_697 = math.absf %sub3A_696 : vector<16xf32>
        %add3A_698 = arith.addf %add3A_667, %abs3A_697 : vector<16xf32>
        scf.yield %add3A_698 : vector<16xf32>
      }
      %scan3A_444 = arith.constant 8 : i32
      %mul3A_445 = arith.constant 16 : i32
      %mul3A_446 = arith.muli %scan3A_321, %mul3A_445 : i32
      %add3A_447 = arith.constant 0 : i32
      %add3A_448 = arith.addi %add3A_447, %mul3A_446 : i32
      %swap3A = arith.index_cast %add3A_448 : i32 to index
      %swap3A_449 = tpu.vector_load %arg17[%swap3A] {strides = array<i32>} : memref<512xf32, #tpu.memory_space<vmem>>, vector<16xf32>,
      tpu.vector_store %arg17[%swap3A], %scan3A_443 {strides = array<i32>} : memref<512xf32, #tpu.memory_space<vmem>>, vector<16xf32>,
      %scan3A_450 = arith.constant 0 : i32
      scf.yield %scan3A_450 : i32
    }
    %scan3A_126 = arith.constant 8 : i32
    %scan3A_127 = arith.constant 0 : i32
    %scan3A_128 = arith.constant 0 : i32
    %scan3A_129 = arith.constant 8 : i32
    %scan3A_130 = arith.addi %scan3A_128, %scan3A_129 : i32
    %scan3A_131 = arith.constant 1 : i32
    %scan3A_132 = scf.for %scan3A_321 = %scan3A_128 to %scan3A_130 step %scan3A_131 iter_args(%scan3A_322 = %scan3A_127) -> (i32)  : i32 {
      %mul3A_323 = arith.constant 16 : i32
      %mul3A_324 = arith.muli %scan3A_321, %mul3A_323 : i32
      %add3A_325 = arith.constant 256 : i32
      %add3A_326 = arith.addi %add3A_325, %mul3A_324 : i32
      %get3A = arith.index_cast %add3A_326 : i32 to index
      %get3A_327 = tpu.vector_load %arg8[%get3A] {strides = array<i32>} : memref<512xi32, #tpu.memory_space<vmem>>, vector<16xi32>,
      %get3A_328 = arith.index_cast %add3A_326 : i32 to index
      %get3A_329 = tpu.vector_load %arg9[%get3A_328] {strides = array<i32>} : memref<512xi32, #tpu.memory_space<vmem>>, vector<16xi32>,
      %get3A_330 = arith.index_cast %add3A_326 : i32 to index
      %get3A_331 = tpu.vector_load %arg10[%get3A_330] {strides = array<i32>} : memref<512xi32, #tpu.memory_space<vmem>>, vector<16xi32>,
      %scan3A_332 = arith.constant 0 : i32
      %scan3A_333 = arith.constant 0 : i32
      %scan3A_334 = arith.constant 64 : i32
      %scan3A_335 = arith.addi %scan3A_333, %scan3A_334 : i32
      %scan3A_336 = arith.constant 1 : i32
      %scan3A_337 = scf.for %scan3A_340 = %scan3A_333 to %scan3A_335 step %scan3A_336 iter_args(%scan3A_341 = %scan3A_332) -> (i32)  : i32 {
        %mul3A_342 = arith.constant 128 : i32
        %mul3A_343 = arith.muli %scan3A_340, %mul3A_342 : i32
        %mul3A_344 = arith.constant 16 : i32
        %mul3A_345 = arith.muli %scan3A_321, %mul3A_344 : i32
        %add3A_346 = arith.addi %mul3A_343, %mul3A_345 : i32
        %mul3A_347 = arith.constant 1000000 : i32
        %mul3A_348 = arith.muli %scan3A_340, %mul3A_347 : i32
        %add3A_349 = vector.broadcast %mul3A_348 : i32 to vector<16xi32>
        %add3A_350 = arith.addi %get3A_327, %add3A_349 : vector<16xi32>
        %swap3A = arith.constant 0 : i32
        %swap3A_351 = arith.index_cast %swap3A : i32 to index
        %swap3A_352 = arith.index_cast %add3A_346 : i32 to index
        %swap3A_353 = tpu.vector_load %arg11[%swap3A_351, %swap3A_352] {strides = array<i32>} : memref<2x8192xi32, #tpu.memory_space<vmem>>, vector<16xi32>,
        tpu.vector_store %arg11[%swap3A_351, %swap3A_352], %add3A_350 {strides = array<i32>} : memref<2x8192xi32, #tpu.memory_space<vmem>>, vector<16xi32>,
        %mul3A_354 = arith.constant 1000000 : i32
        %mul3A_355 = arith.muli %scan3A_340, %mul3A_354 : i32
        %add3A_356 = vector.broadcast %mul3A_355 : i32 to vector<16xi32>
        %add3A_357 = arith.addi %get3A_329, %add3A_356 : vector<16xi32>
        %swap3A_358 = arith.constant 0 : i32
        %swap3A_359 = arith.index_cast %swap3A_358 : i32 to index
        %swap3A_360 = arith.index_cast %add3A_346 : i32 to index
        %swap3A_361 = tpu.vector_load %arg12[%swap3A_359, %swap3A_360] {strides = array<i32>} : memref<2x8192xi32, #tpu.memory_space<vmem>>, vector<16xi32>,
        tpu.vector_store %arg12[%swap3A_359, %swap3A_360], %add3A_357 {strides = array<i32>} : memref<2x8192xi32, #tpu.memory_space<vmem>>, vector<16xi32>,
        %mul3A_362 = arith.constant 1000 : i32
        %mul3A_363 = arith.muli %scan3A_340, %mul3A_362 : i32
        %add3A_364 = vector.broadcast %mul3A_363 : i32 to vector<16xi32>
        %add3A_365 = arith.addi %get3A_331, %add3A_364 : vector<16xi32>
        %swap3A_366 = arith.constant 0 : i32
        %swap3A_367 = arith.index_cast %swap3A_366 : i32 to index
        %swap3A_368 = arith.index_cast %add3A_346 : i32 to index
        %swap3A_369 = tpu.vector_load %arg13[%swap3A_367, %swap3A_368] {strides = array<i32>} : memref<2x8192xi32, #tpu.memory_space<vmem>>, vector<16xi32>,
        tpu.vector_store %arg13[%swap3A_367, %swap3A_368], %add3A_365 {strides = array<i32>} : memref<2x8192xi32, #tpu.memory_space<vmem>>, vector<16xi32>,
        %scan3A_370 = arith.constant 0 : i32
        scf.yield %scan3A_370 : i32
      }
      %scan3A_338 = arith.constant 64 : i32
      %scan3A_339 = arith.constant 0 : i32
      scf.yield %scan3A_339 : i32
    }
    %scan3A_133 = arith.constant 8 : i32
    %dma_wait3A_134 = arith.constant 1 : i32
    %dma_wait3A_135 = arith.constant 1 : i32
    %dma_wait3A_136 = arith.constant 0 : i32
    %dma_wait3A_137 = tpu.memref_slice %arg14[%dma_wait3A_135, %dma_wait3A_136] : memref<2x8192xf32, #tpu.memory_space<vmem>> -> memref<1x8192xf32, #tpu.memory_space<vmem>>
    %dma_wait3A_138 = tpu.memref_squeeze %dma_wait3A_137 : memref<1x8192xf32, #tpu.memory_space<vmem>> -> memref<8192xf32, #tpu.memory_space<vmem>>
    %dma_wait3A_139 = arith.constant 0 : i32
    %dma_wait3A_140 = tpu.memref_slice %arg11[%dma_wait3A_134, %dma_wait3A_139] : memref<2x8192xi32, #tpu.memory_space<vmem>> -> memref<1x8192xi32, #tpu.memory_space<vmem>>
    %dma_wait3A_141 = tpu.memref_squeeze %dma_wait3A_140 : memref<1x8192xi32, #tpu.memory_space<vmem>> -> memref<8192xi32, #tpu.memory_space<vmem>>
    %dma_wait3A_142 = arith.constant 0 : i32
    %dma_wait3A_143 = tpu.memref_slice %arg5[%dma_wait3A_142] : memref<64000000xf32, #tpu.memory_space<hbm>> -> memref<64000000xf32, #tpu.memory_space<hbm>>
    tpu.wait_indirect_dma semaphore(%arg20 : memref<!tpu.dma_semaphore, #tpu.memory_space<semaphore_mem>>) src(%dma_wait3A_143 : memref<64000000xf32, #tpu.memory_space<hbm>>) dst(%dma_wait3A_138 : memref<8192xf32, #tpu.memory_space<vmem>>)
    %dma_wait3A_144 = arith.constant 1 : i32
    %dma_wait3A_145 = arith.constant 1 : i32
    %dma_wait3A_146 = arith.constant 0 : i32
    %dma_wait3A_147 = tpu.memref_slice %arg15[%dma_wait3A_145, %dma_wait3A_146] : memref<2x8192xf32, #tpu.memory_space<vmem>> -> memref<1x8192xf32, #tpu.memory_space<vmem>>
    %dma_wait3A_148 = tpu.memref_squeeze %dma_wait3A_147 : memref<1x8192xf32, #tpu.memory_space<vmem>> -> memref<8192xf32, #tpu.memory_space<vmem>>
    %dma_wait3A_149 = arith.constant 0 : i32
    %dma_wait3A_150 = tpu.memref_slice %arg12[%dma_wait3A_144, %dma_wait3A_149] : memref<2x8192xi32, #tpu.memory_space<vmem>> -> memref<1x8192xi32, #tpu.memory_space<vmem>>
    %dma_wait3A_151 = tpu.memref_squeeze %dma_wait3A_150 : memref<1x8192xi32, #tpu.memory_space<vmem>> -> memref<8192xi32, #tpu.memory_space<vmem>>
    %dma_wait3A_152 = arith.constant 0 : i32
    %dma_wait3A_153 = tpu.memref_slice %arg5[%dma_wait3A_152] : memref<64000000xf32, #tpu.memory_space<hbm>> -> memref<64000000xf32, #tpu.memory_space<hbm>>
    tpu.wait_indirect_dma semaphore(%arg20 : memref<!tpu.dma_semaphore, #tpu.memory_space<semaphore_mem>>) src(%dma_wait3A_153 : memref<64000000xf32, #tpu.memory_space<hbm>>) dst(%dma_wait3A_148 : memref<8192xf32, #tpu.memory_space<vmem>>)
    %dma_wait3A_154 = arith.constant 1 : i32
    %dma_wait3A_155 = arith.constant 1 : i32
    %dma_wait3A_156 = arith.constant 0 : i32
    %dma_wait3A_157 = tpu.memref_slice %arg16[%dma_wait3A_155, %dma_wait3A_156] : memref<2x8192xf32, #tpu.memory_space<vmem>> -> memref<1x8192xf32, #tpu.memory_space<vmem>>
    %dma_wait3A_158 = tpu.memref_squeeze %dma_wait3A_157 : memref<1x8192xf32, #tpu.memory_space<vmem>> -> memref<8192xf32, #tpu.memory_space<vmem>>
    %dma_wait3A_159 = arith.constant 0 : i32
    %dma_wait3A_160 = tpu.memref_slice %arg13[%dma_wait3A_154, %dma_wait3A_159] : memref<2x8192xi32, #tpu.memory_space<vmem>> -> memref<1x8192xi32, #tpu.memory_space<vmem>>
    %dma_wait3A_161 = tpu.memref_squeeze %dma_wait3A_160 : memref<1x8192xi32, #tpu.memory_space<vmem>> -> memref<8192xi32, #tpu.memory_space<vmem>>
    %dma_wait3A_162 = arith.constant 0 : i32
    %dma_wait3A_163 = tpu.memref_slice %arg6[%dma_wait3A_162] : memref<64000xf32, #tpu.memory_space<hbm>> -> memref<64000xf32, #tpu.memory_space<hbm>>
    tpu.wait_indirect_dma semaphore(%arg20 : memref<!tpu.dma_semaphore, #tpu.memory_space<semaphore_mem>>) src(%dma_wait3A_163 : memref<64000xf32, #tpu.memory_space<hbm>>) dst(%dma_wait3A_158 : memref<8192xf32, #tpu.memory_space<vmem>>)
    %dma_start3A_164 = arith.constant 0 : i32
    %dma_start3A_165 = arith.constant 0 : i32
    %dma_start3A_166 = arith.constant 0 : i32
    %dma_start3A_167 = tpu.memref_slice %arg14[%dma_start3A_165, %dma_start3A_166] : memref<2x8192xf32, #tpu.memory_space<vmem>> -> memref<1x8192xf32, #tpu.memory_space<vmem>>
    %dma_start3A_168 = tpu.memref_squeeze %dma_start3A_167 : memref<1x8192xf32, #tpu.memory_space<vmem>> -> memref<8192xf32, #tpu.memory_space<vmem>>
    %dma_start3A_169 = arith.constant 0 : i32
    %dma_start3A_170 = tpu.memref_slice %arg11[%dma_start3A_164, %dma_start3A_169] : memref<2x8192xi32, #tpu.memory_space<vmem>> -> memref<1x8192xi32, #tpu.memory_space<vmem>>
    %dma_start3A_171 = tpu.memref_squeeze %dma_start3A_170 : memref<1x8192xi32, #tpu.memory_space<vmem>> -> memref<8192xi32, #tpu.memory_space<vmem>>
    %dma_start3A_172 = arith.constant 0 : i32
    %dma_start3A_173 = tpu.memref_slice %arg5[%dma_start3A_172] : memref<64000000xf32, #tpu.memory_space<hbm>> -> memref<64000000xf32, #tpu.memory_space<hbm>>
    tpu.enqueue_indirect_dma source(%dma_start3A_173 : memref<64000000xf32, #tpu.memory_space<hbm>>) target(%dma_start3A_168 : memref<8192xf32, #tpu.memory_space<vmem>>) offsets(%dma_start3A_171 : memref<8192xi32, #tpu.memory_space<vmem>>) semaphore(%arg19 : memref<!tpu.dma_semaphore, #tpu.memory_space<semaphore_mem>>)
    %dma_start3A_174 = arith.constant 0 : i32
    %dma_start3A_175 = arith.constant 0 : i32
    %dma_start3A_176 = arith.constant 0 : i32
    %dma_start3A_177 = tpu.memref_slice %arg15[%dma_start3A_175, %dma_start3A_176] : memref<2x8192xf32, #tpu.memory_space<vmem>> -> memref<1x8192xf32, #tpu.memory_space<vmem>>
    %dma_start3A_178 = tpu.memref_squeeze %dma_start3A_177 : memref<1x8192xf32, #tpu.memory_space<vmem>> -> memref<8192xf32, #tpu.memory_space<vmem>>
    %dma_start3A_179 = arith.constant 0 : i32
    %dma_start3A_180 = tpu.memref_slice %arg12[%dma_start3A_174, %dma_start3A_179] : memref<2x8192xi32, #tpu.memory_space<vmem>> -> memref<1x8192xi32, #tpu.memory_space<vmem>>
    %dma_start3A_181 = tpu.memref_squeeze %dma_start3A_180 : memref<1x8192xi32, #tpu.memory_space<vmem>> -> memref<8192xi32, #tpu.memory_space<vmem>>
    %dma_start3A_182 = arith.constant 0 : i32
    %dma_start3A_183 = tpu.memref_slice %arg5[%dma_start3A_182] : memref<64000000xf32, #tpu.memory_space<hbm>> -> memref<64000000xf32, #tpu.memory_space<hbm>>
    tpu.enqueue_indirect_dma source(%dma_start3A_183 : memref<64000000xf32, #tpu.memory_space<hbm>>) target(%dma_start3A_178 : memref<8192xf32, #tpu.memory_space<vmem>>) offsets(%dma_start3A_181 : memref<8192xi32, #tpu.memory_space<vmem>>) semaphore(%arg19 : memref<!tpu.dma_semaphore, #tpu.memory_space<semaphore_mem>>)
    %dma_start3A_184 = arith.constant 0 : i32
    %dma_start3A_185 = arith.constant 0 : i32
    %dma_start3A_186 = arith.constant 0 : i32
    %dma_start3A_187 = tpu.memref_slice %arg16[%dma_start3A_185, %dma_start3A_186] : memref<2x8192xf32, #tpu.memory_space<vmem>> -> memref<1x8192xf32, #tpu.memory_space<vmem>>
    %dma_start3A_188 = tpu.memref_squeeze %dma_start3A_187 : memref<1x8192xf32, #tpu.memory_space<vmem>> -> memref<8192xf32, #tpu.memory_space<vmem>>
    %dma_start3A_189 = arith.constant 0 : i32
    %dma_start3A_190 = tpu.memref_slice %arg13[%dma_start3A_184, %dma_start3A_189] : memref<2x8192xi32, #tpu.memory_space<vmem>> -> memref<1x8192xi32, #tpu.memory_space<vmem>>
    %dma_start3A_191 = tpu.memref_squeeze %dma_start3A_190 : memref<1x8192xi32, #tpu.memory_space<vmem>> -> memref<8192xi32, #tpu.memory_space<vmem>>
    %dma_start3A_192 = arith.constant 0 : i32
    %dma_start3A_193 = tpu.memref_slice %arg6[%dma_start3A_192] : memref<64000xf32, #tpu.memory_space<hbm>> -> memref<64000xf32, #tpu.memory_space<hbm>>
    tpu.enqueue_indirect_dma source(%dma_start3A_193 : memref<64000xf32, #tpu.memory_space<hbm>>) target(%dma_start3A_188 : memref<8192xf32, #tpu.memory_space<vmem>>) offsets(%dma_start3A_191 : memref<8192xi32, #tpu.memory_space<vmem>>) semaphore(%arg19 : memref<!tpu.dma_semaphore, #tpu.memory_space<semaphore_mem>>)
    %scan3A_194 = arith.constant 1 : i32
    %scan3A_195 = arith.constant 1 : i32
    %scan3A_196 = arith.constant 1 : i32
    %scan3A_197 = arith.constant 0 : i32
    %scan3A_198 = arith.constant 0 : i32
    %scan3A_199 = arith.constant 8 : i32
    %scan3A_200 = arith.addi %scan3A_198, %scan3A_199 : i32
    %scan3A_201 = arith.constant 1 : i32
    %scan3A_202 = scf.for %scan3A_321 = %scan3A_198 to %scan3A_200 step %scan3A_201 iter_args(%scan3A_322 = %scan3A_197) -> (i32)  : i32 {
      %scan3A_323 = arith.constant 0 : i32
      %scan3A_324 = arith.constant 8 : i32
      %scan3A_325 = arith.addi %scan3A_323, %scan3A_324 : i32
      %scan3A_326 = arith.constant 1 : i32
      %scan3A_327:3 = scf.for %scan3A_451 = %scan3A_323 to %scan3A_325 step %scan3A_326 iter_args(%scan3A_452 = %broadcast_in_dim3A_13, %scan3A_453 = %broadcast_in_dim3A_13, %scan3A_454 = %broadcast_in_dim3A_13) -> (vector<16xf32>, vector<16xf32>, vector<16xf32>)  : i32 {
        %mul3A_455 = arith.constant 8 : i32
        %mul3A_456 = arith.muli %scan3A_451, %mul3A_455 : i32
        %add3A_457 = arith.constant 0 : i32
        %add3A_458 = arith.addi %mul3A_456, %add3A_457 : i32
        %mul3A_459 = arith.constant 128 : i32
        %mul3A_460 = arith.muli %add3A_458, %mul3A_459 : i32
        %mul3A_461 = arith.constant 16 : i32
        %mul3A_462 = arith.muli %scan3A_321, %mul3A_461 : i32
        %add3A_463 = arith.addi %mul3A_460, %mul3A_462 : i32
        %get3A = arith.constant 0 : i32
        %get3A_464 = tpu.memref_slice %arg14[%scan3A_194, %get3A] : memref<2x8192xf32, #tpu.memory_space<vmem>> -> memref<1x8192xf32, #tpu.memory_space<vmem>>
        %get3A_465 = tpu.memref_squeeze %get3A_464 : memref<1x8192xf32, #tpu.memory_space<vmem>> -> memref<8192xf32, #tpu.memory_space<vmem>>
        %get3A_466 = arith.index_cast %add3A_463 : i32 to index
        %get3A_467 = tpu.vector_load %get3A_465[%get3A_466] {strides = array<i32>} : memref<8192xf32, #tpu.memory_space<vmem>>, vector<16xf32>,
        %get3A_468 = arith.constant 0 : i32
        %get3A_469 = tpu.memref_slice %arg15[%scan3A_195, %get3A_468] : memref<2x8192xf32, #tpu.memory_space<vmem>> -> memref<1x8192xf32, #tpu.memory_space<vmem>>
        %get3A_470 = tpu.memref_squeeze %get3A_469 : memref<1x8192xf32, #tpu.memory_space<vmem>> -> memref<8192xf32, #tpu.memory_space<vmem>>
        %get3A_471 = arith.index_cast %add3A_463 : i32 to index
        %get3A_472 = tpu.vector_load %get3A_470[%get3A_471] {strides = array<i32>} : memref<8192xf32, #tpu.memory_space<vmem>>, vector<16xf32>,
        %get3A_473 = arith.constant 0 : i32
        %get3A_474 = tpu.memref_slice %arg16[%scan3A_196, %get3A_473] : memref<2x8192xf32, #tpu.memory_space<vmem>> -> memref<1x8192xf32, #tpu.memory_space<vmem>>
        %get3A_475 = tpu.memref_squeeze %get3A_474 : memref<1x8192xf32, #tpu.memory_space<vmem>> -> memref<8192xf32, #tpu.memory_space<vmem>>
        %get3A_476 = arith.index_cast %add3A_463 : i32 to index
        %get3A_477 = tpu.vector_load %get3A_475[%get3A_476] {strides = array<i32>} : memref<8192xf32, #tpu.memory_space<vmem>>, vector<16xf32>,
        %mul3A_478 = arith.mulf %get3A_467, %get3A_467 : vector<16xf32>
        %add3A_479 = arith.addf %scan3A_452, %mul3A_478 : vector<16xf32>
        %mul3A_480 = arith.mulf %get3A_472, %get3A_472 : vector<16xf32>
        %add3A_481 = arith.addf %scan3A_454, %mul3A_480 : vector<16xf32>
        %mul3A_482 = arith.mulf %get3A_477, %get3A_477 : vector<16xf32>
        %add3A_483 = arith.addf %scan3A_453, %mul3A_482 : vector<16xf32>
        %mul3A_484 = arith.constant 8 : i32
        %mul3A_485 = arith.muli %scan3A_451, %mul3A_484 : i32
        %add3A_486 = arith.constant 1 : i32
        %add3A_487 = arith.addi %mul3A_485, %add3A_486 : i32
        %mul3A_488 = arith.constant 128 : i32
        %mul3A_489 = arith.muli %add3A_487, %mul3A_488 : i32
        %mul3A_490 = arith.constant 16 : i32
        %mul3A_491 = arith.muli %scan3A_321, %mul3A_490 : i32
        %add3A_492 = arith.addi %mul3A_489, %mul3A_491 : i32
        %get3A_493 = arith.constant 0 : i32
        %get3A_494 = tpu.memref_slice %arg14[%scan3A_194, %get3A_493] : memref<2x8192xf32, #tpu.memory_space<vmem>> -> memref<1x8192xf32, #tpu.memory_space<vmem>>
        %get3A_495 = tpu.memref_squeeze %get3A_494 : memref<1x8192xf32, #tpu.memory_space<vmem>> -> memref<8192xf32, #tpu.memory_space<vmem>>
        %get3A_496 = arith.index_cast %add3A_492 : i32 to index
        %get3A_497 = tpu.vector_load %get3A_495[%get3A_496] {strides = array<i32>} : memref<8192xf32, #tpu.memory_space<vmem>>, vector<16xf32>,
        %get3A_498 = arith.constant 0 : i32
        %get3A_499 = tpu.memref_slice %arg15[%scan3A_195, %get3A_498] : memref<2x8192xf32, #tpu.memory_space<vmem>> -> memref<1x8192xf32, #tpu.memory_space<vmem>>
        %get3A_500 = tpu.memref_squeeze %get3A_499 : memref<1x8192xf32, #tpu.memory_space<vmem>> -> memref<8192xf32, #tpu.memory_space<vmem>>
        %get3A_501 = arith.index_cast %add3A_492 : i32 to index
        %get3A_502 = tpu.vector_load %get3A_500[%get3A_501] {strides = array<i32>} : memref<8192xf32, #tpu.memory_space<vmem>>, vector<16xf32>,
        %get3A_503 = arith.constant 0 : i32
        %get3A_504 = tpu.memref_slice %arg16[%scan3A_196, %get3A_503] : memref<2x8192xf32, #tpu.memory_space<vmem>> -> memref<1x8192xf32, #tpu.memory_space<vmem>>
        %get3A_505 = tpu.memref_squeeze %get3A_504 : memref<1x8192xf32, #tpu.memory_space<vmem>> -> memref<8192xf32, #tpu.memory_space<vmem>>
        %get3A_506 = arith.index_cast %add3A_492 : i32 to index
        %get3A_507 = tpu.vector_load %get3A_505[%get3A_506] {strides = array<i32>} : memref<8192xf32, #tpu.memory_space<vmem>>, vector<16xf32>,
        %mul3A_508 = arith.mulf %get3A_497, %get3A_497 : vector<16xf32>
        %add3A_509 = arith.addf %add3A_479, %mul3A_508 : vector<16xf32>
        %mul3A_510 = arith.mulf %get3A_502, %get3A_502 : vector<16xf32>
        %add3A_511 = arith.addf %add3A_481, %mul3A_510 : vector<16xf32>
        %mul3A_512 = arith.mulf %get3A_507, %get3A_507 : vector<16xf32>
        %add3A_513 = arith.addf %add3A_483, %mul3A_512 : vector<16xf32>
        %mul3A_514 = arith.constant 8 : i32
        %mul3A_515 = arith.muli %scan3A_451, %mul3A_514 : i32
        %add3A_516 = arith.constant 2 : i32
        %add3A_517 = arith.addi %mul3A_515, %add3A_516 : i32
        %mul3A_518 = arith.constant 128 : i32
        %mul3A_519 = arith.muli %add3A_517, %mul3A_518 : i32
        %mul3A_520 = arith.constant 16 : i32
        %mul3A_521 = arith.muli %scan3A_321, %mul3A_520 : i32
        %add3A_522 = arith.addi %mul3A_519, %mul3A_521 : i32
        %get3A_523 = arith.constant 0 : i32
        %get3A_524 = tpu.memref_slice %arg14[%scan3A_194, %get3A_523] : memref<2x8192xf32, #tpu.memory_space<vmem>> -> memref<1x8192xf32, #tpu.memory_space<vmem>>
        %get3A_525 = tpu.memref_squeeze %get3A_524 : memref<1x8192xf32, #tpu.memory_space<vmem>> -> memref<8192xf32, #tpu.memory_space<vmem>>
        %get3A_526 = arith.index_cast %add3A_522 : i32 to index
        %get3A_527 = tpu.vector_load %get3A_525[%get3A_526] {strides = array<i32>} : memref<8192xf32, #tpu.memory_space<vmem>>, vector<16xf32>,
        %get3A_528 = arith.constant 0 : i32
        %get3A_529 = tpu.memref_slice %arg15[%scan3A_195, %get3A_528] : memref<2x8192xf32, #tpu.memory_space<vmem>> -> memref<1x8192xf32, #tpu.memory_space<vmem>>
        %get3A_530 = tpu.memref_squeeze %get3A_529 : memref<1x8192xf32, #tpu.memory_space<vmem>> -> memref<8192xf32, #tpu.memory_space<vmem>>
        %get3A_531 = arith.index_cast %add3A_522 : i32 to index
        %get3A_532 = tpu.vector_load %get3A_530[%get3A_531] {strides = array<i32>} : memref<8192xf32, #tpu.memory_space<vmem>>, vector<16xf32>,
        %get3A_533 = arith.constant 0 : i32
        %get3A_534 = tpu.memref_slice %arg16[%scan3A_196, %get3A_533] : memref<2x8192xf32, #tpu.memory_space<vmem>> -> memref<1x8192xf32, #tpu.memory_space<vmem>>
        %get3A_535 = tpu.memref_squeeze %get3A_534 : memref<1x8192xf32, #tpu.memory_space<vmem>> -> memref<8192xf32, #tpu.memory_space<vmem>>
        %get3A_536 = arith.index_cast %add3A_522 : i32 to index
        %get3A_537 = tpu.vector_load %get3A_535[%get3A_536] {strides = array<i32>} : memref<8192xf32, #tpu.memory_space<vmem>>, vector<16xf32>,
        %mul3A_538 = arith.mulf %get3A_527, %get3A_527 : vector<16xf32>
        %add3A_539 = arith.addf %add3A_509, %mul3A_538 : vector<16xf32>
        %mul3A_540 = arith.mulf %get3A_532, %get3A_532 : vector<16xf32>
        %add3A_541 = arith.addf %add3A_511, %mul3A_540 : vector<16xf32>
        %mul3A_542 = arith.mulf %get3A_537, %get3A_537 : vector<16xf32>
        %add3A_543 = arith.addf %add3A_513, %mul3A_542 : vector<16xf32>
        %mul3A_544 = arith.constant 8 : i32
        %mul3A_545 = arith.muli %scan3A_451, %mul3A_544 : i32
        %add3A_546 = arith.constant 3 : i32
        %add3A_547 = arith.addi %mul3A_545, %add3A_546 : i32
        %mul3A_548 = arith.constant 128 : i32
        %mul3A_549 = arith.muli %add3A_547, %mul3A_548 : i32
        %mul3A_550 = arith.constant 16 : i32
        %mul3A_551 = arith.muli %scan3A_321, %mul3A_550 : i32
        %add3A_552 = arith.addi %mul3A_549, %mul3A_551 : i32
        %get3A_553 = arith.constant 0 : i32
        %get3A_554 = tpu.memref_slice %arg14[%scan3A_194, %get3A_553] : memref<2x8192xf32, #tpu.memory_space<vmem>> -> memref<1x8192xf32, #tpu.memory_space<vmem>>
        %get3A_555 = tpu.memref_squeeze %get3A_554 : memref<1x8192xf32, #tpu.memory_space<vmem>> -> memref<8192xf32, #tpu.memory_space<vmem>>
        %get3A_556 = arith.index_cast %add3A_552 : i32 to index
        %get3A_557 = tpu.vector_load %get3A_555[%get3A_556] {strides = array<i32>} : memref<8192xf32, #tpu.memory_space<vmem>>, vector<16xf32>,
        %get3A_558 = arith.constant 0 : i32
        %get3A_559 = tpu.memref_slice %arg15[%scan3A_195, %get3A_558] : memref<2x8192xf32, #tpu.memory_space<vmem>> -> memref<1x8192xf32, #tpu.memory_space<vmem>>
        %get3A_560 = tpu.memref_squeeze %get3A_559 : memref<1x8192xf32, #tpu.memory_space<vmem>> -> memref<8192xf32, #tpu.memory_space<vmem>>
        %get3A_561 = arith.index_cast %add3A_552 : i32 to index
        %get3A_562 = tpu.vector_load %get3A_560[%get3A_561] {strides = array<i32>} : memref<8192xf32, #tpu.memory_space<vmem>>, vector<16xf32>,
        %get3A_563 = arith.constant 0 : i32
        %get3A_564 = tpu.memref_slice %arg16[%scan3A_196, %get3A_563] : memref<2x8192xf32, #tpu.memory_space<vmem>> -> memref<1x8192xf32, #tpu.memory_space<vmem>>
        %get3A_565 = tpu.memref_squeeze %get3A_564 : memref<1x8192xf32, #tpu.memory_space<vmem>> -> memref<8192xf32, #tpu.memory_space<vmem>>
        %get3A_566 = arith.index_cast %add3A_552 : i32 to index
        %get3A_567 = tpu.vector_load %get3A_565[%get3A_566] {strides = array<i32>} : memref<8192xf32, #tpu.memory_space<vmem>>, vector<16xf32>,
        %mul3A_568 = arith.mulf %get3A_557, %get3A_557 : vector<16xf32>
        %add3A_569 = arith.addf %add3A_539, %mul3A_568 : vector<16xf32>
        %mul3A_570 = arith.mulf %get3A_562, %get3A_562 : vector<16xf32>
        %add3A_571 = arith.addf %add3A_541, %mul3A_570 : vector<16xf32>
        %mul3A_572 = arith.mulf %get3A_567, %get3A_567 : vector<16xf32>
        %add3A_573 = arith.addf %add3A_543, %mul3A_572 : vector<16xf32>
        %mul3A_574 = arith.constant 8 : i32
        %mul3A_575 = arith.muli %scan3A_451, %mul3A_574 : i32
        %add3A_576 = arith.constant 4 : i32
        %add3A_577 = arith.addi %mul3A_575, %add3A_576 : i32
        %mul3A_578 = arith.constant 128 : i32
        %mul3A_579 = arith.muli %add3A_577, %mul3A_578 : i32
        %mul3A_580 = arith.constant 16 : i32
        %mul3A_581 = arith.muli %scan3A_321, %mul3A_580 : i32
        %add3A_582 = arith.addi %mul3A_579, %mul3A_581 : i32
        %get3A_583 = arith.constant 0 : i32
        %get3A_584 = tpu.memref_slice %arg14[%scan3A_194, %get3A_583] : memref<2x8192xf32, #tpu.memory_space<vmem>> -> memref<1x8192xf32, #tpu.memory_space<vmem>>
        %get3A_585 = tpu.memref_squeeze %get3A_584 : memref<1x8192xf32, #tpu.memory_space<vmem>> -> memref<8192xf32, #tpu.memory_space<vmem>>
        %get3A_586 = arith.index_cast %add3A_582 : i32 to index
        %get3A_587 = tpu.vector_load %get3A_585[%get3A_586] {strides = array<i32>} : memref<8192xf32, #tpu.memory_space<vmem>>, vector<16xf32>,
        %get3A_588 = arith.constant 0 : i32
        %get3A_589 = tpu.memref_slice %arg15[%scan3A_195, %get3A_588] : memref<2x8192xf32, #tpu.memory_space<vmem>> -> memref<1x8192xf32, #tpu.memory_space<vmem>>
        %get3A_590 = tpu.memref_squeeze %get3A_589 : memref<1x8192xf32, #tpu.memory_space<vmem>> -> memref<8192xf32, #tpu.memory_space<vmem>>
        %get3A_591 = arith.index_cast %add3A_582 : i32 to index
        %get3A_592 = tpu.vector_load %get3A_590[%get3A_591] {strides = array<i32>} : memref<8192xf32, #tpu.memory_space<vmem>>, vector<16xf32>,
        %get3A_593 = arith.constant 0 : i32
        %get3A_594 = tpu.memref_slice %arg16[%scan3A_196, %get3A_593] : memref<2x8192xf32, #tpu.memory_space<vmem>> -> memref<1x8192xf32, #tpu.memory_space<vmem>>
        %get3A_595 = tpu.memref_squeeze %get3A_594 : memref<1x8192xf32, #tpu.memory_space<vmem>> -> memref<8192xf32, #tpu.memory_space<vmem>>
        %get3A_596 = arith.index_cast %add3A_582 : i32 to index
        %get3A_597 = tpu.vector_load %get3A_595[%get3A_596] {strides = array<i32>} : memref<8192xf32, #tpu.memory_space<vmem>>, vector<16xf32>,
        %mul3A_598 = arith.mulf %get3A_587, %get3A_587 : vector<16xf32>
        %add3A_599 = arith.addf %add3A_569, %mul3A_598 : vector<16xf32>
        %mul3A_600 = arith.mulf %get3A_592, %get3A_592 : vector<16xf32>
        %add3A_601 = arith.addf %add3A_571, %mul3A_600 : vector<16xf32>
        %mul3A_602 = arith.mulf %get3A_597, %get3A_597 : vector<16xf32>
        %add3A_603 = arith.addf %add3A_573, %mul3A_602 : vector<16xf32>
        %mul3A_604 = arith.constant 8 : i32
        %mul3A_605 = arith.muli %scan3A_451, %mul3A_604 : i32
        %add3A_606 = arith.constant 5 : i32
        %add3A_607 = arith.addi %mul3A_605, %add3A_606 : i32
        %mul3A_608 = arith.constant 128 : i32
        %mul3A_609 = arith.muli %add3A_607, %mul3A_608 : i32
        %mul3A_610 = arith.constant 16 : i32
        %mul3A_611 = arith.muli %scan3A_321, %mul3A_610 : i32
        %add3A_612 = arith.addi %mul3A_609, %mul3A_611 : i32
        %get3A_613 = arith.constant 0 : i32
        %get3A_614 = tpu.memref_slice %arg14[%scan3A_194, %get3A_613] : memref<2x8192xf32, #tpu.memory_space<vmem>> -> memref<1x8192xf32, #tpu.memory_space<vmem>>
        %get3A_615 = tpu.memref_squeeze %get3A_614 : memref<1x8192xf32, #tpu.memory_space<vmem>> -> memref<8192xf32, #tpu.memory_space<vmem>>
        %get3A_616 = arith.index_cast %add3A_612 : i32 to index
        %get3A_617 = tpu.vector_load %get3A_615[%get3A_616] {strides = array<i32>} : memref<8192xf32, #tpu.memory_space<vmem>>, vector<16xf32>,
        %get3A_618 = arith.constant 0 : i32
        %get3A_619 = tpu.memref_slice %arg15[%scan3A_195, %get3A_618] : memref<2x8192xf32, #tpu.memory_space<vmem>> -> memref<1x8192xf32, #tpu.memory_space<vmem>>
        %get3A_620 = tpu.memref_squeeze %get3A_619 : memref<1x8192xf32, #tpu.memory_space<vmem>> -> memref<8192xf32, #tpu.memory_space<vmem>>
        %get3A_621 = arith.index_cast %add3A_612 : i32 to index
        %get3A_622 = tpu.vector_load %get3A_620[%get3A_621] {strides = array<i32>} : memref<8192xf32, #tpu.memory_space<vmem>>, vector<16xf32>,
        %get3A_623 = arith.constant 0 : i32
        %get3A_624 = tpu.memref_slice %arg16[%scan3A_196, %get3A_623] : memref<2x8192xf32, #tpu.memory_space<vmem>> -> memref<1x8192xf32, #tpu.memory_space<vmem>>
        %get3A_625 = tpu.memref_squeeze %get3A_624 : memref<1x8192xf32, #tpu.memory_space<vmem>> -> memref<8192xf32, #tpu.memory_space<vmem>>
        %get3A_626 = arith.index_cast %add3A_612 : i32 to index
        %get3A_627 = tpu.vector_load %get3A_625[%get3A_626] {strides = array<i32>} : memref<8192xf32, #tpu.memory_space<vmem>>, vector<16xf32>,
        %mul3A_628 = arith.mulf %get3A_617, %get3A_617 : vector<16xf32>
        %add3A_629 = arith.addf %add3A_599, %mul3A_628 : vector<16xf32>
        %mul3A_630 = arith.mulf %get3A_622, %get3A_622 : vector<16xf32>
        %add3A_631 = arith.addf %add3A_601, %mul3A_630 : vector<16xf32>
        %mul3A_632 = arith.mulf %get3A_627, %get3A_627 : vector<16xf32>
        %add3A_633 = arith.addf %add3A_603, %mul3A_632 : vector<16xf32>
        %mul3A_634 = arith.constant 8 : i32
        %mul3A_635 = arith.muli %scan3A_451, %mul3A_634 : i32
        %add3A_636 = arith.constant 6 : i32
        %add3A_637 = arith.addi %mul3A_635, %add3A_636 : i32
        %mul3A_638 = arith.constant 128 : i32
        %mul3A_639 = arith.muli %add3A_637, %mul3A_638 : i32
        %mul3A_640 = arith.constant 16 : i32
        %mul3A_641 = arith.muli %scan3A_321, %mul3A_640 : i32
        %add3A_642 = arith.addi %mul3A_639, %mul3A_641 : i32
        %get3A_643 = arith.constant 0 : i32
        %get3A_644 = tpu.memref_slice %arg14[%scan3A_194, %get3A_643] : memref<2x8192xf32, #tpu.memory_space<vmem>> -> memref<1x8192xf32, #tpu.memory_space<vmem>>
        %get3A_645 = tpu.memref_squeeze %get3A_644 : memref<1x8192xf32, #tpu.memory_space<vmem>> -> memref<8192xf32, #tpu.memory_space<vmem>>
        %get3A_646 = arith.index_cast %add3A_642 : i32 to index
        %get3A_647 = tpu.vector_load %get3A_645[%get3A_646] {strides = array<i32>} : memref<8192xf32, #tpu.memory_space<vmem>>, vector<16xf32>,
        %get3A_648 = arith.constant 0 : i32
        %get3A_649 = tpu.memref_slice %arg15[%scan3A_195, %get3A_648] : memref<2x8192xf32, #tpu.memory_space<vmem>> -> memref<1x8192xf32, #tpu.memory_space<vmem>>
        %get3A_650 = tpu.memref_squeeze %get3A_649 : memref<1x8192xf32, #tpu.memory_space<vmem>> -> memref<8192xf32, #tpu.memory_space<vmem>>
        %get3A_651 = arith.index_cast %add3A_642 : i32 to index
        %get3A_652 = tpu.vector_load %get3A_650[%get3A_651] {strides = array<i32>} : memref<8192xf32, #tpu.memory_space<vmem>>, vector<16xf32>,
        %get3A_653 = arith.constant 0 : i32
        %get3A_654 = tpu.memref_slice %arg16[%scan3A_196, %get3A_653] : memref<2x8192xf32, #tpu.memory_space<vmem>> -> memref<1x8192xf32, #tpu.memory_space<vmem>>
        %get3A_655 = tpu.memref_squeeze %get3A_654 : memref<1x8192xf32, #tpu.memory_space<vmem>> -> memref<8192xf32, #tpu.memory_space<vmem>>
        %get3A_656 = arith.index_cast %add3A_642 : i32 to index
        %get3A_657 = tpu.vector_load %get3A_655[%get3A_656] {strides = array<i32>} : memref<8192xf32, #tpu.memory_space<vmem>>, vector<16xf32>,
        %mul3A_658 = arith.mulf %get3A_647, %get3A_647 : vector<16xf32>
        %add3A_659 = arith.addf %add3A_629, %mul3A_658 : vector<16xf32>
        %mul3A_660 = arith.mulf %get3A_652, %get3A_652 : vector<16xf32>
        %add3A_661 = arith.addf %add3A_631, %mul3A_660 : vector<16xf32>
        %mul3A_662 = arith.mulf %get3A_657, %get3A_657 : vector<16xf32>
        %add3A_663 = arith.addf %add3A_633, %mul3A_662 : vector<16xf32>
        %mul3A_664 = arith.constant 8 : i32
        %mul3A_665 = arith.muli %scan3A_451, %mul3A_664 : i32
        %add3A_666 = arith.constant 7 : i32
        %add3A_667 = arith.addi %mul3A_665, %add3A_666 : i32
        %mul3A_668 = arith.constant 128 : i32
        %mul3A_669 = arith.muli %add3A_667, %mul3A_668 : i32
        %mul3A_670 = arith.constant 16 : i32
        %mul3A_671 = arith.muli %scan3A_321, %mul3A_670 : i32
        %add3A_672 = arith.addi %mul3A_669, %mul3A_671 : i32
        %get3A_673 = arith.constant 0 : i32
        %get3A_674 = tpu.memref_slice %arg14[%scan3A_194, %get3A_673] : memref<2x8192xf32, #tpu.memory_space<vmem>> -> memref<1x8192xf32, #tpu.memory_space<vmem>>
        %get3A_675 = tpu.memref_squeeze %get3A_674 : memref<1x8192xf32, #tpu.memory_space<vmem>> -> memref<8192xf32, #tpu.memory_space<vmem>>
        %get3A_676 = arith.index_cast %add3A_672 : i32 to index
        %get3A_677 = tpu.vector_load %get3A_675[%get3A_676] {strides = array<i32>} : memref<8192xf32, #tpu.memory_space<vmem>>, vector<16xf32>,
        %get3A_678 = arith.constant 0 : i32
        %get3A_679 = tpu.memref_slice %arg15[%scan3A_195, %get3A_678] : memref<2x8192xf32, #tpu.memory_space<vmem>> -> memref<1x8192xf32, #tpu.memory_space<vmem>>
        %get3A_680 = tpu.memref_squeeze %get3A_679 : memref<1x8192xf32, #tpu.memory_space<vmem>> -> memref<8192xf32, #tpu.memory_space<vmem>>
        %get3A_681 = arith.index_cast %add3A_672 : i32 to index
        %get3A_682 = tpu.vector_load %get3A_680[%get3A_681] {strides = array<i32>} : memref<8192xf32, #tpu.memory_space<vmem>>, vector<16xf32>,
        %get3A_683 = arith.constant 0 : i32
        %get3A_684 = tpu.memref_slice %arg16[%scan3A_196, %get3A_683] : memref<2x8192xf32, #tpu.memory_space<vmem>> -> memref<1x8192xf32, #tpu.memory_space<vmem>>
        %get3A_685 = tpu.memref_squeeze %get3A_684 : memref<1x8192xf32, #tpu.memory_space<vmem>> -> memref<8192xf32, #tpu.memory_space<vmem>>
        %get3A_686 = arith.index_cast %add3A_672 : i32 to index
        %get3A_687 = tpu.vector_load %get3A_685[%get3A_686] {strides = array<i32>} : memref<8192xf32, #tpu.memory_space<vmem>>, vector<16xf32>,
        %mul3A_688 = arith.mulf %get3A_677, %get3A_677 : vector<16xf32>
        %add3A_689 = arith.addf %add3A_659, %mul3A_688 : vector<16xf32>
        %mul3A_690 = arith.mulf %get3A_682, %get3A_682 : vector<16xf32>
        %add3A_691 = arith.addf %add3A_661, %mul3A_690 : vector<16xf32>
        %mul3A_692 = arith.mulf %get3A_687, %get3A_687 : vector<16xf32>
        %add3A_693 = arith.addf %add3A_663, %mul3A_692 : vector<16xf32>
        scf.yield %add3A_689, %add3A_693, %add3A_691 : vector<16xf32>, vector<16xf32>, vector<16xf32>
      }
      %scan3A_328 = arith.constant 8 : i32
      %max3A = arith.constant 1.000000e-24 : f32
      %max3A_329 = vector.broadcast %max3A : f32 to vector<16xf32>
      %max3A_330 = arith.maximumf %scan3A_327#0, %max3A_329 : vector<16xf32>
      %bitcast3A = vector.bitcast %max3A_330 : vector<16xf32> to vector<16xi32>
      %shift_right_arithmetic3A = arith.constant 1 : i32
      %shift_right_arithmetic3A_331 = vector.broadcast %shift_right_arithmetic3A : i32 to vector<16xi32>
      %shift_right_arithmetic3A_332 = arith.shrsi %bitcast3A, %shift_right_arithmetic3A_331 : vector<16xi32>
      %sub3A = arith.constant 1597463007 : i32
      %sub3A_333 = vector.broadcast %sub3A : i32 to vector<16xi32>
      %sub3A_334 = arith.subi %sub3A_333, %shift_right_arithmetic3A_332 : vector<16xi32>
      %bitcast3A_335 = vector.bitcast %sub3A_334 : vector<16xi32> to vector<16xf32>
      %mul3A_336 = arith.constant 5.000000e-01 : f32
      %mul3A_337 = vector.broadcast %mul3A_336 : f32 to vector<16xf32>
      %mul3A_338 = arith.mulf %mul3A_337, %max3A_330 : vector<16xf32>
      %mul3A_339 = arith.mulf %mul3A_338, %bitcast3A_335 : vector<16xf32>
      %mul3A_340 = arith.mulf %mul3A_339, %bitcast3A_335 : vector<16xf32>
      %sub3A_341 = arith.constant 1.500000e+00 : f32
      %sub3A_342 = vector.broadcast %sub3A_341 : f32 to vector<16xf32>
      %sub3A_343 = arith.subf %sub3A_342, %mul3A_340 : vector<16xf32>
      %mul3A_344 = arith.mulf %bitcast3A_335, %sub3A_343 : vector<16xf32>
      %mul3A_345 = arith.constant 5.000000e-01 : f32
      %mul3A_346 = vector.broadcast %mul3A_345 : f32 to vector<16xf32>
      %mul3A_347 = arith.mulf %mul3A_346, %max3A_330 : vector<16xf32>
      %mul3A_348 = arith.mulf %mul3A_347, %mul3A_344 : vector<16xf32>
      %mul3A_349 = arith.mulf %mul3A_348, %mul3A_344 : vector<16xf32>
      %sub3A_350 = arith.constant 1.500000e+00 : f32
      %sub3A_351 = vector.broadcast %sub3A_350 : f32 to vector<16xf32>
      %sub3A_352 = arith.subf %sub3A_351, %mul3A_349 : vector<16xf32>
      %mul3A_353 = arith.mulf %mul3A_344, %sub3A_352 : vector<16xf32>
      %mul3A_354 = arith.constant 5.000000e-01 : f32
      %mul3A_355 = vector.broadcast %mul3A_354 : f32 to vector<16xf32>
      %mul3A_356 = arith.mulf %mul3A_355, %max3A_330 : vector<16xf32>
      %mul3A_357 = arith.mulf %mul3A_356, %mul3A_353 : vector<16xf32>
      %mul3A_358 = arith.mulf %mul3A_357, %mul3A_353 : vector<16xf32>
      %sub3A_359 = arith.constant 1.500000e+00 : f32
      %sub3A_360 = vector.broadcast %sub3A_359 : f32 to vector<16xf32>
      %sub3A_361 = arith.subf %sub3A_360, %mul3A_358 : vector<16xf32>
      %mul3A_362 = arith.mulf %mul3A_353, %sub3A_361 : vector<16xf32>
      %max3A_363 = arith.constant 1.000000e-24 : f32
      %max3A_364 = vector.broadcast %max3A_363 : f32 to vector<16xf32>
      %max3A_365 = arith.maximumf %scan3A_327#1, %max3A_364 : vector<16xf32>
      %bitcast3A_366 = vector.bitcast %max3A_365 : vector<16xf32> to vector<16xi32>
      %shift_right_arithmetic3A_367 = arith.constant 1 : i32
      %shift_right_arithmetic3A_368 = vector.broadcast %shift_right_arithmetic3A_367 : i32 to vector<16xi32>
      %shift_right_arithmetic3A_369 = arith.shrsi %bitcast3A_366, %shift_right_arithmetic3A_368 : vector<16xi32>
      %sub3A_370 = arith.constant 1597463007 : i32
      %sub3A_371 = vector.broadcast %sub3A_370 : i32 to vector<16xi32>
      %sub3A_372 = arith.subi %sub3A_371, %shift_right_arithmetic3A_369 : vector<16xi32>
      %bitcast3A_373 = vector.bitcast %sub3A_372 : vector<16xi32> to vector<16xf32>
      %mul3A_374 = arith.constant 5.000000e-01 : f32
      %mul3A_375 = vector.broadcast %mul3A_374 : f32 to vector<16xf32>
      %mul3A_376 = arith.mulf %mul3A_375, %max3A_365 : vector<16xf32>
      %mul3A_377 = arith.mulf %mul3A_376, %bitcast3A_373 : vector<16xf32>
      %mul3A_378 = arith.mulf %mul3A_377, %bitcast3A_373 : vector<16xf32>
      %sub3A_379 = arith.constant 1.500000e+00 : f32
      %sub3A_380 = vector.broadcast %sub3A_379 : f32 to vector<16xf32>
      %sub3A_381 = arith.subf %sub3A_380, %mul3A_378 : vector<16xf32>
      %mul3A_382 = arith.mulf %bitcast3A_373, %sub3A_381 : vector<16xf32>
      %mul3A_383 = arith.constant 5.000000e-01 : f32
      %mul3A_384 = vector.broadcast %mul3A_383 : f32 to vector<16xf32>
      %mul3A_385 = arith.mulf %mul3A_384, %max3A_365 : vector<16xf32>
      %mul3A_386 = arith.mulf %mul3A_385, %mul3A_382 : vector<16xf32>
      %mul3A_387 = arith.mulf %mul3A_386, %mul3A_382 : vector<16xf32>
      %sub3A_388 = arith.constant 1.500000e+00 : f32
      %sub3A_389 = vector.broadcast %sub3A_388 : f32 to vector<16xf32>
      %sub3A_390 = arith.subf %sub3A_389, %mul3A_387 : vector<16xf32>
      %mul3A_391 = arith.mulf %mul3A_382, %sub3A_390 : vector<16xf32>
      %mul3A_392 = arith.constant 5.000000e-01 : f32
      %mul3A_393 = vector.broadcast %mul3A_392 : f32 to vector<16xf32>
      %mul3A_394 = arith.mulf %mul3A_393, %max3A_365 : vector<16xf32>
      %mul3A_395 = arith.mulf %mul3A_394, %mul3A_391 : vector<16xf32>
      %mul3A_396 = arith.mulf %mul3A_395, %mul3A_391 : vector<16xf32>
      %sub3A_397 = arith.constant 1.500000e+00 : f32
      %sub3A_398 = vector.broadcast %sub3A_397 : f32 to vector<16xf32>
      %sub3A_399 = arith.subf %sub3A_398, %mul3A_396 : vector<16xf32>
      %mul3A_400 = arith.mulf %mul3A_391, %sub3A_399 : vector<16xf32>
      %max3A_401 = arith.constant 1.000000e-24 : f32
      %max3A_402 = vector.broadcast %max3A_401 : f32 to vector<16xf32>
      %max3A_403 = arith.maximumf %scan3A_327#2, %max3A_402 : vector<16xf32>
      %bitcast3A_404 = vector.bitcast %max3A_403 : vector<16xf32> to vector<16xi32>
      %shift_right_arithmetic3A_405 = arith.constant 1 : i32
      %shift_right_arithmetic3A_406 = vector.broadcast %shift_right_arithmetic3A_405 : i32 to vector<16xi32>
      %shift_right_arithmetic3A_407 = arith.shrsi %bitcast3A_404, %shift_right_arithmetic3A_406 : vector<16xi32>
      %sub3A_408 = arith.constant 1597463007 : i32
      %sub3A_409 = vector.broadcast %sub3A_408 : i32 to vector<16xi32>
      %sub3A_410 = arith.subi %sub3A_409, %shift_right_arithmetic3A_407 : vector<16xi32>
      %bitcast3A_411 = vector.bitcast %sub3A_410 : vector<16xi32> to vector<16xf32>
      %mul3A_412 = arith.constant 5.000000e-01 : f32
      %mul3A_413 = vector.broadcast %mul3A_412 : f32 to vector<16xf32>
      %mul3A_414 = arith.mulf %mul3A_413, %max3A_403 : vector<16xf32>
      %mul3A_415 = arith.mulf %mul3A_414, %bitcast3A_411 : vector<16xf32>
      %mul3A_416 = arith.mulf %mul3A_415, %bitcast3A_411 : vector<16xf32>
      %sub3A_417 = arith.constant 1.500000e+00 : f32
      %sub3A_418 = vector.broadcast %sub3A_417 : f32 to vector<16xf32>
      %sub3A_419 = arith.subf %sub3A_418, %mul3A_416 : vector<16xf32>
      %mul3A_420 = arith.mulf %bitcast3A_411, %sub3A_419 : vector<16xf32>
      %mul3A_421 = arith.constant 5.000000e-01 : f32
      %mul3A_422 = vector.broadcast %mul3A_421 : f32 to vector<16xf32>
      %mul3A_423 = arith.mulf %mul3A_422, %max3A_403 : vector<16xf32>
      %mul3A_424 = arith.mulf %mul3A_423, %mul3A_420 : vector<16xf32>
      %mul3A_425 = arith.mulf %mul3A_424, %mul3A_420 : vector<16xf32>
      %sub3A_426 = arith.constant 1.500000e+00 : f32
      %sub3A_427 = vector.broadcast %sub3A_426 : f32 to vector<16xf32>
      %sub3A_428 = arith.subf %sub3A_427, %mul3A_425 : vector<16xf32>
      %mul3A_429 = arith.mulf %mul3A_420, %sub3A_428 : vector<16xf32>
      %mul3A_430 = arith.constant 5.000000e-01 : f32
      %mul3A_431 = vector.broadcast %mul3A_430 : f32 to vector<16xf32>
      %mul3A_432 = arith.mulf %mul3A_431, %max3A_403 : vector<16xf32>
      %mul3A_433 = arith.mulf %mul3A_432, %mul3A_429 : vector<16xf32>
      %mul3A_434 = arith.mulf %mul3A_433, %mul3A_429 : vector<16xf32>
      %sub3A_435 = arith.constant 1.500000e+00 : f32
      %sub3A_436 = vector.broadcast %sub3A_435 : f32 to vector<16xf32>
      %sub3A_437 = arith.subf %sub3A_436, %mul3A_434 : vector<16xf32>
      %mul3A_438 = arith.mulf %mul3A_429, %sub3A_437 : vector<16xf32>
      %scan3A_439 = arith.constant 0 : i32
      %scan3A_440 = arith.constant 8 : i32
      %scan3A_441 = arith.addi %scan3A_439, %scan3A_440 : i32
      %scan3A_442 = arith.constant 1 : i32
      %scan3A_443 = scf.for %scan3A_451 = %scan3A_439 to %scan3A_441 step %scan3A_442 iter_args(%scan3A_452 = %broadcast_in_dim3A_13) -> (vector<16xf32>)  : i32 {
        %mul3A_453 = arith.constant 8 : i32
        %mul3A_454 = arith.muli %scan3A_451, %mul3A_453 : i32
        %add3A_455 = arith.constant 0 : i32
        %add3A_456 = arith.addi %mul3A_454, %add3A_455 : i32
        %mul3A_457 = arith.constant 128 : i32
        %mul3A_458 = arith.muli %add3A_456, %mul3A_457 : i32
        %mul3A_459 = arith.constant 16 : i32
        %mul3A_460 = arith.muli %scan3A_321, %mul3A_459 : i32
        %add3A_461 = arith.addi %mul3A_458, %mul3A_460 : i32
        %get3A = arith.constant 0 : i32
        %get3A_462 = tpu.memref_slice %arg14[%scan3A_194, %get3A] : memref<2x8192xf32, #tpu.memory_space<vmem>> -> memref<1x8192xf32, #tpu.memory_space<vmem>>
        %get3A_463 = tpu.memref_squeeze %get3A_462 : memref<1x8192xf32, #tpu.memory_space<vmem>> -> memref<8192xf32, #tpu.memory_space<vmem>>
        %get3A_464 = arith.index_cast %add3A_461 : i32 to index
        %get3A_465 = tpu.vector_load %get3A_463[%get3A_464] {strides = array<i32>} : memref<8192xf32, #tpu.memory_space<vmem>>, vector<16xf32>,
        %get3A_466 = arith.constant 0 : i32
        %get3A_467 = tpu.memref_slice %arg15[%scan3A_195, %get3A_466] : memref<2x8192xf32, #tpu.memory_space<vmem>> -> memref<1x8192xf32, #tpu.memory_space<vmem>>
        %get3A_468 = tpu.memref_squeeze %get3A_467 : memref<1x8192xf32, #tpu.memory_space<vmem>> -> memref<8192xf32, #tpu.memory_space<vmem>>
        %get3A_469 = arith.index_cast %add3A_461 : i32 to index
        %get3A_470 = tpu.vector_load %get3A_468[%get3A_469] {strides = array<i32>} : memref<8192xf32, #tpu.memory_space<vmem>>, vector<16xf32>,
        %get3A_471 = arith.constant 0 : i32
        %get3A_472 = tpu.memref_slice %arg16[%scan3A_196, %get3A_471] : memref<2x8192xf32, #tpu.memory_space<vmem>> -> memref<1x8192xf32, #tpu.memory_space<vmem>>
        %get3A_473 = tpu.memref_squeeze %get3A_472 : memref<1x8192xf32, #tpu.memory_space<vmem>> -> memref<8192xf32, #tpu.memory_space<vmem>>
        %get3A_474 = arith.index_cast %add3A_461 : i32 to index
        %get3A_475 = tpu.vector_load %get3A_473[%get3A_474] {strides = array<i32>} : memref<8192xf32, #tpu.memory_space<vmem>>, vector<16xf32>,
        %mul3A_476 = arith.mulf %get3A_465, %mul3A_362 : vector<16xf32>
        %mul3A_477 = arith.mulf %get3A_475, %mul3A_400 : vector<16xf32>
        %add3A_478 = arith.addf %mul3A_476, %mul3A_477 : vector<16xf32>
        %mul3A_479 = arith.mulf %get3A_470, %mul3A_438 : vector<16xf32>
        %sub3A_480 = arith.subf %add3A_478, %mul3A_479 : vector<16xf32>
        %abs3A = math.absf %sub3A_480 : vector<16xf32>
        %add3A_481 = arith.addf %scan3A_452, %abs3A : vector<16xf32>
        %mul3A_482 = arith.constant 8 : i32
        %mul3A_483 = arith.muli %scan3A_451, %mul3A_482 : i32
        %add3A_484 = arith.constant 1 : i32
        %add3A_485 = arith.addi %mul3A_483, %add3A_484 : i32
        %mul3A_486 = arith.constant 128 : i32
        %mul3A_487 = arith.muli %add3A_485, %mul3A_486 : i32
        %mul3A_488 = arith.constant 16 : i32
        %mul3A_489 = arith.muli %scan3A_321, %mul3A_488 : i32
        %add3A_490 = arith.addi %mul3A_487, %mul3A_489 : i32
        %get3A_491 = arith.constant 0 : i32
        %get3A_492 = tpu.memref_slice %arg14[%scan3A_194, %get3A_491] : memref<2x8192xf32, #tpu.memory_space<vmem>> -> memref<1x8192xf32, #tpu.memory_space<vmem>>
        %get3A_493 = tpu.memref_squeeze %get3A_492 : memref<1x8192xf32, #tpu.memory_space<vmem>> -> memref<8192xf32, #tpu.memory_space<vmem>>
        %get3A_494 = arith.index_cast %add3A_490 : i32 to index
        %get3A_495 = tpu.vector_load %get3A_493[%get3A_494] {strides = array<i32>} : memref<8192xf32, #tpu.memory_space<vmem>>, vector<16xf32>,
        %get3A_496 = arith.constant 0 : i32
        %get3A_497 = tpu.memref_slice %arg15[%scan3A_195, %get3A_496] : memref<2x8192xf32, #tpu.memory_space<vmem>> -> memref<1x8192xf32, #tpu.memory_space<vmem>>
        %get3A_498 = tpu.memref_squeeze %get3A_497 : memref<1x8192xf32, #tpu.memory_space<vmem>> -> memref<8192xf32, #tpu.memory_space<vmem>>
        %get3A_499 = arith.index_cast %add3A_490 : i32 to index
        %get3A_500 = tpu.vector_load %get3A_498[%get3A_499] {strides = array<i32>} : memref<8192xf32, #tpu.memory_space<vmem>>, vector<16xf32>,
        %get3A_501 = arith.constant 0 : i32
        %get3A_502 = tpu.memref_slice %arg16[%scan3A_196, %get3A_501] : memref<2x8192xf32, #tpu.memory_space<vmem>> -> memref<1x8192xf32, #tpu.memory_space<vmem>>
        %get3A_503 = tpu.memref_squeeze %get3A_502 : memref<1x8192xf32, #tpu.memory_space<vmem>> -> memref<8192xf32, #tpu.memory_space<vmem>>
        %get3A_504 = arith.index_cast %add3A_490 : i32 to index
        %get3A_505 = tpu.vector_load %get3A_503[%get3A_504] {strides = array<i32>} : memref<8192xf32, #tpu.memory_space<vmem>>, vector<16xf32>,
        %mul3A_506 = arith.mulf %get3A_495, %mul3A_362 : vector<16xf32>
        %mul3A_507 = arith.mulf %get3A_505, %mul3A_400 : vector<16xf32>
        %add3A_508 = arith.addf %mul3A_506, %mul3A_507 : vector<16xf32>
        %mul3A_509 = arith.mulf %get3A_500, %mul3A_438 : vector<16xf32>
        %sub3A_510 = arith.subf %add3A_508, %mul3A_509 : vector<16xf32>
        %abs3A_511 = math.absf %sub3A_510 : vector<16xf32>
        %add3A_512 = arith.addf %add3A_481, %abs3A_511 : vector<16xf32>
        %mul3A_513 = arith.constant 8 : i32
        %mul3A_514 = arith.muli %scan3A_451, %mul3A_513 : i32
        %add3A_515 = arith.constant 2 : i32
        %add3A_516 = arith.addi %mul3A_514, %add3A_515 : i32
        %mul3A_517 = arith.constant 128 : i32
        %mul3A_518 = arith.muli %add3A_516, %mul3A_517 : i32
        %mul3A_519 = arith.constant 16 : i32
        %mul3A_520 = arith.muli %scan3A_321, %mul3A_519 : i32
        %add3A_521 = arith.addi %mul3A_518, %mul3A_520 : i32
        %get3A_522 = arith.constant 0 : i32
        %get3A_523 = tpu.memref_slice %arg14[%scan3A_194, %get3A_522] : memref<2x8192xf32, #tpu.memory_space<vmem>> -> memref<1x8192xf32, #tpu.memory_space<vmem>>
        %get3A_524 = tpu.memref_squeeze %get3A_523 : memref<1x8192xf32, #tpu.memory_space<vmem>> -> memref<8192xf32, #tpu.memory_space<vmem>>
        %get3A_525 = arith.index_cast %add3A_521 : i32 to index
        %get3A_526 = tpu.vector_load %get3A_524[%get3A_525] {strides = array<i32>} : memref<8192xf32, #tpu.memory_space<vmem>>, vector<16xf32>,
        %get3A_527 = arith.constant 0 : i32
        %get3A_528 = tpu.memref_slice %arg15[%scan3A_195, %get3A_527] : memref<2x8192xf32, #tpu.memory_space<vmem>> -> memref<1x8192xf32, #tpu.memory_space<vmem>>
        %get3A_529 = tpu.memref_squeeze %get3A_528 : memref<1x8192xf32, #tpu.memory_space<vmem>> -> memref<8192xf32, #tpu.memory_space<vmem>>
        %get3A_530 = arith.index_cast %add3A_521 : i32 to index
        %get3A_531 = tpu.vector_load %get3A_529[%get3A_530] {strides = array<i32>} : memref<8192xf32, #tpu.memory_space<vmem>>, vector<16xf32>,
        %get3A_532 = arith.constant 0 : i32
        %get3A_533 = tpu.memref_slice %arg16[%scan3A_196, %get3A_532] : memref<2x8192xf32, #tpu.memory_space<vmem>> -> memref<1x8192xf32, #tpu.memory_space<vmem>>
        %get3A_534 = tpu.memref_squeeze %get3A_533 : memref<1x8192xf32, #tpu.memory_space<vmem>> -> memref<8192xf32, #tpu.memory_space<vmem>>
        %get3A_535 = arith.index_cast %add3A_521 : i32 to index
        %get3A_536 = tpu.vector_load %get3A_534[%get3A_535] {strides = array<i32>} : memref<8192xf32, #tpu.memory_space<vmem>>, vector<16xf32>,
        %mul3A_537 = arith.mulf %get3A_526, %mul3A_362 : vector<16xf32>
        %mul3A_538 = arith.mulf %get3A_536, %mul3A_400 : vector<16xf32>
        %add3A_539 = arith.addf %mul3A_537, %mul3A_538 : vector<16xf32>
        %mul3A_540 = arith.mulf %get3A_531, %mul3A_438 : vector<16xf32>
        %sub3A_541 = arith.subf %add3A_539, %mul3A_540 : vector<16xf32>
        %abs3A_542 = math.absf %sub3A_541 : vector<16xf32>
        %add3A_543 = arith.addf %add3A_512, %abs3A_542 : vector<16xf32>
        %mul3A_544 = arith.constant 8 : i32
        %mul3A_545 = arith.muli %scan3A_451, %mul3A_544 : i32
        %add3A_546 = arith.constant 3 : i32
        %add3A_547 = arith.addi %mul3A_545, %add3A_546 : i32
        %mul3A_548 = arith.constant 128 : i32
        %mul3A_549 = arith.muli %add3A_547, %mul3A_548 : i32
        %mul3A_550 = arith.constant 16 : i32
        %mul3A_551 = arith.muli %scan3A_321, %mul3A_550 : i32
        %add3A_552 = arith.addi %mul3A_549, %mul3A_551 : i32
        %get3A_553 = arith.constant 0 : i32
        %get3A_554 = tpu.memref_slice %arg14[%scan3A_194, %get3A_553] : memref<2x8192xf32, #tpu.memory_space<vmem>> -> memref<1x8192xf32, #tpu.memory_space<vmem>>
        %get3A_555 = tpu.memref_squeeze %get3A_554 : memref<1x8192xf32, #tpu.memory_space<vmem>> -> memref<8192xf32, #tpu.memory_space<vmem>>
        %get3A_556 = arith.index_cast %add3A_552 : i32 to index
        %get3A_557 = tpu.vector_load %get3A_555[%get3A_556] {strides = array<i32>} : memref<8192xf32, #tpu.memory_space<vmem>>, vector<16xf32>,
        %get3A_558 = arith.constant 0 : i32
        %get3A_559 = tpu.memref_slice %arg15[%scan3A_195, %get3A_558] : memref<2x8192xf32, #tpu.memory_space<vmem>> -> memref<1x8192xf32, #tpu.memory_space<vmem>>
        %get3A_560 = tpu.memref_squeeze %get3A_559 : memref<1x8192xf32, #tpu.memory_space<vmem>> -> memref<8192xf32, #tpu.memory_space<vmem>>
        %get3A_561 = arith.index_cast %add3A_552 : i32 to index
        %get3A_562 = tpu.vector_load %get3A_560[%get3A_561] {strides = array<i32>} : memref<8192xf32, #tpu.memory_space<vmem>>, vector<16xf32>,
        %get3A_563 = arith.constant 0 : i32
        %get3A_564 = tpu.memref_slice %arg16[%scan3A_196, %get3A_563] : memref<2x8192xf32, #tpu.memory_space<vmem>> -> memref<1x8192xf32, #tpu.memory_space<vmem>>
        %get3A_565 = tpu.memref_squeeze %get3A_564 : memref<1x8192xf32, #tpu.memory_space<vmem>> -> memref<8192xf32, #tpu.memory_space<vmem>>
        %get3A_566 = arith.index_cast %add3A_552 : i32 to index
        %get3A_567 = tpu.vector_load %get3A_565[%get3A_566] {strides = array<i32>} : memref<8192xf32, #tpu.memory_space<vmem>>, vector<16xf32>,
        %mul3A_568 = arith.mulf %get3A_557, %mul3A_362 : vector<16xf32>
        %mul3A_569 = arith.mulf %get3A_567, %mul3A_400 : vector<16xf32>
        %add3A_570 = arith.addf %mul3A_568, %mul3A_569 : vector<16xf32>
        %mul3A_571 = arith.mulf %get3A_562, %mul3A_438 : vector<16xf32>
        %sub3A_572 = arith.subf %add3A_570, %mul3A_571 : vector<16xf32>
        %abs3A_573 = math.absf %sub3A_572 : vector<16xf32>
        %add3A_574 = arith.addf %add3A_543, %abs3A_573 : vector<16xf32>
        %mul3A_575 = arith.constant 8 : i32
        %mul3A_576 = arith.muli %scan3A_451, %mul3A_575 : i32
        %add3A_577 = arith.constant 4 : i32
        %add3A_578 = arith.addi %mul3A_576, %add3A_577 : i32
        %mul3A_579 = arith.constant 128 : i32
        %mul3A_580 = arith.muli %add3A_578, %mul3A_579 : i32
        %mul3A_581 = arith.constant 16 : i32
        %mul3A_582 = arith.muli %scan3A_321, %mul3A_581 : i32
        %add3A_583 = arith.addi %mul3A_580, %mul3A_582 : i32
        %get3A_584 = arith.constant 0 : i32
        %get3A_585 = tpu.memref_slice %arg14[%scan3A_194, %get3A_584] : memref<2x8192xf32, #tpu.memory_space<vmem>> -> memref<1x8192xf32, #tpu.memory_space<vmem>>
        %get3A_586 = tpu.memref_squeeze %get3A_585 : memref<1x8192xf32, #tpu.memory_space<vmem>> -> memref<8192xf32, #tpu.memory_space<vmem>>
        %get3A_587 = arith.index_cast %add3A_583 : i32 to index
        %get3A_588 = tpu.vector_load %get3A_586[%get3A_587] {strides = array<i32>} : memref<8192xf32, #tpu.memory_space<vmem>>, vector<16xf32>,
        %get3A_589 = arith.constant 0 : i32
        %get3A_590 = tpu.memref_slice %arg15[%scan3A_195, %get3A_589] : memref<2x8192xf32, #tpu.memory_space<vmem>> -> memref<1x8192xf32, #tpu.memory_space<vmem>>
        %get3A_591 = tpu.memref_squeeze %get3A_590 : memref<1x8192xf32, #tpu.memory_space<vmem>> -> memref<8192xf32, #tpu.memory_space<vmem>>
        %get3A_592 = arith.index_cast %add3A_583 : i32 to index
        %get3A_593 = tpu.vector_load %get3A_591[%get3A_592] {strides = array<i32>} : memref<8192xf32, #tpu.memory_space<vmem>>, vector<16xf32>,
        %get3A_594 = arith.constant 0 : i32
        %get3A_595 = tpu.memref_slice %arg16[%scan3A_196, %get3A_594] : memref<2x8192xf32, #tpu.memory_space<vmem>> -> memref<1x8192xf32, #tpu.memory_space<vmem>>
        %get3A_596 = tpu.memref_squeeze %get3A_595 : memref<1x8192xf32, #tpu.memory_space<vmem>> -> memref<8192xf32, #tpu.memory_space<vmem>>
        %get3A_597 = arith.index_cast %add3A_583 : i32 to index
        %get3A_598 = tpu.vector_load %get3A_596[%get3A_597] {strides = array<i32>} : memref<8192xf32, #tpu.memory_space<vmem>>, vector<16xf32>,
        %mul3A_599 = arith.mulf %get3A_588, %mul3A_362 : vector<16xf32>
        %mul3A_600 = arith.mulf %get3A_598, %mul3A_400 : vector<16xf32>
        %add3A_601 = arith.addf %mul3A_599, %mul3A_600 : vector<16xf32>
        %mul3A_602 = arith.mulf %get3A_593, %mul3A_438 : vector<16xf32>
        %sub3A_603 = arith.subf %add3A_601, %mul3A_602 : vector<16xf32>
        %abs3A_604 = math.absf %sub3A_603 : vector<16xf32>
        %add3A_605 = arith.addf %add3A_574, %abs3A_604 : vector<16xf32>
        %mul3A_606 = arith.constant 8 : i32
        %mul3A_607 = arith.muli %scan3A_451, %mul3A_606 : i32
        %add3A_608 = arith.constant 5 : i32
        %add3A_609 = arith.addi %mul3A_607, %add3A_608 : i32
        %mul3A_610 = arith.constant 128 : i32
        %mul3A_611 = arith.muli %add3A_609, %mul3A_610 : i32
        %mul3A_612 = arith.constant 16 : i32
        %mul3A_613 = arith.muli %scan3A_321, %mul3A_612 : i32
        %add3A_614 = arith.addi %mul3A_611, %mul3A_613 : i32
        %get3A_615 = arith.constant 0 : i32
        %get3A_616 = tpu.memref_slice %arg14[%scan3A_194, %get3A_615] : memref<2x8192xf32, #tpu.memory_space<vmem>> -> memref<1x8192xf32, #tpu.memory_space<vmem>>
        %get3A_617 = tpu.memref_squeeze %get3A_616 : memref<1x8192xf32, #tpu.memory_space<vmem>> -> memref<8192xf32, #tpu.memory_space<vmem>>
        %get3A_618 = arith.index_cast %add3A_614 : i32 to index
        %get3A_619 = tpu.vector_load %get3A_617[%get3A_618] {strides = array<i32>} : memref<8192xf32, #tpu.memory_space<vmem>>, vector<16xf32>,
        %get3A_620 = arith.constant 0 : i32
        %get3A_621 = tpu.memref_slice %arg15[%scan3A_195, %get3A_620] : memref<2x8192xf32, #tpu.memory_space<vmem>> -> memref<1x8192xf32, #tpu.memory_space<vmem>>
        %get3A_622 = tpu.memref_squeeze %get3A_621 : memref<1x8192xf32, #tpu.memory_space<vmem>> -> memref<8192xf32, #tpu.memory_space<vmem>>
        %get3A_623 = arith.index_cast %add3A_614 : i32 to index
        %get3A_624 = tpu.vector_load %get3A_622[%get3A_623] {strides = array<i32>} : memref<8192xf32, #tpu.memory_space<vmem>>, vector<16xf32>,
        %get3A_625 = arith.constant 0 : i32
        %get3A_626 = tpu.memref_slice %arg16[%scan3A_196, %get3A_625] : memref<2x8192xf32, #tpu.memory_space<vmem>> -> memref<1x8192xf32, #tpu.memory_space<vmem>>
        %get3A_627 = tpu.memref_squeeze %get3A_626 : memref<1x8192xf32, #tpu.memory_space<vmem>> -> memref<8192xf32, #tpu.memory_space<vmem>>
        %get3A_628 = arith.index_cast %add3A_614 : i32 to index
        %get3A_629 = tpu.vector_load %get3A_627[%get3A_628] {strides = array<i32>} : memref<8192xf32, #tpu.memory_space<vmem>>, vector<16xf32>,
        %mul3A_630 = arith.mulf %get3A_619, %mul3A_362 : vector<16xf32>
        %mul3A_631 = arith.mulf %get3A_629, %mul3A_400 : vector<16xf32>
        %add3A_632 = arith.addf %mul3A_630, %mul3A_631 : vector<16xf32>
        %mul3A_633 = arith.mulf %get3A_624, %mul3A_438 : vector<16xf32>
        %sub3A_634 = arith.subf %add3A_632, %mul3A_633 : vector<16xf32>
        %abs3A_635 = math.absf %sub3A_634 : vector<16xf32>
        %add3A_636 = arith.addf %add3A_605, %abs3A_635 : vector<16xf32>
        %mul3A_637 = arith.constant 8 : i32
        %mul3A_638 = arith.muli %scan3A_451, %mul3A_637 : i32
        %add3A_639 = arith.constant 6 : i32
        %add3A_640 = arith.addi %mul3A_638, %add3A_639 : i32
        %mul3A_641 = arith.constant 128 : i32
        %mul3A_642 = arith.muli %add3A_640, %mul3A_641 : i32
        %mul3A_643 = arith.constant 16 : i32
        %mul3A_644 = arith.muli %scan3A_321, %mul3A_643 : i32
        %add3A_645 = arith.addi %mul3A_642, %mul3A_644 : i32
        %get3A_646 = arith.constant 0 : i32
        %get3A_647 = tpu.memref_slice %arg14[%scan3A_194, %get3A_646] : memref<2x8192xf32, #tpu.memory_space<vmem>> -> memref<1x8192xf32, #tpu.memory_space<vmem>>
        %get3A_648 = tpu.memref_squeeze %get3A_647 : memref<1x8192xf32, #tpu.memory_space<vmem>> -> memref<8192xf32, #tpu.memory_space<vmem>>
        %get3A_649 = arith.index_cast %add3A_645 : i32 to index
        %get3A_650 = tpu.vector_load %get3A_648[%get3A_649] {strides = array<i32>} : memref<8192xf32, #tpu.memory_space<vmem>>, vector<16xf32>,
        %get3A_651 = arith.constant 0 : i32
        %get3A_652 = tpu.memref_slice %arg15[%scan3A_195, %get3A_651] : memref<2x8192xf32, #tpu.memory_space<vmem>> -> memref<1x8192xf32, #tpu.memory_space<vmem>>
        %get3A_653 = tpu.memref_squeeze %get3A_652 : memref<1x8192xf32, #tpu.memory_space<vmem>> -> memref<8192xf32, #tpu.memory_space<vmem>>
        %get3A_654 = arith.index_cast %add3A_645 : i32 to index
        %get3A_655 = tpu.vector_load %get3A_653[%get3A_654] {strides = array<i32>} : memref<8192xf32, #tpu.memory_space<vmem>>, vector<16xf32>,
        %get3A_656 = arith.constant 0 : i32
        %get3A_657 = tpu.memref_slice %arg16[%scan3A_196, %get3A_656] : memref<2x8192xf32, #tpu.memory_space<vmem>> -> memref<1x8192xf32, #tpu.memory_space<vmem>>
        %get3A_658 = tpu.memref_squeeze %get3A_657 : memref<1x8192xf32, #tpu.memory_space<vmem>> -> memref<8192xf32, #tpu.memory_space<vmem>>
        %get3A_659 = arith.index_cast %add3A_645 : i32 to index
        %get3A_660 = tpu.vector_load %get3A_658[%get3A_659] {strides = array<i32>} : memref<8192xf32, #tpu.memory_space<vmem>>, vector<16xf32>,
        %mul3A_661 = arith.mulf %get3A_650, %mul3A_362 : vector<16xf32>
        %mul3A_662 = arith.mulf %get3A_660, %mul3A_400 : vector<16xf32>
        %add3A_663 = arith.addf %mul3A_661, %mul3A_662 : vector<16xf32>
        %mul3A_664 = arith.mulf %get3A_655, %mul3A_438 : vector<16xf32>
        %sub3A_665 = arith.subf %add3A_663, %mul3A_664 : vector<16xf32>
        %abs3A_666 = math.absf %sub3A_665 : vector<16xf32>
        %add3A_667 = arith.addf %add3A_636, %abs3A_666 : vector<16xf32>
        %mul3A_668 = arith.constant 8 : i32
        %mul3A_669 = arith.muli %scan3A_451, %mul3A_668 : i32
        %add3A_670 = arith.constant 7 : i32
        %add3A_671 = arith.addi %mul3A_669, %add3A_670 : i32
        %mul3A_672 = arith.constant 128 : i32
        %mul3A_673 = arith.muli %add3A_671, %mul3A_672 : i32
        %mul3A_674 = arith.constant 16 : i32
        %mul3A_675 = arith.muli %scan3A_321, %mul3A_674 : i32
        %add3A_676 = arith.addi %mul3A_673, %mul3A_675 : i32
        %get3A_677 = arith.constant 0 : i32
        %get3A_678 = tpu.memref_slice %arg14[%scan3A_194, %get3A_677] : memref<2x8192xf32, #tpu.memory_space<vmem>> -> memref<1x8192xf32, #tpu.memory_space<vmem>>
        %get3A_679 = tpu.memref_squeeze %get3A_678 : memref<1x8192xf32, #tpu.memory_space<vmem>> -> memref<8192xf32, #tpu.memory_space<vmem>>
        %get3A_680 = arith.index_cast %add3A_676 : i32 to index
        %get3A_681 = tpu.vector_load %get3A_679[%get3A_680] {strides = array<i32>} : memref<8192xf32, #tpu.memory_space<vmem>>, vector<16xf32>,
        %get3A_682 = arith.constant 0 : i32
        %get3A_683 = tpu.memref_slice %arg15[%scan3A_195, %get3A_682] : memref<2x8192xf32, #tpu.memory_space<vmem>> -> memref<1x8192xf32, #tpu.memory_space<vmem>>
        %get3A_684 = tpu.memref_squeeze %get3A_683 : memref<1x8192xf32, #tpu.memory_space<vmem>> -> memref<8192xf32, #tpu.memory_space<vmem>>
        %get3A_685 = arith.index_cast %add3A_676 : i32 to index
        %get3A_686 = tpu.vector_load %get3A_684[%get3A_685] {strides = array<i32>} : memref<8192xf32, #tpu.memory_space<vmem>>, vector<16xf32>,
        %get3A_687 = arith.constant 0 : i32
        %get3A_688 = tpu.memref_slice %arg16[%scan3A_196, %get3A_687] : memref<2x8192xf32, #tpu.memory_space<vmem>> -> memref<1x8192xf32, #tpu.memory_space<vmem>>
        %get3A_689 = tpu.memref_squeeze %get3A_688 : memref<1x8192xf32, #tpu.memory_space<vmem>> -> memref<8192xf32, #tpu.memory_space<vmem>>
        %get3A_690 = arith.index_cast %add3A_676 : i32 to index
        %get3A_691 = tpu.vector_load %get3A_689[%get3A_690] {strides = array<i32>} : memref<8192xf32, #tpu.memory_space<vmem>>, vector<16xf32>,
        %mul3A_692 = arith.mulf %get3A_681, %mul3A_362 : vector<16xf32>
        %mul3A_693 = arith.mulf %get3A_691, %mul3A_400 : vector<16xf32>
        %add3A_694 = arith.addf %mul3A_692, %mul3A_693 : vector<16xf32>
        %mul3A_695 = arith.mulf %get3A_686, %mul3A_438 : vector<16xf32>
        %sub3A_696 = arith.subf %add3A_694, %mul3A_695 : vector<16xf32>
        %abs3A_697 = math.absf %sub3A_696 : vector<16xf32>
        %add3A_698 = arith.addf %add3A_667, %abs3A_697 : vector<16xf32>
        scf.yield %add3A_698 : vector<16xf32>
      }
      %scan3A_444 = arith.constant 8 : i32
      %mul3A_445 = arith.constant 16 : i32
      %mul3A_446 = arith.muli %scan3A_321, %mul3A_445 : i32
      %add3A_447 = arith.constant 128 : i32
      %add3A_448 = arith.addi %add3A_447, %mul3A_446 : i32
      %swap3A = arith.index_cast %add3A_448 : i32 to index
      %swap3A_449 = tpu.vector_load %arg17[%swap3A] {strides = array<i32>} : memref<512xf32, #tpu.memory_space<vmem>>, vector<16xf32>,
      tpu.vector_store %arg17[%swap3A], %scan3A_443 {strides = array<i32>} : memref<512xf32, #tpu.memory_space<vmem>>, vector<16xf32>,
      %scan3A_450 = arith.constant 0 : i32
      scf.yield %scan3A_450 : i32
    }
    %scan3A_203 = arith.constant 8 : i32
    %scan3A_204 = arith.constant 0 : i32
    %scan3A_205 = arith.constant 0 : i32
    %scan3A_206 = arith.constant 8 : i32
    %scan3A_207 = arith.addi %scan3A_205, %scan3A_206 : i32
    %scan3A_208 = arith.constant 1 : i32
    %scan3A_209 = scf.for %scan3A_321 = %scan3A_205 to %scan3A_207 step %scan3A_208 iter_args(%scan3A_322 = %scan3A_204) -> (i32)  : i32 {
      %mul3A_323 = arith.constant 16 : i32
      %mul3A_324 = arith.muli %scan3A_321, %mul3A_323 : i32
      %add3A_325 = arith.constant 384 : i32
      %add3A_326 = arith.addi %add3A_325, %mul3A_324 : i32
      %get3A = arith.index_cast %add3A_326 : i32 to index
      %get3A_327 = tpu.vector_load %arg8[%get3A] {strides = array<i32>} : memref<512xi32, #tpu.memory_space<vmem>>, vector<16xi32>,
      %get3A_328 = arith.index_cast %add3A_326 : i32 to index
      %get3A_329 = tpu.vector_load %arg9[%get3A_328] {strides = array<i32>} : memref<512xi32, #tpu.memory_space<vmem>>, vector<16xi32>,
      %get3A_330 = arith.index_cast %add3A_326 : i32 to index
      %get3A_331 = tpu.vector_load %arg10[%get3A_330] {strides = array<i32>} : memref<512xi32, #tpu.memory_space<vmem>>, vector<16xi32>,
      %scan3A_332 = arith.constant 0 : i32
      %scan3A_333 = arith.constant 0 : i32
      %scan3A_334 = arith.constant 64 : i32
      %scan3A_335 = arith.addi %scan3A_333, %scan3A_334 : i32
      %scan3A_336 = arith.constant 1 : i32
      %scan3A_337 = scf.for %scan3A_340 = %scan3A_333 to %scan3A_335 step %scan3A_336 iter_args(%scan3A_341 = %scan3A_332) -> (i32)  : i32 {
        %mul3A_342 = arith.constant 128 : i32
        %mul3A_343 = arith.muli %scan3A_340, %mul3A_342 : i32
        %mul3A_344 = arith.constant 16 : i32
        %mul3A_345 = arith.muli %scan3A_321, %mul3A_344 : i32
        %add3A_346 = arith.addi %mul3A_343, %mul3A_345 : i32
        %mul3A_347 = arith.constant 1000000 : i32
        %mul3A_348 = arith.muli %scan3A_340, %mul3A_347 : i32
        %add3A_349 = vector.broadcast %mul3A_348 : i32 to vector<16xi32>
        %add3A_350 = arith.addi %get3A_327, %add3A_349 : vector<16xi32>
        %swap3A = arith.constant 1 : i32
        %swap3A_351 = arith.index_cast %swap3A : i32 to index
        %swap3A_352 = arith.index_cast %add3A_346 : i32 to index
        %swap3A_353 = tpu.vector_load %arg11[%swap3A_351, %swap3A_352] {strides = array<i32>} : memref<2x8192xi32, #tpu.memory_space<vmem>>, vector<16xi32>,
        tpu.vector_store %arg11[%swap3A_351, %swap3A_352], %add3A_350 {strides = array<i32>} : memref<2x8192xi32, #tpu.memory_space<vmem>>, vector<16xi32>,
        %mul3A_354 = arith.constant 1000000 : i32
        %mul3A_355 = arith.muli %scan3A_340, %mul3A_354 : i32
        %add3A_356 = vector.broadcast %mul3A_355 : i32 to vector<16xi32>
        %add3A_357 = arith.addi %get3A_329, %add3A_356 : vector<16xi32>
        %swap3A_358 = arith.constant 1 : i32
        %swap3A_359 = arith.index_cast %swap3A_358 : i32 to index
        %swap3A_360 = arith.index_cast %add3A_346 : i32 to index
        %swap3A_361 = tpu.vector_load %arg12[%swap3A_359, %swap3A_360] {strides = array<i32>} : memref<2x8192xi32, #tpu.memory_space<vmem>>, vector<16xi32>,
        tpu.vector_store %arg12[%swap3A_359, %swap3A_360], %add3A_357 {strides = array<i32>} : memref<2x8192xi32, #tpu.memory_space<vmem>>, vector<16xi32>,
        %mul3A_362 = arith.constant 1000 : i32
        %mul3A_363 = arith.muli %scan3A_340, %mul3A_362 : i32
        %add3A_364 = vector.broadcast %mul3A_363 : i32 to vector<16xi32>
        %add3A_365 = arith.addi %get3A_331, %add3A_364 : vector<16xi32>
        %swap3A_366 = arith.constant 1 : i32
        %swap3A_367 = arith.index_cast %swap3A_366 : i32 to index
        %swap3A_368 = arith.index_cast %add3A_346 : i32 to index
        %swap3A_369 = tpu.vector_load %arg13[%swap3A_367, %swap3A_368] {strides = array<i32>} : memref<2x8192xi32, #tpu.memory_space<vmem>>, vector<16xi32>,
        tpu.vector_store %arg13[%swap3A_367, %swap3A_368], %add3A_365 {strides = array<i32>} : memref<2x8192xi32, #tpu.memory_space<vmem>>, vector<16xi32>,
        %scan3A_370 = arith.constant 0 : i32
        scf.yield %scan3A_370 : i32
      }
      %scan3A_338 = arith.constant 64 : i32
      %scan3A_339 = arith.constant 0 : i32
      scf.yield %scan3A_339 : i32
    }
    %scan3A_210 = arith.constant 8 : i32
    %dma_wait3A_211 = arith.constant 0 : i32
    %dma_wait3A_212 = arith.constant 0 : i32
    %dma_wait3A_213 = arith.constant 0 : i32
    %dma_wait3A_214 = tpu.memref_slice %arg14[%dma_wait3A_212, %dma_wait3A_213] : memref<2x8192xf32, #tpu.memory_space<vmem>> -> memref<1x8192xf32, #tpu.memory_space<vmem>>
    %dma_wait3A_215 = tpu.memref_squeeze %dma_wait3A_214 : memref<1x8192xf32, #tpu.memory_space<vmem>> -> memref<8192xf32, #tpu.memory_space<vmem>>
    %dma_wait3A_216 = arith.constant 0 : i32
    %dma_wait3A_217 = tpu.memref_slice %arg11[%dma_wait3A_211, %dma_wait3A_216] : memref<2x8192xi32, #tpu.memory_space<vmem>> -> memref<1x8192xi32, #tpu.memory_space<vmem>>
    %dma_wait3A_218 = tpu.memref_squeeze %dma_wait3A_217 : memref<1x8192xi32, #tpu.memory_space<vmem>> -> memref<8192xi32, #tpu.memory_space<vmem>>
    %dma_wait3A_219 = arith.constant 0 : i32
    %dma_wait3A_220 = tpu.memref_slice %arg5[%dma_wait3A_219] : memref<64000000xf32, #tpu.memory_space<hbm>> -> memref<64000000xf32, #tpu.memory_space<hbm>>
    tpu.wait_indirect_dma semaphore(%arg19 : memref<!tpu.dma_semaphore, #tpu.memory_space<semaphore_mem>>) src(%dma_wait3A_220 : memref<64000000xf32, #tpu.memory_space<hbm>>) dst(%dma_wait3A_215 : memref<8192xf32, #tpu.memory_space<vmem>>)
    %dma_wait3A_221 = arith.constant 0 : i32
    %dma_wait3A_222 = arith.constant 0 : i32
    %dma_wait3A_223 = arith.constant 0 : i32
    %dma_wait3A_224 = tpu.memref_slice %arg15[%dma_wait3A_222, %dma_wait3A_223] : memref<2x8192xf32, #tpu.memory_space<vmem>> -> memref<1x8192xf32, #tpu.memory_space<vmem>>
    %dma_wait3A_225 = tpu.memref_squeeze %dma_wait3A_224 : memref<1x8192xf32, #tpu.memory_space<vmem>> -> memref<8192xf32, #tpu.memory_space<vmem>>
    %dma_wait3A_226 = arith.constant 0 : i32
    %dma_wait3A_227 = tpu.memref_slice %arg12[%dma_wait3A_221, %dma_wait3A_226] : memref<2x8192xi32, #tpu.memory_space<vmem>> -> memref<1x8192xi32, #tpu.memory_space<vmem>>
    %dma_wait3A_228 = tpu.memref_squeeze %dma_wait3A_227 : memref<1x8192xi32, #tpu.memory_space<vmem>> -> memref<8192xi32, #tpu.memory_space<vmem>>
    %dma_wait3A_229 = arith.constant 0 : i32
    %dma_wait3A_230 = tpu.memref_slice %arg5[%dma_wait3A_229] : memref<64000000xf32, #tpu.memory_space<hbm>> -> memref<64000000xf32, #tpu.memory_space<hbm>>
    tpu.wait_indirect_dma semaphore(%arg19 : memref<!tpu.dma_semaphore, #tpu.memory_space<semaphore_mem>>) src(%dma_wait3A_230 : memref<64000000xf32, #tpu.memory_space<hbm>>) dst(%dma_wait3A_225 : memref<8192xf32, #tpu.memory_space<vmem>>)
    %dma_wait3A_231 = arith.constant 0 : i32
    %dma_wait3A_232 = arith.constant 0 : i32
    %dma_wait3A_233 = arith.constant 0 : i32
    %dma_wait3A_234 = tpu.memref_slice %arg16[%dma_wait3A_232, %dma_wait3A_233] : memref<2x8192xf32, #tpu.memory_space<vmem>> -> memref<1x8192xf32, #tpu.memory_space<vmem>>
    %dma_wait3A_235 = tpu.memref_squeeze %dma_wait3A_234 : memref<1x8192xf32, #tpu.memory_space<vmem>> -> memref<8192xf32, #tpu.memory_space<vmem>>
    %dma_wait3A_236 = arith.constant 0 : i32
    %dma_wait3A_237 = tpu.memref_slice %arg13[%dma_wait3A_231, %dma_wait3A_236] : memref<2x8192xi32, #tpu.memory_space<vmem>> -> memref<1x8192xi32, #tpu.memory_space<vmem>>
    %dma_wait3A_238 = tpu.memref_squeeze %dma_wait3A_237 : memref<1x8192xi32, #tpu.memory_space<vmem>> -> memref<8192xi32, #tpu.memory_space<vmem>>
    %dma_wait3A_239 = arith.constant 0 : i32
    %dma_wait3A_240 = tpu.memref_slice %arg6[%dma_wait3A_239] : memref<64000xf32, #tpu.memory_space<hbm>> -> memref<64000xf32, #tpu.memory_space<hbm>>
    tpu.wait_indirect_dma semaphore(%arg19 : memref<!tpu.dma_semaphore, #tpu.memory_space<semaphore_mem>>) src(%dma_wait3A_240 : memref<64000xf32, #tpu.memory_space<hbm>>) dst(%dma_wait3A_235 : memref<8192xf32, #tpu.memory_space<vmem>>)
    %dma_start3A_241 = arith.constant 1 : i32
    %dma_start3A_242 = arith.constant 1 : i32
    %dma_start3A_243 = arith.constant 0 : i32
    %dma_start3A_244 = tpu.memref_slice %arg14[%dma_start3A_242, %dma_start3A_243] : memref<2x8192xf32, #tpu.memory_space<vmem>> -> memref<1x8192xf32, #tpu.memory_space<vmem>>
    %dma_start3A_245 = tpu.memref_squeeze %dma_start3A_244 : memref<1x8192xf32, #tpu.memory_space<vmem>> -> memref<8192xf32, #tpu.memory_space<vmem>>
    %dma_start3A_246 = arith.constant 0 : i32
    %dma_start3A_247 = tpu.memref_slice %arg11[%dma_start3A_241, %dma_start3A_246] : memref<2x8192xi32, #tpu.memory_space<vmem>> -> memref<1x8192xi32, #tpu.memory_space<vmem>>
    %dma_start3A_248 = tpu.memref_squeeze %dma_start3A_247 : memref<1x8192xi32, #tpu.memory_space<vmem>> -> memref<8192xi32, #tpu.memory_space<vmem>>
    %dma_start3A_249 = arith.constant 0 : i32
    %dma_start3A_250 = tpu.memref_slice %arg5[%dma_start3A_249] : memref<64000000xf32, #tpu.memory_space<hbm>> -> memref<64000000xf32, #tpu.memory_space<hbm>>
    tpu.enqueue_indirect_dma source(%dma_start3A_250 : memref<64000000xf32, #tpu.memory_space<hbm>>) target(%dma_start3A_245 : memref<8192xf32, #tpu.memory_space<vmem>>) offsets(%dma_start3A_248 : memref<8192xi32, #tpu.memory_space<vmem>>) semaphore(%arg20 : memref<!tpu.dma_semaphore, #tpu.memory_space<semaphore_mem>>)
    %dma_start3A_251 = arith.constant 1 : i32
    %dma_start3A_252 = arith.constant 1 : i32
    %dma_start3A_253 = arith.constant 0 : i32
    %dma_start3A_254 = tpu.memref_slice %arg15[%dma_start3A_252, %dma_start3A_253] : memref<2x8192xf32, #tpu.memory_space<vmem>> -> memref<1x8192xf32, #tpu.memory_space<vmem>>
    %dma_start3A_255 = tpu.memref_squeeze %dma_start3A_254 : memref<1x8192xf32, #tpu.memory_space<vmem>> -> memref<8192xf32, #tpu.memory_space<vmem>>
    %dma_start3A_256 = arith.constant 0 : i32
    %dma_start3A_257 = tpu.memref_slice %arg12[%dma_start3A_251, %dma_start3A_256] : memref<2x8192xi32, #tpu.memory_space<vmem>> -> memref<1x8192xi32, #tpu.memory_space<vmem>>
    %dma_start3A_258 = tpu.memref_squeeze %dma_start3A_257 : memref<1x8192xi32, #tpu.memory_space<vmem>> -> memref<8192xi32, #tpu.memory_space<vmem>>
    %dma_start3A_259 = arith.constant 0 : i32
    %dma_start3A_260 = tpu.memref_slice %arg5[%dma_start3A_259] : memref<64000000xf32, #tpu.memory_space<hbm>> -> memref<64000000xf32, #tpu.memory_space<hbm>>
    tpu.enqueue_indirect_dma source(%dma_start3A_260 : memref<64000000xf32, #tpu.memory_space<hbm>>) target(%dma_start3A_255 : memref<8192xf32, #tpu.memory_space<vmem>>) offsets(%dma_start3A_258 : memref<8192xi32, #tpu.memory_space<vmem>>) semaphore(%arg20 : memref<!tpu.dma_semaphore, #tpu.memory_space<semaphore_mem>>)
    %dma_start3A_261 = arith.constant 1 : i32
    %dma_start3A_262 = arith.constant 1 : i32
    %dma_start3A_263 = arith.constant 0 : i32
    %dma_start3A_264 = tpu.memref_slice %arg16[%dma_start3A_262, %dma_start3A_263] : memref<2x8192xf32, #tpu.memory_space<vmem>> -> memref<1x8192xf32, #tpu.memory_space<vmem>>
    %dma_start3A_265 = tpu.memref_squeeze %dma_start3A_264 : memref<1x8192xf32, #tpu.memory_space<vmem>> -> memref<8192xf32, #tpu.memory_space<vmem>>
    %dma_start3A_266 = arith.constant 0 : i32
    %dma_start3A_267 = tpu.memref_slice %arg13[%dma_start3A_261, %dma_start3A_266] : memref<2x8192xi32, #tpu.memory_space<vmem>> -> memref<1x8192xi32, #tpu.memory_space<vmem>>
    %dma_start3A_268 = tpu.memref_squeeze %dma_start3A_267 : memref<1x8192xi32, #tpu.memory_space<vmem>> -> memref<8192xi32, #tpu.memory_space<vmem>>
    %dma_start3A_269 = arith.constant 0 : i32
    %dma_start3A_270 = tpu.memref_slice %arg6[%dma_start3A_269] : memref<64000xf32, #tpu.memory_space<hbm>> -> memref<64000xf32, #tpu.memory_space<hbm>>
    tpu.enqueue_indirect_dma source(%dma_start3A_270 : memref<64000xf32, #tpu.memory_space<hbm>>) target(%dma_start3A_265 : memref<8192xf32, #tpu.memory_space<vmem>>) offsets(%dma_start3A_268 : memref<8192xi32, #tpu.memory_space<vmem>>) semaphore(%arg20 : memref<!tpu.dma_semaphore, #tpu.memory_space<semaphore_mem>>)
    %scan3A_271 = arith.constant 0 : i32
    %scan3A_272 = arith.constant 0 : i32
    %scan3A_273 = arith.constant 0 : i32
    %scan3A_274 = arith.constant 0 : i32
    %scan3A_275 = arith.constant 0 : i32
    %scan3A_276 = arith.constant 8 : i32
    %scan3A_277 = arith.addi %scan3A_275, %scan3A_276 : i32
    %scan3A_278 = arith.constant 1 : i32
    %scan3A_279 = scf.for %scan3A_321 = %scan3A_275 to %scan3A_277 step %scan3A_278 iter_args(%scan3A_322 = %scan3A_274) -> (i32)  : i32 {
      %scan3A_323 = arith.constant 0 : i32
      %scan3A_324 = arith.constant 8 : i32
      %scan3A_325 = arith.addi %scan3A_323, %scan3A_324 : i32
      %scan3A_326 = arith.constant 1 : i32
      %scan3A_327:3 = scf.for %scan3A_451 = %scan3A_323 to %scan3A_325 step %scan3A_326 iter_args(%scan3A_452 = %broadcast_in_dim3A_13, %scan3A_453 = %broadcast_in_dim3A_13, %scan3A_454 = %broadcast_in_dim3A_13) -> (vector<16xf32>, vector<16xf32>, vector<16xf32>)  : i32 {
        %mul3A_455 = arith.constant 8 : i32
        %mul3A_456 = arith.muli %scan3A_451, %mul3A_455 : i32
        %add3A_457 = arith.constant 0 : i32
        %add3A_458 = arith.addi %mul3A_456, %add3A_457 : i32
        %mul3A_459 = arith.constant 128 : i32
        %mul3A_460 = arith.muli %add3A_458, %mul3A_459 : i32
        %mul3A_461 = arith.constant 16 : i32
        %mul3A_462 = arith.muli %scan3A_321, %mul3A_461 : i32
        %add3A_463 = arith.addi %mul3A_460, %mul3A_462 : i32
        %get3A = arith.constant 0 : i32
        %get3A_464 = tpu.memref_slice %arg14[%scan3A_271, %get3A] : memref<2x8192xf32, #tpu.memory_space<vmem>> -> memref<1x8192xf32, #tpu.memory_space<vmem>>
        %get3A_465 = tpu.memref_squeeze %get3A_464 : memref<1x8192xf32, #tpu.memory_space<vmem>> -> memref<8192xf32, #tpu.memory_space<vmem>>
        %get3A_466 = arith.index_cast %add3A_463 : i32 to index
        %get3A_467 = tpu.vector_load %get3A_465[%get3A_466] {strides = array<i32>} : memref<8192xf32, #tpu.memory_space<vmem>>, vector<16xf32>,
        %get3A_468 = arith.constant 0 : i32
        %get3A_469 = tpu.memref_slice %arg15[%scan3A_272, %get3A_468] : memref<2x8192xf32, #tpu.memory_space<vmem>> -> memref<1x8192xf32, #tpu.memory_space<vmem>>
        %get3A_470 = tpu.memref_squeeze %get3A_469 : memref<1x8192xf32, #tpu.memory_space<vmem>> -> memref<8192xf32, #tpu.memory_space<vmem>>
        %get3A_471 = arith.index_cast %add3A_463 : i32 to index
        %get3A_472 = tpu.vector_load %get3A_470[%get3A_471] {strides = array<i32>} : memref<8192xf32, #tpu.memory_space<vmem>>, vector<16xf32>,
        %get3A_473 = arith.constant 0 : i32
        %get3A_474 = tpu.memref_slice %arg16[%scan3A_273, %get3A_473] : memref<2x8192xf32, #tpu.memory_space<vmem>> -> memref<1x8192xf32, #tpu.memory_space<vmem>>
        %get3A_475 = tpu.memref_squeeze %get3A_474 : memref<1x8192xf32, #tpu.memory_space<vmem>> -> memref<8192xf32, #tpu.memory_space<vmem>>
        %get3A_476 = arith.index_cast %add3A_463 : i32 to index
        %get3A_477 = tpu.vector_load %get3A_475[%get3A_476] {strides = array<i32>} : memref<8192xf32, #tpu.memory_space<vmem>>, vector<16xf32>,
        %mul3A_478 = arith.mulf %get3A_467, %get3A_467 : vector<16xf32>
        %add3A_479 = arith.addf %scan3A_452, %mul3A_478 : vector<16xf32>
        %mul3A_480 = arith.mulf %get3A_472, %get3A_472 : vector<16xf32>
        %add3A_481 = arith.addf %scan3A_454, %mul3A_480 : vector<16xf32>
        %mul3A_482 = arith.mulf %get3A_477, %get3A_477 : vector<16xf32>
        %add3A_483 = arith.addf %scan3A_453, %mul3A_482 : vector<16xf32>
        %mul3A_484 = arith.constant 8 : i32
        %mul3A_485 = arith.muli %scan3A_451, %mul3A_484 : i32
        %add3A_486 = arith.constant 1 : i32
        %add3A_487 = arith.addi %mul3A_485, %add3A_486 : i32
        %mul3A_488 = arith.constant 128 : i32
        %mul3A_489 = arith.muli %add3A_487, %mul3A_488 : i32
        %mul3A_490 = arith.constant 16 : i32
        %mul3A_491 = arith.muli %scan3A_321, %mul3A_490 : i32
        %add3A_492 = arith.addi %mul3A_489, %mul3A_491 : i32
        %get3A_493 = arith.constant 0 : i32
        %get3A_494 = tpu.memref_slice %arg14[%scan3A_271, %get3A_493] : memref<2x8192xf32, #tpu.memory_space<vmem>> -> memref<1x8192xf32, #tpu.memory_space<vmem>>
        %get3A_495 = tpu.memref_squeeze %get3A_494 : memref<1x8192xf32, #tpu.memory_space<vmem>> -> memref<8192xf32, #tpu.memory_space<vmem>>
        %get3A_496 = arith.index_cast %add3A_492 : i32 to index
        %get3A_497 = tpu.vector_load %get3A_495[%get3A_496] {strides = array<i32>} : memref<8192xf32, #tpu.memory_space<vmem>>, vector<16xf32>,
        %get3A_498 = arith.constant 0 : i32
        %get3A_499 = tpu.memref_slice %arg15[%scan3A_272, %get3A_498] : memref<2x8192xf32, #tpu.memory_space<vmem>> -> memref<1x8192xf32, #tpu.memory_space<vmem>>
        %get3A_500 = tpu.memref_squeeze %get3A_499 : memref<1x8192xf32, #tpu.memory_space<vmem>> -> memref<8192xf32, #tpu.memory_space<vmem>>
        %get3A_501 = arith.index_cast %add3A_492 : i32 to index
        %get3A_502 = tpu.vector_load %get3A_500[%get3A_501] {strides = array<i32>} : memref<8192xf32, #tpu.memory_space<vmem>>, vector<16xf32>,
        %get3A_503 = arith.constant 0 : i32
        %get3A_504 = tpu.memref_slice %arg16[%scan3A_273, %get3A_503] : memref<2x8192xf32, #tpu.memory_space<vmem>> -> memref<1x8192xf32, #tpu.memory_space<vmem>>
        %get3A_505 = tpu.memref_squeeze %get3A_504 : memref<1x8192xf32, #tpu.memory_space<vmem>> -> memref<8192xf32, #tpu.memory_space<vmem>>
        %get3A_506 = arith.index_cast %add3A_492 : i32 to index
        %get3A_507 = tpu.vector_load %get3A_505[%get3A_506] {strides = array<i32>} : memref<8192xf32, #tpu.memory_space<vmem>>, vector<16xf32>,
        %mul3A_508 = arith.mulf %get3A_497, %get3A_497 : vector<16xf32>
        %add3A_509 = arith.addf %add3A_479, %mul3A_508 : vector<16xf32>
        %mul3A_510 = arith.mulf %get3A_502, %get3A_502 : vector<16xf32>
        %add3A_511 = arith.addf %add3A_481, %mul3A_510 : vector<16xf32>
        %mul3A_512 = arith.mulf %get3A_507, %get3A_507 : vector<16xf32>
        %add3A_513 = arith.addf %add3A_483, %mul3A_512 : vector<16xf32>
        %mul3A_514 = arith.constant 8 : i32
        %mul3A_515 = arith.muli %scan3A_451, %mul3A_514 : i32
        %add3A_516 = arith.constant 2 : i32
        %add3A_517 = arith.addi %mul3A_515, %add3A_516 : i32
        %mul3A_518 = arith.constant 128 : i32
        %mul3A_519 = arith.muli %add3A_517, %mul3A_518 : i32
        %mul3A_520 = arith.constant 16 : i32
        %mul3A_521 = arith.muli %scan3A_321, %mul3A_520 : i32
        %add3A_522 = arith.addi %mul3A_519, %mul3A_521 : i32
        %get3A_523 = arith.constant 0 : i32
        %get3A_524 = tpu.memref_slice %arg14[%scan3A_271, %get3A_523] : memref<2x8192xf32, #tpu.memory_space<vmem>> -> memref<1x8192xf32, #tpu.memory_space<vmem>>
        %get3A_525 = tpu.memref_squeeze %get3A_524 : memref<1x8192xf32, #tpu.memory_space<vmem>> -> memref<8192xf32, #tpu.memory_space<vmem>>
        %get3A_526 = arith.index_cast %add3A_522 : i32 to index
        %get3A_527 = tpu.vector_load %get3A_525[%get3A_526] {strides = array<i32>} : memref<8192xf32, #tpu.memory_space<vmem>>, vector<16xf32>,
        %get3A_528 = arith.constant 0 : i32
        %get3A_529 = tpu.memref_slice %arg15[%scan3A_272, %get3A_528] : memref<2x8192xf32, #tpu.memory_space<vmem>> -> memref<1x8192xf32, #tpu.memory_space<vmem>>
        %get3A_530 = tpu.memref_squeeze %get3A_529 : memref<1x8192xf32, #tpu.memory_space<vmem>> -> memref<8192xf32, #tpu.memory_space<vmem>>
        %get3A_531 = arith.index_cast %add3A_522 : i32 to index
        %get3A_532 = tpu.vector_load %get3A_530[%get3A_531] {strides = array<i32>} : memref<8192xf32, #tpu.memory_space<vmem>>, vector<16xf32>,
        %get3A_533 = arith.constant 0 : i32
        %get3A_534 = tpu.memref_slice %arg16[%scan3A_273, %get3A_533] : memref<2x8192xf32, #tpu.memory_space<vmem>> -> memref<1x8192xf32, #tpu.memory_space<vmem>>
        %get3A_535 = tpu.memref_squeeze %get3A_534 : memref<1x8192xf32, #tpu.memory_space<vmem>> -> memref<8192xf32, #tpu.memory_space<vmem>>
        %get3A_536 = arith.index_cast %add3A_522 : i32 to index
        %get3A_537 = tpu.vector_load %get3A_535[%get3A_536] {strides = array<i32>} : memref<8192xf32, #tpu.memory_space<vmem>>, vector<16xf32>,
        %mul3A_538 = arith.mulf %get3A_527, %get3A_527 : vector<16xf32>
        %add3A_539 = arith.addf %add3A_509, %mul3A_538 : vector<16xf32>
        %mul3A_540 = arith.mulf %get3A_532, %get3A_532 : vector<16xf32>
        %add3A_541 = arith.addf %add3A_511, %mul3A_540 : vector<16xf32>
        %mul3A_542 = arith.mulf %get3A_537, %get3A_537 : vector<16xf32>
        %add3A_543 = arith.addf %add3A_513, %mul3A_542 : vector<16xf32>
        %mul3A_544 = arith.constant 8 : i32
        %mul3A_545 = arith.muli %scan3A_451, %mul3A_544 : i32
        %add3A_546 = arith.constant 3 : i32
        %add3A_547 = arith.addi %mul3A_545, %add3A_546 : i32
        %mul3A_548 = arith.constant 128 : i32
        %mul3A_549 = arith.muli %add3A_547, %mul3A_548 : i32
        %mul3A_550 = arith.constant 16 : i32
        %mul3A_551 = arith.muli %scan3A_321, %mul3A_550 : i32
        %add3A_552 = arith.addi %mul3A_549, %mul3A_551 : i32
        %get3A_553 = arith.constant 0 : i32
        %get3A_554 = tpu.memref_slice %arg14[%scan3A_271, %get3A_553] : memref<2x8192xf32, #tpu.memory_space<vmem>> -> memref<1x8192xf32, #tpu.memory_space<vmem>>
        %get3A_555 = tpu.memref_squeeze %get3A_554 : memref<1x8192xf32, #tpu.memory_space<vmem>> -> memref<8192xf32, #tpu.memory_space<vmem>>
        %get3A_556 = arith.index_cast %add3A_552 : i32 to index
        %get3A_557 = tpu.vector_load %get3A_555[%get3A_556] {strides = array<i32>} : memref<8192xf32, #tpu.memory_space<vmem>>, vector<16xf32>,
        %get3A_558 = arith.constant 0 : i32
        %get3A_559 = tpu.memref_slice %arg15[%scan3A_272, %get3A_558] : memref<2x8192xf32, #tpu.memory_space<vmem>> -> memref<1x8192xf32, #tpu.memory_space<vmem>>
        %get3A_560 = tpu.memref_squeeze %get3A_559 : memref<1x8192xf32, #tpu.memory_space<vmem>> -> memref<8192xf32, #tpu.memory_space<vmem>>
        %get3A_561 = arith.index_cast %add3A_552 : i32 to index
        %get3A_562 = tpu.vector_load %get3A_560[%get3A_561] {strides = array<i32>} : memref<8192xf32, #tpu.memory_space<vmem>>, vector<16xf32>,
        %get3A_563 = arith.constant 0 : i32
        %get3A_564 = tpu.memref_slice %arg16[%scan3A_273, %get3A_563] : memref<2x8192xf32, #tpu.memory_space<vmem>> -> memref<1x8192xf32, #tpu.memory_space<vmem>>
        %get3A_565 = tpu.memref_squeeze %get3A_564 : memref<1x8192xf32, #tpu.memory_space<vmem>> -> memref<8192xf32, #tpu.memory_space<vmem>>
        %get3A_566 = arith.index_cast %add3A_552 : i32 to index
        %get3A_567 = tpu.vector_load %get3A_565[%get3A_566] {strides = array<i32>} : memref<8192xf32, #tpu.memory_space<vmem>>, vector<16xf32>,
        %mul3A_568 = arith.mulf %get3A_557, %get3A_557 : vector<16xf32>
        %add3A_569 = arith.addf %add3A_539, %mul3A_568 : vector<16xf32>
        %mul3A_570 = arith.mulf %get3A_562, %get3A_562 : vector<16xf32>
        %add3A_571 = arith.addf %add3A_541, %mul3A_570 : vector<16xf32>
        %mul3A_572 = arith.mulf %get3A_567, %get3A_567 : vector<16xf32>
        %add3A_573 = arith.addf %add3A_543, %mul3A_572 : vector<16xf32>
        %mul3A_574 = arith.constant 8 : i32
        %mul3A_575 = arith.muli %scan3A_451, %mul3A_574 : i32
        %add3A_576 = arith.constant 4 : i32
        %add3A_577 = arith.addi %mul3A_575, %add3A_576 : i32
        %mul3A_578 = arith.constant 128 : i32
        %mul3A_579 = arith.muli %add3A_577, %mul3A_578 : i32
        %mul3A_580 = arith.constant 16 : i32
        %mul3A_581 = arith.muli %scan3A_321, %mul3A_580 : i32
        %add3A_582 = arith.addi %mul3A_579, %mul3A_581 : i32
        %get3A_583 = arith.constant 0 : i32
        %get3A_584 = tpu.memref_slice %arg14[%scan3A_271, %get3A_583] : memref<2x8192xf32, #tpu.memory_space<vmem>> -> memref<1x8192xf32, #tpu.memory_space<vmem>>
        %get3A_585 = tpu.memref_squeeze %get3A_584 : memref<1x8192xf32, #tpu.memory_space<vmem>> -> memref<8192xf32, #tpu.memory_space<vmem>>
        %get3A_586 = arith.index_cast %add3A_582 : i32 to index
        %get3A_587 = tpu.vector_load %get3A_585[%get3A_586] {strides = array<i32>} : memref<8192xf32, #tpu.memory_space<vmem>>, vector<16xf32>,
        %get3A_588 = arith.constant 0 : i32
        %get3A_589 = tpu.memref_slice %arg15[%scan3A_272, %get3A_588] : memref<2x8192xf32, #tpu.memory_space<vmem>> -> memref<1x8192xf32, #tpu.memory_space<vmem>>
        %get3A_590 = tpu.memref_squeeze %get3A_589 : memref<1x8192xf32, #tpu.memory_space<vmem>> -> memref<8192xf32, #tpu.memory_space<vmem>>
        %get3A_591 = arith.index_cast %add3A_582 : i32 to index
        %get3A_592 = tpu.vector_load %get3A_590[%get3A_591] {strides = array<i32>} : memref<8192xf32, #tpu.memory_space<vmem>>, vector<16xf32>,
        %get3A_593 = arith.constant 0 : i32
        %get3A_594 = tpu.memref_slice %arg16[%scan3A_273, %get3A_593] : memref<2x8192xf32, #tpu.memory_space<vmem>> -> memref<1x8192xf32, #tpu.memory_space<vmem>>
        %get3A_595 = tpu.memref_squeeze %get3A_594 : memref<1x8192xf32, #tpu.memory_space<vmem>> -> memref<8192xf32, #tpu.memory_space<vmem>>
        %get3A_596 = arith.index_cast %add3A_582 : i32 to index
        %get3A_597 = tpu.vector_load %get3A_595[%get3A_596] {strides = array<i32>} : memref<8192xf32, #tpu.memory_space<vmem>>, vector<16xf32>,
        %mul3A_598 = arith.mulf %get3A_587, %get3A_587 : vector<16xf32>
        %add3A_599 = arith.addf %add3A_569, %mul3A_598 : vector<16xf32>
        %mul3A_600 = arith.mulf %get3A_592, %get3A_592 : vector<16xf32>
        %add3A_601 = arith.addf %add3A_571, %mul3A_600 : vector<16xf32>
        %mul3A_602 = arith.mulf %get3A_597, %get3A_597 : vector<16xf32>
        %add3A_603 = arith.addf %add3A_573, %mul3A_602 : vector<16xf32>
        %mul3A_604 = arith.constant 8 : i32
        %mul3A_605 = arith.muli %scan3A_451, %mul3A_604 : i32
        %add3A_606 = arith.constant 5 : i32
        %add3A_607 = arith.addi %mul3A_605, %add3A_606 : i32
        %mul3A_608 = arith.constant 128 : i32
        %mul3A_609 = arith.muli %add3A_607, %mul3A_608 : i32
        %mul3A_610 = arith.constant 16 : i32
        %mul3A_611 = arith.muli %scan3A_321, %mul3A_610 : i32
        %add3A_612 = arith.addi %mul3A_609, %mul3A_611 : i32
        %get3A_613 = arith.constant 0 : i32
        %get3A_614 = tpu.memref_slice %arg14[%scan3A_271, %get3A_613] : memref<2x8192xf32, #tpu.memory_space<vmem>> -> memref<1x8192xf32, #tpu.memory_space<vmem>>
        %get3A_615 = tpu.memref_squeeze %get3A_614 : memref<1x8192xf32, #tpu.memory_space<vmem>> -> memref<8192xf32, #tpu.memory_space<vmem>>
        %get3A_616 = arith.index_cast %add3A_612 : i32 to index
        %get3A_617 = tpu.vector_load %get3A_615[%get3A_616] {strides = array<i32>} : memref<8192xf32, #tpu.memory_space<vmem>>, vector<16xf32>,
        %get3A_618 = arith.constant 0 : i32
        %get3A_619 = tpu.memref_slice %arg15[%scan3A_272, %get3A_618] : memref<2x8192xf32, #tpu.memory_space<vmem>> -> memref<1x8192xf32, #tpu.memory_space<vmem>>
        %get3A_620 = tpu.memref_squeeze %get3A_619 : memref<1x8192xf32, #tpu.memory_space<vmem>> -> memref<8192xf32, #tpu.memory_space<vmem>>
        %get3A_621 = arith.index_cast %add3A_612 : i32 to index
        %get3A_622 = tpu.vector_load %get3A_620[%get3A_621] {strides = array<i32>} : memref<8192xf32, #tpu.memory_space<vmem>>, vector<16xf32>,
        %get3A_623 = arith.constant 0 : i32
        %get3A_624 = tpu.memref_slice %arg16[%scan3A_273, %get3A_623] : memref<2x8192xf32, #tpu.memory_space<vmem>> -> memref<1x8192xf32, #tpu.memory_space<vmem>>
        %get3A_625 = tpu.memref_squeeze %get3A_624 : memref<1x8192xf32, #tpu.memory_space<vmem>> -> memref<8192xf32, #tpu.memory_space<vmem>>
        %get3A_626 = arith.index_cast %add3A_612 : i32 to index
        %get3A_627 = tpu.vector_load %get3A_625[%get3A_626] {strides = array<i32>} : memref<8192xf32, #tpu.memory_space<vmem>>, vector<16xf32>,
        %mul3A_628 = arith.mulf %get3A_617, %get3A_617 : vector<16xf32>
        %add3A_629 = arith.addf %add3A_599, %mul3A_628 : vector<16xf32>
        %mul3A_630 = arith.mulf %get3A_622, %get3A_622 : vector<16xf32>
        %add3A_631 = arith.addf %add3A_601, %mul3A_630 : vector<16xf32>
        %mul3A_632 = arith.mulf %get3A_627, %get3A_627 : vector<16xf32>
        %add3A_633 = arith.addf %add3A_603, %mul3A_632 : vector<16xf32>
        %mul3A_634 = arith.constant 8 : i32
        %mul3A_635 = arith.muli %scan3A_451, %mul3A_634 : i32
        %add3A_636 = arith.constant 6 : i32
        %add3A_637 = arith.addi %mul3A_635, %add3A_636 : i32
        %mul3A_638 = arith.constant 128 : i32
        %mul3A_639 = arith.muli %add3A_637, %mul3A_638 : i32
        %mul3A_640 = arith.constant 16 : i32
        %mul3A_641 = arith.muli %scan3A_321, %mul3A_640 : i32
        %add3A_642 = arith.addi %mul3A_639, %mul3A_641 : i32
        %get3A_643 = arith.constant 0 : i32
        %get3A_644 = tpu.memref_slice %arg14[%scan3A_271, %get3A_643] : memref<2x8192xf32, #tpu.memory_space<vmem>> -> memref<1x8192xf32, #tpu.memory_space<vmem>>
        %get3A_645 = tpu.memref_squeeze %get3A_644 : memref<1x8192xf32, #tpu.memory_space<vmem>> -> memref<8192xf32, #tpu.memory_space<vmem>>
        %get3A_646 = arith.index_cast %add3A_642 : i32 to index
        %get3A_647 = tpu.vector_load %get3A_645[%get3A_646] {strides = array<i32>} : memref<8192xf32, #tpu.memory_space<vmem>>, vector<16xf32>,
        %get3A_648 = arith.constant 0 : i32
        %get3A_649 = tpu.memref_slice %arg15[%scan3A_272, %get3A_648] : memref<2x8192xf32, #tpu.memory_space<vmem>> -> memref<1x8192xf32, #tpu.memory_space<vmem>>
        %get3A_650 = tpu.memref_squeeze %get3A_649 : memref<1x8192xf32, #tpu.memory_space<vmem>> -> memref<8192xf32, #tpu.memory_space<vmem>>
        %get3A_651 = arith.index_cast %add3A_642 : i32 to index
        %get3A_652 = tpu.vector_load %get3A_650[%get3A_651] {strides = array<i32>} : memref<8192xf32, #tpu.memory_space<vmem>>, vector<16xf32>,
        %get3A_653 = arith.constant 0 : i32
        %get3A_654 = tpu.memref_slice %arg16[%scan3A_273, %get3A_653] : memref<2x8192xf32, #tpu.memory_space<vmem>> -> memref<1x8192xf32, #tpu.memory_space<vmem>>
        %get3A_655 = tpu.memref_squeeze %get3A_654 : memref<1x8192xf32, #tpu.memory_space<vmem>> -> memref<8192xf32, #tpu.memory_space<vmem>>
        %get3A_656 = arith.index_cast %add3A_642 : i32 to index
        %get3A_657 = tpu.vector_load %get3A_655[%get3A_656] {strides = array<i32>} : memref<8192xf32, #tpu.memory_space<vmem>>, vector<16xf32>,
        %mul3A_658 = arith.mulf %get3A_647, %get3A_647 : vector<16xf32>
        %add3A_659 = arith.addf %add3A_629, %mul3A_658 : vector<16xf32>
        %mul3A_660 = arith.mulf %get3A_652, %get3A_652 : vector<16xf32>
        %add3A_661 = arith.addf %add3A_631, %mul3A_660 : vector<16xf32>
        %mul3A_662 = arith.mulf %get3A_657, %get3A_657 : vector<16xf32>
        %add3A_663 = arith.addf %add3A_633, %mul3A_662 : vector<16xf32>
        %mul3A_664 = arith.constant 8 : i32
        %mul3A_665 = arith.muli %scan3A_451, %mul3A_664 : i32
        %add3A_666 = arith.constant 7 : i32
        %add3A_667 = arith.addi %mul3A_665, %add3A_666 : i32
        %mul3A_668 = arith.constant 128 : i32
        %mul3A_669 = arith.muli %add3A_667, %mul3A_668 : i32
        %mul3A_670 = arith.constant 16 : i32
        %mul3A_671 = arith.muli %scan3A_321, %mul3A_670 : i32
        %add3A_672 = arith.addi %mul3A_669, %mul3A_671 : i32
        %get3A_673 = arith.constant 0 : i32
        %get3A_674 = tpu.memref_slice %arg14[%scan3A_271, %get3A_673] : memref<2x8192xf32, #tpu.memory_space<vmem>> -> memref<1x8192xf32, #tpu.memory_space<vmem>>
        %get3A_675 = tpu.memref_squeeze %get3A_674 : memref<1x8192xf32, #tpu.memory_space<vmem>> -> memref<8192xf32, #tpu.memory_space<vmem>>
        %get3A_676 = arith.index_cast %add3A_672 : i32 to index
        %get3A_677 = tpu.vector_load %get3A_675[%get3A_676] {strides = array<i32>} : memref<8192xf32, #tpu.memory_space<vmem>>, vector<16xf32>,
        %get3A_678 = arith.constant 0 : i32
        %get3A_679 = tpu.memref_slice %arg15[%scan3A_272, %get3A_678] : memref<2x8192xf32, #tpu.memory_space<vmem>> -> memref<1x8192xf32, #tpu.memory_space<vmem>>
        %get3A_680 = tpu.memref_squeeze %get3A_679 : memref<1x8192xf32, #tpu.memory_space<vmem>> -> memref<8192xf32, #tpu.memory_space<vmem>>
        %get3A_681 = arith.index_cast %add3A_672 : i32 to index
        %get3A_682 = tpu.vector_load %get3A_680[%get3A_681] {strides = array<i32>} : memref<8192xf32, #tpu.memory_space<vmem>>, vector<16xf32>,
        %get3A_683 = arith.constant 0 : i32
        %get3A_684 = tpu.memref_slice %arg16[%scan3A_273, %get3A_683] : memref<2x8192xf32, #tpu.memory_space<vmem>> -> memref<1x8192xf32, #tpu.memory_space<vmem>>
        %get3A_685 = tpu.memref_squeeze %get3A_684 : memref<1x8192xf32, #tpu.memory_space<vmem>> -> memref<8192xf32, #tpu.memory_space<vmem>>
        %get3A_686 = arith.index_cast %add3A_672 : i32 to index
        %get3A_687 = tpu.vector_load %get3A_685[%get3A_686] {strides = array<i32>} : memref<8192xf32, #tpu.memory_space<vmem>>, vector<16xf32>,
        %mul3A_688 = arith.mulf %get3A_677, %get3A_677 : vector<16xf32>
        %add3A_689 = arith.addf %add3A_659, %mul3A_688 : vector<16xf32>
        %mul3A_690 = arith.mulf %get3A_682, %get3A_682 : vector<16xf32>
        %add3A_691 = arith.addf %add3A_661, %mul3A_690 : vector<16xf32>
        %mul3A_692 = arith.mulf %get3A_687, %get3A_687 : vector<16xf32>
        %add3A_693 = arith.addf %add3A_663, %mul3A_692 : vector<16xf32>
        scf.yield %add3A_689, %add3A_693, %add3A_691 : vector<16xf32>, vector<16xf32>, vector<16xf32>
      }
      %scan3A_328 = arith.constant 8 : i32
      %max3A = arith.constant 1.000000e-24 : f32
      %max3A_329 = vector.broadcast %max3A : f32 to vector<16xf32>
      %max3A_330 = arith.maximumf %scan3A_327#0, %max3A_329 : vector<16xf32>
      %bitcast3A = vector.bitcast %max3A_330 : vector<16xf32> to vector<16xi32>
      %shift_right_arithmetic3A = arith.constant 1 : i32
      %shift_right_arithmetic3A_331 = vector.broadcast %shift_right_arithmetic3A : i32 to vector<16xi32>
      %shift_right_arithmetic3A_332 = arith.shrsi %bitcast3A, %shift_right_arithmetic3A_331 : vector<16xi32>
      %sub3A = arith.constant 1597463007 : i32
      %sub3A_333 = vector.broadcast %sub3A : i32 to vector<16xi32>
      %sub3A_334 = arith.subi %sub3A_333, %shift_right_arithmetic3A_332 : vector<16xi32>
      %bitcast3A_335 = vector.bitcast %sub3A_334 : vector<16xi32> to vector<16xf32>
      %mul3A_336 = arith.constant 5.000000e-01 : f32
      %mul3A_337 = vector.broadcast %mul3A_336 : f32 to vector<16xf32>
      %mul3A_338 = arith.mulf %mul3A_337, %max3A_330 : vector<16xf32>
      %mul3A_339 = arith.mulf %mul3A_338, %bitcast3A_335 : vector<16xf32>
      %mul3A_340 = arith.mulf %mul3A_339, %bitcast3A_335 : vector<16xf32>
      %sub3A_341 = arith.constant 1.500000e+00 : f32
      %sub3A_342 = vector.broadcast %sub3A_341 : f32 to vector<16xf32>
      %sub3A_343 = arith.subf %sub3A_342, %mul3A_340 : vector<16xf32>
      %mul3A_344 = arith.mulf %bitcast3A_335, %sub3A_343 : vector<16xf32>
      %mul3A_345 = arith.constant 5.000000e-01 : f32
      %mul3A_346 = vector.broadcast %mul3A_345 : f32 to vector<16xf32>
      %mul3A_347 = arith.mulf %mul3A_346, %max3A_330 : vector<16xf32>
      %mul3A_348 = arith.mulf %mul3A_347, %mul3A_344 : vector<16xf32>
      %mul3A_349 = arith.mulf %mul3A_348, %mul3A_344 : vector<16xf32>
      %sub3A_350 = arith.constant 1.500000e+00 : f32
      %sub3A_351 = vector.broadcast %sub3A_350 : f32 to vector<16xf32>
      %sub3A_352 = arith.subf %sub3A_351, %mul3A_349 : vector<16xf32>
      %mul3A_353 = arith.mulf %mul3A_344, %sub3A_352 : vector<16xf32>
      %mul3A_354 = arith.constant 5.000000e-01 : f32
      %mul3A_355 = vector.broadcast %mul3A_354 : f32 to vector<16xf32>
      %mul3A_356 = arith.mulf %mul3A_355, %max3A_330 : vector<16xf32>
      %mul3A_357 = arith.mulf %mul3A_356, %mul3A_353 : vector<16xf32>
      %mul3A_358 = arith.mulf %mul3A_357, %mul3A_353 : vector<16xf32>
      %sub3A_359 = arith.constant 1.500000e+00 : f32
      %sub3A_360 = vector.broadcast %sub3A_359 : f32 to vector<16xf32>
      %sub3A_361 = arith.subf %sub3A_360, %mul3A_358 : vector<16xf32>
      %mul3A_362 = arith.mulf %mul3A_353, %sub3A_361 : vector<16xf32>
      %max3A_363 = arith.constant 1.000000e-24 : f32
      %max3A_364 = vector.broadcast %max3A_363 : f32 to vector<16xf32>
      %max3A_365 = arith.maximumf %scan3A_327#1, %max3A_364 : vector<16xf32>
      %bitcast3A_366 = vector.bitcast %max3A_365 : vector<16xf32> to vector<16xi32>
      %shift_right_arithmetic3A_367 = arith.constant 1 : i32
      %shift_right_arithmetic3A_368 = vector.broadcast %shift_right_arithmetic3A_367 : i32 to vector<16xi32>
      %shift_right_arithmetic3A_369 = arith.shrsi %bitcast3A_366, %shift_right_arithmetic3A_368 : vector<16xi32>
      %sub3A_370 = arith.constant 1597463007 : i32
      %sub3A_371 = vector.broadcast %sub3A_370 : i32 to vector<16xi32>
      %sub3A_372 = arith.subi %sub3A_371, %shift_right_arithmetic3A_369 : vector<16xi32>
      %bitcast3A_373 = vector.bitcast %sub3A_372 : vector<16xi32> to vector<16xf32>
      %mul3A_374 = arith.constant 5.000000e-01 : f32
      %mul3A_375 = vector.broadcast %mul3A_374 : f32 to vector<16xf32>
      %mul3A_376 = arith.mulf %mul3A_375, %max3A_365 : vector<16xf32>
      %mul3A_377 = arith.mulf %mul3A_376, %bitcast3A_373 : vector<16xf32>
      %mul3A_378 = arith.mulf %mul3A_377, %bitcast3A_373 : vector<16xf32>
      %sub3A_379 = arith.constant 1.500000e+00 : f32
      %sub3A_380 = vector.broadcast %sub3A_379 : f32 to vector<16xf32>
      %sub3A_381 = arith.subf %sub3A_380, %mul3A_378 : vector<16xf32>
      %mul3A_382 = arith.mulf %bitcast3A_373, %sub3A_381 : vector<16xf32>
      %mul3A_383 = arith.constant 5.000000e-01 : f32
      %mul3A_384 = vector.broadcast %mul3A_383 : f32 to vector<16xf32>
      %mul3A_385 = arith.mulf %mul3A_384, %max3A_365 : vector<16xf32>
      %mul3A_386 = arith.mulf %mul3A_385, %mul3A_382 : vector<16xf32>
      %mul3A_387 = arith.mulf %mul3A_386, %mul3A_382 : vector<16xf32>
      %sub3A_388 = arith.constant 1.500000e+00 : f32
      %sub3A_389 = vector.broadcast %sub3A_388 : f32 to vector<16xf32>
      %sub3A_390 = arith.subf %sub3A_389, %mul3A_387 : vector<16xf32>
      %mul3A_391 = arith.mulf %mul3A_382, %sub3A_390 : vector<16xf32>
      %mul3A_392 = arith.constant 5.000000e-01 : f32
      %mul3A_393 = vector.broadcast %mul3A_392 : f32 to vector<16xf32>
      %mul3A_394 = arith.mulf %mul3A_393, %max3A_365 : vector<16xf32>
      %mul3A_395 = arith.mulf %mul3A_394, %mul3A_391 : vector<16xf32>
      %mul3A_396 = arith.mulf %mul3A_395, %mul3A_391 : vector<16xf32>
      %sub3A_397 = arith.constant 1.500000e+00 : f32
      %sub3A_398 = vector.broadcast %sub3A_397 : f32 to vector<16xf32>
      %sub3A_399 = arith.subf %sub3A_398, %mul3A_396 : vector<16xf32>
      %mul3A_400 = arith.mulf %mul3A_391, %sub3A_399 : vector<16xf32>
      %max3A_401 = arith.constant 1.000000e-24 : f32
      %max3A_402 = vector.broadcast %max3A_401 : f32 to vector<16xf32>
      %max3A_403 = arith.maximumf %scan3A_327#2, %max3A_402 : vector<16xf32>
      %bitcast3A_404 = vector.bitcast %max3A_403 : vector<16xf32> to vector<16xi32>
      %shift_right_arithmetic3A_405 = arith.constant 1 : i32
      %shift_right_arithmetic3A_406 = vector.broadcast %shift_right_arithmetic3A_405 : i32 to vector<16xi32>
      %shift_right_arithmetic3A_407 = arith.shrsi %bitcast3A_404, %shift_right_arithmetic3A_406 : vector<16xi32>
      %sub3A_408 = arith.constant 1597463007 : i32
      %sub3A_409 = vector.broadcast %sub3A_408 : i32 to vector<16xi32>
      %sub3A_410 = arith.subi %sub3A_409, %shift_right_arithmetic3A_407 : vector<16xi32>
      %bitcast3A_411 = vector.bitcast %sub3A_410 : vector<16xi32> to vector<16xf32>
      %mul3A_412 = arith.constant 5.000000e-01 : f32
      %mul3A_413 = vector.broadcast %mul3A_412 : f32 to vector<16xf32>
      %mul3A_414 = arith.mulf %mul3A_413, %max3A_403 : vector<16xf32>
      %mul3A_415 = arith.mulf %mul3A_414, %bitcast3A_411 : vector<16xf32>
      %mul3A_416 = arith.mulf %mul3A_415, %bitcast3A_411 : vector<16xf32>
      %sub3A_417 = arith.constant 1.500000e+00 : f32
      %sub3A_418 = vector.broadcast %sub3A_417 : f32 to vector<16xf32>
      %sub3A_419 = arith.subf %sub3A_418, %mul3A_416 : vector<16xf32>
      %mul3A_420 = arith.mulf %bitcast3A_411, %sub3A_419 : vector<16xf32>
      %mul3A_421 = arith.constant 5.000000e-01 : f32
      %mul3A_422 = vector.broadcast %mul3A_421 : f32 to vector<16xf32>
      %mul3A_423 = arith.mulf %mul3A_422, %max3A_403 : vector<16xf32>
      %mul3A_424 = arith.mulf %mul3A_423, %mul3A_420 : vector<16xf32>
      %mul3A_425 = arith.mulf %mul3A_424, %mul3A_420 : vector<16xf32>
      %sub3A_426 = arith.constant 1.500000e+00 : f32
      %sub3A_427 = vector.broadcast %sub3A_426 : f32 to vector<16xf32>
      %sub3A_428 = arith.subf %sub3A_427, %mul3A_425 : vector<16xf32>
      %mul3A_429 = arith.mulf %mul3A_420, %sub3A_428 : vector<16xf32>
      %mul3A_430 = arith.constant 5.000000e-01 : f32
      %mul3A_431 = vector.broadcast %mul3A_430 : f32 to vector<16xf32>
      %mul3A_432 = arith.mulf %mul3A_431, %max3A_403 : vector<16xf32>
      %mul3A_433 = arith.mulf %mul3A_432, %mul3A_429 : vector<16xf32>
      %mul3A_434 = arith.mulf %mul3A_433, %mul3A_429 : vector<16xf32>
      %sub3A_435 = arith.constant 1.500000e+00 : f32
      %sub3A_436 = vector.broadcast %sub3A_435 : f32 to vector<16xf32>
      %sub3A_437 = arith.subf %sub3A_436, %mul3A_434 : vector<16xf32>
      %mul3A_438 = arith.mulf %mul3A_429, %sub3A_437 : vector<16xf32>
      %scan3A_439 = arith.constant 0 : i32
      %scan3A_440 = arith.constant 8 : i32
      %scan3A_441 = arith.addi %scan3A_439, %scan3A_440 : i32
      %scan3A_442 = arith.constant 1 : i32
      %scan3A_443 = scf.for %scan3A_451 = %scan3A_439 to %scan3A_441 step %scan3A_442 iter_args(%scan3A_452 = %broadcast_in_dim3A_13) -> (vector<16xf32>)  : i32 {
        %mul3A_453 = arith.constant 8 : i32
        %mul3A_454 = arith.muli %scan3A_451, %mul3A_453 : i32
        %add3A_455 = arith.constant 0 : i32
        %add3A_456 = arith.addi %mul3A_454, %add3A_455 : i32
        %mul3A_457 = arith.constant 128 : i32
        %mul3A_458 = arith.muli %add3A_456, %mul3A_457 : i32
        %mul3A_459 = arith.constant 16 : i32
        %mul3A_460 = arith.muli %scan3A_321, %mul3A_459 : i32
        %add3A_461 = arith.addi %mul3A_458, %mul3A_460 : i32
        %get3A = arith.constant 0 : i32
        %get3A_462 = tpu.memref_slice %arg14[%scan3A_271, %get3A] : memref<2x8192xf32, #tpu.memory_space<vmem>> -> memref<1x8192xf32, #tpu.memory_space<vmem>>
        %get3A_463 = tpu.memref_squeeze %get3A_462 : memref<1x8192xf32, #tpu.memory_space<vmem>> -> memref<8192xf32, #tpu.memory_space<vmem>>
        %get3A_464 = arith.index_cast %add3A_461 : i32 to index
        %get3A_465 = tpu.vector_load %get3A_463[%get3A_464] {strides = array<i32>} : memref<8192xf32, #tpu.memory_space<vmem>>, vector<16xf32>,
        %get3A_466 = arith.constant 0 : i32
        %get3A_467 = tpu.memref_slice %arg15[%scan3A_272, %get3A_466] : memref<2x8192xf32, #tpu.memory_space<vmem>> -> memref<1x8192xf32, #tpu.memory_space<vmem>>
        %get3A_468 = tpu.memref_squeeze %get3A_467 : memref<1x8192xf32, #tpu.memory_space<vmem>> -> memref<8192xf32, #tpu.memory_space<vmem>>
        %get3A_469 = arith.index_cast %add3A_461 : i32 to index
        %get3A_470 = tpu.vector_load %get3A_468[%get3A_469] {strides = array<i32>} : memref<8192xf32, #tpu.memory_space<vmem>>, vector<16xf32>,
        %get3A_471 = arith.constant 0 : i32
        %get3A_472 = tpu.memref_slice %arg16[%scan3A_273, %get3A_471] : memref<2x8192xf32, #tpu.memory_space<vmem>> -> memref<1x8192xf32, #tpu.memory_space<vmem>>
        %get3A_473 = tpu.memref_squeeze %get3A_472 : memref<1x8192xf32, #tpu.memory_space<vmem>> -> memref<8192xf32, #tpu.memory_space<vmem>>
        %get3A_474 = arith.index_cast %add3A_461 : i32 to index
        %get3A_475 = tpu.vector_load %get3A_473[%get3A_474] {strides = array<i32>} : memref<8192xf32, #tpu.memory_space<vmem>>, vector<16xf32>,
        %mul3A_476 = arith.mulf %get3A_465, %mul3A_362 : vector<16xf32>
        %mul3A_477 = arith.mulf %get3A_475, %mul3A_400 : vector<16xf32>
        %add3A_478 = arith.addf %mul3A_476, %mul3A_477 : vector<16xf32>
        %mul3A_479 = arith.mulf %get3A_470, %mul3A_438 : vector<16xf32>
        %sub3A_480 = arith.subf %add3A_478, %mul3A_479 : vector<16xf32>
        %abs3A = math.absf %sub3A_480 : vector<16xf32>
        %add3A_481 = arith.addf %scan3A_452, %abs3A : vector<16xf32>
        %mul3A_482 = arith.constant 8 : i32
        %mul3A_483 = arith.muli %scan3A_451, %mul3A_482 : i32
        %add3A_484 = arith.constant 1 : i32
        %add3A_485 = arith.addi %mul3A_483, %add3A_484 : i32
        %mul3A_486 = arith.constant 128 : i32
        %mul3A_487 = arith.muli %add3A_485, %mul3A_486 : i32
        %mul3A_488 = arith.constant 16 : i32
        %mul3A_489 = arith.muli %scan3A_321, %mul3A_488 : i32
        %add3A_490 = arith.addi %mul3A_487, %mul3A_489 : i32
        %get3A_491 = arith.constant 0 : i32
        %get3A_492 = tpu.memref_slice %arg14[%scan3A_271, %get3A_491] : memref<2x8192xf32, #tpu.memory_space<vmem>> -> memref<1x8192xf32, #tpu.memory_space<vmem>>
        %get3A_493 = tpu.memref_squeeze %get3A_492 : memref<1x8192xf32, #tpu.memory_space<vmem>> -> memref<8192xf32, #tpu.memory_space<vmem>>
        %get3A_494 = arith.index_cast %add3A_490 : i32 to index
        %get3A_495 = tpu.vector_load %get3A_493[%get3A_494] {strides = array<i32>} : memref<8192xf32, #tpu.memory_space<vmem>>, vector<16xf32>,
        %get3A_496 = arith.constant 0 : i32
        %get3A_497 = tpu.memref_slice %arg15[%scan3A_272, %get3A_496] : memref<2x8192xf32, #tpu.memory_space<vmem>> -> memref<1x8192xf32, #tpu.memory_space<vmem>>
        %get3A_498 = tpu.memref_squeeze %get3A_497 : memref<1x8192xf32, #tpu.memory_space<vmem>> -> memref<8192xf32, #tpu.memory_space<vmem>>
        %get3A_499 = arith.index_cast %add3A_490 : i32 to index
        %get3A_500 = tpu.vector_load %get3A_498[%get3A_499] {strides = array<i32>} : memref<8192xf32, #tpu.memory_space<vmem>>, vector<16xf32>,
        %get3A_501 = arith.constant 0 : i32
        %get3A_502 = tpu.memref_slice %arg16[%scan3A_273, %get3A_501] : memref<2x8192xf32, #tpu.memory_space<vmem>> -> memref<1x8192xf32, #tpu.memory_space<vmem>>
        %get3A_503 = tpu.memref_squeeze %get3A_502 : memref<1x8192xf32, #tpu.memory_space<vmem>> -> memref<8192xf32, #tpu.memory_space<vmem>>
        %get3A_504 = arith.index_cast %add3A_490 : i32 to index
        %get3A_505 = tpu.vector_load %get3A_503[%get3A_504] {strides = array<i32>} : memref<8192xf32, #tpu.memory_space<vmem>>, vector<16xf32>,
        %mul3A_506 = arith.mulf %get3A_495, %mul3A_362 : vector<16xf32>
        %mul3A_507 = arith.mulf %get3A_505, %mul3A_400 : vector<16xf32>
        %add3A_508 = arith.addf %mul3A_506, %mul3A_507 : vector<16xf32>
        %mul3A_509 = arith.mulf %get3A_500, %mul3A_438 : vector<16xf32>
        %sub3A_510 = arith.subf %add3A_508, %mul3A_509 : vector<16xf32>
        %abs3A_511 = math.absf %sub3A_510 : vector<16xf32>
        %add3A_512 = arith.addf %add3A_481, %abs3A_511 : vector<16xf32>
        %mul3A_513 = arith.constant 8 : i32
        %mul3A_514 = arith.muli %scan3A_451, %mul3A_513 : i32
        %add3A_515 = arith.constant 2 : i32
        %add3A_516 = arith.addi %mul3A_514, %add3A_515 : i32
        %mul3A_517 = arith.constant 128 : i32
        %mul3A_518 = arith.muli %add3A_516, %mul3A_517 : i32
        %mul3A_519 = arith.constant 16 : i32
        %mul3A_520 = arith.muli %scan3A_321, %mul3A_519 : i32
        %add3A_521 = arith.addi %mul3A_518, %mul3A_520 : i32
        %get3A_522 = arith.constant 0 : i32
        %get3A_523 = tpu.memref_slice %arg14[%scan3A_271, %get3A_522] : memref<2x8192xf32, #tpu.memory_space<vmem>> -> memref<1x8192xf32, #tpu.memory_space<vmem>>
        %get3A_524 = tpu.memref_squeeze %get3A_523 : memref<1x8192xf32, #tpu.memory_space<vmem>> -> memref<8192xf32, #tpu.memory_space<vmem>>
        %get3A_525 = arith.index_cast %add3A_521 : i32 to index
        %get3A_526 = tpu.vector_load %get3A_524[%get3A_525] {strides = array<i32>} : memref<8192xf32, #tpu.memory_space<vmem>>, vector<16xf32>,
        %get3A_527 = arith.constant 0 : i32
        %get3A_528 = tpu.memref_slice %arg15[%scan3A_272, %get3A_527] : memref<2x8192xf32, #tpu.memory_space<vmem>> -> memref<1x8192xf32, #tpu.memory_space<vmem>>
        %get3A_529 = tpu.memref_squeeze %get3A_528 : memref<1x8192xf32, #tpu.memory_space<vmem>> -> memref<8192xf32, #tpu.memory_space<vmem>>
        %get3A_530 = arith.index_cast %add3A_521 : i32 to index
        %get3A_531 = tpu.vector_load %get3A_529[%get3A_530] {strides = array<i32>} : memref<8192xf32, #tpu.memory_space<vmem>>, vector<16xf32>,
        %get3A_532 = arith.constant 0 : i32
        %get3A_533 = tpu.memref_slice %arg16[%scan3A_273, %get3A_532] : memref<2x8192xf32, #tpu.memory_space<vmem>> -> memref<1x8192xf32, #tpu.memory_space<vmem>>
        %get3A_534 = tpu.memref_squeeze %get3A_533 : memref<1x8192xf32, #tpu.memory_space<vmem>> -> memref<8192xf32, #tpu.memory_space<vmem>>
        %get3A_535 = arith.index_cast %add3A_521 : i32 to index
        %get3A_536 = tpu.vector_load %get3A_534[%get3A_535] {strides = array<i32>} : memref<8192xf32, #tpu.memory_space<vmem>>, vector<16xf32>,
        %mul3A_537 = arith.mulf %get3A_526, %mul3A_362 : vector<16xf32>
        %mul3A_538 = arith.mulf %get3A_536, %mul3A_400 : vector<16xf32>
        %add3A_539 = arith.addf %mul3A_537, %mul3A_538 : vector<16xf32>
        %mul3A_540 = arith.mulf %get3A_531, %mul3A_438 : vector<16xf32>
        %sub3A_541 = arith.subf %add3A_539, %mul3A_540 : vector<16xf32>
        %abs3A_542 = math.absf %sub3A_541 : vector<16xf32>
        %add3A_543 = arith.addf %add3A_512, %abs3A_542 : vector<16xf32>
        %mul3A_544 = arith.constant 8 : i32
        %mul3A_545 = arith.muli %scan3A_451, %mul3A_544 : i32
        %add3A_546 = arith.constant 3 : i32
        %add3A_547 = arith.addi %mul3A_545, %add3A_546 : i32
        %mul3A_548 = arith.constant 128 : i32
        %mul3A_549 = arith.muli %add3A_547, %mul3A_548 : i32
        %mul3A_550 = arith.constant 16 : i32
        %mul3A_551 = arith.muli %scan3A_321, %mul3A_550 : i32
        %add3A_552 = arith.addi %mul3A_549, %mul3A_551 : i32
        %get3A_553 = arith.constant 0 : i32
        %get3A_554 = tpu.memref_slice %arg14[%scan3A_271, %get3A_553] : memref<2x8192xf32, #tpu.memory_space<vmem>> -> memref<1x8192xf32, #tpu.memory_space<vmem>>
        %get3A_555 = tpu.memref_squeeze %get3A_554 : memref<1x8192xf32, #tpu.memory_space<vmem>> -> memref<8192xf32, #tpu.memory_space<vmem>>
        %get3A_556 = arith.index_cast %add3A_552 : i32 to index
        %get3A_557 = tpu.vector_load %get3A_555[%get3A_556] {strides = array<i32>} : memref<8192xf32, #tpu.memory_space<vmem>>, vector<16xf32>,
        %get3A_558 = arith.constant 0 : i32
        %get3A_559 = tpu.memref_slice %arg15[%scan3A_272, %get3A_558] : memref<2x8192xf32, #tpu.memory_space<vmem>> -> memref<1x8192xf32, #tpu.memory_space<vmem>>
        %get3A_560 = tpu.memref_squeeze %get3A_559 : memref<1x8192xf32, #tpu.memory_space<vmem>> -> memref<8192xf32, #tpu.memory_space<vmem>>
        %get3A_561 = arith.index_cast %add3A_552 : i32 to index
        %get3A_562 = tpu.vector_load %get3A_560[%get3A_561] {strides = array<i32>} : memref<8192xf32, #tpu.memory_space<vmem>>, vector<16xf32>,
        %get3A_563 = arith.constant 0 : i32
        %get3A_564 = tpu.memref_slice %arg16[%scan3A_273, %get3A_563] : memref<2x8192xf32, #tpu.memory_space<vmem>> -> memref<1x8192xf32, #tpu.memory_space<vmem>>
        %get3A_565 = tpu.memref_squeeze %get3A_564 : memref<1x8192xf32, #tpu.memory_space<vmem>> -> memref<8192xf32, #tpu.memory_space<vmem>>
        %get3A_566 = arith.index_cast %add3A_552 : i32 to index
        %get3A_567 = tpu.vector_load %get3A_565[%get3A_566] {strides = array<i32>} : memref<8192xf32, #tpu.memory_space<vmem>>, vector<16xf32>,
        %mul3A_568 = arith.mulf %get3A_557, %mul3A_362 : vector<16xf32>
        %mul3A_569 = arith.mulf %get3A_567, %mul3A_400 : vector<16xf32>
        %add3A_570 = arith.addf %mul3A_568, %mul3A_569 : vector<16xf32>
        %mul3A_571 = arith.mulf %get3A_562, %mul3A_438 : vector<16xf32>
        %sub3A_572 = arith.subf %add3A_570, %mul3A_571 : vector<16xf32>
        %abs3A_573 = math.absf %sub3A_572 : vector<16xf32>
        %add3A_574 = arith.addf %add3A_543, %abs3A_573 : vector<16xf32>
        %mul3A_575 = arith.constant 8 : i32
        %mul3A_576 = arith.muli %scan3A_451, %mul3A_575 : i32
        %add3A_577 = arith.constant 4 : i32
        %add3A_578 = arith.addi %mul3A_576, %add3A_577 : i32
        %mul3A_579 = arith.constant 128 : i32
        %mul3A_580 = arith.muli %add3A_578, %mul3A_579 : i32
        %mul3A_581 = arith.constant 16 : i32
        %mul3A_582 = arith.muli %scan3A_321, %mul3A_581 : i32
        %add3A_583 = arith.addi %mul3A_580, %mul3A_582 : i32
        %get3A_584 = arith.constant 0 : i32
        %get3A_585 = tpu.memref_slice %arg14[%scan3A_271, %get3A_584] : memref<2x8192xf32, #tpu.memory_space<vmem>> -> memref<1x8192xf32, #tpu.memory_space<vmem>>
        %get3A_586 = tpu.memref_squeeze %get3A_585 : memref<1x8192xf32, #tpu.memory_space<vmem>> -> memref<8192xf32, #tpu.memory_space<vmem>>
        %get3A_587 = arith.index_cast %add3A_583 : i32 to index
        %get3A_588 = tpu.vector_load %get3A_586[%get3A_587] {strides = array<i32>} : memref<8192xf32, #tpu.memory_space<vmem>>, vector<16xf32>,
        %get3A_589 = arith.constant 0 : i32
        %get3A_590 = tpu.memref_slice %arg15[%scan3A_272, %get3A_589] : memref<2x8192xf32, #tpu.memory_space<vmem>> -> memref<1x8192xf32, #tpu.memory_space<vmem>>
        %get3A_591 = tpu.memref_squeeze %get3A_590 : memref<1x8192xf32, #tpu.memory_space<vmem>> -> memref<8192xf32, #tpu.memory_space<vmem>>
        %get3A_592 = arith.index_cast %add3A_583 : i32 to index
        %get3A_593 = tpu.vector_load %get3A_591[%get3A_592] {strides = array<i32>} : memref<8192xf32, #tpu.memory_space<vmem>>, vector<16xf32>,
        %get3A_594 = arith.constant 0 : i32
        %get3A_595 = tpu.memref_slice %arg16[%scan3A_273, %get3A_594] : memref<2x8192xf32, #tpu.memory_space<vmem>> -> memref<1x8192xf32, #tpu.memory_space<vmem>>
        %get3A_596 = tpu.memref_squeeze %get3A_595 : memref<1x8192xf32, #tpu.memory_space<vmem>> -> memref<8192xf32, #tpu.memory_space<vmem>>
        %get3A_597 = arith.index_cast %add3A_583 : i32 to index
        %get3A_598 = tpu.vector_load %get3A_596[%get3A_597] {strides = array<i32>} : memref<8192xf32, #tpu.memory_space<vmem>>, vector<16xf32>,
        %mul3A_599 = arith.mulf %get3A_588, %mul3A_362 : vector<16xf32>
        %mul3A_600 = arith.mulf %get3A_598, %mul3A_400 : vector<16xf32>
        %add3A_601 = arith.addf %mul3A_599, %mul3A_600 : vector<16xf32>
        %mul3A_602 = arith.mulf %get3A_593, %mul3A_438 : vector<16xf32>
        %sub3A_603 = arith.subf %add3A_601, %mul3A_602 : vector<16xf32>
        %abs3A_604 = math.absf %sub3A_603 : vector<16xf32>
        %add3A_605 = arith.addf %add3A_574, %abs3A_604 : vector<16xf32>
        %mul3A_606 = arith.constant 8 : i32
        %mul3A_607 = arith.muli %scan3A_451, %mul3A_606 : i32
        %add3A_608 = arith.constant 5 : i32
        %add3A_609 = arith.addi %mul3A_607, %add3A_608 : i32
        %mul3A_610 = arith.constant 128 : i32
        %mul3A_611 = arith.muli %add3A_609, %mul3A_610 : i32
        %mul3A_612 = arith.constant 16 : i32
        %mul3A_613 = arith.muli %scan3A_321, %mul3A_612 : i32
        %add3A_614 = arith.addi %mul3A_611, %mul3A_613 : i32
        %get3A_615 = arith.constant 0 : i32
        %get3A_616 = tpu.memref_slice %arg14[%scan3A_271, %get3A_615] : memref<2x8192xf32, #tpu.memory_space<vmem>> -> memref<1x8192xf32, #tpu.memory_space<vmem>>
        %get3A_617 = tpu.memref_squeeze %get3A_616 : memref<1x8192xf32, #tpu.memory_space<vmem>> -> memref<8192xf32, #tpu.memory_space<vmem>>
        %get3A_618 = arith.index_cast %add3A_614 : i32 to index
        %get3A_619 = tpu.vector_load %get3A_617[%get3A_618] {strides = array<i32>} : memref<8192xf32, #tpu.memory_space<vmem>>, vector<16xf32>,
        %get3A_620 = arith.constant 0 : i32
        %get3A_621 = tpu.memref_slice %arg15[%scan3A_272, %get3A_620] : memref<2x8192xf32, #tpu.memory_space<vmem>> -> memref<1x8192xf32, #tpu.memory_space<vmem>>
        %get3A_622 = tpu.memref_squeeze %get3A_621 : memref<1x8192xf32, #tpu.memory_space<vmem>> -> memref<8192xf32, #tpu.memory_space<vmem>>
        %get3A_623 = arith.index_cast %add3A_614 : i32 to index
        %get3A_624 = tpu.vector_load %get3A_622[%get3A_623] {strides = array<i32>} : memref<8192xf32, #tpu.memory_space<vmem>>, vector<16xf32>,
        %get3A_625 = arith.constant 0 : i32
        %get3A_626 = tpu.memref_slice %arg16[%scan3A_273, %get3A_625] : memref<2x8192xf32, #tpu.memory_space<vmem>> -> memref<1x8192xf32, #tpu.memory_space<vmem>>
        %get3A_627 = tpu.memref_squeeze %get3A_626 : memref<1x8192xf32, #tpu.memory_space<vmem>> -> memref<8192xf32, #tpu.memory_space<vmem>>
        %get3A_628 = arith.index_cast %add3A_614 : i32 to index
        %get3A_629 = tpu.vector_load %get3A_627[%get3A_628] {strides = array<i32>} : memref<8192xf32, #tpu.memory_space<vmem>>, vector<16xf32>,
        %mul3A_630 = arith.mulf %get3A_619, %mul3A_362 : vector<16xf32>
        %mul3A_631 = arith.mulf %get3A_629, %mul3A_400 : vector<16xf32>
        %add3A_632 = arith.addf %mul3A_630, %mul3A_631 : vector<16xf32>
        %mul3A_633 = arith.mulf %get3A_624, %mul3A_438 : vector<16xf32>
        %sub3A_634 = arith.subf %add3A_632, %mul3A_633 : vector<16xf32>
        %abs3A_635 = math.absf %sub3A_634 : vector<16xf32>
        %add3A_636 = arith.addf %add3A_605, %abs3A_635 : vector<16xf32>
        %mul3A_637 = arith.constant 8 : i32
        %mul3A_638 = arith.muli %scan3A_451, %mul3A_637 : i32
        %add3A_639 = arith.constant 6 : i32
        %add3A_640 = arith.addi %mul3A_638, %add3A_639 : i32
        %mul3A_641 = arith.constant 128 : i32
        %mul3A_642 = arith.muli %add3A_640, %mul3A_641 : i32
        %mul3A_643 = arith.constant 16 : i32
        %mul3A_644 = arith.muli %scan3A_321, %mul3A_643 : i32
        %add3A_645 = arith.addi %mul3A_642, %mul3A_644 : i32
        %get3A_646 = arith.constant 0 : i32
        %get3A_647 = tpu.memref_slice %arg14[%scan3A_271, %get3A_646] : memref<2x8192xf32, #tpu.memory_space<vmem>> -> memref<1x8192xf32, #tpu.memory_space<vmem>>
        %get3A_648 = tpu.memref_squeeze %get3A_647 : memref<1x8192xf32, #tpu.memory_space<vmem>> -> memref<8192xf32, #tpu.memory_space<vmem>>
        %get3A_649 = arith.index_cast %add3A_645 : i32 to index
        %get3A_650 = tpu.vector_load %get3A_648[%get3A_649] {strides = array<i32>} : memref<8192xf32, #tpu.memory_space<vmem>>, vector<16xf32>,
        %get3A_651 = arith.constant 0 : i32
        %get3A_652 = tpu.memref_slice %arg15[%scan3A_272, %get3A_651] : memref<2x8192xf32, #tpu.memory_space<vmem>> -> memref<1x8192xf32, #tpu.memory_space<vmem>>
        %get3A_653 = tpu.memref_squeeze %get3A_652 : memref<1x8192xf32, #tpu.memory_space<vmem>> -> memref<8192xf32, #tpu.memory_space<vmem>>
        %get3A_654 = arith.index_cast %add3A_645 : i32 to index
        %get3A_655 = tpu.vector_load %get3A_653[%get3A_654] {strides = array<i32>} : memref<8192xf32, #tpu.memory_space<vmem>>, vector<16xf32>,
        %get3A_656 = arith.constant 0 : i32
        %get3A_657 = tpu.memref_slice %arg16[%scan3A_273, %get3A_656] : memref<2x8192xf32, #tpu.memory_space<vmem>> -> memref<1x8192xf32, #tpu.memory_space<vmem>>
        %get3A_658 = tpu.memref_squeeze %get3A_657 : memref<1x8192xf32, #tpu.memory_space<vmem>> -> memref<8192xf32, #tpu.memory_space<vmem>>
        %get3A_659 = arith.index_cast %add3A_645 : i32 to index
        %get3A_660 = tpu.vector_load %get3A_658[%get3A_659] {strides = array<i32>} : memref<8192xf32, #tpu.memory_space<vmem>>, vector<16xf32>,
        %mul3A_661 = arith.mulf %get3A_650, %mul3A_362 : vector<16xf32>
        %mul3A_662 = arith.mulf %get3A_660, %mul3A_400 : vector<16xf32>
        %add3A_663 = arith.addf %mul3A_661, %mul3A_662 : vector<16xf32>
        %mul3A_664 = arith.mulf %get3A_655, %mul3A_438 : vector<16xf32>
        %sub3A_665 = arith.subf %add3A_663, %mul3A_664 : vector<16xf32>
        %abs3A_666 = math.absf %sub3A_665 : vector<16xf32>
        %add3A_667 = arith.addf %add3A_636, %abs3A_666 : vector<16xf32>
        %mul3A_668 = arith.constant 8 : i32
        %mul3A_669 = arith.muli %scan3A_451, %mul3A_668 : i32
        %add3A_670 = arith.constant 7 : i32
        %add3A_671 = arith.addi %mul3A_669, %add3A_670 : i32
        %mul3A_672 = arith.constant 128 : i32
        %mul3A_673 = arith.muli %add3A_671, %mul3A_672 : i32
        %mul3A_674 = arith.constant 16 : i32
        %mul3A_675 = arith.muli %scan3A_321, %mul3A_674 : i32
        %add3A_676 = arith.addi %mul3A_673, %mul3A_675 : i32
        %get3A_677 = arith.constant 0 : i32
        %get3A_678 = tpu.memref_slice %arg14[%scan3A_271, %get3A_677] : memref<2x8192xf32, #tpu.memory_space<vmem>> -> memref<1x8192xf32, #tpu.memory_space<vmem>>
        %get3A_679 = tpu.memref_squeeze %get3A_678 : memref<1x8192xf32, #tpu.memory_space<vmem>> -> memref<8192xf32, #tpu.memory_space<vmem>>
        %get3A_680 = arith.index_cast %add3A_676 : i32 to index
        %get3A_681 = tpu.vector_load %get3A_679[%get3A_680] {strides = array<i32>} : memref<8192xf32, #tpu.memory_space<vmem>>, vector<16xf32>,
        %get3A_682 = arith.constant 0 : i32
        %get3A_683 = tpu.memref_slice %arg15[%scan3A_272, %get3A_682] : memref<2x8192xf32, #tpu.memory_space<vmem>> -> memref<1x8192xf32, #tpu.memory_space<vmem>>
        %get3A_684 = tpu.memref_squeeze %get3A_683 : memref<1x8192xf32, #tpu.memory_space<vmem>> -> memref<8192xf32, #tpu.memory_space<vmem>>
        %get3A_685 = arith.index_cast %add3A_676 : i32 to index
        %get3A_686 = tpu.vector_load %get3A_684[%get3A_685] {strides = array<i32>} : memref<8192xf32, #tpu.memory_space<vmem>>, vector<16xf32>,
        %get3A_687 = arith.constant 0 : i32
        %get3A_688 = tpu.memref_slice %arg16[%scan3A_273, %get3A_687] : memref<2x8192xf32, #tpu.memory_space<vmem>> -> memref<1x8192xf32, #tpu.memory_space<vmem>>
        %get3A_689 = tpu.memref_squeeze %get3A_688 : memref<1x8192xf32, #tpu.memory_space<vmem>> -> memref<8192xf32, #tpu.memory_space<vmem>>
        %get3A_690 = arith.index_cast %add3A_676 : i32 to index
        %get3A_691 = tpu.vector_load %get3A_689[%get3A_690] {strides = array<i32>} : memref<8192xf32, #tpu.memory_space<vmem>>, vector<16xf32>,
        %mul3A_692 = arith.mulf %get3A_681, %mul3A_362 : vector<16xf32>
        %mul3A_693 = arith.mulf %get3A_691, %mul3A_400 : vector<16xf32>
        %add3A_694 = arith.addf %mul3A_692, %mul3A_693 : vector<16xf32>
        %mul3A_695 = arith.mulf %get3A_686, %mul3A_438 : vector<16xf32>
        %sub3A_696 = arith.subf %add3A_694, %mul3A_695 : vector<16xf32>
        %abs3A_697 = math.absf %sub3A_696 : vector<16xf32>
        %add3A_698 = arith.addf %add3A_667, %abs3A_697 : vector<16xf32>
        scf.yield %add3A_698 : vector<16xf32>
      }
      %scan3A_444 = arith.constant 8 : i32
      %mul3A_445 = arith.constant 16 : i32
      %mul3A_446 = arith.muli %scan3A_321, %mul3A_445 : i32
      %add3A_447 = arith.constant 256 : i32
      %add3A_448 = arith.addi %add3A_447, %mul3A_446 : i32
      %swap3A = arith.index_cast %add3A_448 : i32 to index
      %swap3A_449 = tpu.vector_load %arg17[%swap3A] {strides = array<i32>} : memref<512xf32, #tpu.memory_space<vmem>>, vector<16xf32>,
      tpu.vector_store %arg17[%swap3A], %scan3A_443 {strides = array<i32>} : memref<512xf32, #tpu.memory_space<vmem>>, vector<16xf32>,
      %scan3A_450 = arith.constant 0 : i32
      scf.yield %scan3A_450 : i32
    }
    %scan3A_280 = arith.constant 8 : i32
    %dma_wait3A_281 = arith.constant 1 : i32
    %dma_wait3A_282 = arith.constant 1 : i32
    %dma_wait3A_283 = arith.constant 0 : i32
    %dma_wait3A_284 = tpu.memref_slice %arg14[%dma_wait3A_282, %dma_wait3A_283] : memref<2x8192xf32, #tpu.memory_space<vmem>> -> memref<1x8192xf32, #tpu.memory_space<vmem>>
    %dma_wait3A_285 = tpu.memref_squeeze %dma_wait3A_284 : memref<1x8192xf32, #tpu.memory_space<vmem>> -> memref<8192xf32, #tpu.memory_space<vmem>>
    %dma_wait3A_286 = arith.constant 0 : i32
    %dma_wait3A_287 = tpu.memref_slice %arg11[%dma_wait3A_281, %dma_wait3A_286] : memref<2x8192xi32, #tpu.memory_space<vmem>> -> memref<1x8192xi32, #tpu.memory_space<vmem>>
    %dma_wait3A_288 = tpu.memref_squeeze %dma_wait3A_287 : memref<1x8192xi32, #tpu.memory_space<vmem>> -> memref<8192xi32, #tpu.memory_space<vmem>>
    %dma_wait3A_289 = arith.constant 0 : i32
    %dma_wait3A_290 = tpu.memref_slice %arg5[%dma_wait3A_289] : memref<64000000xf32, #tpu.memory_space<hbm>> -> memref<64000000xf32, #tpu.memory_space<hbm>>
    tpu.wait_indirect_dma semaphore(%arg20 : memref<!tpu.dma_semaphore, #tpu.memory_space<semaphore_mem>>) src(%dma_wait3A_290 : memref<64000000xf32, #tpu.memory_space<hbm>>) dst(%dma_wait3A_285 : memref<8192xf32, #tpu.memory_space<vmem>>)
    %dma_wait3A_291 = arith.constant 1 : i32
    %dma_wait3A_292 = arith.constant 1 : i32
    %dma_wait3A_293 = arith.constant 0 : i32
    %dma_wait3A_294 = tpu.memref_slice %arg15[%dma_wait3A_292, %dma_wait3A_293] : memref<2x8192xf32, #tpu.memory_space<vmem>> -> memref<1x8192xf32, #tpu.memory_space<vmem>>
    %dma_wait3A_295 = tpu.memref_squeeze %dma_wait3A_294 : memref<1x8192xf32, #tpu.memory_space<vmem>> -> memref<8192xf32, #tpu.memory_space<vmem>>
    %dma_wait3A_296 = arith.constant 0 : i32
    %dma_wait3A_297 = tpu.memref_slice %arg12[%dma_wait3A_291, %dma_wait3A_296] : memref<2x8192xi32, #tpu.memory_space<vmem>> -> memref<1x8192xi32, #tpu.memory_space<vmem>>
    %dma_wait3A_298 = tpu.memref_squeeze %dma_wait3A_297 : memref<1x8192xi32, #tpu.memory_space<vmem>> -> memref<8192xi32, #tpu.memory_space<vmem>>
    %dma_wait3A_299 = arith.constant 0 : i32
    %dma_wait3A_300 = tpu.memref_slice %arg5[%dma_wait3A_299] : memref<64000000xf32, #tpu.memory_space<hbm>> -> memref<64000000xf32, #tpu.memory_space<hbm>>
    tpu.wait_indirect_dma semaphore(%arg20 : memref<!tpu.dma_semaphore, #tpu.memory_space<semaphore_mem>>) src(%dma_wait3A_300 : memref<64000000xf32, #tpu.memory_space<hbm>>) dst(%dma_wait3A_295 : memref<8192xf32, #tpu.memory_space<vmem>>)
    %dma_wait3A_301 = arith.constant 1 : i32
    %dma_wait3A_302 = arith.constant 1 : i32
    %dma_wait3A_303 = arith.constant 0 : i32
    %dma_wait3A_304 = tpu.memref_slice %arg16[%dma_wait3A_302, %dma_wait3A_303] : memref<2x8192xf32, #tpu.memory_space<vmem>> -> memref<1x8192xf32, #tpu.memory_space<vmem>>
    %dma_wait3A_305 = tpu.memref_squeeze %dma_wait3A_304 : memref<1x8192xf32, #tpu.memory_space<vmem>> -> memref<8192xf32, #tpu.memory_space<vmem>>
    %dma_wait3A_306 = arith.constant 0 : i32
    %dma_wait3A_307 = tpu.memref_slice %arg13[%dma_wait3A_301, %dma_wait3A_306] : memref<2x8192xi32, #tpu.memory_space<vmem>> -> memref<1x8192xi32, #tpu.memory_space<vmem>>
    %dma_wait3A_308 = tpu.memref_squeeze %dma_wait3A_307 : memref<1x8192xi32, #tpu.memory_space<vmem>> -> memref<8192xi32, #tpu.memory_space<vmem>>
    %dma_wait3A_309 = arith.constant 0 : i32
    %dma_wait3A_310 = tpu.memref_slice %arg6[%dma_wait3A_309] : memref<64000xf32, #tpu.memory_space<hbm>> -> memref<64000xf32, #tpu.memory_space<hbm>>
    tpu.wait_indirect_dma semaphore(%arg20 : memref<!tpu.dma_semaphore, #tpu.memory_space<semaphore_mem>>) src(%dma_wait3A_310 : memref<64000xf32, #tpu.memory_space<hbm>>) dst(%dma_wait3A_305 : memref<8192xf32, #tpu.memory_space<vmem>>)
    %scan3A_311 = arith.constant 1 : i32
    %scan3A_312 = arith.constant 1 : i32
    %scan3A_313 = arith.constant 1 : i32
    %scan3A_314 = arith.constant 0 : i32
    %scan3A_315 = arith.constant 0 : i32
    %scan3A_316 = arith.constant 8 : i32
    %scan3A_317 = arith.addi %scan3A_315, %scan3A_316 : i32
    %scan3A_318 = arith.constant 1 : i32
    %scan3A_319 = scf.for %scan3A_321 = %scan3A_315 to %scan3A_317 step %scan3A_318 iter_args(%scan3A_322 = %scan3A_314) -> (i32)  : i32 {
      %scan3A_323 = arith.constant 0 : i32
      %scan3A_324 = arith.constant 8 : i32
      %scan3A_325 = arith.addi %scan3A_323, %scan3A_324 : i32
      %scan3A_326 = arith.constant 1 : i32
      %scan3A_327:3 = scf.for %scan3A_451 = %scan3A_323 to %scan3A_325 step %scan3A_326 iter_args(%scan3A_452 = %broadcast_in_dim3A_13, %scan3A_453 = %broadcast_in_dim3A_13, %scan3A_454 = %broadcast_in_dim3A_13) -> (vector<16xf32>, vector<16xf32>, vector<16xf32>)  : i32 {
        %mul3A_455 = arith.constant 8 : i32
        %mul3A_456 = arith.muli %scan3A_451, %mul3A_455 : i32
        %add3A_457 = arith.constant 0 : i32
        %add3A_458 = arith.addi %mul3A_456, %add3A_457 : i32
        %mul3A_459 = arith.constant 128 : i32
        %mul3A_460 = arith.muli %add3A_458, %mul3A_459 : i32
        %mul3A_461 = arith.constant 16 : i32
        %mul3A_462 = arith.muli %scan3A_321, %mul3A_461 : i32
        %add3A_463 = arith.addi %mul3A_460, %mul3A_462 : i32
        %get3A = arith.constant 0 : i32
        %get3A_464 = tpu.memref_slice %arg14[%scan3A_311, %get3A] : memref<2x8192xf32, #tpu.memory_space<vmem>> -> memref<1x8192xf32, #tpu.memory_space<vmem>>
        %get3A_465 = tpu.memref_squeeze %get3A_464 : memref<1x8192xf32, #tpu.memory_space<vmem>> -> memref<8192xf32, #tpu.memory_space<vmem>>
        %get3A_466 = arith.index_cast %add3A_463 : i32 to index
        %get3A_467 = tpu.vector_load %get3A_465[%get3A_466] {strides = array<i32>} : memref<8192xf32, #tpu.memory_space<vmem>>, vector<16xf32>,
        %get3A_468 = arith.constant 0 : i32
        %get3A_469 = tpu.memref_slice %arg15[%scan3A_312, %get3A_468] : memref<2x8192xf32, #tpu.memory_space<vmem>> -> memref<1x8192xf32, #tpu.memory_space<vmem>>
        %get3A_470 = tpu.memref_squeeze %get3A_469 : memref<1x8192xf32, #tpu.memory_space<vmem>> -> memref<8192xf32, #tpu.memory_space<vmem>>
        %get3A_471 = arith.index_cast %add3A_463 : i32 to index
        %get3A_472 = tpu.vector_load %get3A_470[%get3A_471] {strides = array<i32>} : memref<8192xf32, #tpu.memory_space<vmem>>, vector<16xf32>,
        %get3A_473 = arith.constant 0 : i32
        %get3A_474 = tpu.memref_slice %arg16[%scan3A_313, %get3A_473] : memref<2x8192xf32, #tpu.memory_space<vmem>> -> memref<1x8192xf32, #tpu.memory_space<vmem>>
        %get3A_475 = tpu.memref_squeeze %get3A_474 : memref<1x8192xf32, #tpu.memory_space<vmem>> -> memref<8192xf32, #tpu.memory_space<vmem>>
        %get3A_476 = arith.index_cast %add3A_463 : i32 to index
        %get3A_477 = tpu.vector_load %get3A_475[%get3A_476] {strides = array<i32>} : memref<8192xf32, #tpu.memory_space<vmem>>, vector<16xf32>,
        %mul3A_478 = arith.mulf %get3A_467, %get3A_467 : vector<16xf32>
        %add3A_479 = arith.addf %scan3A_452, %mul3A_478 : vector<16xf32>
        %mul3A_480 = arith.mulf %get3A_472, %get3A_472 : vector<16xf32>
        %add3A_481 = arith.addf %scan3A_454, %mul3A_480 : vector<16xf32>
        %mul3A_482 = arith.mulf %get3A_477, %get3A_477 : vector<16xf32>
        %add3A_483 = arith.addf %scan3A_453, %mul3A_482 : vector<16xf32>
        %mul3A_484 = arith.constant 8 : i32
        %mul3A_485 = arith.muli %scan3A_451, %mul3A_484 : i32
        %add3A_486 = arith.constant 1 : i32
        %add3A_487 = arith.addi %mul3A_485, %add3A_486 : i32
        %mul3A_488 = arith.constant 128 : i32
        %mul3A_489 = arith.muli %add3A_487, %mul3A_488 : i32
        %mul3A_490 = arith.constant 16 : i32
        %mul3A_491 = arith.muli %scan3A_321, %mul3A_490 : i32
        %add3A_492 = arith.addi %mul3A_489, %mul3A_491 : i32
        %get3A_493 = arith.constant 0 : i32
        %get3A_494 = tpu.memref_slice %arg14[%scan3A_311, %get3A_493] : memref<2x8192xf32, #tpu.memory_space<vmem>> -> memref<1x8192xf32, #tpu.memory_space<vmem>>
        %get3A_495 = tpu.memref_squeeze %get3A_494 : memref<1x8192xf32, #tpu.memory_space<vmem>> -> memref<8192xf32, #tpu.memory_space<vmem>>
        %get3A_496 = arith.index_cast %add3A_492 : i32 to index
        %get3A_497 = tpu.vector_load %get3A_495[%get3A_496] {strides = array<i32>} : memref<8192xf32, #tpu.memory_space<vmem>>, vector<16xf32>,
        %get3A_498 = arith.constant 0 : i32
        %get3A_499 = tpu.memref_slice %arg15[%scan3A_312, %get3A_498] : memref<2x8192xf32, #tpu.memory_space<vmem>> -> memref<1x8192xf32, #tpu.memory_space<vmem>>
        %get3A_500 = tpu.memref_squeeze %get3A_499 : memref<1x8192xf32, #tpu.memory_space<vmem>> -> memref<8192xf32, #tpu.memory_space<vmem>>
        %get3A_501 = arith.index_cast %add3A_492 : i32 to index
        %get3A_502 = tpu.vector_load %get3A_500[%get3A_501] {strides = array<i32>} : memref<8192xf32, #tpu.memory_space<vmem>>, vector<16xf32>,
        %get3A_503 = arith.constant 0 : i32
        %get3A_504 = tpu.memref_slice %arg16[%scan3A_313, %get3A_503] : memref<2x8192xf32, #tpu.memory_space<vmem>> -> memref<1x8192xf32, #tpu.memory_space<vmem>>
        %get3A_505 = tpu.memref_squeeze %get3A_504 : memref<1x8192xf32, #tpu.memory_space<vmem>> -> memref<8192xf32, #tpu.memory_space<vmem>>
        %get3A_506 = arith.index_cast %add3A_492 : i32 to index
        %get3A_507 = tpu.vector_load %get3A_505[%get3A_506] {strides = array<i32>} : memref<8192xf32, #tpu.memory_space<vmem>>, vector<16xf32>,
        %mul3A_508 = arith.mulf %get3A_497, %get3A_497 : vector<16xf32>
        %add3A_509 = arith.addf %add3A_479, %mul3A_508 : vector<16xf32>
        %mul3A_510 = arith.mulf %get3A_502, %get3A_502 : vector<16xf32>
        %add3A_511 = arith.addf %add3A_481, %mul3A_510 : vector<16xf32>
        %mul3A_512 = arith.mulf %get3A_507, %get3A_507 : vector<16xf32>
        %add3A_513 = arith.addf %add3A_483, %mul3A_512 : vector<16xf32>
        %mul3A_514 = arith.constant 8 : i32
        %mul3A_515 = arith.muli %scan3A_451, %mul3A_514 : i32
        %add3A_516 = arith.constant 2 : i32
        %add3A_517 = arith.addi %mul3A_515, %add3A_516 : i32
        %mul3A_518 = arith.constant 128 : i32
        %mul3A_519 = arith.muli %add3A_517, %mul3A_518 : i32
        %mul3A_520 = arith.constant 16 : i32
        %mul3A_521 = arith.muli %scan3A_321, %mul3A_520 : i32
        %add3A_522 = arith.addi %mul3A_519, %mul3A_521 : i32
        %get3A_523 = arith.constant 0 : i32
        %get3A_524 = tpu.memref_slice %arg14[%scan3A_311, %get3A_523] : memref<2x8192xf32, #tpu.memory_space<vmem>> -> memref<1x8192xf32, #tpu.memory_space<vmem>>
        %get3A_525 = tpu.memref_squeeze %get3A_524 : memref<1x8192xf32, #tpu.memory_space<vmem>> -> memref<8192xf32, #tpu.memory_space<vmem>>
        %get3A_526 = arith.index_cast %add3A_522 : i32 to index
        %get3A_527 = tpu.vector_load %get3A_525[%get3A_526] {strides = array<i32>} : memref<8192xf32, #tpu.memory_space<vmem>>, vector<16xf32>,
        %get3A_528 = arith.constant 0 : i32
        %get3A_529 = tpu.memref_slice %arg15[%scan3A_312, %get3A_528] : memref<2x8192xf32, #tpu.memory_space<vmem>> -> memref<1x8192xf32, #tpu.memory_space<vmem>>
        %get3A_530 = tpu.memref_squeeze %get3A_529 : memref<1x8192xf32, #tpu.memory_space<vmem>> -> memref<8192xf32, #tpu.memory_space<vmem>>
        %get3A_531 = arith.index_cast %add3A_522 : i32 to index
        %get3A_532 = tpu.vector_load %get3A_530[%get3A_531] {strides = array<i32>} : memref<8192xf32, #tpu.memory_space<vmem>>, vector<16xf32>,
        %get3A_533 = arith.constant 0 : i32
        %get3A_534 = tpu.memref_slice %arg16[%scan3A_313, %get3A_533] : memref<2x8192xf32, #tpu.memory_space<vmem>> -> memref<1x8192xf32, #tpu.memory_space<vmem>>
        %get3A_535 = tpu.memref_squeeze %get3A_534 : memref<1x8192xf32, #tpu.memory_space<vmem>> -> memref<8192xf32, #tpu.memory_space<vmem>>
        %get3A_536 = arith.index_cast %add3A_522 : i32 to index
        %get3A_537 = tpu.vector_load %get3A_535[%get3A_536] {strides = array<i32>} : memref<8192xf32, #tpu.memory_space<vmem>>, vector<16xf32>,
        %mul3A_538 = arith.mulf %get3A_527, %get3A_527 : vector<16xf32>
        %add3A_539 = arith.addf %add3A_509, %mul3A_538 : vector<16xf32>
        %mul3A_540 = arith.mulf %get3A_532, %get3A_532 : vector<16xf32>
        %add3A_541 = arith.addf %add3A_511, %mul3A_540 : vector<16xf32>
        %mul3A_542 = arith.mulf %get3A_537, %get3A_537 : vector<16xf32>
        %add3A_543 = arith.addf %add3A_513, %mul3A_542 : vector<16xf32>
        %mul3A_544 = arith.constant 8 : i32
        %mul3A_545 = arith.muli %scan3A_451, %mul3A_544 : i32
        %add3A_546 = arith.constant 3 : i32
        %add3A_547 = arith.addi %mul3A_545, %add3A_546 : i32
        %mul3A_548 = arith.constant 128 : i32
        %mul3A_549 = arith.muli %add3A_547, %mul3A_548 : i32
        %mul3A_550 = arith.constant 16 : i32
        %mul3A_551 = arith.muli %scan3A_321, %mul3A_550 : i32
        %add3A_552 = arith.addi %mul3A_549, %mul3A_551 : i32
        %get3A_553 = arith.constant 0 : i32
        %get3A_554 = tpu.memref_slice %arg14[%scan3A_311, %get3A_553] : memref<2x8192xf32, #tpu.memory_space<vmem>> -> memref<1x8192xf32, #tpu.memory_space<vmem>>
        %get3A_555 = tpu.memref_squeeze %get3A_554 : memref<1x8192xf32, #tpu.memory_space<vmem>> -> memref<8192xf32, #tpu.memory_space<vmem>>
        %get3A_556 = arith.index_cast %add3A_552 : i32 to index
        %get3A_557 = tpu.vector_load %get3A_555[%get3A_556] {strides = array<i32>} : memref<8192xf32, #tpu.memory_space<vmem>>, vector<16xf32>,
        %get3A_558 = arith.constant 0 : i32
        %get3A_559 = tpu.memref_slice %arg15[%scan3A_312, %get3A_558] : memref<2x8192xf32, #tpu.memory_space<vmem>> -> memref<1x8192xf32, #tpu.memory_space<vmem>>
        %get3A_560 = tpu.memref_squeeze %get3A_559 : memref<1x8192xf32, #tpu.memory_space<vmem>> -> memref<8192xf32, #tpu.memory_space<vmem>>
        %get3A_561 = arith.index_cast %add3A_552 : i32 to index
        %get3A_562 = tpu.vector_load %get3A_560[%get3A_561] {strides = array<i32>} : memref<8192xf32, #tpu.memory_space<vmem>>, vector<16xf32>,
        %get3A_563 = arith.constant 0 : i32
        %get3A_564 = tpu.memref_slice %arg16[%scan3A_313, %get3A_563] : memref<2x8192xf32, #tpu.memory_space<vmem>> -> memref<1x8192xf32, #tpu.memory_space<vmem>>
        %get3A_565 = tpu.memref_squeeze %get3A_564 : memref<1x8192xf32, #tpu.memory_space<vmem>> -> memref<8192xf32, #tpu.memory_space<vmem>>
        %get3A_566 = arith.index_cast %add3A_552 : i32 to index
        %get3A_567 = tpu.vector_load %get3A_565[%get3A_566] {strides = array<i32>} : memref<8192xf32, #tpu.memory_space<vmem>>, vector<16xf32>,
        %mul3A_568 = arith.mulf %get3A_557, %get3A_557 : vector<16xf32>
        %add3A_569 = arith.addf %add3A_539, %mul3A_568 : vector<16xf32>
        %mul3A_570 = arith.mulf %get3A_562, %get3A_562 : vector<16xf32>
        %add3A_571 = arith.addf %add3A_541, %mul3A_570 : vector<16xf32>
        %mul3A_572 = arith.mulf %get3A_567, %get3A_567 : vector<16xf32>
        %add3A_573 = arith.addf %add3A_543, %mul3A_572 : vector<16xf32>
        %mul3A_574 = arith.constant 8 : i32
        %mul3A_575 = arith.muli %scan3A_451, %mul3A_574 : i32
        %add3A_576 = arith.constant 4 : i32
        %add3A_577 = arith.addi %mul3A_575, %add3A_576 : i32
        %mul3A_578 = arith.constant 128 : i32
        %mul3A_579 = arith.muli %add3A_577, %mul3A_578 : i32
        %mul3A_580 = arith.constant 16 : i32
        %mul3A_581 = arith.muli %scan3A_321, %mul3A_580 : i32
        %add3A_582 = arith.addi %mul3A_579, %mul3A_581 : i32
        %get3A_583 = arith.constant 0 : i32
        %get3A_584 = tpu.memref_slice %arg14[%scan3A_311, %get3A_583] : memref<2x8192xf32, #tpu.memory_space<vmem>> -> memref<1x8192xf32, #tpu.memory_space<vmem>>
        %get3A_585 = tpu.memref_squeeze %get3A_584 : memref<1x8192xf32, #tpu.memory_space<vmem>> -> memref<8192xf32, #tpu.memory_space<vmem>>
        %get3A_586 = arith.index_cast %add3A_582 : i32 to index
        %get3A_587 = tpu.vector_load %get3A_585[%get3A_586] {strides = array<i32>} : memref<8192xf32, #tpu.memory_space<vmem>>, vector<16xf32>,
        %get3A_588 = arith.constant 0 : i32
        %get3A_589 = tpu.memref_slice %arg15[%scan3A_312, %get3A_588] : memref<2x8192xf32, #tpu.memory_space<vmem>> -> memref<1x8192xf32, #tpu.memory_space<vmem>>
        %get3A_590 = tpu.memref_squeeze %get3A_589 : memref<1x8192xf32, #tpu.memory_space<vmem>> -> memref<8192xf32, #tpu.memory_space<vmem>>
        %get3A_591 = arith.index_cast %add3A_582 : i32 to index
        %get3A_592 = tpu.vector_load %get3A_590[%get3A_591] {strides = array<i32>} : memref<8192xf32, #tpu.memory_space<vmem>>, vector<16xf32>,
        %get3A_593 = arith.constant 0 : i32
        %get3A_594 = tpu.memref_slice %arg16[%scan3A_313, %get3A_593] : memref<2x8192xf32, #tpu.memory_space<vmem>> -> memref<1x8192xf32, #tpu.memory_space<vmem>>
        %get3A_595 = tpu.memref_squeeze %get3A_594 : memref<1x8192xf32, #tpu.memory_space<vmem>> -> memref<8192xf32, #tpu.memory_space<vmem>>
        %get3A_596 = arith.index_cast %add3A_582 : i32 to index
        %get3A_597 = tpu.vector_load %get3A_595[%get3A_596] {strides = array<i32>} : memref<8192xf32, #tpu.memory_space<vmem>>, vector<16xf32>,
        %mul3A_598 = arith.mulf %get3A_587, %get3A_587 : vector<16xf32>
        %add3A_599 = arith.addf %add3A_569, %mul3A_598 : vector<16xf32>
        %mul3A_600 = arith.mulf %get3A_592, %get3A_592 : vector<16xf32>
        %add3A_601 = arith.addf %add3A_571, %mul3A_600 : vector<16xf32>
        %mul3A_602 = arith.mulf %get3A_597, %get3A_597 : vector<16xf32>
        %add3A_603 = arith.addf %add3A_573, %mul3A_602 : vector<16xf32>
        %mul3A_604 = arith.constant 8 : i32
        %mul3A_605 = arith.muli %scan3A_451, %mul3A_604 : i32
        %add3A_606 = arith.constant 5 : i32
        %add3A_607 = arith.addi %mul3A_605, %add3A_606 : i32
        %mul3A_608 = arith.constant 128 : i32
        %mul3A_609 = arith.muli %add3A_607, %mul3A_608 : i32
        %mul3A_610 = arith.constant 16 : i32
        %mul3A_611 = arith.muli %scan3A_321, %mul3A_610 : i32
        %add3A_612 = arith.addi %mul3A_609, %mul3A_611 : i32
        %get3A_613 = arith.constant 0 : i32
        %get3A_614 = tpu.memref_slice %arg14[%scan3A_311, %get3A_613] : memref<2x8192xf32, #tpu.memory_space<vmem>> -> memref<1x8192xf32, #tpu.memory_space<vmem>>
        %get3A_615 = tpu.memref_squeeze %get3A_614 : memref<1x8192xf32, #tpu.memory_space<vmem>> -> memref<8192xf32, #tpu.memory_space<vmem>>
        %get3A_616 = arith.index_cast %add3A_612 : i32 to index
        %get3A_617 = tpu.vector_load %get3A_615[%get3A_616] {strides = array<i32>} : memref<8192xf32, #tpu.memory_space<vmem>>, vector<16xf32>,
        %get3A_618 = arith.constant 0 : i32
        %get3A_619 = tpu.memref_slice %arg15[%scan3A_312, %get3A_618] : memref<2x8192xf32, #tpu.memory_space<vmem>> -> memref<1x8192xf32, #tpu.memory_space<vmem>>
        %get3A_620 = tpu.memref_squeeze %get3A_619 : memref<1x8192xf32, #tpu.memory_space<vmem>> -> memref<8192xf32, #tpu.memory_space<vmem>>
        %get3A_621 = arith.index_cast %add3A_612 : i32 to index
        %get3A_622 = tpu.vector_load %get3A_620[%get3A_621] {strides = array<i32>} : memref<8192xf32, #tpu.memory_space<vmem>>, vector<16xf32>,
        %get3A_623 = arith.constant 0 : i32
        %get3A_624 = tpu.memref_slice %arg16[%scan3A_313, %get3A_623] : memref<2x8192xf32, #tpu.memory_space<vmem>> -> memref<1x8192xf32, #tpu.memory_space<vmem>>
        %get3A_625 = tpu.memref_squeeze %get3A_624 : memref<1x8192xf32, #tpu.memory_space<vmem>> -> memref<8192xf32, #tpu.memory_space<vmem>>
        %get3A_626 = arith.index_cast %add3A_612 : i32 to index
        %get3A_627 = tpu.vector_load %get3A_625[%get3A_626] {strides = array<i32>} : memref<8192xf32, #tpu.memory_space<vmem>>, vector<16xf32>,
        %mul3A_628 = arith.mulf %get3A_617, %get3A_617 : vector<16xf32>
        %add3A_629 = arith.addf %add3A_599, %mul3A_628 : vector<16xf32>
        %mul3A_630 = arith.mulf %get3A_622, %get3A_622 : vector<16xf32>
        %add3A_631 = arith.addf %add3A_601, %mul3A_630 : vector<16xf32>
        %mul3A_632 = arith.mulf %get3A_627, %get3A_627 : vector<16xf32>
        %add3A_633 = arith.addf %add3A_603, %mul3A_632 : vector<16xf32>
        %mul3A_634 = arith.constant 8 : i32
        %mul3A_635 = arith.muli %scan3A_451, %mul3A_634 : i32
        %add3A_636 = arith.constant 6 : i32
        %add3A_637 = arith.addi %mul3A_635, %add3A_636 : i32
        %mul3A_638 = arith.constant 128 : i32
        %mul3A_639 = arith.muli %add3A_637, %mul3A_638 : i32
        %mul3A_640 = arith.constant 16 : i32
        %mul3A_641 = arith.muli %scan3A_321, %mul3A_640 : i32
        %add3A_642 = arith.addi %mul3A_639, %mul3A_641 : i32
        %get3A_643 = arith.constant 0 : i32
        %get3A_644 = tpu.memref_slice %arg14[%scan3A_311, %get3A_643] : memref<2x8192xf32, #tpu.memory_space<vmem>> -> memref<1x8192xf32, #tpu.memory_space<vmem>>
        %get3A_645 = tpu.memref_squeeze %get3A_644 : memref<1x8192xf32, #tpu.memory_space<vmem>> -> memref<8192xf32, #tpu.memory_space<vmem>>
        %get3A_646 = arith.index_cast %add3A_642 : i32 to index
        %get3A_647 = tpu.vector_load %get3A_645[%get3A_646] {strides = array<i32>} : memref<8192xf32, #tpu.memory_space<vmem>>, vector<16xf32>,
        %get3A_648 = arith.constant 0 : i32
        %get3A_649 = tpu.memref_slice %arg15[%scan3A_312, %get3A_648] : memref<2x8192xf32, #tpu.memory_space<vmem>> -> memref<1x8192xf32, #tpu.memory_space<vmem>>
        %get3A_650 = tpu.memref_squeeze %get3A_649 : memref<1x8192xf32, #tpu.memory_space<vmem>> -> memref<8192xf32, #tpu.memory_space<vmem>>
        %get3A_651 = arith.index_cast %add3A_642 : i32 to index
        %get3A_652 = tpu.vector_load %get3A_650[%get3A_651] {strides = array<i32>} : memref<8192xf32, #tpu.memory_space<vmem>>, vector<16xf32>,
        %get3A_653 = arith.constant 0 : i32
        %get3A_654 = tpu.memref_slice %arg16[%scan3A_313, %get3A_653] : memref<2x8192xf32, #tpu.memory_space<vmem>> -> memref<1x8192xf32, #tpu.memory_space<vmem>>
        %get3A_655 = tpu.memref_squeeze %get3A_654 : memref<1x8192xf32, #tpu.memory_space<vmem>> -> memref<8192xf32, #tpu.memory_space<vmem>>
        %get3A_656 = arith.index_cast %add3A_642 : i32 to index
        %get3A_657 = tpu.vector_load %get3A_655[%get3A_656] {strides = array<i32>} : memref<8192xf32, #tpu.memory_space<vmem>>, vector<16xf32>,
        %mul3A_658 = arith.mulf %get3A_647, %get3A_647 : vector<16xf32>
        %add3A_659 = arith.addf %add3A_629, %mul3A_658 : vector<16xf32>
        %mul3A_660 = arith.mulf %get3A_652, %get3A_652 : vector<16xf32>
        %add3A_661 = arith.addf %add3A_631, %mul3A_660 : vector<16xf32>
        %mul3A_662 = arith.mulf %get3A_657, %get3A_657 : vector<16xf32>
        %add3A_663 = arith.addf %add3A_633, %mul3A_662 : vector<16xf32>
        %mul3A_664 = arith.constant 8 : i32
        %mul3A_665 = arith.muli %scan3A_451, %mul3A_664 : i32
        %add3A_666 = arith.constant 7 : i32
        %add3A_667 = arith.addi %mul3A_665, %add3A_666 : i32
        %mul3A_668 = arith.constant 128 : i32
        %mul3A_669 = arith.muli %add3A_667, %mul3A_668 : i32
        %mul3A_670 = arith.constant 16 : i32
        %mul3A_671 = arith.muli %scan3A_321, %mul3A_670 : i32
        %add3A_672 = arith.addi %mul3A_669, %mul3A_671 : i32
        %get3A_673 = arith.constant 0 : i32
        %get3A_674 = tpu.memref_slice %arg14[%scan3A_311, %get3A_673] : memref<2x8192xf32, #tpu.memory_space<vmem>> -> memref<1x8192xf32, #tpu.memory_space<vmem>>
        %get3A_675 = tpu.memref_squeeze %get3A_674 : memref<1x8192xf32, #tpu.memory_space<vmem>> -> memref<8192xf32, #tpu.memory_space<vmem>>
        %get3A_676 = arith.index_cast %add3A_672 : i32 to index
        %get3A_677 = tpu.vector_load %get3A_675[%get3A_676] {strides = array<i32>} : memref<8192xf32, #tpu.memory_space<vmem>>, vector<16xf32>,
        %get3A_678 = arith.constant 0 : i32
        %get3A_679 = tpu.memref_slice %arg15[%scan3A_312, %get3A_678] : memref<2x8192xf32, #tpu.memory_space<vmem>> -> memref<1x8192xf32, #tpu.memory_space<vmem>>
        %get3A_680 = tpu.memref_squeeze %get3A_679 : memref<1x8192xf32, #tpu.memory_space<vmem>> -> memref<8192xf32, #tpu.memory_space<vmem>>
        %get3A_681 = arith.index_cast %add3A_672 : i32 to index
        %get3A_682 = tpu.vector_load %get3A_680[%get3A_681] {strides = array<i32>} : memref<8192xf32, #tpu.memory_space<vmem>>, vector<16xf32>,
        %get3A_683 = arith.constant 0 : i32
        %get3A_684 = tpu.memref_slice %arg16[%scan3A_313, %get3A_683] : memref<2x8192xf32, #tpu.memory_space<vmem>> -> memref<1x8192xf32, #tpu.memory_space<vmem>>
        %get3A_685 = tpu.memref_squeeze %get3A_684 : memref<1x8192xf32, #tpu.memory_space<vmem>> -> memref<8192xf32, #tpu.memory_space<vmem>>
        %get3A_686 = arith.index_cast %add3A_672 : i32 to index
        %get3A_687 = tpu.vector_load %get3A_685[%get3A_686] {strides = array<i32>} : memref<8192xf32, #tpu.memory_space<vmem>>, vector<16xf32>,
        %mul3A_688 = arith.mulf %get3A_677, %get3A_677 : vector<16xf32>
        %add3A_689 = arith.addf %add3A_659, %mul3A_688 : vector<16xf32>
        %mul3A_690 = arith.mulf %get3A_682, %get3A_682 : vector<16xf32>
        %add3A_691 = arith.addf %add3A_661, %mul3A_690 : vector<16xf32>
        %mul3A_692 = arith.mulf %get3A_687, %get3A_687 : vector<16xf32>
        %add3A_693 = arith.addf %add3A_663, %mul3A_692 : vector<16xf32>
        scf.yield %add3A_689, %add3A_693, %add3A_691 : vector<16xf32>, vector<16xf32>, vector<16xf32>
      }
      %scan3A_328 = arith.constant 8 : i32
      %max3A = arith.constant 1.000000e-24 : f32
      %max3A_329 = vector.broadcast %max3A : f32 to vector<16xf32>
      %max3A_330 = arith.maximumf %scan3A_327#0, %max3A_329 : vector<16xf32>
      %bitcast3A = vector.bitcast %max3A_330 : vector<16xf32> to vector<16xi32>
      %shift_right_arithmetic3A = arith.constant 1 : i32
      %shift_right_arithmetic3A_331 = vector.broadcast %shift_right_arithmetic3A : i32 to vector<16xi32>
      %shift_right_arithmetic3A_332 = arith.shrsi %bitcast3A, %shift_right_arithmetic3A_331 : vector<16xi32>
      %sub3A = arith.constant 1597463007 : i32
      %sub3A_333 = vector.broadcast %sub3A : i32 to vector<16xi32>
      %sub3A_334 = arith.subi %sub3A_333, %shift_right_arithmetic3A_332 : vector<16xi32>
      %bitcast3A_335 = vector.bitcast %sub3A_334 : vector<16xi32> to vector<16xf32>
      %mul3A_336 = arith.constant 5.000000e-01 : f32
      %mul3A_337 = vector.broadcast %mul3A_336 : f32 to vector<16xf32>
      %mul3A_338 = arith.mulf %mul3A_337, %max3A_330 : vector<16xf32>
      %mul3A_339 = arith.mulf %mul3A_338, %bitcast3A_335 : vector<16xf32>
      %mul3A_340 = arith.mulf %mul3A_339, %bitcast3A_335 : vector<16xf32>
      %sub3A_341 = arith.constant 1.500000e+00 : f32
      %sub3A_342 = vector.broadcast %sub3A_341 : f32 to vector<16xf32>
      %sub3A_343 = arith.subf %sub3A_342, %mul3A_340 : vector<16xf32>
      %mul3A_344 = arith.mulf %bitcast3A_335, %sub3A_343 : vector<16xf32>
      %mul3A_345 = arith.constant 5.000000e-01 : f32
      %mul3A_346 = vector.broadcast %mul3A_345 : f32 to vector<16xf32>
      %mul3A_347 = arith.mulf %mul3A_346, %max3A_330 : vector<16xf32>
      %mul3A_348 = arith.mulf %mul3A_347, %mul3A_344 : vector<16xf32>
      %mul3A_349 = arith.mulf %mul3A_348, %mul3A_344 : vector<16xf32>
      %sub3A_350 = arith.constant 1.500000e+00 : f32
      %sub3A_351 = vector.broadcast %sub3A_350 : f32 to vector<16xf32>
      %sub3A_352 = arith.subf %sub3A_351, %mul3A_349 : vector<16xf32>
      %mul3A_353 = arith.mulf %mul3A_344, %sub3A_352 : vector<16xf32>
      %mul3A_354 = arith.constant 5.000000e-01 : f32
      %mul3A_355 = vector.broadcast %mul3A_354 : f32 to vector<16xf32>
      %mul3A_356 = arith.mulf %mul3A_355, %max3A_330 : vector<16xf32>
      %mul3A_357 = arith.mulf %mul3A_356, %mul3A_353 : vector<16xf32>
      %mul3A_358 = arith.mulf %mul3A_357, %mul3A_353 : vector<16xf32>
      %sub3A_359 = arith.constant 1.500000e+00 : f32
      %sub3A_360 = vector.broadcast %sub3A_359 : f32 to vector<16xf32>
      %sub3A_361 = arith.subf %sub3A_360, %mul3A_358 : vector<16xf32>
      %mul3A_362 = arith.mulf %mul3A_353, %sub3A_361 : vector<16xf32>
      %max3A_363 = arith.constant 1.000000e-24 : f32
      %max3A_364 = vector.broadcast %max3A_363 : f32 to vector<16xf32>
      %max3A_365 = arith.maximumf %scan3A_327#1, %max3A_364 : vector<16xf32>
      %bitcast3A_366 = vector.bitcast %max3A_365 : vector<16xf32> to vector<16xi32>
      %shift_right_arithmetic3A_367 = arith.constant 1 : i32
      %shift_right_arithmetic3A_368 = vector.broadcast %shift_right_arithmetic3A_367 : i32 to vector<16xi32>
      %shift_right_arithmetic3A_369 = arith.shrsi %bitcast3A_366, %shift_right_arithmetic3A_368 : vector<16xi32>
      %sub3A_370 = arith.constant 1597463007 : i32
      %sub3A_371 = vector.broadcast %sub3A_370 : i32 to vector<16xi32>
      %sub3A_372 = arith.subi %sub3A_371, %shift_right_arithmetic3A_369 : vector<16xi32>
      %bitcast3A_373 = vector.bitcast %sub3A_372 : vector<16xi32> to vector<16xf32>
      %mul3A_374 = arith.constant 5.000000e-01 : f32
      %mul3A_375 = vector.broadcast %mul3A_374 : f32 to vector<16xf32>
      %mul3A_376 = arith.mulf %mul3A_375, %max3A_365 : vector<16xf32>
      %mul3A_377 = arith.mulf %mul3A_376, %bitcast3A_373 : vector<16xf32>
      %mul3A_378 = arith.mulf %mul3A_377, %bitcast3A_373 : vector<16xf32>
      %sub3A_379 = arith.constant 1.500000e+00 : f32
      %sub3A_380 = vector.broadcast %sub3A_379 : f32 to vector<16xf32>
      %sub3A_381 = arith.subf %sub3A_380, %mul3A_378 : vector<16xf32>
      %mul3A_382 = arith.mulf %bitcast3A_373, %sub3A_381 : vector<16xf32>
      %mul3A_383 = arith.constant 5.000000e-01 : f32
      %mul3A_384 = vector.broadcast %mul3A_383 : f32 to vector<16xf32>
      %mul3A_385 = arith.mulf %mul3A_384, %max3A_365 : vector<16xf32>
      %mul3A_386 = arith.mulf %mul3A_385, %mul3A_382 : vector<16xf32>
      %mul3A_387 = arith.mulf %mul3A_386, %mul3A_382 : vector<16xf32>
      %sub3A_388 = arith.constant 1.500000e+00 : f32
      %sub3A_389 = vector.broadcast %sub3A_388 : f32 to vector<16xf32>
      %sub3A_390 = arith.subf %sub3A_389, %mul3A_387 : vector<16xf32>
      %mul3A_391 = arith.mulf %mul3A_382, %sub3A_390 : vector<16xf32>
      %mul3A_392 = arith.constant 5.000000e-01 : f32
      %mul3A_393 = vector.broadcast %mul3A_392 : f32 to vector<16xf32>
      %mul3A_394 = arith.mulf %mul3A_393, %max3A_365 : vector<16xf32>
      %mul3A_395 = arith.mulf %mul3A_394, %mul3A_391 : vector<16xf32>
      %mul3A_396 = arith.mulf %mul3A_395, %mul3A_391 : vector<16xf32>
      %sub3A_397 = arith.constant 1.500000e+00 : f32
      %sub3A_398 = vector.broadcast %sub3A_397 : f32 to vector<16xf32>
      %sub3A_399 = arith.subf %sub3A_398, %mul3A_396 : vector<16xf32>
      %mul3A_400 = arith.mulf %mul3A_391, %sub3A_399 : vector<16xf32>
      %max3A_401 = arith.constant 1.000000e-24 : f32
      %max3A_402 = vector.broadcast %max3A_401 : f32 to vector<16xf32>
      %max3A_403 = arith.maximumf %scan3A_327#2, %max3A_402 : vector<16xf32>
      %bitcast3A_404 = vector.bitcast %max3A_403 : vector<16xf32> to vector<16xi32>
      %shift_right_arithmetic3A_405 = arith.constant 1 : i32
      %shift_right_arithmetic3A_406 = vector.broadcast %shift_right_arithmetic3A_405 : i32 to vector<16xi32>
      %shift_right_arithmetic3A_407 = arith.shrsi %bitcast3A_404, %shift_right_arithmetic3A_406 : vector<16xi32>
      %sub3A_408 = arith.constant 1597463007 : i32
      %sub3A_409 = vector.broadcast %sub3A_408 : i32 to vector<16xi32>
      %sub3A_410 = arith.subi %sub3A_409, %shift_right_arithmetic3A_407 : vector<16xi32>
      %bitcast3A_411 = vector.bitcast %sub3A_410 : vector<16xi32> to vector<16xf32>
      %mul3A_412 = arith.constant 5.000000e-01 : f32
      %mul3A_413 = vector.broadcast %mul3A_412 : f32 to vector<16xf32>
      %mul3A_414 = arith.mulf %mul3A_413, %max3A_403 : vector<16xf32>
      %mul3A_415 = arith.mulf %mul3A_414, %bitcast3A_411 : vector<16xf32>
      %mul3A_416 = arith.mulf %mul3A_415, %bitcast3A_411 : vector<16xf32>
      %sub3A_417 = arith.constant 1.500000e+00 : f32
      %sub3A_418 = vector.broadcast %sub3A_417 : f32 to vector<16xf32>
      %sub3A_419 = arith.subf %sub3A_418, %mul3A_416 : vector<16xf32>
      %mul3A_420 = arith.mulf %bitcast3A_411, %sub3A_419 : vector<16xf32>
      %mul3A_421 = arith.constant 5.000000e-01 : f32
      %mul3A_422 = vector.broadcast %mul3A_421 : f32 to vector<16xf32>
      %mul3A_423 = arith.mulf %mul3A_422, %max3A_403 : vector<16xf32>
      %mul3A_424 = arith.mulf %mul3A_423, %mul3A_420 : vector<16xf32>
      %mul3A_425 = arith.mulf %mul3A_424, %mul3A_420 : vector<16xf32>
      %sub3A_426 = arith.constant 1.500000e+00 : f32
      %sub3A_427 = vector.broadcast %sub3A_426 : f32 to vector<16xf32>
      %sub3A_428 = arith.subf %sub3A_427, %mul3A_425 : vector<16xf32>
      %mul3A_429 = arith.mulf %mul3A_420, %sub3A_428 : vector<16xf32>
      %mul3A_430 = arith.constant 5.000000e-01 : f32
      %mul3A_431 = vector.broadcast %mul3A_430 : f32 to vector<16xf32>
      %mul3A_432 = arith.mulf %mul3A_431, %max3A_403 : vector<16xf32>
      %mul3A_433 = arith.mulf %mul3A_432, %mul3A_429 : vector<16xf32>
      %mul3A_434 = arith.mulf %mul3A_433, %mul3A_429 : vector<16xf32>
      %sub3A_435 = arith.constant 1.500000e+00 : f32
      %sub3A_436 = vector.broadcast %sub3A_435 : f32 to vector<16xf32>
      %sub3A_437 = arith.subf %sub3A_436, %mul3A_434 : vector<16xf32>
      %mul3A_438 = arith.mulf %mul3A_429, %sub3A_437 : vector<16xf32>
      %scan3A_439 = arith.constant 0 : i32
      %scan3A_440 = arith.constant 8 : i32
      %scan3A_441 = arith.addi %scan3A_439, %scan3A_440 : i32
      %scan3A_442 = arith.constant 1 : i32
      %scan3A_443 = scf.for %scan3A_451 = %scan3A_439 to %scan3A_441 step %scan3A_442 iter_args(%scan3A_452 = %broadcast_in_dim3A_13) -> (vector<16xf32>)  : i32 {
        %mul3A_453 = arith.constant 8 : i32
        %mul3A_454 = arith.muli %scan3A_451, %mul3A_453 : i32
        %add3A_455 = arith.constant 0 : i32
        %add3A_456 = arith.addi %mul3A_454, %add3A_455 : i32
        %mul3A_457 = arith.constant 128 : i32
        %mul3A_458 = arith.muli %add3A_456, %mul3A_457 : i32
        %mul3A_459 = arith.constant 16 : i32
        %mul3A_460 = arith.muli %scan3A_321, %mul3A_459 : i32
        %add3A_461 = arith.addi %mul3A_458, %mul3A_460 : i32
        %get3A = arith.constant 0 : i32
        %get3A_462 = tpu.memref_slice %arg14[%scan3A_311, %get3A] : memref<2x8192xf32, #tpu.memory_space<vmem>> -> memref<1x8192xf32, #tpu.memory_space<vmem>>
        %get3A_463 = tpu.memref_squeeze %get3A_462 : memref<1x8192xf32, #tpu.memory_space<vmem>> -> memref<8192xf32, #tpu.memory_space<vmem>>
        %get3A_464 = arith.index_cast %add3A_461 : i32 to index
        %get3A_465 = tpu.vector_load %get3A_463[%get3A_464] {strides = array<i32>} : memref<8192xf32, #tpu.memory_space<vmem>>, vector<16xf32>,
        %get3A_466 = arith.constant 0 : i32
        %get3A_467 = tpu.memref_slice %arg15[%scan3A_312, %get3A_466] : memref<2x8192xf32, #tpu.memory_space<vmem>> -> memref<1x8192xf32, #tpu.memory_space<vmem>>
        %get3A_468 = tpu.memref_squeeze %get3A_467 : memref<1x8192xf32, #tpu.memory_space<vmem>> -> memref<8192xf32, #tpu.memory_space<vmem>>
        %get3A_469 = arith.index_cast %add3A_461 : i32 to index
        %get3A_470 = tpu.vector_load %get3A_468[%get3A_469] {strides = array<i32>} : memref<8192xf32, #tpu.memory_space<vmem>>, vector<16xf32>,
        %get3A_471 = arith.constant 0 : i32
        %get3A_472 = tpu.memref_slice %arg16[%scan3A_313, %get3A_471] : memref<2x8192xf32, #tpu.memory_space<vmem>> -> memref<1x8192xf32, #tpu.memory_space<vmem>>
        %get3A_473 = tpu.memref_squeeze %get3A_472 : memref<1x8192xf32, #tpu.memory_space<vmem>> -> memref<8192xf32, #tpu.memory_space<vmem>>
        %get3A_474 = arith.index_cast %add3A_461 : i32 to index
        %get3A_475 = tpu.vector_load %get3A_473[%get3A_474] {strides = array<i32>} : memref<8192xf32, #tpu.memory_space<vmem>>, vector<16xf32>,
        %mul3A_476 = arith.mulf %get3A_465, %mul3A_362 : vector<16xf32>
        %mul3A_477 = arith.mulf %get3A_475, %mul3A_400 : vector<16xf32>
        %add3A_478 = arith.addf %mul3A_476, %mul3A_477 : vector<16xf32>
        %mul3A_479 = arith.mulf %get3A_470, %mul3A_438 : vector<16xf32>
        %sub3A_480 = arith.subf %add3A_478, %mul3A_479 : vector<16xf32>
        %abs3A = math.absf %sub3A_480 : vector<16xf32>
        %add3A_481 = arith.addf %scan3A_452, %abs3A : vector<16xf32>
        %mul3A_482 = arith.constant 8 : i32
        %mul3A_483 = arith.muli %scan3A_451, %mul3A_482 : i32
        %add3A_484 = arith.constant 1 : i32
        %add3A_485 = arith.addi %mul3A_483, %add3A_484 : i32
        %mul3A_486 = arith.constant 128 : i32
        %mul3A_487 = arith.muli %add3A_485, %mul3A_486 : i32
        %mul3A_488 = arith.constant 16 : i32
        %mul3A_489 = arith.muli %scan3A_321, %mul3A_488 : i32
        %add3A_490 = arith.addi %mul3A_487, %mul3A_489 : i32
        %get3A_491 = arith.constant 0 : i32
        %get3A_492 = tpu.memref_slice %arg14[%scan3A_311, %get3A_491] : memref<2x8192xf32, #tpu.memory_space<vmem>> -> memref<1x8192xf32, #tpu.memory_space<vmem>>
        %get3A_493 = tpu.memref_squeeze %get3A_492 : memref<1x8192xf32, #tpu.memory_space<vmem>> -> memref<8192xf32, #tpu.memory_space<vmem>>
        %get3A_494 = arith.index_cast %add3A_490 : i32 to index
        %get3A_495 = tpu.vector_load %get3A_493[%get3A_494] {strides = array<i32>} : memref<8192xf32, #tpu.memory_space<vmem>>, vector<16xf32>,
        %get3A_496 = arith.constant 0 : i32
        %get3A_497 = tpu.memref_slice %arg15[%scan3A_312, %get3A_496] : memref<2x8192xf32, #tpu.memory_space<vmem>> -> memref<1x8192xf32, #tpu.memory_space<vmem>>
        %get3A_498 = tpu.memref_squeeze %get3A_497 : memref<1x8192xf32, #tpu.memory_space<vmem>> -> memref<8192xf32, #tpu.memory_space<vmem>>
        %get3A_499 = arith.index_cast %add3A_490 : i32 to index
        %get3A_500 = tpu.vector_load %get3A_498[%get3A_499] {strides = array<i32>} : memref<8192xf32, #tpu.memory_space<vmem>>, vector<16xf32>,
        %get3A_501 = arith.constant 0 : i32
        %get3A_502 = tpu.memref_slice %arg16[%scan3A_313, %get3A_501] : memref<2x8192xf32, #tpu.memory_space<vmem>> -> memref<1x8192xf32, #tpu.memory_space<vmem>>
        %get3A_503 = tpu.memref_squeeze %get3A_502 : memref<1x8192xf32, #tpu.memory_space<vmem>> -> memref<8192xf32, #tpu.memory_space<vmem>>
        %get3A_504 = arith.index_cast %add3A_490 : i32 to index
        %get3A_505 = tpu.vector_load %get3A_503[%get3A_504] {strides = array<i32>} : memref<8192xf32, #tpu.memory_space<vmem>>, vector<16xf32>,
        %mul3A_506 = arith.mulf %get3A_495, %mul3A_362 : vector<16xf32>
        %mul3A_507 = arith.mulf %get3A_505, %mul3A_400 : vector<16xf32>
        %add3A_508 = arith.addf %mul3A_506, %mul3A_507 : vector<16xf32>
        %mul3A_509 = arith.mulf %get3A_500, %mul3A_438 : vector<16xf32>
        %sub3A_510 = arith.subf %add3A_508, %mul3A_509 : vector<16xf32>
        %abs3A_511 = math.absf %sub3A_510 : vector<16xf32>
        %add3A_512 = arith.addf %add3A_481, %abs3A_511 : vector<16xf32>
        %mul3A_513 = arith.constant 8 : i32
        %mul3A_514 = arith.muli %scan3A_451, %mul3A_513 : i32
        %add3A_515 = arith.constant 2 : i32
        %add3A_516 = arith.addi %mul3A_514, %add3A_515 : i32
        %mul3A_517 = arith.constant 128 : i32
        %mul3A_518 = arith.muli %add3A_516, %mul3A_517 : i32
        %mul3A_519 = arith.constant 16 : i32
        %mul3A_520 = arith.muli %scan3A_321, %mul3A_519 : i32
        %add3A_521 = arith.addi %mul3A_518, %mul3A_520 : i32
        %get3A_522 = arith.constant 0 : i32
        %get3A_523 = tpu.memref_slice %arg14[%scan3A_311, %get3A_522] : memref<2x8192xf32, #tpu.memory_space<vmem>> -> memref<1x8192xf32, #tpu.memory_space<vmem>>
        %get3A_524 = tpu.memref_squeeze %get3A_523 : memref<1x8192xf32, #tpu.memory_space<vmem>> -> memref<8192xf32, #tpu.memory_space<vmem>>
        %get3A_525 = arith.index_cast %add3A_521 : i32 to index
        %get3A_526 = tpu.vector_load %get3A_524[%get3A_525] {strides = array<i32>} : memref<8192xf32, #tpu.memory_space<vmem>>, vector<16xf32>,
        %get3A_527 = arith.constant 0 : i32
        %get3A_528 = tpu.memref_slice %arg15[%scan3A_312, %get3A_527] : memref<2x8192xf32, #tpu.memory_space<vmem>> -> memref<1x8192xf32, #tpu.memory_space<vmem>>
        %get3A_529 = tpu.memref_squeeze %get3A_528 : memref<1x8192xf32, #tpu.memory_space<vmem>> -> memref<8192xf32, #tpu.memory_space<vmem>>
        %get3A_530 = arith.index_cast %add3A_521 : i32 to index
        %get3A_531 = tpu.vector_load %get3A_529[%get3A_530] {strides = array<i32>} : memref<8192xf32, #tpu.memory_space<vmem>>, vector<16xf32>,
        %get3A_532 = arith.constant 0 : i32
        %get3A_533 = tpu.memref_slice %arg16[%scan3A_313, %get3A_532] : memref<2x8192xf32, #tpu.memory_space<vmem>> -> memref<1x8192xf32, #tpu.memory_space<vmem>>
        %get3A_534 = tpu.memref_squeeze %get3A_533 : memref<1x8192xf32, #tpu.memory_space<vmem>> -> memref<8192xf32, #tpu.memory_space<vmem>>
        %get3A_535 = arith.index_cast %add3A_521 : i32 to index
        %get3A_536 = tpu.vector_load %get3A_534[%get3A_535] {strides = array<i32>} : memref<8192xf32, #tpu.memory_space<vmem>>, vector<16xf32>,
        %mul3A_537 = arith.mulf %get3A_526, %mul3A_362 : vector<16xf32>
        %mul3A_538 = arith.mulf %get3A_536, %mul3A_400 : vector<16xf32>
        %add3A_539 = arith.addf %mul3A_537, %mul3A_538 : vector<16xf32>
        %mul3A_540 = arith.mulf %get3A_531, %mul3A_438 : vector<16xf32>
        %sub3A_541 = arith.subf %add3A_539, %mul3A_540 : vector<16xf32>
        %abs3A_542 = math.absf %sub3A_541 : vector<16xf32>
        %add3A_543 = arith.addf %add3A_512, %abs3A_542 : vector<16xf32>
        %mul3A_544 = arith.constant 8 : i32
        %mul3A_545 = arith.muli %scan3A_451, %mul3A_544 : i32
        %add3A_546 = arith.constant 3 : i32
        %add3A_547 = arith.addi %mul3A_545, %add3A_546 : i32
        %mul3A_548 = arith.constant 128 : i32
        %mul3A_549 = arith.muli %add3A_547, %mul3A_548 : i32
        %mul3A_550 = arith.constant 16 : i32
        %mul3A_551 = arith.muli %scan3A_321, %mul3A_550 : i32
        %add3A_552 = arith.addi %mul3A_549, %mul3A_551 : i32
        %get3A_553 = arith.constant 0 : i32
        %get3A_554 = tpu.memref_slice %arg14[%scan3A_311, %get3A_553] : memref<2x8192xf32, #tpu.memory_space<vmem>> -> memref<1x8192xf32, #tpu.memory_space<vmem>>
        %get3A_555 = tpu.memref_squeeze %get3A_554 : memref<1x8192xf32, #tpu.memory_space<vmem>> -> memref<8192xf32, #tpu.memory_space<vmem>>
        %get3A_556 = arith.index_cast %add3A_552 : i32 to index
        %get3A_557 = tpu.vector_load %get3A_555[%get3A_556] {strides = array<i32>} : memref<8192xf32, #tpu.memory_space<vmem>>, vector<16xf32>,
        %get3A_558 = arith.constant 0 : i32
        %get3A_559 = tpu.memref_slice %arg15[%scan3A_312, %get3A_558] : memref<2x8192xf32, #tpu.memory_space<vmem>> -> memref<1x8192xf32, #tpu.memory_space<vmem>>
        %get3A_560 = tpu.memref_squeeze %get3A_559 : memref<1x8192xf32, #tpu.memory_space<vmem>> -> memref<8192xf32, #tpu.memory_space<vmem>>
        %get3A_561 = arith.index_cast %add3A_552 : i32 to index
        %get3A_562 = tpu.vector_load %get3A_560[%get3A_561] {strides = array<i32>} : memref<8192xf32, #tpu.memory_space<vmem>>, vector<16xf32>,
        %get3A_563 = arith.constant 0 : i32
        %get3A_564 = tpu.memref_slice %arg16[%scan3A_313, %get3A_563] : memref<2x8192xf32, #tpu.memory_space<vmem>> -> memref<1x8192xf32, #tpu.memory_space<vmem>>
        %get3A_565 = tpu.memref_squeeze %get3A_564 : memref<1x8192xf32, #tpu.memory_space<vmem>> -> memref<8192xf32, #tpu.memory_space<vmem>>
        %get3A_566 = arith.index_cast %add3A_552 : i32 to index
        %get3A_567 = tpu.vector_load %get3A_565[%get3A_566] {strides = array<i32>} : memref<8192xf32, #tpu.memory_space<vmem>>, vector<16xf32>,
        %mul3A_568 = arith.mulf %get3A_557, %mul3A_362 : vector<16xf32>
        %mul3A_569 = arith.mulf %get3A_567, %mul3A_400 : vector<16xf32>
        %add3A_570 = arith.addf %mul3A_568, %mul3A_569 : vector<16xf32>
        %mul3A_571 = arith.mulf %get3A_562, %mul3A_438 : vector<16xf32>
        %sub3A_572 = arith.subf %add3A_570, %mul3A_571 : vector<16xf32>
        %abs3A_573 = math.absf %sub3A_572 : vector<16xf32>
        %add3A_574 = arith.addf %add3A_543, %abs3A_573 : vector<16xf32>
        %mul3A_575 = arith.constant 8 : i32
        %mul3A_576 = arith.muli %scan3A_451, %mul3A_575 : i32
        %add3A_577 = arith.constant 4 : i32
        %add3A_578 = arith.addi %mul3A_576, %add3A_577 : i32
        %mul3A_579 = arith.constant 128 : i32
        %mul3A_580 = arith.muli %add3A_578, %mul3A_579 : i32
        %mul3A_581 = arith.constant 16 : i32
        %mul3A_582 = arith.muli %scan3A_321, %mul3A_581 : i32
        %add3A_583 = arith.addi %mul3A_580, %mul3A_582 : i32
        %get3A_584 = arith.constant 0 : i32
        %get3A_585 = tpu.memref_slice %arg14[%scan3A_311, %get3A_584] : memref<2x8192xf32, #tpu.memory_space<vmem>> -> memref<1x8192xf32, #tpu.memory_space<vmem>>
        %get3A_586 = tpu.memref_squeeze %get3A_585 : memref<1x8192xf32, #tpu.memory_space<vmem>> -> memref<8192xf32, #tpu.memory_space<vmem>>
        %get3A_587 = arith.index_cast %add3A_583 : i32 to index
        %get3A_588 = tpu.vector_load %get3A_586[%get3A_587] {strides = array<i32>} : memref<8192xf32, #tpu.memory_space<vmem>>, vector<16xf32>,
        %get3A_589 = arith.constant 0 : i32
        %get3A_590 = tpu.memref_slice %arg15[%scan3A_312, %get3A_589] : memref<2x8192xf32, #tpu.memory_space<vmem>> -> memref<1x8192xf32, #tpu.memory_space<vmem>>
        %get3A_591 = tpu.memref_squeeze %get3A_590 : memref<1x8192xf32, #tpu.memory_space<vmem>> -> memref<8192xf32, #tpu.memory_space<vmem>>
        %get3A_592 = arith.index_cast %add3A_583 : i32 to index
        %get3A_593 = tpu.vector_load %get3A_591[%get3A_592] {strides = array<i32>} : memref<8192xf32, #tpu.memory_space<vmem>>, vector<16xf32>,
        %get3A_594 = arith.constant 0 : i32
        %get3A_595 = tpu.memref_slice %arg16[%scan3A_313, %get3A_594] : memref<2x8192xf32, #tpu.memory_space<vmem>> -> memref<1x8192xf32, #tpu.memory_space<vmem>>
        %get3A_596 = tpu.memref_squeeze %get3A_595 : memref<1x8192xf32, #tpu.memory_space<vmem>> -> memref<8192xf32, #tpu.memory_space<vmem>>
        %get3A_597 = arith.index_cast %add3A_583 : i32 to index
        %get3A_598 = tpu.vector_load %get3A_596[%get3A_597] {strides = array<i32>} : memref<8192xf32, #tpu.memory_space<vmem>>, vector<16xf32>,
        %mul3A_599 = arith.mulf %get3A_588, %mul3A_362 : vector<16xf32>
        %mul3A_600 = arith.mulf %get3A_598, %mul3A_400 : vector<16xf32>
        %add3A_601 = arith.addf %mul3A_599, %mul3A_600 : vector<16xf32>
        %mul3A_602 = arith.mulf %get3A_593, %mul3A_438 : vector<16xf32>
        %sub3A_603 = arith.subf %add3A_601, %mul3A_602 : vector<16xf32>
        %abs3A_604 = math.absf %sub3A_603 : vector<16xf32>
        %add3A_605 = arith.addf %add3A_574, %abs3A_604 : vector<16xf32>
        %mul3A_606 = arith.constant 8 : i32
        %mul3A_607 = arith.muli %scan3A_451, %mul3A_606 : i32
        %add3A_608 = arith.constant 5 : i32
        %add3A_609 = arith.addi %mul3A_607, %add3A_608 : i32
        %mul3A_610 = arith.constant 128 : i32
        %mul3A_611 = arith.muli %add3A_609, %mul3A_610 : i32
        %mul3A_612 = arith.constant 16 : i32
        %mul3A_613 = arith.muli %scan3A_321, %mul3A_612 : i32
        %add3A_614 = arith.addi %mul3A_611, %mul3A_613 : i32
        %get3A_615 = arith.constant 0 : i32
        %get3A_616 = tpu.memref_slice %arg14[%scan3A_311, %get3A_615] : memref<2x8192xf32, #tpu.memory_space<vmem>> -> memref<1x8192xf32, #tpu.memory_space<vmem>>
        %get3A_617 = tpu.memref_squeeze %get3A_616 : memref<1x8192xf32, #tpu.memory_space<vmem>> -> memref<8192xf32, #tpu.memory_space<vmem>>
        %get3A_618 = arith.index_cast %add3A_614 : i32 to index
        %get3A_619 = tpu.vector_load %get3A_617[%get3A_618] {strides = array<i32>} : memref<8192xf32, #tpu.memory_space<vmem>>, vector<16xf32>,
        %get3A_620 = arith.constant 0 : i32
        %get3A_621 = tpu.memref_slice %arg15[%scan3A_312, %get3A_620] : memref<2x8192xf32, #tpu.memory_space<vmem>> -> memref<1x8192xf32, #tpu.memory_space<vmem>>
        %get3A_622 = tpu.memref_squeeze %get3A_621 : memref<1x8192xf32, #tpu.memory_space<vmem>> -> memref<8192xf32, #tpu.memory_space<vmem>>
        %get3A_623 = arith.index_cast %add3A_614 : i32 to index
        %get3A_624 = tpu.vector_load %get3A_622[%get3A_623] {strides = array<i32>} : memref<8192xf32, #tpu.memory_space<vmem>>, vector<16xf32>,
        %get3A_625 = arith.constant 0 : i32
        %get3A_626 = tpu.memref_slice %arg16[%scan3A_313, %get3A_625] : memref<2x8192xf32, #tpu.memory_space<vmem>> -> memref<1x8192xf32, #tpu.memory_space<vmem>>
        %get3A_627 = tpu.memref_squeeze %get3A_626 : memref<1x8192xf32, #tpu.memory_space<vmem>> -> memref<8192xf32, #tpu.memory_space<vmem>>
        %get3A_628 = arith.index_cast %add3A_614 : i32 to index
        %get3A_629 = tpu.vector_load %get3A_627[%get3A_628] {strides = array<i32>} : memref<8192xf32, #tpu.memory_space<vmem>>, vector<16xf32>,
        %mul3A_630 = arith.mulf %get3A_619, %mul3A_362 : vector<16xf32>
        %mul3A_631 = arith.mulf %get3A_629, %mul3A_400 : vector<16xf32>
        %add3A_632 = arith.addf %mul3A_630, %mul3A_631 : vector<16xf32>
        %mul3A_633 = arith.mulf %get3A_624, %mul3A_438 : vector<16xf32>
        %sub3A_634 = arith.subf %add3A_632, %mul3A_633 : vector<16xf32>
        %abs3A_635 = math.absf %sub3A_634 : vector<16xf32>
        %add3A_636 = arith.addf %add3A_605, %abs3A_635 : vector<16xf32>
        %mul3A_637 = arith.constant 8 : i32
        %mul3A_638 = arith.muli %scan3A_451, %mul3A_637 : i32
        %add3A_639 = arith.constant 6 : i32
        %add3A_640 = arith.addi %mul3A_638, %add3A_639 : i32
        %mul3A_641 = arith.constant 128 : i32
        %mul3A_642 = arith.muli %add3A_640, %mul3A_641 : i32
        %mul3A_643 = arith.constant 16 : i32
        %mul3A_644 = arith.muli %scan3A_321, %mul3A_643 : i32
        %add3A_645 = arith.addi %mul3A_642, %mul3A_644 : i32
        %get3A_646 = arith.constant 0 : i32
        %get3A_647 = tpu.memref_slice %arg14[%scan3A_311, %get3A_646] : memref<2x8192xf32, #tpu.memory_space<vmem>> -> memref<1x8192xf32, #tpu.memory_space<vmem>>
        %get3A_648 = tpu.memref_squeeze %get3A_647 : memref<1x8192xf32, #tpu.memory_space<vmem>> -> memref<8192xf32, #tpu.memory_space<vmem>>
        %get3A_649 = arith.index_cast %add3A_645 : i32 to index
        %get3A_650 = tpu.vector_load %get3A_648[%get3A_649] {strides = array<i32>} : memref<8192xf32, #tpu.memory_space<vmem>>, vector<16xf32>,
        %get3A_651 = arith.constant 0 : i32
        %get3A_652 = tpu.memref_slice %arg15[%scan3A_312, %get3A_651] : memref<2x8192xf32, #tpu.memory_space<vmem>> -> memref<1x8192xf32, #tpu.memory_space<vmem>>
        %get3A_653 = tpu.memref_squeeze %get3A_652 : memref<1x8192xf32, #tpu.memory_space<vmem>> -> memref<8192xf32, #tpu.memory_space<vmem>>
        %get3A_654 = arith.index_cast %add3A_645 : i32 to index
        %get3A_655 = tpu.vector_load %get3A_653[%get3A_654] {strides = array<i32>} : memref<8192xf32, #tpu.memory_space<vmem>>, vector<16xf32>,
        %get3A_656 = arith.constant 0 : i32
        %get3A_657 = tpu.memref_slice %arg16[%scan3A_313, %get3A_656] : memref<2x8192xf32, #tpu.memory_space<vmem>> -> memref<1x8192xf32, #tpu.memory_space<vmem>>
        %get3A_658 = tpu.memref_squeeze %get3A_657 : memref<1x8192xf32, #tpu.memory_space<vmem>> -> memref<8192xf32, #tpu.memory_space<vmem>>
        %get3A_659 = arith.index_cast %add3A_645 : i32 to index
        %get3A_660 = tpu.vector_load %get3A_658[%get3A_659] {strides = array<i32>} : memref<8192xf32, #tpu.memory_space<vmem>>, vector<16xf32>,
        %mul3A_661 = arith.mulf %get3A_650, %mul3A_362 : vector<16xf32>
        %mul3A_662 = arith.mulf %get3A_660, %mul3A_400 : vector<16xf32>
        %add3A_663 = arith.addf %mul3A_661, %mul3A_662 : vector<16xf32>
        %mul3A_664 = arith.mulf %get3A_655, %mul3A_438 : vector<16xf32>
        %sub3A_665 = arith.subf %add3A_663, %mul3A_664 : vector<16xf32>
        %abs3A_666 = math.absf %sub3A_665 : vector<16xf32>
        %add3A_667 = arith.addf %add3A_636, %abs3A_666 : vector<16xf32>
        %mul3A_668 = arith.constant 8 : i32
        %mul3A_669 = arith.muli %scan3A_451, %mul3A_668 : i32
        %add3A_670 = arith.constant 7 : i32
        %add3A_671 = arith.addi %mul3A_669, %add3A_670 : i32
        %mul3A_672 = arith.constant 128 : i32
        %mul3A_673 = arith.muli %add3A_671, %mul3A_672 : i32
        %mul3A_674 = arith.constant 16 : i32
        %mul3A_675 = arith.muli %scan3A_321, %mul3A_674 : i32
        %add3A_676 = arith.addi %mul3A_673, %mul3A_675 : i32
        %get3A_677 = arith.constant 0 : i32
        %get3A_678 = tpu.memref_slice %arg14[%scan3A_311, %get3A_677] : memref<2x8192xf32, #tpu.memory_space<vmem>> -> memref<1x8192xf32, #tpu.memory_space<vmem>>
        %get3A_679 = tpu.memref_squeeze %get3A_678 : memref<1x8192xf32, #tpu.memory_space<vmem>> -> memref<8192xf32, #tpu.memory_space<vmem>>
        %get3A_680 = arith.index_cast %add3A_676 : i32 to index
        %get3A_681 = tpu.vector_load %get3A_679[%get3A_680] {strides = array<i32>} : memref<8192xf32, #tpu.memory_space<vmem>>, vector<16xf32>,
        %get3A_682 = arith.constant 0 : i32
        %get3A_683 = tpu.memref_slice %arg15[%scan3A_312, %get3A_682] : memref<2x8192xf32, #tpu.memory_space<vmem>> -> memref<1x8192xf32, #tpu.memory_space<vmem>>
        %get3A_684 = tpu.memref_squeeze %get3A_683 : memref<1x8192xf32, #tpu.memory_space<vmem>> -> memref<8192xf32, #tpu.memory_space<vmem>>
        %get3A_685 = arith.index_cast %add3A_676 : i32 to index
        %get3A_686 = tpu.vector_load %get3A_684[%get3A_685] {strides = array<i32>} : memref<8192xf32, #tpu.memory_space<vmem>>, vector<16xf32>,
        %get3A_687 = arith.constant 0 : i32
        %get3A_688 = tpu.memref_slice %arg16[%scan3A_313, %get3A_687] : memref<2x8192xf32, #tpu.memory_space<vmem>> -> memref<1x8192xf32, #tpu.memory_space<vmem>>
        %get3A_689 = tpu.memref_squeeze %get3A_688 : memref<1x8192xf32, #tpu.memory_space<vmem>> -> memref<8192xf32, #tpu.memory_space<vmem>>
        %get3A_690 = arith.index_cast %add3A_676 : i32 to index
        %get3A_691 = tpu.vector_load %get3A_689[%get3A_690] {strides = array<i32>} : memref<8192xf32, #tpu.memory_space<vmem>>, vector<16xf32>,
        %mul3A_692 = arith.mulf %get3A_681, %mul3A_362 : vector<16xf32>
        %mul3A_693 = arith.mulf %get3A_691, %mul3A_400 : vector<16xf32>
        %add3A_694 = arith.addf %mul3A_692, %mul3A_693 : vector<16xf32>
        %mul3A_695 = arith.mulf %get3A_686, %mul3A_438 : vector<16xf32>
        %sub3A_696 = arith.subf %add3A_694, %mul3A_695 : vector<16xf32>
        %abs3A_697 = math.absf %sub3A_696 : vector<16xf32>
        %add3A_698 = arith.addf %add3A_667, %abs3A_697 : vector<16xf32>
        scf.yield %add3A_698 : vector<16xf32>
      }
      %scan3A_444 = arith.constant 8 : i32
      %mul3A_445 = arith.constant 16 : i32
      %mul3A_446 = arith.muli %scan3A_321, %mul3A_445 : i32
      %add3A_447 = arith.constant 384 : i32
      %add3A_448 = arith.addi %add3A_447, %mul3A_446 : i32
      %swap3A = arith.index_cast %add3A_448 : i32 to index
      %swap3A_449 = tpu.vector_load %arg17[%swap3A] {strides = array<i32>} : memref<512xf32, #tpu.memory_space<vmem>>, vector<16xf32>,
      tpu.vector_store %arg17[%swap3A], %scan3A_443 {strides = array<i32>} : memref<512xf32, #tpu.memory_space<vmem>>, vector<16xf32>,
      %scan3A_450 = arith.constant 0 : i32
      scf.yield %scan3A_450 : i32
    }
    %scan3A_320 = arith.constant 8 : i32
    "tpu.region"() ({
      %run_scoped3A = tpu.sem_alloc : memref<!tpu.dma_semaphore, #tpu.memory_space<semaphore_mem>>
      %dma_start3A_321 = tpu.memref_slice %arg7[%mul3A_2] : memref<16384xf32, #tpu.memory_space<hbm>> -> memref<512xf32, #tpu.memory_space<hbm>>
      %dma_start3A_322 = tpu.memref_slice %arg7[%mul3A_2] : memref<16384xf32, #tpu.memory_space<hbm>> -> memref<512xf32, #tpu.memory_space<hbm>>
      tpu.enqueue_dma source(%arg17 : memref<512xf32, #tpu.memory_space<vmem>>) target(%dma_start3A_322 : memref<512xf32, #tpu.memory_space<hbm>>) target_semaphore(%run_scoped3A : memref<!tpu.dma_semaphore, #tpu.memory_space<semaphore_mem>>)
      %dma_wait3A_323 = tpu.memref_slice %arg7[%mul3A_2] : memref<16384xf32, #tpu.memory_space<hbm>> -> memref<512xf32, #tpu.memory_space<hbm>>
      %dma_wait3A_324 = tpu.memref_slice %arg7[%mul3A_2] : memref<16384xf32, #tpu.memory_space<hbm>> -> memref<512xf32, #tpu.memory_space<hbm>>
      tpu.wait_dma2 semaphore(%run_scoped3A : memref<!tpu.dma_semaphore, #tpu.memory_space<semaphore_mem>>) src(%arg17 : memref<512xf32, #tpu.memory_space<vmem>>) dst(%dma_wait3A_324 : memref<512xf32, #tpu.memory_space<hbm>>)
      tpu.yield
    }) : () -> ()
    return
  }
}

</mosaic_0001>

<sc_bundles>
// kernel: kernel.3.cloned.1.call-start
scs
__scs_entry_jumppad:
0x0: {  	(pc) =	sbr.rel $0x88, $3  }
0x1: {  	(tag) =	ssettag $0x0;
	lr =	simm.s32 $0x1  }
0x2: {  	[smem:$0x3F9C] =	sst lr;
	_ =	strace $0xD0000000  }
0x3: {  	_ = 	snop  }
0x4: {  	_ = 	snop  }
0x5: {  	_ = 	snop  }
0x6: {  	_ = 	snop  }
0x7: {  	_ = 	snop  }
__scs_overlays_trampoline_lowered:
0x8: {  	[smem:$0x3FAB] =	sst s0  }
0x9: {  	[smem:$0x3FAC] =	sst s1  }
0xa: {  	[smem:$0x3FAD] =	sst s2  }
0xb: {  	[smem:$0x3FAE] =	sst s3  }
0xc: {  	[smem:$0x3FAF] =	sst s4  }
0xd: {  	[smem:$0x3FB0] =	sst s5  }
0xe: {  	[smem:$0x3FB1] =	sst s6  }
0xf: {  	[smem:$0x3FB2] =	sst s7  }
0x10: {  	[smem:$0x3FB3] =	sst s8  }
0x11: {  	[smem:$0x3FB4] =	sst s9;
	s0 =	simm.s32 @!p0 $0x0  }
0x12: {  	s1 =	sld [smem:$0x3F9A];
	s0 =	simm.s32 @p0 $0x1  }
0x13: {  	[smem:$0x3FB5] =	sst s0;
	s0 =	simm.s32 @!p1 $0x0  }
0x14: {  	s2 =	sld [smem:$0x3F99];
	s0 =	simm.s32 @p1 $0x1  }
0x15: {  	[smem:$0x3FB6] =	sst s0;
	s0 =	simm.s32 @!p2 $0x0  }
0x16: {  	s3 =	sld [smem:$0x3FDB];
	s0 =	simm.s32 @p2 $0x1  }
0x17: {  	s4 =	simm.s32 $0x1BF5;
	[smem:$0x3FB8] =	sst s0  }
0x18: {  	s0 =	sld [smem:$0x3F9B];
	_ =	swait.ge [sflag:s4], $0x0  }
0x19: {  	s7 =	sld [smem:$0x3F9C]  }
0x1a: {  	s8 =	sadd.s32 $0xFFFFE003, lr  }
0x1b: {  	s9 =	sadd.s32 $0xFFFFFEF7, lr;
	s5 =	simm.s32 $0xFFFFFFFF;
	p2 =	slt.u32 s8, $0xFFFFF086  }
0x1c: {  	p1 =	slt.u32 s9, $0xF7A;
	s5 =	simm.s32 @!p2 $0x0  }
0x1d: {  	s5 =	simm.s32 @p1 $0x1;
	p0 =	seq.s32 s7, s2  }
0x1e: {  	s7 =	smul.u32 @!p0 $0xF7A, s2;
	p2 =	seq.s32 @!p0 s5, $0x0  }
0x1f: {  	s9 =	smul.u32 $0xF7A, s1;
	s8 =	simm.s32 @!p0 $0x1BF5;
	p2 =	por !p2, p0  }
0x20: {  	[sflag:s8] =	ssyncset.s32 @!p0 $0xFFFFF086;
	s6 =	sadd.s32 @!p0 s3, s7;
	s7 =	simm.s32 @!p0 $0x108  }
0x21: {  	s3 =	sadd.s32 s3, s9;
	s6 =	sadd.s32 @!p0 $0x88, s6;
	s7 =	simm.s32 @p2 $0x1082  }
0x22: {  	[simem:s7], [sflag:s8] =	dma.local @!p0 [hbm:s6], $0xF7A  }
0x23: {  	s9 =	sor.u32 $0xD0000000, s2;
	s6 =	simm.s32 $0x108;
	_ =	swait.ge @!p0 [sflag:s8], $0x0  }
0x24: {  	s3 =	sadd.s32 $0x88, s3;
	s6 =	simm.s32 @!p1 $0x1082;
	[sflag:s4] =	ssyncset.s32 $0xFFFFF086  }
0x25: {  	[simem:s6], [sflag:s4] =	dma.local [hbm:s3], $0xF7A  }
0x26: {  	[smem:$0x3F9C] =	sst s1;
	(tag) =	ssettag s2;
	_ =	strace s9  }
0x27: {  	s1 =	sld [smem:$0x3FAC]  }
0x28: {  	s2 =	sld [smem:$0x3FAD]  }
0x29: {  	s4 =	sld [smem:$0x3FAF]  }
0x2a: {  	p0 =	seq.s32 s5, $0x0;
	s5 =	sld [smem:$0x3FB0]  }
0x2b: {  	s6 =	sld [smem:$0x3FB1]  }
0x2c: {  	s7 =	sld [smem:$0x3FB2]  }
0x2d: {  	s3 =	simm.s32 $0x108;
	s8 =	sld [smem:$0x3FB3]  }
0x2e: {  	s3 =	simm.s32 @!p0 $0x1082;
	s9 =	sld [smem:$0x3FB4]  }
0x2f: {  	lr =	sadd.s32 s0, s3;
	s0 =	sld [smem:$0x3FAB]  }
0x30: {  	s3 =	sld [smem:$0x3FAE]  }
0x31: {  	[smem:$0x3FB7] =	sst s10  }
0x32: {  	s10 =	sld [smem:$0x3FB5];
	_ =	sdelay $0x3  }
0x33: {  	p0 =	seq.s32 s10, $0x1;
	s10 =	sld [smem:$0x3FB7];
	_ =	sdelay $0x3  }
0x34: {  	[smem:$0x3FB7] =	sst s10  }
0x35: {  	s10 =	sld [smem:$0x3FB6];
	_ =	sdelay $0x3  }
0x36: {  	p1 =	seq.s32 s10, $0x1;
	s10 =	sld [smem:$0x3FB7];
	_ =	sdelay $0x3  }
0x37: {  	[smem:$0x3FB7] =	sst s10  }
0x38: {  	s10 =	sld [smem:$0x3FB8]  }
0x39: {  	_ = 	snop;
	(pc) =	sbr.ind lr, $3  }
0x3a: {  	_ = 	snop  }
0x3b: {  	_ = 	snop  }
0x3c: {  	p2 =	seq.s32 s10, $0x1;
	s10 =	sld [smem:$0x3FB7]  }
0x3d: {  	_ =	shalt  }
0x3e: {  	_ =	shalt  }
0x3f: {  	_ =	shalt  }
0x40: {  	_ =	shalt  }
0x41: {  	_ =	shalt  }
0x42: {  	_ =	shalt  }
0x43: {  	_ =	shalt  }
0x44: {  	_ =	shalt  }
0x45: {  	_ =	shalt  }
0x46: {  	_ =	shalt  }
0x47: {  	_ =	shalt  }
0x48: {  	_ =	shalt  }
0x49: {  	_ =	shalt  }
0x4a: {  	_ =	shalt  }
0x4b: {  	_ =	shalt  }
0x4c: {  	_ =	shalt  }
0x4d: {  	_ =	shalt  }
0x4e: {  	_ =	shalt  }
0x4f: {  	_ =	shalt  }
0x50: {  	_ =	shalt  }
0x51: {  	_ =	shalt  }
0x52: {  	_ =	shalt  }
0x53: {  	_ =	shalt  }
0x54: {  	_ =	shalt  }
0x55: {  	_ =	shalt  }
0x56: {  	_ =	shalt  }
0x57: {  	_ =	shalt  }
0x58: {  	_ =	shalt  }
0x59: {  	_ =	shalt  }
0x5a: {  	_ =	shalt  }
0x5b: {  	_ =	shalt  }
0x5c: {  	_ =	shalt  }
0x5d: {  	_ =	shalt  }
0x5e: {  	_ =	shalt  }
0x5f: {  	_ =	shalt  }
0x60: {  	_ =	shalt  }
0x61: {  	_ =	shalt  }
0x62: {  	_ =	shalt  }
0x63: {  	_ =	shalt  }
0x64: {  	_ =	shalt  }
0x65: {  	_ =	shalt  }
0x66: {  	_ =	shalt  }
0x67: {  	_ =	shalt  }
0x68: {  	_ =	shalt  }
0x69: {  	_ =	shalt  }
0x6a: {  	_ =	shalt  }
0x6b: {  	_ =	shalt  }
0x6c: {  	_ =	shalt  }
0x6d: {  	_ =	shalt  }
0x6e: {  	_ =	shalt  }
0x6f: {  	_ =	shalt  }
0x70: {  	_ =	shalt  }
0x71: {  	_ =	shalt  }
0x72: {  	_ =	shalt  }
0x73: {  	_ =	shalt  }
0x74: {  	_ =	shalt  }
0x75: {  	_ =	shalt  }
0x76: {  	_ =	shalt  }
0x77: {  	_ =	shalt  }
0x78: {  	_ =	shalt  }
0x79: {  	_ =	shalt  }
0x7a: {  	_ =	shalt  }
0x7b: {  	_ =	shalt  }
0x7c: {  	_ =	shalt  }
0x7d: {  	_ =	shalt  }
0x7e: {  	_ =	shalt  }
0x7f: {  	_ =	shalt  }
0x80: {  	_ =	shalt  }
0x81: {  	_ =	shalt  }
0x82: {  	_ =	shalt  }
0x83: {  	_ =	shalt  }
0x84: {  	_ =	shalt  }
0x85: {  	_ =	shalt  }
0x86: {  	_ =	shalt  }
0x87: {  	_ =	shalt  }
.Lfunc_end0:
.L_simem_size_0:
called_computation_lowered:
.L_overlay_start_0:
0x88: {  	s2 =	sld [smem:$0x3FD9]  }
0x89: {  	s3 =	sld [smem:$0x3FFE];
	_ =	sdelay $0x1  }
0x8a: {  	s1 =	srdreg.scid  }
0x8b: {  	s0 =	sand.u32 $0x1, s1  }
0x8c: {  	s17 =	sshll.u32 s0, $0xA;
	s2 =	sadd.s32 s3, s2  }
0x8d: {  	s2 =	sadd.s32 s2, s17  }
0x8e: {  	[smem:$0x3FC3] =	sst s2  }
0x8f: {  	_ = 	snop  }
0x90: {  	s2 =	sld [smem:$0x3FC9]  }
0x91: {  	s18 =	sld [smem:$0x3FC8]  }
0x92: {  	s4 =	sld [smem:$0x3FC7]  }
0x93: {  	s5 =	sld [smem:$0x3FD0];
	(tm) =	ssettm $0x1  }
0x94: {  	s6 =	sld [smem:$0x3FFB];
	_ =	sdelay $0x3  }
0x95: {  	_ =	strace s6  }
0x96: {  	s6 =	sld [smem:$0x3FFC];
	_ =	sdelay $0x3  }
0x97: {  	_ =	strace s6  }
0x98: {  	s6 =	sld [smem:$0x3FFD];
	_ =	sdelay $0x3  }
0x99: {  	_ =	strace s6  }
0x9a: {  	_ =	strace $0x8FFFFFFF  }
0x9b: {  	s19 =	sld [smem:$0x3FDB];
	_ =	sdelay $0x1  }
0x9c: {  	s7 =	simm.s32 $_scs_section_size  }
0x9d: {  	s8 =	simm.s32 $_size__tile_overlayer_lowered;
	s9 =	simm.s32 $_tile_overlayer_lowered  }
0x9e: {  	s22 =	simm.s32 $0x1BFF;
	s21 =	sshll.u32 s9, $0x1;
	s6 =	sadd.s32 s7, s19  }
0x9f: {  	s10 =	simm.s32 $0x0;
	s20 =	sshll.u32 s8, $0x1;
	s8 =	sadd.s32 s21, s6  }
0xa0: {  	[timem:s10], [sflag:s22] =	dma.local [hbm:s8], s20  }
0xa1: {  	_ =	swait.ge [sflag:s22], s20  }
0xa2: {  	s7 =	ssub.s32 $0x0, s20;
	[sflag:s22] =	ssyncset.done $0x0  }
0xa3: {  	[sflag:s22] =	ssyncadd.s32 s7;
	_ =	sdelay $0x1  }
0xa4: {  	s23 =	simm.s32 $0x1B8B  }
0xa5: {  	_ =	swait.ge [sflag:s23], $0x1  }
0xa6: {  	[sflag:s23] =	ssyncset.done $0x0  }
0xa7: {  	s25 =	simm.s32 $0x1B8E;
	s24 =	sld [smem:$0x3FFE];
	[sflag:s23] =	ssyncadd.s32 $0xFFFFFFFF  }
0xa8: {  	s26 =	simm.s32 $execute0_lowered;
	[smem:$0x3FD2] =	sst s25  }
0xa9: {  	s8 =	sshll.u32 s26, $0x1;
	_ =	strace $0x80000046;
	[dreg:$0x1] =	wrdreg $0xFFFFFFFF  }
0xaa: {  	s28 =	simm.s32 $_size_execute0_lowered;
	s6 =	sadd.s32 s6, s8;
	[dreg:$0x0] =	wrdreg $0x0  }
0xab: {  	s8 =	sshll.u32 s28, $0x1;
	[dreg:$0x2] =	wrdreg s6  }
0xac: {  	[dreg:$0x3] =	wrdreg s8  }
0xad: {  	[dreg:$0x4] =	wrdreg $0xC0  }
0xae: {  	_ =	task [dreg:s10], $0x5FFFF  }
0xaf: {  	[dreg:$0x1] =	wrdreg $0xFFFFFFFF  }
0xb0: {  	[dreg:$0x0] =	wrdreg $0x60  }
0xb1: {  	[dreg:$0x2] =	wrdreg s2  }
0xb2: {  	[dreg:$0x3] =	wrdreg s18  }
0xb3: {  	[dreg:$0x4] =	wrdreg s4  }
0xb4: {  	[dreg:$0x5] =	wrdreg s24  }
0xb5: {  	[dreg:$0x6] =	wrdreg s5  }
0xb6: {  	[dreg:$0x7] =	wrdreg $0x9  }
0xb7: {  	_ =	task.clear_ibuf [dreg:s10], $0x8FFFF;
	_ =	strace $0x90000046  }
0xb8: {  	s29 =	simm.s32 $0x9;
	_ =	strace $0x80000048  }
0xb9: {  	_ =	swait.ge [sflag:s29], $0x1  }
0xba: {  	[sflag:s29] =	ssyncadd.s32 $0xFFFFFFFF  }
0xbb: {  	_ =	strace $0x90000048  }
0xbc: {  	_ =	sfence  }
0xbd: {  	s30 =	sld [smem:$0x0];
	_ =	sdelay $0x2  }
0xbe: {  	s31 =	sshll.u32 s1, $0xD;
	s1 =	sshrl.u32 s1, $0x2  }
0xbf: {  	s3 =	sand.u32 $0x4000, s31;
	s1 =	sadd.s32 s1, s30  }
0xc0: {  	s0 =	sor.u32 s3, s0;
	s1 =	sshll.u32 s1, $0x11  }
0xc1: {  	s0 =	sor.u32 s1, s0  }
0xc2: {  	s0 =	sadd.s32 $0x8F2B, s0  }
0xc3: {  	[sflag:s0] =	ssyncadd.remote.s32 $0x1  }
0xc4: {  	_ =	sfence.sel $0xFFFF  }
0xc5: {  	[dreg:$0x0] =	wrdreg $0xFFFFFFFF;
	(pc) =	sbr.abs _section_cstart, $3  }
0xc6: {  	[dreg:$0x1] =	wrdreg $0xFFFFFFFF  }
0xc7: {  	_ =	task.clear_ibuf [dreg:s10], $0x2FFFF;
	_ =	strace $0x9FFFFFFF  }
0xc8: {  	(tm) =	ssettm $0x7FFFFFFF  }
0xc9: {  	_ =	shalt  }
tec
execute0_lowered:
.L_overlay_start_1:
0x0: {  	(tag) =	ssettag $0x1  }
0x1: {  	s0 =	rddreg [dreg:$0x0]  }
0x2: {  	s2 =	rddreg [dreg:$0x1]  }
0x3: {  	s7 =	rddreg [dreg:$0x2]  }
0x4: {  	s4 =	rddreg [dreg:$0x3]  }
0x5: {  	s8 =	rddreg [dreg:$0x4];
	s1 =	simm.s32 $0x0;
	s5 =	srdreg.scid  }
0x6: {  	s9 =	stileid.u32;
	s12 =	simm.s32 $0x1;
	s13 =	simm.s32 $0x2000  }
0x7: {  	s19 =	simm.s32 $0x14600;
	s20 =	simm.s32 $0x2;
	s21 =	simm.s32 $0x2600  }
0x8: {  	s22 =	simm.s32 $0xE600;
	s23 =	simm.s32 $0x6600;
	s24 =	simm.s32 $0x12600  }
0x9: {  	s25 =	simm.s32 $0xA600;
	s26 =	simm.s32 $0x16600;
	s28 =	simm.s32 $0x3  }
0xa: {  	s30 =	simm.s32 $0x4;
	s31 =	simm.s32 $0x0;
	[smem:$0x7FF] =	sst s1  }
0xb: {  	s3 =	sadd.s32 $0x200, s4;
	s5 =	sand.u32 $0x1, s5;
	s9 =	sshll.u32 s9, $0x7  }
0xc: {  	s4 =	sadd.s32 $0x7A1400, s4;
	s6 =	ssub.s32 $0x2, s5;
	s5 =	sshll.u32 s5, $0x6  }
0xd: {  	_ =	strace $0x80000047;
	s10 =	sshrl.u32 s6, $0x1;
	s9 =	sor.u32 s5, s9  }
0xe: {  	s10 =	ssub.s32 s6, s10;
	s5 =	sadd.s32 s0, s9;
	s6 =	sadd.s32 s2, s9  }
0xf: {  	s7 =	sadd.s32 s7, s9;
	s8 =	sadd.s32 s8, s9;
	s9 =	smax.u32 s10, $0x1  }
.LBB2_1:
0x10: {  	[tilespmem:s1], [sflag:$0x1] =	stream.linear.gather [hbm4b:s5+s1], $0x200, $0x38;
	[tilespmem:$0x18800] =	vst v63  }
0x11: {  	s0 =	simm.s32 $0x200  }
0x12: {  	[tilespmem:s0], [sflag:$0x1] =	stream.linear.gather [hbm4b:s6+s1], $0x200, $0x38;
	[tilespmem:$0x18800] =	vst v63  }
0x13: {  	s29 =	simm.s32 $0x400  }
0x14: {  	[tilespmem:s29], [sflag:$0x1] =	stream.linear.gather [hbm4b:s7+s1], $0x200, $0x38;
	[tilespmem:$0x18800] =	vst v63  }
0x15: {  	_ =	swait.ge [sflag:s12], $0x200  }
0x16: {  	[sflag:s12] =	ssyncset.done $0x0  }
0x17: {  	[sflag:s12] =	ssyncadd.s32 $0xFFFFFE00  }
0x18: {  	_ =	swait.ge [sflag:s12], $0x200  }
0x19: {  	[sflag:s12] =	ssyncset.done $0x0  }
0x1a: {  	[sflag:s12] =	ssyncadd.s32 $0xFFFFFE00  }
0x1b: {  	_ =	swait.ge [sflag:s12], $0x200  }
0x1c: {  	s2 =	simm.s32 $0x4600;
	s10 =	simm.s32 $0x600;
	[sflag:s12] =	ssyncset.done $0x0  }
0x1d: {  	s11 =	simm.s32 $0x0;
	s0 =	simm.s32 $0x8600;
	[sflag:s12] =	ssyncadd.s32 $0xFFFFFE00  }
.LBB2_2:
0x1e: {  	s14 =	sshll.u32 s11, $0x4  }
0x1f: {  	v0 =	vld [tilespmem:s14+$0x0]  }
0x20: {  	v1 =	vld [tilespmem:s14+$0x200]  }
0x21: {  	v2 =	vld [tilespmem:s14+$0x400];
	_ =	sdelay $0x1  }
0x22: {  	s14 =	simm.s32 $0x0  }
0x23: {  	v3 =	vadd.s32 s14, v0  }
0x24: {  	[tilespmem:s10+$0x0] =	vst v3;
	v3 =	vadd.s32 s14, v1  }
0x25: {  	s29 =	simm.s32 $0xF4240;
	[tilespmem:s2+$0x0] =	vst v3;
	v3 =	vadd.s32 s14, v2  }
0x26: {  	s15 =	smov.u32 s10;
	s16 =	smov.u32 s2;
	s17 =	smov.u32 s0;
	[tilespmem:s0+$0x0] =	vst v3  }
.LBB2_3:
0x27: {  	p0 =	sne.s32 s29, $0x3C14DC0  }
.Ltmp0:
0x28: {  	_ = 	snop;
	(pc) =	sbr.rel @p0 .LBB2_3-.Ltmp0, $4  }
0x29: {  	v3 =	vadd.s32 s29, v0;
	s15 =	sadd.s32 $0x80, s15  }
0x2a: {  	s14 =	sadd.s32 $0x3E8, s14;
	s16 =	sadd.s32 $0x80, s16;
	[tilespmem:s15+$0x0] =	vst v3;
	v3 =	vadd.s32 s29, v1  }
0x2b: {  	s17 =	sadd.s32 $0x80, s17;
	[tilespmem:s16+$0x0] =	vst v3;
	v3 =	vadd.s32 s14, v2  }
0x2c: {  	s29 =	sadd.s32 $0xF4240, s29;
	[tilespmem:s17+$0x0] =	vst v3  }
0x2d: {  	s11 =	sadd.s32 $0x1, s11  }
0x2e: {  	p0 =	sne.s32 s11, $0x8  }
.Ltmp1:
0x2f: {  	_ = 	snop;
	(pc) =	sbr.rel @p0 .LBB2_2-.Ltmp1, $2  }
0x30: {  	_ =	sdelay $0x2  }
0x31: {  	s10 =	sadd.s32 $0x10, s10;
	s2 =	sadd.s32 $0x10, s2;
	s0 =	sadd.s32 $0x10, s0  }
0x32: {  	s0 =	simm.s32 $0x600  }
0x33: {  	s2 =	simm.s32 $0xC600;
	s17 =	simm.s32 $0x4600;
	s18 =	simm.s32 $0x10600  }
0x34: {  	[tilespmem:s2], [sflag:$0x2] =	stream.indirect.gather [hbm4b:s3+s13], $0x1, s0, s13, $0xb8;
	[tilespmem:$0x18800] =	vst v63  }
0x35: {  	s29 =	simm.s32 $0x8600;
	s15 =	simm.s32 $0x2600;
	s14 =	simm.s32 $0x0  }
0x36: {  	[tilespmem:s18], [sflag:$0x2] =	stream.indirect.gather [hbm4b:s3+s13], $0x1, s17, s13, $0xb8;
	[tilespmem:$0x18800] =	vst v63  }
0x37: {  	s0 =	simm.s32 $0x0;
	s18 =	simm.s32 $0xA600;
	s17 =	simm.s32 $0x6600  }
0x38: {  	[tilespmem:s19], [sflag:$0x2] =	stream.indirect.gather [hbm4b:s4+s13], $0x1, s29, s13, $0xb8;
	[tilespmem:$0x18800] =	vst v63  }
.LBB2_6:
0x39: {  	s2 =	sshll.u32 s14, $0x4  }
0x3a: {  	s10 =	sor.u32 $0x80, s2  }
0x3b: {  	v0 =	vld [tilespmem:s10+$0x0]  }
0x3c: {  	v1 =	vld [tilespmem:s2+$0x280]  }
0x3d: {  	v2 =	vld [tilespmem:s2+$0x480];
	_ =	sdelay $0x2  }
0x3e: {  	v3 =	vadd.s32 s0, v0  }
0x3f: {  	[tilespmem:s15+$0x0] =	vst v3;
	v3 =	vadd.s32 s0, v1  }
0x40: {  	s29 =	simm.s32 $0xF4240;
	s11 =	smov.u32 s15;
	[tilespmem:s17+$0x0] =	vst v3;
	v3 =	vadd.s32 s0, v2  }
0x41: {  	s16 =	simm.s32 $0x0;
	s2 =	smov.u32 s18;
	s10 =	smov.u32 s17;
	[tilespmem:s18+$0x0] =	vst v3  }
.LBB2_7:
0x42: {  	p0 =	sne.s32 s29, $0x3C14DC0  }
.Ltmp2:
0x43: {  	_ = 	snop;
	(pc) =	sbr.rel @p0 .LBB2_7-.Ltmp2, $4  }
0x44: {  	v3 =	vadd.s32 s29, v0;
	s11 =	sadd.s32 $0x80, s11  }
0x45: {  	s16 =	sadd.s32 $0x3E8, s16;
	s10 =	sadd.s32 $0x80, s10;
	[tilespmem:s11+$0x0] =	vst v3;
	v3 =	vadd.s32 s29, v1  }
0x46: {  	s2 =	sadd.s32 $0x80, s2;
	[tilespmem:s10+$0x0] =	vst v3;
	v3 =	vadd.s32 s16, v2  }
0x47: {  	s29 =	sadd.s32 $0xF4240, s29;
	[tilespmem:s2+$0x0] =	vst v3  }
0x48: {  	s14 =	sadd.s32 $0x1, s14  }
0x49: {  	p0 =	sne.s32 s14, $0x8  }
.Ltmp3:
0x4a: {  	_ = 	snop;
	(pc) =	sbr.rel @p0 .LBB2_6-.Ltmp3, $2  }
0x4b: {  	_ =	sdelay $0x2  }
0x4c: {  	s18 =	sadd.s32 $0x10, s18;
	s17 =	sadd.s32 $0x10, s17;
	s15 =	sadd.s32 $0x10, s15  }
0x4d: {  	_ =	swait.ge [sflag:s20], $0x2000  }
0x4e: {  	[sflag:s20] =	ssyncset.done $0x0  }
0x4f: {  	[sflag:s20] =	ssyncadd.s32 $0xFFFFE000  }
0x50: {  	_ =	swait.ge [sflag:s20], $0x2000  }
0x51: {  	[sflag:s20] =	ssyncset.done $0x0  }
0x52: {  	[sflag:s20] =	ssyncadd.s32 $0xFFFFE000  }
0x53: {  	_ =	swait.ge [sflag:s20], $0x2000  }
0x54: {  	[sflag:s20] =	ssyncset.done $0x0  }
0x55: {  	[sflag:s20] =	ssyncadd.s32 $0xFFFFE000  }
0x56: {  	[tilespmem:s22], [sflag:$0x3] =	stream.indirect.gather [hbm4b:s3+s13], $0x1, s21, s13, $0xb8;
	[tilespmem:$0x18800] =	vst v63  }
0x57: {  	s0 =	simm.s32 $0x0  }
0x58: {  	[tilespmem:s24], [sflag:$0x3] =	stream.indirect.gather [hbm4b:s3+s13], $0x1, s23, s13, $0xb8;
	[tilespmem:$0x18800] =	vst v63  }
0x59: {  	s2 =	simm.s32 $0xC800;
	s10 =	simm.s32 $0x10600;
	s11 =	simm.s32 $0x14600  }
0x5a: {  	[tilespmem:s26], [sflag:$0x3] =	stream.indirect.gather [hbm4b:s4+s13], $0x1, s25, s13, $0xb8;
	[tilespmem:$0x18800] =	vst v63  }
.LBB2_10:
0x5b: {  	v1 =	vmov s2;
	_ =	sdelay $0x3  }
0x5c: {  	s29 =	simm.s32 $0x0  }
0x5d: {  	v3 =	vld.idx.msk [tilespmem:v1+s29+$0x180 ss:$0x1], $0xffff  }
0x5e: {  	v5 =	vld.idx.msk [tilespmem:v1+s29+$0x100 ss:$0x1], $0xffff  }
0x5f: {  	v4 =	vld.idx.msk [tilespmem:v1+s29+$0x80 ss:$0x1], $0xffff  }
0x60: {  	v0 =	vmov s10;
	v6 =	vld.idx.msk [tilespmem:v1+s29+$0x0 ss:$0x1], $0xffff  }
0x61: {  	v2 =	vmov s11;
	v7 =	vld.idx.msk [tilespmem:v1+s29+$0xFFFFFF80 ss:$0x1], $0xffff  }
0x62: {  	v8 =	vld.idx.msk [tilespmem:v1+s29+$0xFFFFFF00 ss:$0x1], $0xffff  }
0x63: {  	v9 =	vld.idx.msk [tilespmem:v1+s29+$0xFFFFFE80 ss:$0x1], $0xffff  }
0x64: {  	v13 =	vld.idx.msk [tilespmem:v1+s29+$0xFFFFFE00 ss:$0x1], $0xffff  }
0x65: {  	v10 =	vimm.f32 $0.0e+00;
	s14 =	simm.s32 $0x1000;
	v11 =	vimm.f32 $0.0e+00;
	v12 =	vimm.f32 $0.0e+00;
	v14 =	vld.idx.msk [tilespmem:v0+s29+$0x0 ss:$0x1], $0xffff  }
.LBB2_11:
0x66: {  	p0 =	sne.s32 s14, $0x7000;
	v15 =	vld.idx.msk [tilespmem:v2+s29+$0x0 ss:$0x1], $0xffff  }
0x67: {  	v16 =	vld.idx.msk [tilespmem:v0+s29+$0x80 ss:$0x1], $0xffff  }
0x68: {  	v17 =	vld.idx.msk [tilespmem:v2+s29+$0x80 ss:$0x1], $0xffff  }
0x69: {  	v18 =	vld.idx.msk [tilespmem:v0+s29+$0x100 ss:$0x1], $0xffff  }
0x6a: {  	v19 =	vld.idx.msk [tilespmem:v2+s29+$0x100 ss:$0x1], $0xffff  }
0x6b: {  	v13 =	vmul.f32 v13, v13;
	v20 =	vld.idx.msk [tilespmem:v0+s29+$0x180 ss:$0x1], $0xffff  }
0x6c: {  	v14 =	vmul.f32 v14, v14;
	v15 =	vmul.f32 v15, v15;
	v21 =	vld.idx.msk [tilespmem:v2+s29+$0x180 ss:$0x1], $0xffff  }
0x6d: {  	v9 =	vmul.f32 v9, v9;
	v10 =	vadd.f32 v13, v10;
	v13 =	vmul.f32 v16, v16;
	v16 =	vld.idx.msk [tilespmem:v0+s29+$0x200 ss:$0x1], $0xffff  }
0x6e: {  	v11 =	vadd.f32 v14, v11;
	v12 =	vadd.f32 v15, v12;
	v14 =	vmul.f32 v17, v17;
	v15 =	vld.idx.msk [tilespmem:v2+s29+$0x200 ss:$0x1], $0xffff  }
0x6f: {  	v8 =	vmul.f32 v8, v8;
	v9 =	vadd.f32 v9, v10;
	v10 =	vmul.f32 v18, v18;
	v17 =	vld.idx.msk [tilespmem:v0+s29+$0x280 ss:$0x1], $0xffff  }
0x70: {  	v11 =	vadd.f32 v13, v11;
	v12 =	vadd.f32 v14, v12;
	v13 =	vmul.f32 v19, v19;
	v14 =	vld.idx.msk [tilespmem:v2+s29+$0x280 ss:$0x1], $0xffff  }
0x71: {  	v7 =	vmul.f32 v7, v7;
	v8 =	vadd.f32 v8, v9;
	v9 =	vmul.f32 v20, v20;
	v18 =	vld.idx.msk [tilespmem:v0+s29+$0x300 ss:$0x1], $0xffff  }
0x72: {  	v10 =	vadd.f32 v10, v11;
	v11 =	vadd.f32 v13, v12;
	v12 =	vmul.f32 v21, v21;
	v13 =	vld.idx.msk [tilespmem:v2+s29+$0x300 ss:$0x1], $0xffff  }
0x73: {  	v6 =	vmul.f32 v6, v6;
	v7 =	vadd.f32 v7, v8;
	v8 =	vmul.f32 v16, v16;
	v16 =	vld.idx.msk [tilespmem:v0+s29+$0x380 ss:$0x1], $0xffff  }
0x74: {  	v9 =	vadd.f32 v9, v10;
	v10 =	vadd.f32 v12, v11;
	v11 =	vmul.f32 v15, v15;
	v12 =	vld.idx.msk [tilespmem:v2+s29+$0x380 ss:$0x1], $0xffff;
	s29 =	sshra.s32 s14, $0x2  }
0x75: {  	v6 =	vadd.f32 v6, v7;
	v7 =	vmul.f32 v4, v4;
	v17 =	vmul.f32 v17, v17;
	v15 =	vld.idx.msk [tilespmem:v1+s29+$0x180 ss:$0x1], $0xffff  }
0x76: {  	v8 =	vadd.f32 v8, v9;
	v9 =	vadd.f32 v11, v10;
	v10 =	vmul.f32 v14, v14;
	v19 =	vld.idx.msk [tilespmem:v1+s29+$0x100 ss:$0x1], $0xffff  }
0x77: {  	v5 =	vmul.f32 v5, v5;
	v11 =	vadd.f32 v7, v6;
	v14 =	vmul.f32 v18, v18;
	v4 =	vld.idx.msk [tilespmem:v1+s29+$0x80 ss:$0x1], $0xffff  }
0x78: {  	v17 =	vadd.f32 v17, v8;
	v9 =	vadd.f32 v10, v9;
	v10 =	vmul.f32 v13, v13;
	v6 =	vld.idx.msk [tilespmem:v1+s29+$0x0 ss:$0x1], $0xffff  }
.Ltmp4:
0x79: {  	v18 =	vadd.f32 v5, v11;
	v13 =	vmul.f32 v3, v3;
	v11 =	vmul.f32 v16, v16;
	v7 =	vld.idx.msk [tilespmem:v1+s29+$0xFFFFFF80 ss:$0x1], $0xffff;
	(pc) =	sbr.rel @p0 .LBB2_11-.Ltmp4, $4  }
0x7a: {  	v14 =	vadd.f32 v14, v17;
	v16 =	vadd.f32 v10, v9;
	v12 =	vmul.f32 v12, v12;
	v8 =	vld.idx.msk [tilespmem:v1+s29+$0xFFFFFF00 ss:$0x1], $0xffff  }
0x7b: {  	v10 =	vadd.f32 v13, v18;
	v3 =	vmov v15;
	v9 =	vld.idx.msk [tilespmem:v1+s29+$0xFFFFFE80 ss:$0x1], $0xffff  }
0x7c: {  	v11 =	vadd.f32 v11, v14;
	v12 =	vadd.f32 v12, v16;
	v5 =	vmov v19;
	v13 =	vld.idx.msk [tilespmem:v1+s29+$0xFFFFFE00 ss:$0x1], $0xffff  }
0x7d: {  	s14 =	sadd.s32 $0x1000, s14;
	v14 =	vld.idx.msk [tilespmem:v0+s29+$0x0 ss:$0x1], $0xffff  }
0x7e: {  	_ =	sdelay $0x3  }
0x7f: {  	v15 =	vld.idx.msk [tilespmem:v2+s29+$0x0 ss:$0x1], $0xffff  }
0x80: {  	v16 =	vld.idx.msk [tilespmem:v0+s29+$0x80 ss:$0x1], $0xffff  }
0x81: {  	v17 =	vld.idx.msk [tilespmem:v2+s29+$0x80 ss:$0x1], $0xffff  }
0x82: {  	v18 =	vld.idx.msk [tilespmem:v0+s29+$0x100 ss:$0x1], $0xffff  }
0x83: {  	v19 =	vld.idx.msk [tilespmem:v2+s29+$0x100 ss:$0x1], $0xffff;
	v13 =	vmul.f32 v13, v13  }
0x84: {  	v20 =	vld.idx.msk [tilespmem:v0+s29+$0x180 ss:$0x1], $0xffff;
	v14 =	vmul.f32 v14, v14;
	v15 =	vmul.f32 v15, v15  }
0x85: {  	v21 =	vld.idx.msk [tilespmem:v2+s29+$0x180 ss:$0x1], $0xffff;
	v9 =	vmul.f32 v9, v9;
	v10 =	vadd.f32 v13, v10;
	v13 =	vmul.f32 v16, v16  }
0x86: {  	v16 =	vld.idx.msk [tilespmem:v0+s29+$0x200 ss:$0x1], $0xffff;
	v11 =	vadd.f32 v14, v11;
	v14 =	vmul.f32 v17, v17;
	v12 =	vadd.f32 v15, v12  }
0x87: {  	v8 =	vmul.f32 v8, v8;
	v15 =	vld.idx.msk [tilespmem:v2+s29+$0x200 ss:$0x1], $0xffff;
	v9 =	vadd.f32 v9, v10;
	v10 =	vmul.f32 v18, v18  }
0x88: {  	v11 =	vadd.f32 v13, v11;
	v13 =	vmul.f32 v19, v19;
	v12 =	vadd.f32 v14, v12  }
0x89: {  	v7 =	vmul.f32 v7, v7;
	v14 =	vld.idx.msk [tilespmem:v0+s29+$0x280 ss:$0x1], $0xffff;
	v8 =	vadd.f32 v8, v9;
	v9 =	vmul.f32 v20, v20  }
0x8a: {  	v17 =	vld.idx.msk [tilespmem:v2+s29+$0x280 ss:$0x1], $0xffff;
	v10 =	vadd.f32 v10, v11;
	v11 =	vadd.f32 v13, v12;
	v12 =	vmul.f32 v21, v21  }
0x8b: {  	v6 =	vmul.f32 v6, v6;
	v13 =	vld.idx.msk [tilespmem:v0+s29+$0x300 ss:$0x1], $0xffff;
	v7 =	vadd.f32 v7, v8;
	v8 =	vmul.f32 v16, v16  }
0x8c: {  	v16 =	vld.idx.msk [tilespmem:v2+s29+$0x300 ss:$0x1], $0xffff;
	v9 =	vadd.f32 v9, v10;
	v10 =	vadd.f32 v12, v11;
	v11 =	vmul.f32 v15, v15  }
0x8d: {  	v4 =	vmul.f32 v4, v4;
	v12 =	vld.idx.msk [tilespmem:v0+s29+$0x380 ss:$0x1], $0xffff;
	v6 =	vadd.f32 v6, v7  }
0x8e: {  	v7 =	vmul.f32 v14, v14;
	v8 =	vadd.f32 v8, v9;
	v9 =	vadd.f32 v11, v10;
	v10 =	vld.idx.msk [tilespmem:v2+s29+$0x380 ss:$0x1], $0xffff  }
0x8f: {  	v5 =	vmul.f32 v5, v5;
	v11 =	vmul.f32 v17, v17;
	v4 =	vadd.f32 v4, v6  }
0x90: {  	v3 =	vmul.f32 v3, v3;
	v6 =	vmul.f32 v13, v13;
	v7 =	vadd.f32 v7, v8  }
0x91: {  	v8 =	vadd.f32 v11, v9;
	v4 =	vadd.f32 v5, v4;
	v5 =	vmul.f32 v16, v16  }
0x92: {  	v9 =	vmul.f32 v12, v12;
	v6 =	vadd.f32 v6, v7  }
0x93: {  	v3 =	vadd.f32 v3, v4;
	v4 =	vadd.f32 v5, v8;
	v5 =	vmul.f32 v10, v10  }
0x94: {  	v6 =	vadd.f32 v9, v6  }
0x95: {  	v3 =	vmax.f32 v3, $1.000000020e-24;
	v4 =	vadd.f32 v5, v4  }
0x96: {  	v5 =	vshra.s32 v3, $0x1;
	v6 =	vmax.f32 v6, $1.000000020e-24;
	v3 =	vmul.f32 $5.000000000e-01, v3  }
0x97: {  	v7 =	vshra.s32 v6, $0x1;
	v6 =	vmul.f32 $5.000000000e-01, v6;
	v4 =	vmax.f32 v4, $1.000000020e-24  }
0x98: {  	v7 =	vsub.s32 $0x5F3759DF, v7;
	v8 =	vshra.s32 v4, $0x1;
	v4 =	vmul.f32 $5.000000000e-01, v4  }
0x99: {  	v5 =	vsub.s32 $0x5F3759DF, v5;
	v9 =	vmul.f32 v7, v6;
	v8 =	vsub.s32 $0x5F3759DF, v8  }
0x9a: {  	v10 =	vmul.f32 v5, v3;
	v11 =	vmul.f32 v8, v4  }
0x9b: {  	v9 =	vmul.f32 v7, v9  }
0x9c: {  	v10 =	vmul.f32 v5, v10;
	v11 =	vmul.f32 v8, v11  }
0x9d: {  	v9 =	vsub.f32 $1.500000000e+00, v9  }
0x9e: {  	v10 =	vsub.f32 $1.500000000e+00, v10;
	v11 =	vsub.f32 $1.500000000e+00, v11  }
0x9f: {  	v7 =	vmul.f32 v7, v9  }
0xa0: {  	v5 =	vmul.f32 v5, v10;
	v8 =	vmul.f32 v8, v11  }
0xa1: {  	v9 =	vmul.f32 v7, v6  }
0xa2: {  	v10 =	vmul.f32 v5, v3;
	v11 =	vmul.f32 v8, v4  }
0xa3: {  	s14 =	simm.s32 $0x0;
	v9 =	vmul.f32 v9, v7  }
0xa4: {  	v22 =	vld.idx.msk [tilespmem:v2+s14+$0x200 ss:$0x1], $0xffff;
	v10 =	vmul.f32 v10, v5;
	v11 =	vmul.f32 v11, v8  }
0xa5: {  	v23 =	vld.idx.msk [tilespmem:v2+s14+$0x280 ss:$0x1], $0xffff;
	v9 =	vsub.f32 $1.500000000e+00, v9  }
0xa6: {  	v18 =	vld.idx.msk [tilespmem:v2+s14+$0x0 ss:$0x1], $0xffff;
	v10 =	vsub.f32 $1.500000000e+00, v10;
	v11 =	vsub.f32 $1.500000000e+00, v11  }
0xa7: {  	v20 =	vld.idx.msk [tilespmem:v1+s14+$0xFFFFFE80 ss:$0x1], $0xffff;
	v7 =	vmul.f32 v9, v7  }
0xa8: {  	v15 =	vld.idx.msk [tilespmem:v0+s14+$0x80 ss:$0x1], $0xffff;
	v5 =	vmul.f32 v10, v5;
	v8 =	vmul.f32 v11, v8  }
0xa9: {  	v14 =	vld.idx.msk [tilespmem:v0+s14+$0x200 ss:$0x1], $0xffff;
	v6 =	vmul.f32 v7, v6  }
0xaa: {  	v17 =	vld.idx.msk [tilespmem:v1+s14+$0xFFFFFE00 ss:$0x1], $0xffff;
	v3 =	vmul.f32 v5, v3;
	v4 =	vmul.f32 v8, v4  }
0xab: {  	v12 =	vld.idx.msk [tilespmem:v0+s14+$0x280 ss:$0x1], $0xffff;
	v6 =	vmul.f32 v6, v7  }
0xac: {  	v9 =	vld.idx.msk [tilespmem:v0+s14+$0x180 ss:$0x1], $0xffff;
	v3 =	vmul.f32 v3, v5;
	v4 =	vmul.f32 v4, v8  }
0xad: {  	v16 =	vld.idx.msk [tilespmem:v0+s14+$0x0 ss:$0x1], $0xffff;
	v6 =	vsub.f32 $1.500000000e+00, v6  }
0xae: {  	v10 =	vld.idx.msk [tilespmem:v0+s14+$0x100 ss:$0x1], $0xffff;
	v19 =	vsub.f32 $1.500000000e+00, v3;
	v59 =	vsub.f32 $1.500000000e+00, v4  }
0xaf: {  	v11 =	vld.idx.msk [tilespmem:v1+s14+$0xFFFFFF80 ss:$0x1], $0xffff;
	v3 =	vmul.f32 v6, v7  }
0xb0: {  	v6 =	vld.idx.msk [tilespmem:v2+s14+$0x80 ss:$0x1], $0xffff;
	v4 =	vmul.f32 v19, v5;
	v5 =	vmul.f32 v59, v8  }
0xb1: {  	v7 =	vld.idx.msk [tilespmem:v1+s14+$0xFFFFFF00 ss:$0x1], $0xffff;
	v19 =	vmul.f32 v12, v3;
	v60 =	vmul.f32 v9, v3  }
0xb2: {  	v8 =	vld.idx.msk [tilespmem:v2+s14+$0x100 ss:$0x1], $0xffff;
	v14 =	vmul.f32 v14, v3;
	v9 =	vmul.f32 v17, v4  }
0xb3: {  	v12 =	vld.idx.msk [tilespmem:v2+s14+$0x180 ss:$0x1], $0xffff;
	v16 =	vmul.f32 v16, v3;
	v17 =	vmul.f32 v18, v5  }
0xb4: {  	v24 =	vld.idx.msk [tilespmem:v2+s14+$0x300 ss:$0x1], $0xffff;
	v10 =	vmul.f32 v10, v3;
	v15 =	vmul.f32 v15, v3  }
0xb5: {  	v18 =	vld.idx.msk [tilespmem:v1+s14+$0x0 ss:$0x1], $0xffff;
	v6 =	vmul.f32 v6, v5;
	v9 =	vadd.f32 v17, v9;
	v17 =	vmul.f32 v20, v4  }
0xb6: {  	v61 =	vld.idx.msk [tilespmem:v2+s14+$0x380 ss:$0x1], $0xffff;
	v11 =	vmul.f32 v11, v4;
	v7 =	vmul.f32 v7, v4  }
0xb7: {  	v20 =	vld.idx.msk [tilespmem:v1+s14+$0x80 ss:$0x1], $0xffff;
	v8 =	vmul.f32 v8, v5;
	v9 =	vsub.f32 v9, v16;
	v6 =	vadd.f32 v6, v17  }
0xb8: {  	v25 =	vld.idx.msk [tilespmem:v0+s14+$0x380 ss:$0x1], $0xffff;
	v23 =	vmul.f32 v23, v5;
	v12 =	vmul.f32 v12, v5;
	v17 =	vimm.f32 $0.0e+00  }
0xb9: {  	v16 =	vld.idx.msk [tilespmem:v1+s14+$0x100 ss:$0x1], $0xffff;
	v7 =	vadd.f32 v8, v7;
	v9 =	vand.u32 $0x7FFFFFFF, v9;
	v6 =	vsub.f32 v6, v15  }
0xba: {  	s29 =	simm.s32 $0x400;
	v13 =	vld.idx.msk [tilespmem:v0+s14+$0x300 ss:$0x1], $0xffff;
	v11 =	vadd.f32 v12, v11;
	v8 =	vadd.f32 v9, v17;
	v17 =	vmul.f32 v18, v4  }
0xbb: {  	v12 =	vld.idx.msk [tilespmem:v0+s29+$0x180 ss:$0x1], $0xffff;
	v18 =	vmul.f32 v22, v5;
	v10 =	vsub.f32 v7, v10;
	v6 =	vand.u32 $0x7FFFFFFF, v6  }
0xbc: {  	v62 =	vmul.f32 v61, v5;
	v15 =	vld.idx.msk [tilespmem:v1+s14+$0x180 ss:$0x1], $0xffff;
	v20 =	vmul.f32 v20, v4;
	v6 =	vadd.f32 v6, v8  }
0xbd: {  	v7 =	vld.idx.msk [tilespmem:v0+s29+$0x300 ss:$0x1], $0xffff;
	v11 =	vsub.f32 v11, v60;
	v10 =	vand.u32 $0x7FFFFFFF, v10;
	v17 =	vadd.f32 v18, v17  }
0xbe: {  	v9 =	vld.idx.msk [tilespmem:v0+s29+$0x280 ss:$0x1], $0xffff;
	v16 =	vmul.f32 v16, v4;
	v18 =	vmul.f32 v24, v5;
	v6 =	vadd.f32 v10, v6  }
0xbf: {  	v8 =	vld.idx.msk [tilespmem:v0+s29+$0x200 ss:$0x1], $0xffff;
	v11 =	vand.u32 $0x7FFFFFFF, v11;
	v14 =	vsub.f32 v17, v14;
	v17 =	vadd.f32 v23, v20  }
0xc0: {  	v20 =	vmul.f32 v13, v3;
	v10 =	vld.idx.msk [tilespmem:v0+s29+$0x100 ss:$0x1], $0xffff;
	v16 =	vadd.f32 v18, v16;
	v13 =	vadd.f32 v11, v6  }
0xc1: {  	v6 =	vld.idx.msk [tilespmem:v1+s29+$0xFFFFFF80 ss:$0x1], $0xffff;
	v14 =	vand.u32 $0x7FFFFFFF, v14;
	v17 =	vsub.f32 v17, v19;
	v19 =	vmul.f32 v15, v4  }
0xc2: {  	v11 =	vld.idx.msk [tilespmem:v0+s29+$0x80 ss:$0x1], $0xffff;
	v18 =	vsub.f32 v16, v20;
	v63 =	vadd.f32 v14, v13  }
0xc3: {  	v15 =	vmul.f32 v25, v3;
	v13 =	vld.idx.msk [tilespmem:v0+s29+$0x0 ss:$0x1], $0xffff;
	v17 =	vand.u32 $0x7FFFFFFF, v17;
	v16 =	vadd.f32 v62, v19  }
0xc4: {  	s14 =	simm.s32 $0x2000;
	v14 =	vld.idx.msk [tilespmem:v1+s29+$0xFFFFFE00 ss:$0x1], $0xffff;
	v17 =	vadd.f32 v17, v63  }
.LBB2_13:
0xc5: {  	p0 =	sne.s32 s14, $0x7000;
	v19 =	vld.idx.msk [tilespmem:v2+s29+$0x0 ss:$0x1], $0xffff;
	v18 =	vand.u32 $0x7FFFFFFF, v18;
	v15 =	vsub.f32 v16, v15  }
0xc6: {  	v16 =	vld.idx.msk [tilespmem:v1+s29+$0xFFFFFE80 ss:$0x1], $0xffff;
	v17 =	vadd.f32 v18, v17  }
0xc7: {  	v18 =	vld.idx.msk [tilespmem:v2+s29+$0x80 ss:$0x1], $0xffff;
	v15 =	vand.u32 $0x7FFFFFFF, v15  }
0xc8: {  	v20 =	vld.idx.msk [tilespmem:v1+s29+$0xFFFFFF00 ss:$0x1], $0xffff;
	v15 =	vadd.f32 v15, v17  }
0xc9: {  	v21 =	vmul.f32 v9, v3;
	v22 =	vmul.f32 v7, v3;
	v17 =	vld.idx.msk [tilespmem:v2+s29+$0x100 ss:$0x1], $0xffff  }
0xca: {  	v12 =	vmul.f32 v12, v3;
	v23 =	vmul.f32 v8, v3;
	v7 =	vld.idx.msk [tilespmem:v2+s29+$0x180 ss:$0x1], $0xffff  }
0xcb: {  	v8 =	vmul.f32 v14, v4;
	v9 =	vmul.f32 v19, v5;
	v14 =	vld.idx.msk [tilespmem:v1+s29+$0x0 ss:$0x1], $0xffff  }
0xcc: {  	v10 =	vmul.f32 v10, v3;
	v13 =	vmul.f32 v13, v3;
	v19 =	vld.idx.msk [tilespmem:v2+s29+$0x200 ss:$0x1], $0xffff  }
0xcd: {  	v8 =	vadd.f32 v9, v8;
	v9 =	vmul.f32 v16, v4;
	v16 =	vmul.f32 v18, v5;
	v18 =	vld.idx.msk [tilespmem:v1+s29+$0x80 ss:$0x1], $0xffff  }
0xce: {  	v11 =	vmul.f32 v11, v3;
	v20 =	vmul.f32 v20, v4;
	v24 =	vld.idx.msk [tilespmem:v2+s29+$0x280 ss:$0x1], $0xffff  }
0xcf: {  	v8 =	vsub.f32 v8, v13;
	v9 =	vadd.f32 v16, v9;
	v13 =	vmul.f32 v17, v5;
	v16 =	vld.idx.msk [tilespmem:v1+s29+$0x100 ss:$0x1], $0xffff  }
0xd0: {  	v6 =	vmul.f32 v6, v4;
	v7 =	vmul.f32 v7, v5;
	v17 =	vld.idx.msk [tilespmem:v2+s29+$0x300 ss:$0x1], $0xffff  }
0xd1: {  	v8 =	vand.u32 $0x7FFFFFFF, v8;
	v9 =	vsub.f32 v9, v11;
	v11 =	vadd.f32 v13, v20;
	v13 =	vld.idx.msk [tilespmem:v1+s29+$0x180 ss:$0x1], $0xffff  }
0xd2: {  	v14 =	vmul.f32 v14, v4;
	v8 =	vadd.f32 v8, v15;
	v15 =	vmul.f32 v19, v5;
	v19 =	vld.idx.msk [tilespmem:v2+s29+$0x380 ss:$0x1], $0xffff  }
0xd3: {  	v6 =	vadd.f32 v7, v6;
	v9 =	vand.u32 $0x7FFFFFFF, v9;
	v10 =	vsub.f32 v11, v10;
	v20 =	vld.idx.msk [tilespmem:v0+s29+$0x380 ss:$0x1], $0xffff;
	s29 =	sshra.s32 s14, $0x2  }
0xd4: {  	v18 =	vmul.f32 v18, v4;
	v11 =	vadd.f32 v9, v8;
	v24 =	vmul.f32 v24, v5;
	v7 =	vld.idx.msk [tilespmem:v0+s29+$0x300 ss:$0x1], $0xffff  }
0xd5: {  	v6 =	vsub.f32 v6, v12;
	v14 =	vadd.f32 v15, v14;
	v10 =	vand.u32 $0x7FFFFFFF, v10;
	v9 =	vld.idx.msk [tilespmem:v0+s29+$0x280 ss:$0x1], $0xffff  }
0xd6: {  	v15 =	vmul.f32 v16, v4;
	v11 =	vadd.f32 v10, v11;
	v16 =	vmul.f32 v17, v5;
	v8 =	vld.idx.msk [tilespmem:v0+s29+$0x200 ss:$0x1], $0xffff  }
0xd7: {  	v6 =	vand.u32 $0x7FFFFFFF, v6;
	v14 =	vsub.f32 v14, v23;
	v17 =	vadd.f32 v24, v18;
	v12 =	vld.idx.msk [tilespmem:v0+s29+$0x180 ss:$0x1], $0xffff  }
.Ltmp5:
0xd8: {  	v23 =	vmul.f32 v13, v4;
	v18 =	vadd.f32 v6, v11;
	v19 =	vmul.f32 v19, v5;
	v10 =	vld.idx.msk [tilespmem:v0+s29+$0x100 ss:$0x1], $0xffff;
	(pc) =	sbr.rel @p0 .LBB2_13-.Ltmp5, $4  }
0xd9: {  	v13 =	vand.u32 $0x7FFFFFFF, v14;
	v14 =	vsub.f32 v17, v21;
	v16 =	vadd.f32 v16, v15;
	v6 =	vld.idx.msk [tilespmem:v1+s29+$0xFFFFFF80 ss:$0x1], $0xffff  }
0xda: {  	v15 =	vmul.f32 v20, v3;
	v17 =	vadd.f32 v13, v18;
	v11 =	vld.idx.msk [tilespmem:v0+s29+$0x80 ss:$0x1], $0xffff  }
0xdb: {  	v20 =	vand.u32 $0x7FFFFFFF, v14;
	v18 =	vsub.f32 v16, v22;
	v16 =	vadd.f32 v19, v23;
	v13 =	vld.idx.msk [tilespmem:v0+s29+$0x0 ss:$0x1], $0xffff  }
0xdc: {  	s14 =	sadd.s32 $0x1000, s14;
	v17 =	vadd.f32 v20, v17;
	v14 =	vld.idx.msk [tilespmem:v1+s29+$0xFFFFFE00 ss:$0x1], $0xffff  }
0xdd: {  	_ =	sdelay $0x3  }
0xde: {  	v19 =	vld.idx.msk [tilespmem:v2+s29+$0x0 ss:$0x1], $0xffff  }
0xdf: {  	v20 =	vld.idx.msk [tilespmem:v1+s29+$0xFFFFFE80 ss:$0x1], $0xffff  }
0xe0: {  	v21 =	vld.idx.msk [tilespmem:v2+s29+$0x80 ss:$0x1], $0xffff  }
0xe1: {  	v22 =	vld.idx.msk [tilespmem:v1+s29+$0xFFFFFF00 ss:$0x1], $0xffff;
	v9 =	vmul.f32 v9, v3;
	v7 =	vmul.f32 v7, v3  }
0xe2: {  	v18 =	vand.u32 $0x7FFFFFFF, v18;
	v23 =	vld.idx.msk [tilespmem:v2+s29+$0x100 ss:$0x1], $0xffff;
	v12 =	vmul.f32 v12, v3;
	v8 =	vmul.f32 v8, v3  }
0xe3: {  	v15 =	vsub.f32 v16, v15;
	v37 =	vld.idx.msk [tilespmem:v2+s29+$0x180 ss:$0x1], $0xffff;
	v14 =	vmul.f32 v14, v4;
	v19 =	vmul.f32 v19, v5  }
0xe4: {  	v38 =	vld.idx.msk [tilespmem:v1+s29+$0x0 ss:$0x1], $0xffff;
	v10 =	vmul.f32 v10, v3;
	v17 =	vadd.f32 v18, v17;
	v13 =	vmul.f32 v13, v3  }
0xe5: {  	v24 =	vld.idx.msk [tilespmem:v2+s29+$0x200 ss:$0x1], $0xffff;
	v39 =	vmul.f32 v20, v4;
	v40 =	vmul.f32 v21, v5;
	v14 =	vadd.f32 v19, v14  }
0xe6: {  	v41 =	vld.idx.msk [tilespmem:v1+s29+$0x80 ss:$0x1], $0xffff;
	v15 =	vand.u32 $0x7FFFFFFF, v15;
	v11 =	vmul.f32 v11, v3;
	v22 =	vmul.f32 v22, v4  }
0xe7: {  	v42 =	vld.idx.msk [tilespmem:v2+s29+$0x280 ss:$0x1], $0xffff;
	v43 =	vmul.f32 v23, v5;
	v19 =	vadd.f32 v40, v39;
	v13 =	vsub.f32 v14, v13  }
0xe8: {  	v44 =	vld.idx.msk [tilespmem:v1+s29+$0x100 ss:$0x1], $0xffff;
	v6 =	vmul.f32 v6, v4;
	v15 =	vadd.f32 v15, v17;
	v16 =	vmul.f32 v37, v5  }
0xe9: {  	v45 =	vld.idx.msk [tilespmem:v2+s29+$0x300 ss:$0x1], $0xffff;
	v46 =	vadd.f32 v43, v22;
	v11 =	vsub.f32 v19, v11;
	v13 =	vand.u32 $0x7FFFFFFF, v13  }
0xea: {  	v47 =	vld.idx.msk [tilespmem:v1+s29+$0x180 ss:$0x1], $0xffff;
	v48 =	vmul.f32 v38, v4;
	v49 =	vmul.f32 v24, v5;
	v13 =	vadd.f32 v13, v15  }
0xeb: {  	v50 =	vld.idx.msk [tilespmem:v2+s29+$0x380 ss:$0x1], $0xffff;
	v6 =	vadd.f32 v16, v6;
	v10 =	vsub.f32 v46, v10;
	v11 =	vand.u32 $0x7FFFFFFF, v11  }
0xec: {  	v51 =	vmul.f32 v41, v4;
	v52 =	vadd.f32 v49, v48;
	v11 =	vadd.f32 v11, v13  }
0xed: {  	v0 =	vld.idx.msk [tilespmem:v0+s29+$0x380 ss:$0x1], $0xffff;
	v14 =	vmul.f32 v42, v5;
	v6 =	vsub.f32 v6, v12;
	v10 =	vand.u32 $0x7FFFFFFF, v10  }
0xee: {  	v53 =	vmul.f32 v44, v4;
	v54 =	vmul.f32 v45, v5;
	v10 =	vadd.f32 v10, v11  }
0xef: {  	v8 =	vsub.f32 v52, v8;
	v6 =	vand.u32 $0x7FFFFFFF, v6;
	v55 =	vadd.f32 v14, v51  }
0xf0: {  	v1 =	vmul.f32 v47, v4;
	v2 =	vmul.f32 v50, v5;
	v6 =	vadd.f32 v6, v10  }
0xf1: {  	v58 =	vadd.f32 v54, v53;
	v56 =	vand.u32 $0x7FFFFFFF, v8;
	v57 =	vsub.f32 v55, v9  }
0xf2: {  	v0 =	vmul.f32 v0, v3;
	v4 =	vadd.f32 v56, v6  }
0xf3: {  	v1 =	vadd.f32 v2, v1;
	v60 =	vsub.f32 v58, v7;
	v59 =	vand.u32 $0x7FFFFFFF, v57  }
0xf4: {  	s14 =	sshll.u32 s0, $0x4;
	s0 =	sadd.s32 $0x1, s0;
	v61 =	vadd.f32 v59, v4  }
0xf5: {  	p0 =	sne.s32 s0, $0x8;
	v0 =	vsub.f32 v1, v0;
	v62 =	vand.u32 $0x7FFFFFFF, v60  }
.Ltmp6:
0xf6: {  	v63 =	vadd.f32 v62, v61;
	(pc) =	sbr.rel @p0 .LBB2_10-.Ltmp6, $4  }
0xf7: {  	v0 =	vand.u32 $0x7FFFFFFF, v0  }
0xf8: {  	v0 =	vadd.f32 v0, v63  }
0xf9: {  	s14 =	sand.u32 $0x3FFFFFF0, s14  }
0xfa: {  	s2 =	sadd.s32 $0x10, s2;
	s10 =	sadd.s32 $0x10, s10;
	s11 =	sadd.s32 $0x10, s11;
	[tilespmem:s14+$0x18600] =	vst v0  }
0xfb: {  	s0 =	simm.s32 $0x0;
	s2 =	simm.s32 $0x600  }
0xfc: {  	s10 =	simm.s32 $0x4600;
	s11 =	simm.s32 $0x8600;
	s14 =	simm.s32 $0x0  }
.LBB2_16:
0xfd: {  	s15 =	sshll.u32 s14, $0x4  }
0xfe: {  	s16 =	sor.u32 $0x100, s15  }
0xff: {  	v0 =	vld [tilespmem:s16+$0x0]  }
0x100: {  	v1 =	vld [tilespmem:s15+$0x300]  }
0x101: {  	v2 =	vld [tilespmem:s15+$0x500];
	_ =	sdelay $0x2  }
0x102: {  	v3 =	vadd.s32 s0, v0  }
0x103: {  	[tilespmem:s2+$0x0] =	vst v3;
	v3 =	vadd.s32 s0, v1  }
0x104: {  	s29 =	simm.s32 $0xF4240;
	s17 =	smov.u32 s10;
	[tilespmem:s10+$0x0] =	vst v3;
	v3 =	vadd.s32 s0, v2  }
0x105: {  	s18 =	smov.u32 s11;
	s15 =	smov.u32 s2;
	s16 =	simm.s32 $0x0;
	[tilespmem:s11+$0x0] =	vst v3  }
.LBB2_17:
0x106: {  	p0 =	sne.s32 s29, $0x3C14DC0  }
.Ltmp7:
0x107: {  	_ = 	snop;
	(pc) =	sbr.rel @p0 .LBB2_17-.Ltmp7, $4  }
0x108: {  	v3 =	vadd.s32 s29, v0;
	s15 =	sadd.s32 $0x80, s15  }
0x109: {  	s16 =	sadd.s32 $0x3E8, s16;
	s17 =	sadd.s32 $0x80, s17;
	[tilespmem:s15+$0x0] =	vst v3;
	v3 =	vadd.s32 s29, v1  }
0x10a: {  	s18 =	sadd.s32 $0x80, s18;
	[tilespmem:s17+$0x0] =	vst v3;
	v3 =	vadd.s32 s16, v2  }
0x10b: {  	s29 =	sadd.s32 $0xF4240, s29;
	[tilespmem:s18+$0x0] =	vst v3  }
0x10c: {  	s14 =	sadd.s32 $0x1, s14  }
0x10d: {  	p0 =	sne.s32 s14, $0x8  }
.Ltmp8:
0x10e: {  	_ = 	snop;
	(pc) =	sbr.rel @p0 .LBB2_16-.Ltmp8, $2  }
0x10f: {  	_ =	sdelay $0x2  }
0x110: {  	s2 =	sadd.s32 $0x10, s2;
	s10 =	sadd.s32 $0x10, s10;
	s11 =	sadd.s32 $0x10, s11  }
0x111: {  	_ =	swait.ge [sflag:s28], $0x2000  }
0x112: {  	[sflag:s28] =	ssyncset.done $0x0  }
0x113: {  	[sflag:s28] =	ssyncadd.s32 $0xFFFFE000  }
0x114: {  	_ =	swait.ge [sflag:s28], $0x2000  }
0x115: {  	[sflag:s28] =	ssyncset.done $0x0  }
0x116: {  	[sflag:s28] =	ssyncadd.s32 $0xFFFFE000  }
0x117: {  	_ =	swait.ge [sflag:s28], $0x2000  }
0x118: {  	s0 =	simm.s32 $0x600;
	[sflag:s28] =	ssyncset.done $0x0  }
0x119: {  	s2 =	simm.s32 $0xC600;
	s17 =	simm.s32 $0x4600;
	[sflag:s28] =	ssyncadd.s32 $0xFFFFE000  }
0x11a: {  	[tilespmem:s2], [sflag:$0x2] =	stream.indirect.gather [hbm4b:s3+s13], $0x1, s0, s13, $0xb8;
	[tilespmem:$0x18800] =	vst v63  }
0x11b: {  	s18 =	simm.s32 $0x10600;
	s29 =	simm.s32 $0x8600;
	s10 =	simm.s32 $0x12600  }
0x11c: {  	[tilespmem:s18], [sflag:$0x2] =	stream.indirect.gather [hbm4b:s3+s13], $0x1, s17, s13, $0xb8;
	[tilespmem:$0x18800] =	vst v63  }
0x11d: {  	s11 =	simm.s32 $0x16600;
	s0 =	simm.s32 $0x0;
	s2 =	simm.s32 $0xE980  }
0x11e: {  	[tilespmem:s19], [sflag:$0x2] =	stream.indirect.gather [hbm4b:s4+s13], $0x1, s29, s13, $0xb8;
	[tilespmem:$0x18800] =	vst v63  }
.LBB2_20:
0x11f: {  	v1 =	vmov s2;
	_ =	sdelay $0x3  }
0x120: {  	s29 =	simm.s32 $0x0  }
0x121: {  	v3 =	vld.idx.msk [tilespmem:v1+s29+$0x0 ss:$0x1], $0xffff  }
0x122: {  	v5 =	vld.idx.msk [tilespmem:v1+s29+$0xFFFFFF80 ss:$0x1], $0xffff  }
0x123: {  	v4 =	vld.idx.msk [tilespmem:v1+s29+$0xFFFFFF00 ss:$0x1], $0xffff  }
0x124: {  	v0 =	vmov s10;
	v6 =	vld.idx.msk [tilespmem:v1+s29+$0xFFFFFE80 ss:$0x1], $0xffff  }
0x125: {  	v2 =	vmov s11;
	v7 =	vld.idx.msk [tilespmem:v1+s29+$0xFFFFFE00 ss:$0x1], $0xffff  }
0x126: {  	v8 =	vld.idx.msk [tilespmem:v1+s29+$0xFFFFFD80 ss:$0x1], $0xffff  }
0x127: {  	v9 =	vld.idx.msk [tilespmem:v1+s29+$0xFFFFFD00 ss:$0x1], $0xffff  }
0x128: {  	v13 =	vld.idx.msk [tilespmem:v1+s29+$0xFFFFFC80 ss:$0x1], $0xffff  }
0x129: {  	v10 =	vimm.f32 $0.0e+00;
	s14 =	simm.s32 $0x1000;
	v11 =	vimm.f32 $0.0e+00;
	v12 =	vimm.f32 $0.0e+00;
	v14 =	vld.idx.msk [tilespmem:v0+s29+$0x0 ss:$0x1], $0xffff  }
.LBB2_21:
0x12a: {  	p0 =	sne.s32 s14, $0x7000;
	v15 =	vld.idx.msk [tilespmem:v2+s29+$0x0 ss:$0x1], $0xffff  }
0x12b: {  	v16 =	vld.idx.msk [tilespmem:v0+s29+$0x80 ss:$0x1], $0xffff  }
0x12c: {  	v17 =	vld.idx.msk [tilespmem:v2+s29+$0x80 ss:$0x1], $0xffff  }
0x12d: {  	v18 =	vld.idx.msk [tilespmem:v0+s29+$0x100 ss:$0x1], $0xffff  }
0x12e: {  	v19 =	vld.idx.msk [tilespmem:v2+s29+$0x100 ss:$0x1], $0xffff  }
0x12f: {  	v13 =	vmul.f32 v13, v13;
	v20 =	vld.idx.msk [tilespmem:v0+s29+$0x180 ss:$0x1], $0xffff  }
0x130: {  	v14 =	vmul.f32 v14, v14;
	v15 =	vmul.f32 v15, v15;
	v21 =	vld.idx.msk [tilespmem:v2+s29+$0x180 ss:$0x1], $0xffff  }
0x131: {  	v9 =	vmul.f32 v9, v9;
	v10 =	vadd.f32 v13, v10;
	v13 =	vmul.f32 v16, v16;
	v16 =	vld.idx.msk [tilespmem:v0+s29+$0x200 ss:$0x1], $0xffff  }
0x132: {  	v11 =	vadd.f32 v14, v11;
	v12 =	vadd.f32 v15, v12;
	v14 =	vmul.f32 v17, v17;
	v15 =	vld.idx.msk [tilespmem:v2+s29+$0x200 ss:$0x1], $0xffff  }
0x133: {  	v8 =	vmul.f32 v8, v8;
	v9 =	vadd.f32 v9, v10;
	v10 =	vmul.f32 v18, v18;
	v17 =	vld.idx.msk [tilespmem:v0+s29+$0x280 ss:$0x1], $0xffff  }
0x134: {  	v11 =	vadd.f32 v13, v11;
	v12 =	vadd.f32 v14, v12;
	v13 =	vmul.f32 v19, v19;
	v14 =	vld.idx.msk [tilespmem:v2+s29+$0x280 ss:$0x1], $0xffff  }
0x135: {  	v7 =	vmul.f32 v7, v7;
	v8 =	vadd.f32 v8, v9;
	v9 =	vmul.f32 v20, v20;
	v18 =	vld.idx.msk [tilespmem:v0+s29+$0x300 ss:$0x1], $0xffff  }
0x136: {  	v10 =	vadd.f32 v10, v11;
	v11 =	vadd.f32 v13, v12;
	v12 =	vmul.f32 v21, v21;
	v13 =	vld.idx.msk [tilespmem:v2+s29+$0x300 ss:$0x1], $0xffff  }
0x137: {  	v6 =	vmul.f32 v6, v6;
	v7 =	vadd.f32 v7, v8;
	v8 =	vmul.f32 v16, v16;
	v16 =	vld.idx.msk [tilespmem:v0+s29+$0x380 ss:$0x1], $0xffff  }
0x138: {  	v9 =	vadd.f32 v9, v10;
	v10 =	vadd.f32 v12, v11;
	v11 =	vmul.f32 v15, v15;
	v12 =	vld.idx.msk [tilespmem:v2+s29+$0x380 ss:$0x1], $0xffff;
	s29 =	sshra.s32 s14, $0x2  }
0x139: {  	v6 =	vadd.f32 v6, v7;
	v7 =	vmul.f32 v4, v4;
	v17 =	vmul.f32 v17, v17;
	v15 =	vld.idx.msk [tilespmem:v1+s29+$0x0 ss:$0x1], $0xffff  }
0x13a: {  	v8 =	vadd.f32 v8, v9;
	v9 =	vadd.f32 v11, v10;
	v10 =	vmul.f32 v14, v14;
	v19 =	vld.idx.msk [tilespmem:v1+s29+$0xFFFFFF80 ss:$0x1], $0xffff  }
0x13b: {  	v5 =	vmul.f32 v5, v5;
	v11 =	vadd.f32 v7, v6;
	v14 =	vmul.f32 v18, v18;
	v4 =	vld.idx.msk [tilespmem:v1+s29+$0xFFFFFF00 ss:$0x1], $0xffff  }
0x13c: {  	v17 =	vadd.f32 v17, v8;
	v9 =	vadd.f32 v10, v9;
	v10 =	vmul.f32 v13, v13;
	v6 =	vld.idx.msk [tilespmem:v1+s29+$0xFFFFFE80 ss:$0x1], $0xffff  }
.Ltmp9:
0x13d: {  	v18 =	vadd.f32 v5, v11;
	v13 =	vmul.f32 v3, v3;
	v11 =	vmul.f32 v16, v16;
	v7 =	vld.idx.msk [tilespmem:v1+s29+$0xFFFFFE00 ss:$0x1], $0xffff;
	(pc) =	sbr.rel @p0 .LBB2_21-.Ltmp9, $4  }
0x13e: {  	v14 =	vadd.f32 v14, v17;
	v16 =	vadd.f32 v10, v9;
	v12 =	vmul.f32 v12, v12;
	v8 =	vld.idx.msk [tilespmem:v1+s29+$0xFFFFFD80 ss:$0x1], $0xffff  }
0x13f: {  	v10 =	vadd.f32 v13, v18;
	v3 =	vmov v15;
	v9 =	vld.idx.msk [tilespmem:v1+s29+$0xFFFFFD00 ss:$0x1], $0xffff  }
0x140: {  	v11 =	vadd.f32 v11, v14;
	v12 =	vadd.f32 v12, v16;
	v5 =	vmov v19;
	v13 =	vld.idx.msk [tilespmem:v1+s29+$0xFFFFFC80 ss:$0x1], $0xffff  }
0x141: {  	s14 =	sadd.s32 $0x1000, s14;
	v14 =	vld.idx.msk [tilespmem:v0+s29+$0x0 ss:$0x1], $0xffff  }
0x142: {  	_ =	sdelay $0x3  }
0x143: {  	v15 =	vld.idx.msk [tilespmem:v2+s29+$0x0 ss:$0x1], $0xffff  }
0x144: {  	v16 =	vld.idx.msk [tilespmem:v0+s29+$0x80 ss:$0x1], $0xffff  }
0x145: {  	v17 =	vld.idx.msk [tilespmem:v2+s29+$0x80 ss:$0x1], $0xffff  }
0x146: {  	v18 =	vld.idx.msk [tilespmem:v0+s29+$0x100 ss:$0x1], $0xffff  }
0x147: {  	v19 =	vld.idx.msk [tilespmem:v2+s29+$0x100 ss:$0x1], $0xffff;
	v13 =	vmul.f32 v13, v13  }
0x148: {  	v20 =	vld.idx.msk [tilespmem:v0+s29+$0x180 ss:$0x1], $0xffff;
	v14 =	vmul.f32 v14, v14;
	v15 =	vmul.f32 v15, v15  }
0x149: {  	v21 =	vld.idx.msk [tilespmem:v2+s29+$0x180 ss:$0x1], $0xffff;
	v9 =	vmul.f32 v9, v9;
	v10 =	vadd.f32 v13, v10;
	v13 =	vmul.f32 v16, v16  }
0x14a: {  	v16 =	vld.idx.msk [tilespmem:v0+s29+$0x200 ss:$0x1], $0xffff;
	v11 =	vadd.f32 v14, v11;
	v14 =	vmul.f32 v17, v17;
	v12 =	vadd.f32 v15, v12  }
0x14b: {  	v8 =	vmul.f32 v8, v8;
	v15 =	vld.idx.msk [tilespmem:v2+s29+$0x200 ss:$0x1], $0xffff;
	v9 =	vadd.f32 v9, v10;
	v10 =	vmul.f32 v18, v18  }
0x14c: {  	v11 =	vadd.f32 v13, v11;
	v13 =	vmul.f32 v19, v19;
	v12 =	vadd.f32 v14, v12  }
0x14d: {  	v7 =	vmul.f32 v7, v7;
	v14 =	vld.idx.msk [tilespmem:v0+s29+$0x280 ss:$0x1], $0xffff;
	v8 =	vadd.f32 v8, v9;
	v9 =	vmul.f32 v20, v20  }
0x14e: {  	v17 =	vld.idx.msk [tilespmem:v2+s29+$0x280 ss:$0x1], $0xffff;
	v10 =	vadd.f32 v10, v11;
	v11 =	vadd.f32 v13, v12;
	v12 =	vmul.f32 v21, v21  }
0x14f: {  	v6 =	vmul.f32 v6, v6;
	v13 =	vld.idx.msk [tilespmem:v0+s29+$0x300 ss:$0x1], $0xffff;
	v7 =	vadd.f32 v7, v8;
	v8 =	vmul.f32 v16, v16  }
0x150: {  	v16 =	vld.idx.msk [tilespmem:v2+s29+$0x300 ss:$0x1], $0xffff;
	v9 =	vadd.f32 v9, v10;
	v10 =	vadd.f32 v12, v11;
	v11 =	vmul.f32 v15, v15  }
0x151: {  	v4 =	vmul.f32 v4, v4;
	v12 =	vld.idx.msk [tilespmem:v0+s29+$0x380 ss:$0x1], $0xffff;
	v6 =	vadd.f32 v6, v7  }
0x152: {  	v7 =	vmul.f32 v14, v14;
	v8 =	vadd.f32 v8, v9;
	v9 =	vadd.f32 v11, v10;
	v10 =	vld.idx.msk [tilespmem:v2+s29+$0x380 ss:$0x1], $0xffff  }
0x153: {  	v5 =	vmul.f32 v5, v5;
	v11 =	vmul.f32 v17, v17;
	v4 =	vadd.f32 v4, v6  }
0x154: {  	v3 =	vmul.f32 v3, v3;
	v6 =	vmul.f32 v13, v13;
	v7 =	vadd.f32 v7, v8  }
0x155: {  	v8 =	vadd.f32 v11, v9;
	v4 =	vadd.f32 v5, v4;
	v5 =	vmul.f32 v16, v16  }
0x156: {  	v9 =	vmul.f32 v12, v12;
	v6 =	vadd.f32 v6, v7  }
0x157: {  	v3 =	vadd.f32 v3, v4;
	v4 =	vadd.f32 v5, v8;
	v5 =	vmul.f32 v10, v10  }
0x158: {  	v6 =	vadd.f32 v9, v6  }
0x159: {  	v3 =	vmax.f32 v3, $1.000000020e-24;
	v4 =	vadd.f32 v5, v4  }
0x15a: {  	v5 =	vshra.s32 v3, $0x1;
	v6 =	vmax.f32 v6, $1.000000020e-24;
	v3 =	vmul.f32 $5.000000000e-01, v3  }
0x15b: {  	v7 =	vshra.s32 v6, $0x1;
	v6 =	vmul.f32 $5.000000000e-01, v6;
	v4 =	vmax.f32 v4, $1.000000020e-24  }
0x15c: {  	v7 =	vsub.s32 $0x5F3759DF, v7;
	v8 =	vshra.s32 v4, $0x1;
	v4 =	vmul.f32 $5.000000000e-01, v4  }
0x15d: {  	v5 =	vsub.s32 $0x5F3759DF, v5;
	v9 =	vmul.f32 v7, v6;
	v8 =	vsub.s32 $0x5F3759DF, v8  }
0x15e: {  	v10 =	vmul.f32 v5, v3;
	v11 =	vmul.f32 v8, v4  }
0x15f: {  	v9 =	vmul.f32 v7, v9  }
0x160: {  	v10 =	vmul.f32 v5, v10;
	v11 =	vmul.f32 v8, v11  }
0x161: {  	v9 =	vsub.f32 $1.500000000e+00, v9  }
0x162: {  	v10 =	vsub.f32 $1.500000000e+00, v10;
	v11 =	vsub.f32 $1.500000000e+00, v11  }
0x163: {  	v7 =	vmul.f32 v7, v9  }
0x164: {  	v5 =	vmul.f32 v5, v10;
	v8 =	vmul.f32 v8, v11  }
0x165: {  	v9 =	vmul.f32 v7, v6  }
0x166: {  	v10 =	vmul.f32 v5, v3;
	v11 =	vmul.f32 v8, v4  }
0x167: {  	s14 =	simm.s32 $0x0;
	v9 =	vmul.f32 v9, v7  }
0x168: {  	v22 =	vld.idx.msk [tilespmem:v2+s14+$0x200 ss:$0x1], $0xffff;
	v10 =	vmul.f32 v10, v5;
	v11 =	vmul.f32 v11, v8  }
0x169: {  	v23 =	vld.idx.msk [tilespmem:v2+s14+$0x280 ss:$0x1], $0xffff;
	v9 =	vsub.f32 $1.500000000e+00, v9  }
0x16a: {  	v18 =	vld.idx.msk [tilespmem:v2+s14+$0x0 ss:$0x1], $0xffff;
	v10 =	vsub.f32 $1.500000000e+00, v10;
	v11 =	vsub.f32 $1.500000000e+00, v11  }
0x16b: {  	v20 =	vld.idx.msk [tilespmem:v1+s14+$0xFFFFFD00 ss:$0x1], $0xffff;
	v7 =	vmul.f32 v9, v7  }
0x16c: {  	v15 =	vld.idx.msk [tilespmem:v0+s14+$0x80 ss:$0x1], $0xffff;
	v5 =	vmul.f32 v10, v5;
	v8 =	vmul.f32 v11, v8  }
0x16d: {  	v14 =	vld.idx.msk [tilespmem:v0+s14+$0x200 ss:$0x1], $0xffff;
	v6 =	vmul.f32 v7, v6  }
0x16e: {  	v17 =	vld.idx.msk [tilespmem:v1+s14+$0xFFFFFC80 ss:$0x1], $0xffff;
	v3 =	vmul.f32 v5, v3;
	v4 =	vmul.f32 v8, v4  }
0x16f: {  	v12 =	vld.idx.msk [tilespmem:v0+s14+$0x280 ss:$0x1], $0xffff;
	v6 =	vmul.f32 v6, v7  }
0x170: {  	v9 =	vld.idx.msk [tilespmem:v0+s14+$0x180 ss:$0x1], $0xffff;
	v3 =	vmul.f32 v3, v5;
	v4 =	vmul.f32 v4, v8  }
0x171: {  	v16 =	vld.idx.msk [tilespmem:v0+s14+$0x0 ss:$0x1], $0xffff;
	v6 =	vsub.f32 $1.500000000e+00, v6  }
0x172: {  	v10 =	vld.idx.msk [tilespmem:v0+s14+$0x100 ss:$0x1], $0xffff;
	v19 =	vsub.f32 $1.500000000e+00, v3;
	v59 =	vsub.f32 $1.500000000e+00, v4  }
0x173: {  	v11 =	vld.idx.msk [tilespmem:v1+s14+$0xFFFFFE00 ss:$0x1], $0xffff;
	v3 =	vmul.f32 v6, v7  }
0x174: {  	v6 =	vld.idx.msk [tilespmem:v2+s14+$0x80 ss:$0x1], $0xffff;
	v4 =	vmul.f32 v19, v5;
	v5 =	vmul.f32 v59, v8  }
0x175: {  	v7 =	vld.idx.msk [tilespmem:v1+s14+$0xFFFFFD80 ss:$0x1], $0xffff;
	v19 =	vmul.f32 v12, v3;
	v60 =	vmul.f32 v9, v3  }
0x176: {  	v8 =	vld.idx.msk [tilespmem:v2+s14+$0x100 ss:$0x1], $0xffff;
	v14 =	vmul.f32 v14, v3;
	v9 =	vmul.f32 v17, v4  }
0x177: {  	v12 =	vld.idx.msk [tilespmem:v2+s14+$0x180 ss:$0x1], $0xffff;
	v16 =	vmul.f32 v16, v3;
	v17 =	vmul.f32 v18, v5  }
0x178: {  	v24 =	vld.idx.msk [tilespmem:v2+s14+$0x300 ss:$0x1], $0xffff;
	v10 =	vmul.f32 v10, v3;
	v15 =	vmul.f32 v15, v3  }
0x179: {  	v18 =	vld.idx.msk [tilespmem:v1+s14+$0xFFFFFE80 ss:$0x1], $0xffff;
	v6 =	vmul.f32 v6, v5;
	v9 =	vadd.f32 v17, v9;
	v17 =	vmul.f32 v20, v4  }
0x17a: {  	v61 =	vld.idx.msk [tilespmem:v2+s14+$0x380 ss:$0x1], $0xffff;
	v11 =	vmul.f32 v11, v4;
	v7 =	vmul.f32 v7, v4  }
0x17b: {  	v20 =	vld.idx.msk [tilespmem:v1+s14+$0xFFFFFF00 ss:$0x1], $0xffff;
	v8 =	vmul.f32 v8, v5;
	v9 =	vsub.f32 v9, v16;
	v6 =	vadd.f32 v6, v17  }
0x17c: {  	v25 =	vld.idx.msk [tilespmem:v0+s14+$0x380 ss:$0x1], $0xffff;
	v23 =	vmul.f32 v23, v5;
	v12 =	vmul.f32 v12, v5;
	v17 =	vimm.f32 $0.0e+00  }
0x17d: {  	v16 =	vld.idx.msk [tilespmem:v1+s14+$0xFFFFFF80 ss:$0x1], $0xffff;
	v7 =	vadd.f32 v8, v7;
	v9 =	vand.u32 $0x7FFFFFFF, v9;
	v6 =	vsub.f32 v6, v15  }
0x17e: {  	s29 =	simm.s32 $0x400;
	v13 =	vld.idx.msk [tilespmem:v0+s14+$0x300 ss:$0x1], $0xffff;
	v11 =	vadd.f32 v12, v11;
	v8 =	vadd.f32 v9, v17;
	v17 =	vmul.f32 v18, v4  }
0x17f: {  	v12 =	vld.idx.msk [tilespmem:v0+s29+$0x180 ss:$0x1], $0xffff;
	v18 =	vmul.f32 v22, v5;
	v10 =	vsub.f32 v7, v10;
	v6 =	vand.u32 $0x7FFFFFFF, v6  }
0x180: {  	v62 =	vmul.f32 v61, v5;
	v15 =	vld.idx.msk [tilespmem:v1+s14+$0x0 ss:$0x1], $0xffff;
	v20 =	vmul.f32 v20, v4;
	v6 =	vadd.f32 v6, v8  }
0x181: {  	v7 =	vld.idx.msk [tilespmem:v0+s29+$0x300 ss:$0x1], $0xffff;
	v11 =	vsub.f32 v11, v60;
	v10 =	vand.u32 $0x7FFFFFFF, v10;
	v17 =	vadd.f32 v18, v17  }
0x182: {  	v9 =	vld.idx.msk [tilespmem:v0+s29+$0x280 ss:$0x1], $0xffff;
	v16 =	vmul.f32 v16, v4;
	v18 =	vmul.f32 v24, v5;
	v6 =	vadd.f32 v10, v6  }
0x183: {  	v8 =	vld.idx.msk [tilespmem:v0+s29+$0x200 ss:$0x1], $0xffff;
	v11 =	vand.u32 $0x7FFFFFFF, v11;
	v14 =	vsub.f32 v17, v14;
	v17 =	vadd.f32 v23, v20  }
0x184: {  	v20 =	vmul.f32 v13, v3;
	v10 =	vld.idx.msk [tilespmem:v0+s29+$0x100 ss:$0x1], $0xffff;
	v16 =	vadd.f32 v18, v16;
	v13 =	vadd.f32 v11, v6  }
0x185: {  	v6 =	vld.idx.msk [tilespmem:v1+s29+$0xFFFFFE00 ss:$0x1], $0xffff;
	v14 =	vand.u32 $0x7FFFFFFF, v14;
	v17 =	vsub.f32 v17, v19;
	v19 =	vmul.f32 v15, v4  }
0x186: {  	v11 =	vld.idx.msk [tilespmem:v0+s29+$0x80 ss:$0x1], $0xffff;
	v18 =	vsub.f32 v16, v20;
	v63 =	vadd.f32 v14, v13  }
0x187: {  	v15 =	vmul.f32 v25, v3;
	v13 =	vld.idx.msk [tilespmem:v0+s29+$0x0 ss:$0x1], $0xffff;
	v17 =	vand.u32 $0x7FFFFFFF, v17;
	v16 =	vadd.f32 v62, v19  }
0x188: {  	s14 =	simm.s32 $0x2000;
	v14 =	vld.idx.msk [tilespmem:v1+s29+$0xFFFFFC80 ss:$0x1], $0xffff;
	v17 =	vadd.f32 v17, v63  }
.LBB2_23:
0x189: {  	p0 =	sne.s32 s14, $0x7000;
	v19 =	vld.idx.msk [tilespmem:v2+s29+$0x0 ss:$0x1], $0xffff;
	v18 =	vand.u32 $0x7FFFFFFF, v18;
	v15 =	vsub.f32 v16, v15  }
0x18a: {  	v16 =	vld.idx.msk [tilespmem:v1+s29+$0xFFFFFD00 ss:$0x1], $0xffff;
	v17 =	vadd.f32 v18, v17  }
0x18b: {  	v18 =	vld.idx.msk [tilespmem:v2+s29+$0x80 ss:$0x1], $0xffff;
	v15 =	vand.u32 $0x7FFFFFFF, v15  }
0x18c: {  	v20 =	vld.idx.msk [tilespmem:v1+s29+$0xFFFFFD80 ss:$0x1], $0xffff;
	v15 =	vadd.f32 v15, v17  }
0x18d: {  	v21 =	vmul.f32 v9, v3;
	v22 =	vmul.f32 v7, v3;
	v17 =	vld.idx.msk [tilespmem:v2+s29+$0x100 ss:$0x1], $0xffff  }
0x18e: {  	v12 =	vmul.f32 v12, v3;
	v23 =	vmul.f32 v8, v3;
	v7 =	vld.idx.msk [tilespmem:v2+s29+$0x180 ss:$0x1], $0xffff  }
0x18f: {  	v8 =	vmul.f32 v14, v4;
	v9 =	vmul.f32 v19, v5;
	v14 =	vld.idx.msk [tilespmem:v1+s29+$0xFFFFFE80 ss:$0x1], $0xffff  }
0x190: {  	v10 =	vmul.f32 v10, v3;
	v13 =	vmul.f32 v13, v3;
	v19 =	vld.idx.msk [tilespmem:v2+s29+$0x200 ss:$0x1], $0xffff  }
0x191: {  	v8 =	vadd.f32 v9, v8;
	v9 =	vmul.f32 v16, v4;
	v16 =	vmul.f32 v18, v5;
	v18 =	vld.idx.msk [tilespmem:v1+s29+$0xFFFFFF00 ss:$0x1], $0xffff  }
0x192: {  	v11 =	vmul.f32 v11, v3;
	v20 =	vmul.f32 v20, v4;
	v24 =	vld.idx.msk [tilespmem:v2+s29+$0x280 ss:$0x1], $0xffff  }
0x193: {  	v8 =	vsub.f32 v8, v13;
	v9 =	vadd.f32 v16, v9;
	v13 =	vmul.f32 v17, v5;
	v16 =	vld.idx.msk [tilespmem:v1+s29+$0xFFFFFF80 ss:$0x1], $0xffff  }
0x194: {  	v6 =	vmul.f32 v6, v4;
	v7 =	vmul.f32 v7, v5;
	v17 =	vld.idx.msk [tilespmem:v2+s29+$0x300 ss:$0x1], $0xffff  }
0x195: {  	v8 =	vand.u32 $0x7FFFFFFF, v8;
	v9 =	vsub.f32 v9, v11;
	v11 =	vadd.f32 v13, v20;
	v13 =	vld.idx.msk [tilespmem:v1+s29+$0x0 ss:$0x1], $0xffff  }
0x196: {  	v14 =	vmul.f32 v14, v4;
	v8 =	vadd.f32 v8, v15;
	v15 =	vmul.f32 v19, v5;
	v19 =	vld.idx.msk [tilespmem:v2+s29+$0x380 ss:$0x1], $0xffff  }
0x197: {  	v6 =	vadd.f32 v7, v6;
	v9 =	vand.u32 $0x7FFFFFFF, v9;
	v10 =	vsub.f32 v11, v10;
	v20 =	vld.idx.msk [tilespmem:v0+s29+$0x380 ss:$0x1], $0xffff;
	s29 =	sshra.s32 s14, $0x2  }
0x198: {  	v18 =	vmul.f32 v18, v4;
	v11 =	vadd.f32 v9, v8;
	v24 =	vmul.f32 v24, v5;
	v7 =	vld.idx.msk [tilespmem:v0+s29+$0x300 ss:$0x1], $0xffff  }
0x199: {  	v6 =	vsub.f32 v6, v12;
	v14 =	vadd.f32 v15, v14;
	v10 =	vand.u32 $0x7FFFFFFF, v10;
	v9 =	vld.idx.msk [tilespmem:v0+s29+$0x280 ss:$0x1], $0xffff  }
0x19a: {  	v15 =	vmul.f32 v16, v4;
	v11 =	vadd.f32 v10, v11;
	v16 =	vmul.f32 v17, v5;
	v8 =	vld.idx.msk [tilespmem:v0+s29+$0x200 ss:$0x1], $0xffff  }
0x19b: {  	v6 =	vand.u32 $0x7FFFFFFF, v6;
	v14 =	vsub.f32 v14, v23;
	v17 =	vadd.f32 v24, v18;
	v12 =	vld.idx.msk [tilespmem:v0+s29+$0x180 ss:$0x1], $0xffff  }
.Ltmp10:
0x19c: {  	v23 =	vmul.f32 v13, v4;
	v18 =	vadd.f32 v6, v11;
	v19 =	vmul.f32 v19, v5;
	v10 =	vld.idx.msk [tilespmem:v0+s29+$0x100 ss:$0x1], $0xffff;
	(pc) =	sbr.rel @p0 .LBB2_23-.Ltmp10, $4  }
0x19d: {  	v13 =	vand.u32 $0x7FFFFFFF, v14;
	v14 =	vsub.f32 v17, v21;
	v16 =	vadd.f32 v16, v15;
	v6 =	vld.idx.msk [tilespmem:v1+s29+$0xFFFFFE00 ss:$0x1], $0xffff  }
0x19e: {  	v15 =	vmul.f32 v20, v3;
	v17 =	vadd.f32 v13, v18;
	v11 =	vld.idx.msk [tilespmem:v0+s29+$0x80 ss:$0x1], $0xffff  }
0x19f: {  	v20 =	vand.u32 $0x7FFFFFFF, v14;
	v18 =	vsub.f32 v16, v22;
	v16 =	vadd.f32 v19, v23;
	v13 =	vld.idx.msk [tilespmem:v0+s29+$0x0 ss:$0x1], $0xffff  }
0x1a0: {  	s14 =	sadd.s32 $0x1000, s14;
	v17 =	vadd.f32 v20, v17;
	v14 =	vld.idx.msk [tilespmem:v1+s29+$0xFFFFFC80 ss:$0x1], $0xffff  }
0x1a1: {  	_ =	sdelay $0x3  }
0x1a2: {  	v19 =	vld.idx.msk [tilespmem:v2+s29+$0x0 ss:$0x1], $0xffff  }
0x1a3: {  	v20 =	vld.idx.msk [tilespmem:v1+s29+$0xFFFFFD00 ss:$0x1], $0xffff  }
0x1a4: {  	v21 =	vld.idx.msk [tilespmem:v2+s29+$0x80 ss:$0x1], $0xffff  }
0x1a5: {  	v22 =	vld.idx.msk [tilespmem:v1+s29+$0xFFFFFD80 ss:$0x1], $0xffff;
	v9 =	vmul.f32 v9, v3;
	v7 =	vmul.f32 v7, v3  }
0x1a6: {  	v18 =	vand.u32 $0x7FFFFFFF, v18;
	v23 =	vld.idx.msk [tilespmem:v2+s29+$0x100 ss:$0x1], $0xffff;
	v12 =	vmul.f32 v12, v3;
	v8 =	vmul.f32 v8, v3  }
0x1a7: {  	v15 =	vsub.f32 v16, v15;
	v37 =	vld.idx.msk [tilespmem:v2+s29+$0x180 ss:$0x1], $0xffff;
	v14 =	vmul.f32 v14, v4;
	v19 =	vmul.f32 v19, v5  }
0x1a8: {  	v38 =	vld.idx.msk [tilespmem:v1+s29+$0xFFFFFE80 ss:$0x1], $0xffff;
	v10 =	vmul.f32 v10, v3;
	v17 =	vadd.f32 v18, v17;
	v13 =	vmul.f32 v13, v3  }
0x1a9: {  	v24 =	vld.idx.msk [tilespmem:v2+s29+$0x200 ss:$0x1], $0xffff;
	v39 =	vmul.f32 v20, v4;
	v40 =	vmul.f32 v21, v5;
	v14 =	vadd.f32 v19, v14  }
0x1aa: {  	v41 =	vld.idx.msk [tilespmem:v1+s29+$0xFFFFFF00 ss:$0x1], $0xffff;
	v15 =	vand.u32 $0x7FFFFFFF, v15;
	v11 =	vmul.f32 v11, v3;
	v22 =	vmul.f32 v22, v4  }
0x1ab: {  	v42 =	vld.idx.msk [tilespmem:v2+s29+$0x280 ss:$0x1], $0xffff;
	v43 =	vmul.f32 v23, v5;
	v19 =	vadd.f32 v40, v39;
	v13 =	vsub.f32 v14, v13  }
0x1ac: {  	v44 =	vld.idx.msk [tilespmem:v1+s29+$0xFFFFFF80 ss:$0x1], $0xffff;
	v6 =	vmul.f32 v6, v4;
	v15 =	vadd.f32 v15, v17;
	v16 =	vmul.f32 v37, v5  }
0x1ad: {  	v45 =	vld.idx.msk [tilespmem:v2+s29+$0x300 ss:$0x1], $0xffff;
	v46 =	vadd.f32 v43, v22;
	v11 =	vsub.f32 v19, v11;
	v13 =	vand.u32 $0x7FFFFFFF, v13  }
0x1ae: {  	v47 =	vld.idx.msk [tilespmem:v1+s29+$0x0 ss:$0x1], $0xffff;
	v48 =	vmul.f32 v38, v4;
	v49 =	vmul.f32 v24, v5;
	v13 =	vadd.f32 v13, v15  }
0x1af: {  	v50 =	vld.idx.msk [tilespmem:v2+s29+$0x380 ss:$0x1], $0xffff;
	v6 =	vadd.f32 v16, v6;
	v10 =	vsub.f32 v46, v10;
	v11 =	vand.u32 $0x7FFFFFFF, v11  }
0x1b0: {  	v51 =	vmul.f32 v41, v4;
	v52 =	vadd.f32 v49, v48;
	v11 =	vadd.f32 v11, v13  }
0x1b1: {  	v0 =	vld.idx.msk [tilespmem:v0+s29+$0x380 ss:$0x1], $0xffff;
	v14 =	vmul.f32 v42, v5;
	v6 =	vsub.f32 v6, v12;
	v10 =	vand.u32 $0x7FFFFFFF, v10  }
0x1b2: {  	v53 =	vmul.f32 v44, v4;
	v54 =	vmul.f32 v45, v5;
	v10 =	vadd.f32 v10, v11  }
0x1b3: {  	v8 =	vsub.f32 v52, v8;
	v6 =	vand.u32 $0x7FFFFFFF, v6;
	v55 =	vadd.f32 v14, v51  }
0x1b4: {  	v1 =	vmul.f32 v47, v4;
	v2 =	vmul.f32 v50, v5;
	v6 =	vadd.f32 v6, v10  }
0x1b5: {  	v58 =	vadd.f32 v54, v53;
	v56 =	vand.u32 $0x7FFFFFFF, v8;
	v57 =	vsub.f32 v55, v9  }
0x1b6: {  	v0 =	vmul.f32 v0, v3;
	v4 =	vadd.f32 v56, v6  }
0x1b7: {  	v1 =	vadd.f32 v2, v1;
	v60 =	vsub.f32 v58, v7;
	v59 =	vand.u32 $0x7FFFFFFF, v57  }
0x1b8: {  	s14 =	sshll.u32 s0, $0x4;
	s0 =	sadd.s32 $0x1, s0;
	v61 =	vadd.f32 v59, v4  }
0x1b9: {  	p0 =	sne.s32 s0, $0x8;
	v0 =	vsub.f32 v1, v0;
	v62 =	vand.u32 $0x7FFFFFFF, v60  }
.Ltmp11:
0x1ba: {  	v63 =	vadd.f32 v62, v61;
	(pc) =	sbr.rel @p0 .LBB2_20-.Ltmp11, $4  }
0x1bb: {  	v0 =	vand.u32 $0x7FFFFFFF, v0  }
0x1bc: {  	v0 =	vadd.f32 v0, v63  }
0x1bd: {  	s14 =	sand.u32 $0x3FFFFFF0, s14  }
0x1be: {  	s2 =	sadd.s32 $0x10, s2;
	s10 =	sadd.s32 $0x10, s10;
	s11 =	sadd.s32 $0x10, s11;
	[tilespmem:s14+$0x18680] =	vst v0  }
0x1bf: {  	s0 =	simm.s32 $0x0;
	s2 =	simm.s32 $0xA600  }
0x1c0: {  	s10 =	simm.s32 $0x6600;
	s11 =	simm.s32 $0x2600;
	s14 =	simm.s32 $0x0  }
.LBB2_26:
0x1c1: {  	s15 =	sshll.u32 s14, $0x4  }
0x1c2: {  	s16 =	sor.u32 $0x180, s15  }
0x1c3: {  	v0 =	vld [tilespmem:s16+$0x0]  }
0x1c4: {  	v1 =	vld [tilespmem:s15+$0x380]  }
0x1c5: {  	v2 =	vld [tilespmem:s15+$0x580];
	_ =	sdelay $0x2  }
0x1c6: {  	v3 =	vadd.s32 s0, v0  }
0x1c7: {  	[tilespmem:s11+$0x0] =	vst v3;
	v3 =	vadd.s32 s0, v1  }
0x1c8: {  	s29 =	simm.s32 $0xF4240;
	s17 =	smov.u32 s10;
	[tilespmem:s10+$0x0] =	vst v3;
	v3 =	vadd.s32 s0, v2  }
0x1c9: {  	s18 =	smov.u32 s2;
	s15 =	smov.u32 s11;
	s16 =	simm.s32 $0x0;
	[tilespmem:s2+$0x0] =	vst v3  }
.LBB2_27:
0x1ca: {  	p0 =	sne.s32 s29, $0x3C14DC0  }
.Ltmp12:
0x1cb: {  	_ = 	snop;
	(pc) =	sbr.rel @p0 .LBB2_27-.Ltmp12, $4  }
0x1cc: {  	v3 =	vadd.s32 s29, v0;
	s15 =	sadd.s32 $0x80, s15  }
0x1cd: {  	s16 =	sadd.s32 $0x3E8, s16;
	s17 =	sadd.s32 $0x80, s17;
	[tilespmem:s15+$0x0] =	vst v3;
	v3 =	vadd.s32 s29, v1  }
0x1ce: {  	s18 =	sadd.s32 $0x80, s18;
	[tilespmem:s17+$0x0] =	vst v3;
	v3 =	vadd.s32 s16, v2  }
0x1cf: {  	s29 =	sadd.s32 $0xF4240, s29;
	[tilespmem:s18+$0x0] =	vst v3  }
0x1d0: {  	s14 =	sadd.s32 $0x1, s14  }
0x1d1: {  	p0 =	sne.s32 s14, $0x8  }
.Ltmp13:
0x1d2: {  	_ = 	snop;
	(pc) =	sbr.rel @p0 .LBB2_26-.Ltmp13, $2  }
0x1d3: {  	_ =	sdelay $0x2  }
0x1d4: {  	s2 =	sadd.s32 $0x10, s2;
	s10 =	sadd.s32 $0x10, s10;
	s11 =	sadd.s32 $0x10, s11  }
0x1d5: {  	_ =	swait.ge [sflag:s20], $0x2000  }
0x1d6: {  	[sflag:s20] =	ssyncset.done $0x0  }
0x1d7: {  	[sflag:s20] =	ssyncadd.s32 $0xFFFFE000  }
0x1d8: {  	_ =	swait.ge [sflag:s20], $0x2000  }
0x1d9: {  	[sflag:s20] =	ssyncset.done $0x0  }
0x1da: {  	[sflag:s20] =	ssyncadd.s32 $0xFFFFE000  }
0x1db: {  	_ =	swait.ge [sflag:s20], $0x2000  }
0x1dc: {  	[sflag:s20] =	ssyncset.done $0x0  }
0x1dd: {  	[sflag:s20] =	ssyncadd.s32 $0xFFFFE000  }
0x1de: {  	[tilespmem:s22], [sflag:$0x3] =	stream.indirect.gather [hbm4b:s3+s13], $0x1, s21, s13, $0xb8;
	[tilespmem:$0x18800] =	vst v63  }
0x1df: {  	s0 =	simm.s32 $0x0  }
0x1e0: {  	[tilespmem:s24], [sflag:$0x3] =	stream.indirect.gather [hbm4b:s3+s13], $0x1, s23, s13, $0xb8;
	[tilespmem:$0x18800] =	vst v63  }
0x1e1: {  	s2 =	simm.s32 $0xC800;
	s10 =	simm.s32 $0x10600;
	s11 =	simm.s32 $0x14600  }
0x1e2: {  	[tilespmem:s26], [sflag:$0x3] =	stream.indirect.gather [hbm4b:s4+s13], $0x1, s25, s13, $0xb8;
	[tilespmem:$0x18800] =	vst v63  }
.LBB2_30:
0x1e3: {  	v1 =	vmov s2;
	_ =	sdelay $0x3  }
0x1e4: {  	s29 =	simm.s32 $0x0  }
0x1e5: {  	v3 =	vld.idx.msk [tilespmem:v1+s29+$0x180 ss:$0x1], $0xffff  }
0x1e6: {  	v5 =	vld.idx.msk [tilespmem:v1+s29+$0x100 ss:$0x1], $0xffff  }
0x1e7: {  	v4 =	vld.idx.msk [tilespmem:v1+s29+$0x80 ss:$0x1], $0xffff  }
0x1e8: {  	v0 =	vmov s10;
	v6 =	vld.idx.msk [tilespmem:v1+s29+$0x0 ss:$0x1], $0xffff  }
0x1e9: {  	v2 =	vmov s11;
	v7 =	vld.idx.msk [tilespmem:v1+s29+$0xFFFFFF80 ss:$0x1], $0xffff  }
0x1ea: {  	v8 =	vld.idx.msk [tilespmem:v1+s29+$0xFFFFFF00 ss:$0x1], $0xffff  }
0x1eb: {  	v9 =	vld.idx.msk [tilespmem:v1+s29+$0xFFFFFE80 ss:$0x1], $0xffff  }
0x1ec: {  	v13 =	vld.idx.msk [tilespmem:v1+s29+$0xFFFFFE00 ss:$0x1], $0xffff  }
0x1ed: {  	v10 =	vimm.f32 $0.0e+00;
	s14 =	simm.s32 $0x1000;
	v11 =	vimm.f32 $0.0e+00;
	v12 =	vimm.f32 $0.0e+00;
	v14 =	vld.idx.msk [tilespmem:v0+s29+$0x0 ss:$0x1], $0xffff  }
.LBB2_31:
0x1ee: {  	p0 =	sne.s32 s14, $0x7000;
	v15 =	vld.idx.msk [tilespmem:v2+s29+$0x0 ss:$0x1], $0xffff  }
0x1ef: {  	v16 =	vld.idx.msk [tilespmem:v0+s29+$0x80 ss:$0x1], $0xffff  }
0x1f0: {  	v17 =	vld.idx.msk [tilespmem:v2+s29+$0x80 ss:$0x1], $0xffff  }
0x1f1: {  	v18 =	vld.idx.msk [tilespmem:v0+s29+$0x100 ss:$0x1], $0xffff  }
0x1f2: {  	v19 =	vld.idx.msk [tilespmem:v2+s29+$0x100 ss:$0x1], $0xffff  }
0x1f3: {  	v13 =	vmul.f32 v13, v13;
	v20 =	vld.idx.msk [tilespmem:v0+s29+$0x180 ss:$0x1], $0xffff  }
0x1f4: {  	v14 =	vmul.f32 v14, v14;
	v15 =	vmul.f32 v15, v15;
	v21 =	vld.idx.msk [tilespmem:v2+s29+$0x180 ss:$0x1], $0xffff  }
0x1f5: {  	v9 =	vmul.f32 v9, v9;
	v10 =	vadd.f32 v13, v10;
	v13 =	vmul.f32 v16, v16;
	v16 =	vld.idx.msk [tilespmem:v0+s29+$0x200 ss:$0x1], $0xffff  }
0x1f6: {  	v11 =	vadd.f32 v14, v11;
	v12 =	vadd.f32 v15, v12;
	v14 =	vmul.f32 v17, v17;
	v15 =	vld.idx.msk [tilespmem:v2+s29+$0x200 ss:$0x1], $0xffff  }
0x1f7: {  	v8 =	vmul.f32 v8, v8;
	v9 =	vadd.f32 v9, v10;
	v10 =	vmul.f32 v18, v18;
	v17 =	vld.idx.msk [tilespmem:v0+s29+$0x280 ss:$0x1], $0xffff  }
0x1f8: {  	v11 =	vadd.f32 v13, v11;
	v12 =	vadd.f32 v14, v12;
	v13 =	vmul.f32 v19, v19;
	v14 =	vld.idx.msk [tilespmem:v2+s29+$0x280 ss:$0x1], $0xffff  }
0x1f9: {  	v7 =	vmul.f32 v7, v7;
	v8 =	vadd.f32 v8, v9;
	v9 =	vmul.f32 v20, v20;
	v18 =	vld.idx.msk [tilespmem:v0+s29+$0x300 ss:$0x1], $0xffff  }
0x1fa: {  	v10 =	vadd.f32 v10, v11;
	v11 =	vadd.f32 v13, v12;
	v12 =	vmul.f32 v21, v21;
	v13 =	vld.idx.msk [tilespmem:v2+s29+$0x300 ss:$0x1], $0xffff  }
0x1fb: {  	v6 =	vmul.f32 v6, v6;
	v7 =	vadd.f32 v7, v8;
	v8 =	vmul.f32 v16, v16;
	v16 =	vld.idx.msk [tilespmem:v0+s29+$0x380 ss:$0x1], $0xffff  }
0x1fc: {  	v9 =	vadd.f32 v9, v10;
	v10 =	vadd.f32 v12, v11;
	v11 =	vmul.f32 v15, v15;
	v12 =	vld.idx.msk [tilespmem:v2+s29+$0x380 ss:$0x1], $0xffff;
	s29 =	sshra.s32 s14, $0x2  }
0x1fd: {  	v6 =	vadd.f32 v6, v7;
	v7 =	vmul.f32 v4, v4;
	v17 =	vmul.f32 v17, v17;
	v15 =	vld.idx.msk [tilespmem:v1+s29+$0x180 ss:$0x1], $0xffff  }
0x1fe: {  	v8 =	vadd.f32 v8, v9;
	v9 =	vadd.f32 v11, v10;
	v10 =	vmul.f32 v14, v14;
	v19 =	vld.idx.msk [tilespmem:v1+s29+$0x100 ss:$0x1], $0xffff  }
0x1ff: {  	v5 =	vmul.f32 v5, v5;
	v11 =	vadd.f32 v7, v6;
	v14 =	vmul.f32 v18, v18;
	v4 =	vld.idx.msk [tilespmem:v1+s29+$0x80 ss:$0x1], $0xffff  }
0x200: {  	v17 =	vadd.f32 v17, v8;
	v9 =	vadd.f32 v10, v9;
	v10 =	vmul.f32 v13, v13;
	v6 =	vld.idx.msk [tilespmem:v1+s29+$0x0 ss:$0x1], $0xffff  }
.Ltmp14:
0x201: {  	v18 =	vadd.f32 v5, v11;
	v13 =	vmul.f32 v3, v3;
	v11 =	vmul.f32 v16, v16;
	v7 =	vld.idx.msk [tilespmem:v1+s29+$0xFFFFFF80 ss:$0x1], $0xffff;
	(pc) =	sbr.rel @p0 .LBB2_31-.Ltmp14, $4  }
0x202: {  	v14 =	vadd.f32 v14, v17;
	v16 =	vadd.f32 v10, v9;
	v12 =	vmul.f32 v12, v12;
	v8 =	vld.idx.msk [tilespmem:v1+s29+$0xFFFFFF00 ss:$0x1], $0xffff  }
0x203: {  	v10 =	vadd.f32 v13, v18;
	v3 =	vmov v15;
	v9 =	vld.idx.msk [tilespmem:v1+s29+$0xFFFFFE80 ss:$0x1], $0xffff  }
0x204: {  	v11 =	vadd.f32 v11, v14;
	v12 =	vadd.f32 v12, v16;
	v5 =	vmov v19;
	v13 =	vld.idx.msk [tilespmem:v1+s29+$0xFFFFFE00 ss:$0x1], $0xffff  }
0x205: {  	s14 =	sadd.s32 $0x1000, s14;
	v14 =	vld.idx.msk [tilespmem:v0+s29+$0x0 ss:$0x1], $0xffff  }
0x206: {  	_ =	sdelay $0x3  }
0x207: {  	v15 =	vld.idx.msk [tilespmem:v2+s29+$0x0 ss:$0x1], $0xffff  }
0x208: {  	v16 =	vld.idx.msk [tilespmem:v0+s29+$0x80 ss:$0x1], $0xffff  }
0x209: {  	v17 =	vld.idx.msk [tilespmem:v2+s29+$0x80 ss:$0x1], $0xffff  }
0x20a: {  	v18 =	vld.idx.msk [tilespmem:v0+s29+$0x100 ss:$0x1], $0xffff  }
0x20b: {  	v19 =	vld.idx.msk [tilespmem:v2+s29+$0x100 ss:$0x1], $0xffff;
	v13 =	vmul.f32 v13, v13  }
0x20c: {  	v20 =	vld.idx.msk [tilespmem:v0+s29+$0x180 ss:$0x1], $0xffff;
	v14 =	vmul.f32 v14, v14;
	v15 =	vmul.f32 v15, v15  }
0x20d: {  	v21 =	vld.idx.msk [tilespmem:v2+s29+$0x180 ss:$0x1], $0xffff;
	v9 =	vmul.f32 v9, v9;
	v10 =	vadd.f32 v13, v10;
	v13 =	vmul.f32 v16, v16  }
0x20e: {  	v16 =	vld.idx.msk [tilespmem:v0+s29+$0x200 ss:$0x1], $0xffff;
	v11 =	vadd.f32 v14, v11;
	v14 =	vmul.f32 v17, v17;
	v12 =	vadd.f32 v15, v12  }
0x20f: {  	v8 =	vmul.f32 v8, v8;
	v15 =	vld.idx.msk [tilespmem:v2+s29+$0x200 ss:$0x1], $0xffff;
	v9 =	vadd.f32 v9, v10;
	v10 =	vmul.f32 v18, v18  }
0x210: {  	v11 =	vadd.f32 v13, v11;
	v13 =	vmul.f32 v19, v19;
	v12 =	vadd.f32 v14, v12  }
0x211: {  	v7 =	vmul.f32 v7, v7;
	v14 =	vld.idx.msk [tilespmem:v0+s29+$0x280 ss:$0x1], $0xffff;
	v8 =	vadd.f32 v8, v9;
	v9 =	vmul.f32 v20, v20  }
0x212: {  	v17 =	vld.idx.msk [tilespmem:v2+s29+$0x280 ss:$0x1], $0xffff;
	v10 =	vadd.f32 v10, v11;
	v11 =	vadd.f32 v13, v12;
	v12 =	vmul.f32 v21, v21  }
0x213: {  	v6 =	vmul.f32 v6, v6;
	v13 =	vld.idx.msk [tilespmem:v0+s29+$0x300 ss:$0x1], $0xffff;
	v7 =	vadd.f32 v7, v8;
	v8 =	vmul.f32 v16, v16  }
0x214: {  	v16 =	vld.idx.msk [tilespmem:v2+s29+$0x300 ss:$0x1], $0xffff;
	v9 =	vadd.f32 v9, v10;
	v10 =	vadd.f32 v12, v11;
	v11 =	vmul.f32 v15, v15  }
0x215: {  	v4 =	vmul.f32 v4, v4;
	v12 =	vld.idx.msk [tilespmem:v0+s29+$0x380 ss:$0x1], $0xffff;
	v6 =	vadd.f32 v6, v7  }
0x216: {  	v7 =	vmul.f32 v14, v14;
	v8 =	vadd.f32 v8, v9;
	v9 =	vadd.f32 v11, v10;
	v10 =	vld.idx.msk [tilespmem:v2+s29+$0x380 ss:$0x1], $0xffff  }
0x217: {  	v5 =	vmul.f32 v5, v5;
	v11 =	vmul.f32 v17, v17;
	v4 =	vadd.f32 v4, v6  }
0x218: {  	v3 =	vmul.f32 v3, v3;
	v6 =	vmul.f32 v13, v13;
	v7 =	vadd.f32 v7, v8  }
0x219: {  	v8 =	vadd.f32 v11, v9;
	v4 =	vadd.f32 v5, v4;
	v5 =	vmul.f32 v16, v16  }
0x21a: {  	v9 =	vmul.f32 v12, v12;
	v6 =	vadd.f32 v6, v7  }
0x21b: {  	v3 =	vadd.f32 v3, v4;
	v4 =	vadd.f32 v5, v8;
	v5 =	vmul.f32 v10, v10  }
0x21c: {  	v6 =	vadd.f32 v9, v6  }
0x21d: {  	v3 =	vmax.f32 v3, $1.000000020e-24;
	v4 =	vadd.f32 v5, v4  }
0x21e: {  	v5 =	vshra.s32 v3, $0x1;
	v6 =	vmax.f32 v6, $1.000000020e-24;
	v3 =	vmul.f32 $5.000000000e-01, v3  }
0x21f: {  	v7 =	vshra.s32 v6, $0x1;
	v6 =	vmul.f32 $5.000000000e-01, v6;
	v4 =	vmax.f32 v4, $1.000000020e-24  }
0x220: {  	v7 =	vsub.s32 $0x5F3759DF, v7;
	v8 =	vshra.s32 v4, $0x1;
	v4 =	vmul.f32 $5.000000000e-01, v4  }
0x221: {  	v5 =	vsub.s32 $0x5F3759DF, v5;
	v9 =	vmul.f32 v7, v6;
	v8 =	vsub.s32 $0x5F3759DF, v8  }
0x222: {  	v10 =	vmul.f32 v5, v3;
	v11 =	vmul.f32 v8, v4  }
0x223: {  	v9 =	vmul.f32 v7, v9  }
0x224: {  	v10 =	vmul.f32 v5, v10;
	v11 =	vmul.f32 v8, v11  }
0x225: {  	v9 =	vsub.f32 $1.500000000e+00, v9  }
0x226: {  	v10 =	vsub.f32 $1.500000000e+00, v10;
	v11 =	vsub.f32 $1.500000000e+00, v11  }
0x227: {  	v7 =	vmul.f32 v7, v9  }
0x228: {  	v5 =	vmul.f32 v5, v10;
	v8 =	vmul.f32 v8, v11  }
0x229: {  	v9 =	vmul.f32 v7, v6  }
0x22a: {  	v10 =	vmul.f32 v5, v3;
	v11 =	vmul.f32 v8, v4  }
0x22b: {  	s14 =	simm.s32 $0x0;
	v9 =	vmul.f32 v9, v7  }
0x22c: {  	v22 =	vld.idx.msk [tilespmem:v2+s14+$0x200 ss:$0x1], $0xffff;
	v10 =	vmul.f32 v10, v5;
	v11 =	vmul.f32 v11, v8  }
0x22d: {  	v23 =	vld.idx.msk [tilespmem:v2+s14+$0x280 ss:$0x1], $0xffff;
	v9 =	vsub.f32 $1.500000000e+00, v9  }
0x22e: {  	v18 =	vld.idx.msk [tilespmem:v2+s14+$0x0 ss:$0x1], $0xffff;
	v10 =	vsub.f32 $1.500000000e+00, v10;
	v11 =	vsub.f32 $1.500000000e+00, v11  }
0x22f: {  	v20 =	vld.idx.msk [tilespmem:v1+s14+$0xFFFFFE80 ss:$0x1], $0xffff;
	v7 =	vmul.f32 v9, v7  }
0x230: {  	v15 =	vld.idx.msk [tilespmem:v0+s14+$0x80 ss:$0x1], $0xffff;
	v5 =	vmul.f32 v10, v5;
	v8 =	vmul.f32 v11, v8  }
0x231: {  	v14 =	vld.idx.msk [tilespmem:v0+s14+$0x200 ss:$0x1], $0xffff;
	v6 =	vmul.f32 v7, v6  }
0x232: {  	v17 =	vld.idx.msk [tilespmem:v1+s14+$0xFFFFFE00 ss:$0x1], $0xffff;
	v3 =	vmul.f32 v5, v3;
	v4 =	vmul.f32 v8, v4  }
0x233: {  	v12 =	vld.idx.msk [tilespmem:v0+s14+$0x280 ss:$0x1], $0xffff;
	v6 =	vmul.f32 v6, v7  }
0x234: {  	v9 =	vld.idx.msk [tilespmem:v0+s14+$0x180 ss:$0x1], $0xffff;
	v3 =	vmul.f32 v3, v5;
	v4 =	vmul.f32 v4, v8  }
0x235: {  	v16 =	vld.idx.msk [tilespmem:v0+s14+$0x0 ss:$0x1], $0xffff;
	v6 =	vsub.f32 $1.500000000e+00, v6  }
0x236: {  	v10 =	vld.idx.msk [tilespmem:v0+s14+$0x100 ss:$0x1], $0xffff;
	v19 =	vsub.f32 $1.500000000e+00, v3;
	v59 =	vsub.f32 $1.500000000e+00, v4  }
0x237: {  	v11 =	vld.idx.msk [tilespmem:v1+s14+$0xFFFFFF80 ss:$0x1], $0xffff;
	v3 =	vmul.f32 v6, v7  }
0x238: {  	v6 =	vld.idx.msk [tilespmem:v2+s14+$0x80 ss:$0x1], $0xffff;
	v4 =	vmul.f32 v19, v5;
	v5 =	vmul.f32 v59, v8  }
0x239: {  	v7 =	vld.idx.msk [tilespmem:v1+s14+$0xFFFFFF00 ss:$0x1], $0xffff;
	v19 =	vmul.f32 v12, v3;
	v60 =	vmul.f32 v9, v3  }
0x23a: {  	v8 =	vld.idx.msk [tilespmem:v2+s14+$0x100 ss:$0x1], $0xffff;
	v14 =	vmul.f32 v14, v3;
	v9 =	vmul.f32 v17, v4  }
0x23b: {  	v12 =	vld.idx.msk [tilespmem:v2+s14+$0x180 ss:$0x1], $0xffff;
	v16 =	vmul.f32 v16, v3;
	v17 =	vmul.f32 v18, v5  }
0x23c: {  	v24 =	vld.idx.msk [tilespmem:v2+s14+$0x300 ss:$0x1], $0xffff;
	v10 =	vmul.f32 v10, v3;
	v15 =	vmul.f32 v15, v3  }
0x23d: {  	v18 =	vld.idx.msk [tilespmem:v1+s14+$0x0 ss:$0x1], $0xffff;
	v6 =	vmul.f32 v6, v5;
	v9 =	vadd.f32 v17, v9;
	v17 =	vmul.f32 v20, v4  }
0x23e: {  	v61 =	vld.idx.msk [tilespmem:v2+s14+$0x380 ss:$0x1], $0xffff;
	v11 =	vmul.f32 v11, v4;
	v7 =	vmul.f32 v7, v4  }
0x23f: {  	v20 =	vld.idx.msk [tilespmem:v1+s14+$0x80 ss:$0x1], $0xffff;
	v8 =	vmul.f32 v8, v5;
	v9 =	vsub.f32 v9, v16;
	v6 =	vadd.f32 v6, v17  }
0x240: {  	v25 =	vld.idx.msk [tilespmem:v0+s14+$0x380 ss:$0x1], $0xffff;
	v23 =	vmul.f32 v23, v5;
	v12 =	vmul.f32 v12, v5;
	v17 =	vimm.f32 $0.0e+00  }
0x241: {  	v16 =	vld.idx.msk [tilespmem:v1+s14+$0x100 ss:$0x1], $0xffff;
	v7 =	vadd.f32 v8, v7;
	v9 =	vand.u32 $0x7FFFFFFF, v9;
	v6 =	vsub.f32 v6, v15  }
0x242: {  	s29 =	simm.s32 $0x400;
	v13 =	vld.idx.msk [tilespmem:v0+s14+$0x300 ss:$0x1], $0xffff;
	v11 =	vadd.f32 v12, v11;
	v8 =	vadd.f32 v9, v17;
	v17 =	vmul.f32 v18, v4  }
0x243: {  	v12 =	vld.idx.msk [tilespmem:v0+s29+$0x180 ss:$0x1], $0xffff;
	v18 =	vmul.f32 v22, v5;
	v10 =	vsub.f32 v7, v10;
	v6 =	vand.u32 $0x7FFFFFFF, v6  }
0x244: {  	v62 =	vmul.f32 v61, v5;
	v15 =	vld.idx.msk [tilespmem:v1+s14+$0x180 ss:$0x1], $0xffff;
	v20 =	vmul.f32 v20, v4;
	v6 =	vadd.f32 v6, v8  }
0x245: {  	v7 =	vld.idx.msk [tilespmem:v0+s29+$0x300 ss:$0x1], $0xffff;
	v11 =	vsub.f32 v11, v60;
	v10 =	vand.u32 $0x7FFFFFFF, v10;
	v17 =	vadd.f32 v18, v17  }
0x246: {  	v9 =	vld.idx.msk [tilespmem:v0+s29+$0x280 ss:$0x1], $0xffff;
	v16 =	vmul.f32 v16, v4;
	v18 =	vmul.f32 v24, v5;
	v6 =	vadd.f32 v10, v6  }
0x247: {  	v8 =	vld.idx.msk [tilespmem:v0+s29+$0x200 ss:$0x1], $0xffff;
	v11 =	vand.u32 $0x7FFFFFFF, v11;
	v14 =	vsub.f32 v17, v14;
	v17 =	vadd.f32 v23, v20  }
0x248: {  	v20 =	vmul.f32 v13, v3;
	v10 =	vld.idx.msk [tilespmem:v0+s29+$0x100 ss:$0x1], $0xffff;
	v16 =	vadd.f32 v18, v16;
	v13 =	vadd.f32 v11, v6  }
0x249: {  	v6 =	vld.idx.msk [tilespmem:v1+s29+$0xFFFFFF80 ss:$0x1], $0xffff;
	v14 =	vand.u32 $0x7FFFFFFF, v14;
	v17 =	vsub.f32 v17, v19;
	v19 =	vmul.f32 v15, v4  }
0x24a: {  	v11 =	vld.idx.msk [tilespmem:v0+s29+$0x80 ss:$0x1], $0xffff;
	v18 =	vsub.f32 v16, v20;
	v63 =	vadd.f32 v14, v13  }
0x24b: {  	v15 =	vmul.f32 v25, v3;
	v13 =	vld.idx.msk [tilespmem:v0+s29+$0x0 ss:$0x1], $0xffff;
	v17 =	vand.u32 $0x7FFFFFFF, v17;
	v16 =	vadd.f32 v62, v19  }
0x24c: {  	s14 =	simm.s32 $0x2000;
	v14 =	vld.idx.msk [tilespmem:v1+s29+$0xFFFFFE00 ss:$0x1], $0xffff;
	v17 =	vadd.f32 v17, v63  }
.LBB2_33:
0x24d: {  	p0 =	sne.s32 s14, $0x7000;
	v19 =	vld.idx.msk [tilespmem:v2+s29+$0x0 ss:$0x1], $0xffff;
	v18 =	vand.u32 $0x7FFFFFFF, v18;
	v15 =	vsub.f32 v16, v15  }
0x24e: {  	v16 =	vld.idx.msk [tilespmem:v1+s29+$0xFFFFFE80 ss:$0x1], $0xffff;
	v17 =	vadd.f32 v18, v17  }
0x24f: {  	v18 =	vld.idx.msk [tilespmem:v2+s29+$0x80 ss:$0x1], $0xffff;
	v15 =	vand.u32 $0x7FFFFFFF, v15  }
0x250: {  	v20 =	vld.idx.msk [tilespmem:v1+s29+$0xFFFFFF00 ss:$0x1], $0xffff;
	v15 =	vadd.f32 v15, v17  }
0x251: {  	v21 =	vmul.f32 v9, v3;
	v22 =	vmul.f32 v7, v3;
	v17 =	vld.idx.msk [tilespmem:v2+s29+$0x100 ss:$0x1], $0xffff  }
0x252: {  	v12 =	vmul.f32 v12, v3;
	v23 =	vmul.f32 v8, v3;
	v7 =	vld.idx.msk [tilespmem:v2+s29+$0x180 ss:$0x1], $0xffff  }
0x253: {  	v8 =	vmul.f32 v14, v4;
	v9 =	vmul.f32 v19, v5;
	v14 =	vld.idx.msk [tilespmem:v1+s29+$0x0 ss:$0x1], $0xffff  }
0x254: {  	v10 =	vmul.f32 v10, v3;
	v13 =	vmul.f32 v13, v3;
	v19 =	vld.idx.msk [tilespmem:v2+s29+$0x200 ss:$0x1], $0xffff  }
0x255: {  	v8 =	vadd.f32 v9, v8;
	v9 =	vmul.f32 v16, v4;
	v16 =	vmul.f32 v18, v5;
	v18 =	vld.idx.msk [tilespmem:v1+s29+$0x80 ss:$0x1], $0xffff  }
0x256: {  	v11 =	vmul.f32 v11, v3;
	v20 =	vmul.f32 v20, v4;
	v24 =	vld.idx.msk [tilespmem:v2+s29+$0x280 ss:$0x1], $0xffff  }
0x257: {  	v8 =	vsub.f32 v8, v13;
	v9 =	vadd.f32 v16, v9;
	v13 =	vmul.f32 v17, v5;
	v16 =	vld.idx.msk [tilespmem:v1+s29+$0x100 ss:$0x1], $0xffff  }
0x258: {  	v6 =	vmul.f32 v6, v4;
	v7 =	vmul.f32 v7, v5;
	v17 =	vld.idx.msk [tilespmem:v2+s29+$0x300 ss:$0x1], $0xffff  }
0x259: {  	v8 =	vand.u32 $0x7FFFFFFF, v8;
	v9 =	vsub.f32 v9, v11;
	v11 =	vadd.f32 v13, v20;
	v13 =	vld.idx.msk [tilespmem:v1+s29+$0x180 ss:$0x1], $0xffff  }
0x25a: {  	v14 =	vmul.f32 v14, v4;
	v8 =	vadd.f32 v8, v15;
	v15 =	vmul.f32 v19, v5;
	v19 =	vld.idx.msk [tilespmem:v2+s29+$0x380 ss:$0x1], $0xffff  }
0x25b: {  	v6 =	vadd.f32 v7, v6;
	v9 =	vand.u32 $0x7FFFFFFF, v9;
	v10 =	vsub.f32 v11, v10;
	v20 =	vld.idx.msk [tilespmem:v0+s29+$0x380 ss:$0x1], $0xffff;
	s29 =	sshra.s32 s14, $0x2  }
0x25c: {  	v18 =	vmul.f32 v18, v4;
	v11 =	vadd.f32 v9, v8;
	v24 =	vmul.f32 v24, v5;
	v7 =	vld.idx.msk [tilespmem:v0+s29+$0x300 ss:$0x1], $0xffff  }
0x25d: {  	v6 =	vsub.f32 v6, v12;
	v14 =	vadd.f32 v15, v14;
	v10 =	vand.u32 $0x7FFFFFFF, v10;
	v9 =	vld.idx.msk [tilespmem:v0+s29+$0x280 ss:$0x1], $0xffff  }
0x25e: {  	v15 =	vmul.f32 v16, v4;
	v11 =	vadd.f32 v10, v11;
	v16 =	vmul.f32 v17, v5;
	v8 =	vld.idx.msk [tilespmem:v0+s29+$0x200 ss:$0x1], $0xffff  }
0x25f: {  	v6 =	vand.u32 $0x7FFFFFFF, v6;
	v14 =	vsub.f32 v14, v23;
	v17 =	vadd.f32 v24, v18;
	v12 =	vld.idx.msk [tilespmem:v0+s29+$0x180 ss:$0x1], $0xffff  }
.Ltmp15:
0x260: {  	v23 =	vmul.f32 v13, v4;
	v18 =	vadd.f32 v6, v11;
	v19 =	vmul.f32 v19, v5;
	v10 =	vld.idx.msk [tilespmem:v0+s29+$0x100 ss:$0x1], $0xffff;
	(pc) =	sbr.rel @p0 .LBB2_33-.Ltmp15, $4  }
0x261: {  	v13 =	vand.u32 $0x7FFFFFFF, v14;
	v14 =	vsub.f32 v17, v21;
	v16 =	vadd.f32 v16, v15;
	v6 =	vld.idx.msk [tilespmem:v1+s29+$0xFFFFFF80 ss:$0x1], $0xffff  }
0x262: {  	v15 =	vmul.f32 v20, v3;
	v17 =	vadd.f32 v13, v18;
	v11 =	vld.idx.msk [tilespmem:v0+s29+$0x80 ss:$0x1], $0xffff  }
0x263: {  	v20 =	vand.u32 $0x7FFFFFFF, v14;
	v18 =	vsub.f32 v16, v22;
	v16 =	vadd.f32 v19, v23;
	v13 =	vld.idx.msk [tilespmem:v0+s29+$0x0 ss:$0x1], $0xffff  }
0x264: {  	s14 =	sadd.s32 $0x1000, s14;
	v17 =	vadd.f32 v20, v17;
	v14 =	vld.idx.msk [tilespmem:v1+s29+$0xFFFFFE00 ss:$0x1], $0xffff  }
0x265: {  	_ =	sdelay $0x3  }
0x266: {  	v19 =	vld.idx.msk [tilespmem:v2+s29+$0x0 ss:$0x1], $0xffff  }
0x267: {  	v20 =	vld.idx.msk [tilespmem:v1+s29+$0xFFFFFE80 ss:$0x1], $0xffff  }
0x268: {  	v21 =	vld.idx.msk [tilespmem:v2+s29+$0x80 ss:$0x1], $0xffff  }
0x269: {  	v22 =	vld.idx.msk [tilespmem:v1+s29+$0xFFFFFF00 ss:$0x1], $0xffff;
	v9 =	vmul.f32 v9, v3;
	v7 =	vmul.f32 v7, v3  }
0x26a: {  	v18 =	vand.u32 $0x7FFFFFFF, v18;
	v23 =	vld.idx.msk [tilespmem:v2+s29+$0x100 ss:$0x1], $0xffff;
	v12 =	vmul.f32 v12, v3;
	v8 =	vmul.f32 v8, v3  }
0x26b: {  	v15 =	vsub.f32 v16, v15;
	v37 =	vld.idx.msk [tilespmem:v2+s29+$0x180 ss:$0x1], $0xffff;
	v14 =	vmul.f32 v14, v4;
	v19 =	vmul.f32 v19, v5  }
0x26c: {  	v38 =	vld.idx.msk [tilespmem:v1+s29+$0x0 ss:$0x1], $0xffff;
	v10 =	vmul.f32 v10, v3;
	v17 =	vadd.f32 v18, v17;
	v13 =	vmul.f32 v13, v3  }
0x26d: {  	v24 =	vld.idx.msk [tilespmem:v2+s29+$0x200 ss:$0x1], $0xffff;
	v39 =	vmul.f32 v20, v4;
	v40 =	vmul.f32 v21, v5;
	v14 =	vadd.f32 v19, v14  }
0x26e: {  	v41 =	vld.idx.msk [tilespmem:v1+s29+$0x80 ss:$0x1], $0xffff;
	v15 =	vand.u32 $0x7FFFFFFF, v15;
	v11 =	vmul.f32 v11, v3;
	v22 =	vmul.f32 v22, v4  }
0x26f: {  	v42 =	vld.idx.msk [tilespmem:v2+s29+$0x280 ss:$0x1], $0xffff;
	v43 =	vmul.f32 v23, v5;
	v19 =	vadd.f32 v40, v39;
	v13 =	vsub.f32 v14, v13  }
0x270: {  	v44 =	vld.idx.msk [tilespmem:v1+s29+$0x100 ss:$0x1], $0xffff;
	v6 =	vmul.f32 v6, v4;
	v15 =	vadd.f32 v15, v17;
	v16 =	vmul.f32 v37, v5  }
0x271: {  	v45 =	vld.idx.msk [tilespmem:v2+s29+$0x300 ss:$0x1], $0xffff;
	v46 =	vadd.f32 v43, v22;
	v11 =	vsub.f32 v19, v11;
	v13 =	vand.u32 $0x7FFFFFFF, v13  }
0x272: {  	v47 =	vld.idx.msk [tilespmem:v1+s29+$0x180 ss:$0x1], $0xffff;
	v48 =	vmul.f32 v38, v4;
	v49 =	vmul.f32 v24, v5;
	v13 =	vadd.f32 v13, v15  }
0x273: {  	v50 =	vld.idx.msk [tilespmem:v2+s29+$0x380 ss:$0x1], $0xffff;
	v6 =	vadd.f32 v16, v6;
	v10 =	vsub.f32 v46, v10;
	v11 =	vand.u32 $0x7FFFFFFF, v11  }
0x274: {  	v51 =	vmul.f32 v41, v4;
	v52 =	vadd.f32 v49, v48;
	v11 =	vadd.f32 v11, v13  }
0x275: {  	v0 =	vld.idx.msk [tilespmem:v0+s29+$0x380 ss:$0x1], $0xffff;
	v14 =	vmul.f32 v42, v5;
	v6 =	vsub.f32 v6, v12;
	v10 =	vand.u32 $0x7FFFFFFF, v10  }
0x276: {  	v53 =	vmul.f32 v44, v4;
	v54 =	vmul.f32 v45, v5;
	v10 =	vadd.f32 v10, v11  }
0x277: {  	v8 =	vsub.f32 v52, v8;
	v6 =	vand.u32 $0x7FFFFFFF, v6;
	v55 =	vadd.f32 v14, v51  }
0x278: {  	v1 =	vmul.f32 v47, v4;
	v2 =	vmul.f32 v50, v5;
	v6 =	vadd.f32 v6, v10  }
0x279: {  	v58 =	vadd.f32 v54, v53;
	v56 =	vand.u32 $0x7FFFFFFF, v8;
	v57 =	vsub.f32 v55, v9  }
0x27a: {  	v0 =	vmul.f32 v0, v3;
	v4 =	vadd.f32 v56, v6  }
0x27b: {  	v1 =	vadd.f32 v2, v1;
	v60 =	vsub.f32 v58, v7;
	v59 =	vand.u32 $0x7FFFFFFF, v57  }
0x27c: {  	s14 =	sshll.u32 s0, $0x4;
	s0 =	sadd.s32 $0x1, s0;
	v61 =	vadd.f32 v59, v4  }
0x27d: {  	p0 =	sne.s32 s0, $0x8;
	v0 =	vsub.f32 v1, v0;
	v62 =	vand.u32 $0x7FFFFFFF, v60  }
.Ltmp16:
0x27e: {  	v63 =	vadd.f32 v62, v61;
	(pc) =	sbr.rel @p0 .LBB2_30-.Ltmp16, $4  }
0x27f: {  	v0 =	vand.u32 $0x7FFFFFFF, v0  }
0x280: {  	v0 =	vadd.f32 v0, v63  }
0x281: {  	s14 =	sand.u32 $0x3FFFFFF0, s14  }
0x282: {  	s2 =	sadd.s32 $0x10, s2;
	s10 =	sadd.s32 $0x10, s10;
	s11 =	sadd.s32 $0x10, s11;
	[tilespmem:s14+$0x18700] =	vst v0  }
0x283: {  	_ =	swait.ge [sflag:s28], $0x2000  }
0x284: {  	[sflag:s28] =	ssyncset.done $0x0  }
0x285: {  	[sflag:s28] =	ssyncadd.s32 $0xFFFFE000  }
0x286: {  	_ =	swait.ge [sflag:s28], $0x2000  }
0x287: {  	[sflag:s28] =	ssyncset.done $0x0  }
0x288: {  	[sflag:s28] =	ssyncadd.s32 $0xFFFFE000  }
0x289: {  	_ =	swait.ge [sflag:s28], $0x2000  }
0x28a: {  	s0 =	simm.s32 $0x0;
	s2 =	simm.s32 $0xE980;
	[sflag:s28] =	ssyncset.done $0x0  }
0x28b: {  	s10 =	simm.s32 $0x12600;
	s11 =	simm.s32 $0x16600;
	[sflag:s28] =	ssyncadd.s32 $0xFFFFE000  }
.LBB2_36:
0x28c: {  	v1 =	vmov s2;
	_ =	sdelay $0x3  }
0x28d: {  	s29 =	simm.s32 $0x0  }
0x28e: {  	v3 =	vld.idx.msk [tilespmem:v1+s29+$0x0 ss:$0x1], $0xffff  }
0x28f: {  	v5 =	vld.idx.msk [tilespmem:v1+s29+$0xFFFFFF80 ss:$0x1], $0xffff  }
0x290: {  	v4 =	vld.idx.msk [tilespmem:v1+s29+$0xFFFFFF00 ss:$0x1], $0xffff  }
0x291: {  	v0 =	vmov s10;
	v6 =	vld.idx.msk [tilespmem:v1+s29+$0xFFFFFE80 ss:$0x1], $0xffff  }
0x292: {  	v2 =	vmov s11;
	v7 =	vld.idx.msk [tilespmem:v1+s29+$0xFFFFFE00 ss:$0x1], $0xffff  }
0x293: {  	v8 =	vld.idx.msk [tilespmem:v1+s29+$0xFFFFFD80 ss:$0x1], $0xffff  }
0x294: {  	v9 =	vld.idx.msk [tilespmem:v1+s29+$0xFFFFFD00 ss:$0x1], $0xffff  }
0x295: {  	v13 =	vld.idx.msk [tilespmem:v1+s29+$0xFFFFFC80 ss:$0x1], $0xffff  }
0x296: {  	v10 =	vimm.f32 $0.0e+00;
	s14 =	simm.s32 $0x1000;
	v11 =	vimm.f32 $0.0e+00;
	v12 =	vimm.f32 $0.0e+00;
	v14 =	vld.idx.msk [tilespmem:v0+s29+$0x0 ss:$0x1], $0xffff  }
.LBB2_37:
0x297: {  	p0 =	sne.s32 s14, $0x7000;
	v15 =	vld.idx.msk [tilespmem:v2+s29+$0x0 ss:$0x1], $0xffff  }
0x298: {  	v16 =	vld.idx.msk [tilespmem:v0+s29+$0x80 ss:$0x1], $0xffff  }
0x299: {  	v17 =	vld.idx.msk [tilespmem:v2+s29+$0x80 ss:$0x1], $0xffff  }
0x29a: {  	v18 =	vld.idx.msk [tilespmem:v0+s29+$0x100 ss:$0x1], $0xffff  }
0x29b: {  	v19 =	vld.idx.msk [tilespmem:v2+s29+$0x100 ss:$0x1], $0xffff  }
0x29c: {  	v13 =	vmul.f32 v13, v13;
	v20 =	vld.idx.msk [tilespmem:v0+s29+$0x180 ss:$0x1], $0xffff  }
0x29d: {  	v14 =	vmul.f32 v14, v14;
	v15 =	vmul.f32 v15, v15;
	v21 =	vld.idx.msk [tilespmem:v2+s29+$0x180 ss:$0x1], $0xffff  }
0x29e: {  	v9 =	vmul.f32 v9, v9;
	v10 =	vadd.f32 v13, v10;
	v13 =	vmul.f32 v16, v16;
	v16 =	vld.idx.msk [tilespmem:v0+s29+$0x200 ss:$0x1], $0xffff  }
0x29f: {  	v11 =	vadd.f32 v14, v11;
	v12 =	vadd.f32 v15, v12;
	v14 =	vmul.f32 v17, v17;
	v15 =	vld.idx.msk [tilespmem:v2+s29+$0x200 ss:$0x1], $0xffff  }
0x2a0: {  	v8 =	vmul.f32 v8, v8;
	v9 =	vadd.f32 v9, v10;
	v10 =	vmul.f32 v18, v18;
	v17 =	vld.idx.msk [tilespmem:v0+s29+$0x280 ss:$0x1], $0xffff  }
0x2a1: {  	v11 =	vadd.f32 v13, v11;
	v12 =	vadd.f32 v14, v12;
	v13 =	vmul.f32 v19, v19;
	v14 =	vld.idx.msk [tilespmem:v2+s29+$0x280 ss:$0x1], $0xffff  }
0x2a2: {  	v7 =	vmul.f32 v7, v7;
	v8 =	vadd.f32 v8, v9;
	v9 =	vmul.f32 v20, v20;
	v18 =	vld.idx.msk [tilespmem:v0+s29+$0x300 ss:$0x1], $0xffff  }
0x2a3: {  	v10 =	vadd.f32 v10, v11;
	v11 =	vadd.f32 v13, v12;
	v12 =	vmul.f32 v21, v21;
	v13 =	vld.idx.msk [tilespmem:v2+s29+$0x300 ss:$0x1], $0xffff  }
0x2a4: {  	v6 =	vmul.f32 v6, v6;
	v7 =	vadd.f32 v7, v8;
	v8 =	vmul.f32 v16, v16;
	v16 =	vld.idx.msk [tilespmem:v0+s29+$0x380 ss:$0x1], $0xffff  }
0x2a5: {  	v9 =	vadd.f32 v9, v10;
	v10 =	vadd.f32 v12, v11;
	v11 =	vmul.f32 v15, v15;
	v12 =	vld.idx.msk [tilespmem:v2+s29+$0x380 ss:$0x1], $0xffff;
	s29 =	sshra.s32 s14, $0x2  }
0x2a6: {  	v6 =	vadd.f32 v6, v7;
	v7 =	vmul.f32 v4, v4;
	v17 =	vmul.f32 v17, v17;
	v15 =	vld.idx.msk [tilespmem:v1+s29+$0x0 ss:$0x1], $0xffff  }
0x2a7: {  	v8 =	vadd.f32 v8, v9;
	v9 =	vadd.f32 v11, v10;
	v10 =	vmul.f32 v14, v14;
	v19 =	vld.idx.msk [tilespmem:v1+s29+$0xFFFFFF80 ss:$0x1], $0xffff  }
0x2a8: {  	v5 =	vmul.f32 v5, v5;
	v11 =	vadd.f32 v7, v6;
	v14 =	vmul.f32 v18, v18;
	v4 =	vld.idx.msk [tilespmem:v1+s29+$0xFFFFFF00 ss:$0x1], $0xffff  }
0x2a9: {  	v17 =	vadd.f32 v17, v8;
	v9 =	vadd.f32 v10, v9;
	v10 =	vmul.f32 v13, v13;
	v6 =	vld.idx.msk [tilespmem:v1+s29+$0xFFFFFE80 ss:$0x1], $0xffff  }
.Ltmp17:
0x2aa: {  	v18 =	vadd.f32 v5, v11;
	v13 =	vmul.f32 v3, v3;
	v11 =	vmul.f32 v16, v16;
	v7 =	vld.idx.msk [tilespmem:v1+s29+$0xFFFFFE00 ss:$0x1], $0xffff;
	(pc) =	sbr.rel @p0 .LBB2_37-.Ltmp17, $4  }
0x2ab: {  	v14 =	vadd.f32 v14, v17;
	v16 =	vadd.f32 v10, v9;
	v12 =	vmul.f32 v12, v12;
	v8 =	vld.idx.msk [tilespmem:v1+s29+$0xFFFFFD80 ss:$0x1], $0xffff  }
0x2ac: {  	v10 =	vadd.f32 v13, v18;
	v3 =	vmov v15;
	v9 =	vld.idx.msk [tilespmem:v1+s29+$0xFFFFFD00 ss:$0x1], $0xffff  }
0x2ad: {  	v11 =	vadd.f32 v11, v14;
	v12 =	vadd.f32 v12, v16;
	v5 =	vmov v19;
	v13 =	vld.idx.msk [tilespmem:v1+s29+$0xFFFFFC80 ss:$0x1], $0xffff  }
0x2ae: {  	s14 =	sadd.s32 $0x1000, s14;
	v14 =	vld.idx.msk [tilespmem:v0+s29+$0x0 ss:$0x1], $0xffff  }
0x2af: {  	_ =	sdelay $0x3  }
0x2b0: {  	v15 =	vld.idx.msk [tilespmem:v2+s29+$0x0 ss:$0x1], $0xffff  }
0x2b1: {  	v16 =	vld.idx.msk [tilespmem:v0+s29+$0x80 ss:$0x1], $0xffff  }
0x2b2: {  	v17 =	vld.idx.msk [tilespmem:v2+s29+$0x80 ss:$0x1], $0xffff  }
0x2b3: {  	v18 =	vld.idx.msk [tilespmem:v0+s29+$0x100 ss:$0x1], $0xffff  }
0x2b4: {  	v19 =	vld.idx.msk [tilespmem:v2+s29+$0x100 ss:$0x1], $0xffff;
	v13 =	vmul.f32 v13, v13  }
0x2b5: {  	v20 =	vld.idx.msk [tilespmem:v0+s29+$0x180 ss:$0x1], $0xffff;
	v14 =	vmul.f32 v14, v14;
	v15 =	vmul.f32 v15, v15  }
0x2b6: {  	v21 =	vld.idx.msk [tilespmem:v2+s29+$0x180 ss:$0x1], $0xffff;
	v9 =	vmul.f32 v9, v9;
	v10 =	vadd.f32 v13, v10;
	v13 =	vmul.f32 v16, v16  }
0x2b7: {  	v16 =	vld.idx.msk [tilespmem:v0+s29+$0x200 ss:$0x1], $0xffff;
	v11 =	vadd.f32 v14, v11;
	v14 =	vmul.f32 v17, v17;
	v12 =	vadd.f32 v15, v12  }
0x2b8: {  	v8 =	vmul.f32 v8, v8;
	v15 =	vld.idx.msk [tilespmem:v2+s29+$0x200 ss:$0x1], $0xffff;
	v9 =	vadd.f32 v9, v10;
	v10 =	vmul.f32 v18, v18  }
0x2b9: {  	v11 =	vadd.f32 v13, v11;
	v13 =	vmul.f32 v19, v19;
	v12 =	vadd.f32 v14, v12  }
0x2ba: {  	v7 =	vmul.f32 v7, v7;
	v14 =	vld.idx.msk [tilespmem:v0+s29+$0x280 ss:$0x1], $0xffff;
	v8 =	vadd.f32 v8, v9;
	v9 =	vmul.f32 v20, v20  }
0x2bb: {  	v17 =	vld.idx.msk [tilespmem:v2+s29+$0x280 ss:$0x1], $0xffff;
	v10 =	vadd.f32 v10, v11;
	v11 =	vadd.f32 v13, v12;
	v12 =	vmul.f32 v21, v21  }
0x2bc: {  	v6 =	vmul.f32 v6, v6;
	v13 =	vld.idx.msk [tilespmem:v0+s29+$0x300 ss:$0x1], $0xffff;
	v7 =	vadd.f32 v7, v8;
	v8 =	vmul.f32 v16, v16  }
0x2bd: {  	v16 =	vld.idx.msk [tilespmem:v2+s29+$0x300 ss:$0x1], $0xffff;
	v9 =	vadd.f32 v9, v10;
	v10 =	vadd.f32 v12, v11;
	v11 =	vmul.f32 v15, v15  }
0x2be: {  	v4 =	vmul.f32 v4, v4;
	v12 =	vld.idx.msk [tilespmem:v0+s29+$0x380 ss:$0x1], $0xffff;
	v6 =	vadd.f32 v6, v7  }
0x2bf: {  	v7 =	vmul.f32 v14, v14;
	v8 =	vadd.f32 v8, v9;
	v9 =	vadd.f32 v11, v10;
	v10 =	vld.idx.msk [tilespmem:v2+s29+$0x380 ss:$0x1], $0xffff  }
0x2c0: {  	v5 =	vmul.f32 v5, v5;
	v11 =	vmul.f32 v17, v17;
	v4 =	vadd.f32 v4, v6  }
0x2c1: {  	v3 =	vmul.f32 v3, v3;
	v6 =	vmul.f32 v13, v13;
	v7 =	vadd.f32 v7, v8  }
0x2c2: {  	v8 =	vadd.f32 v11, v9;
	v4 =	vadd.f32 v5, v4;
	v5 =	vmul.f32 v16, v16  }
0x2c3: {  	v9 =	vmul.f32 v12, v12;
	v6 =	vadd.f32 v6, v7  }
0x2c4: {  	v3 =	vadd.f32 v3, v4;
	v4 =	vadd.f32 v5, v8;
	v5 =	vmul.f32 v10, v10  }
0x2c5: {  	v6 =	vadd.f32 v9, v6  }
0x2c6: {  	v3 =	vmax.f32 v3, $1.000000020e-24;
	v4 =	vadd.f32 v5, v4  }
0x2c7: {  	v5 =	vshra.s32 v3, $0x1;
	v6 =	vmax.f32 v6, $1.000000020e-24;
	v3 =	vmul.f32 $5.000000000e-01, v3  }
0x2c8: {  	v7 =	vshra.s32 v6, $0x1;
	v6 =	vmul.f32 $5.000000000e-01, v6;
	v4 =	vmax.f32 v4, $1.000000020e-24  }
0x2c9: {  	v7 =	vsub.s32 $0x5F3759DF, v7;
	v8 =	vshra.s32 v4, $0x1;
	v4 =	vmul.f32 $5.000000000e-01, v4  }
0x2ca: {  	v5 =	vsub.s32 $0x5F3759DF, v5;
	v9 =	vmul.f32 v7, v6;
	v8 =	vsub.s32 $0x5F3759DF, v8  }
0x2cb: {  	v10 =	vmul.f32 v5, v3;
	v11 =	vmul.f32 v8, v4  }
0x2cc: {  	v9 =	vmul.f32 v7, v9  }
0x2cd: {  	v10 =	vmul.f32 v5, v10;
	v11 =	vmul.f32 v8, v11  }
0x2ce: {  	v9 =	vsub.f32 $1.500000000e+00, v9  }
0x2cf: {  	v10 =	vsub.f32 $1.500000000e+00, v10;
	v11 =	vsub.f32 $1.500000000e+00, v11  }
0x2d0: {  	v7 =	vmul.f32 v7, v9  }
0x2d1: {  	v5 =	vmul.f32 v5, v10;
	v8 =	vmul.f32 v8, v11  }
0x2d2: {  	v9 =	vmul.f32 v7, v6  }
0x2d3: {  	v10 =	vmul.f32 v5, v3;
	v11 =	vmul.f32 v8, v4  }
0x2d4: {  	s14 =	simm.s32 $0x0;
	v9 =	vmul.f32 v9, v7  }
0x2d5: {  	v22 =	vld.idx.msk [tilespmem:v2+s14+$0x200 ss:$0x1], $0xffff;
	v10 =	vmul.f32 v10, v5;
	v11 =	vmul.f32 v11, v8  }
0x2d6: {  	v23 =	vld.idx.msk [tilespmem:v2+s14+$0x280 ss:$0x1], $0xffff;
	v9 =	vsub.f32 $1.500000000e+00, v9  }
0x2d7: {  	v18 =	vld.idx.msk [tilespmem:v2+s14+$0x0 ss:$0x1], $0xffff;
	v10 =	vsub.f32 $1.500000000e+00, v10;
	v11 =	vsub.f32 $1.500000000e+00, v11  }
0x2d8: {  	v20 =	vld.idx.msk [tilespmem:v1+s14+$0xFFFFFD00 ss:$0x1], $0xffff;
	v7 =	vmul.f32 v9, v7  }
0x2d9: {  	v15 =	vld.idx.msk [tilespmem:v0+s14+$0x80 ss:$0x1], $0xffff;
	v5 =	vmul.f32 v10, v5;
	v8 =	vmul.f32 v11, v8  }
0x2da: {  	v14 =	vld.idx.msk [tilespmem:v0+s14+$0x200 ss:$0x1], $0xffff;
	v6 =	vmul.f32 v7, v6  }
0x2db: {  	v17 =	vld.idx.msk [tilespmem:v1+s14+$0xFFFFFC80 ss:$0x1], $0xffff;
	v3 =	vmul.f32 v5, v3;
	v4 =	vmul.f32 v8, v4  }
0x2dc: {  	v12 =	vld.idx.msk [tilespmem:v0+s14+$0x280 ss:$0x1], $0xffff;
	v6 =	vmul.f32 v6, v7  }
0x2dd: {  	v9 =	vld.idx.msk [tilespmem:v0+s14+$0x180 ss:$0x1], $0xffff;
	v3 =	vmul.f32 v3, v5;
	v4 =	vmul.f32 v4, v8  }
0x2de: {  	v16 =	vld.idx.msk [tilespmem:v0+s14+$0x0 ss:$0x1], $0xffff;
	v6 =	vsub.f32 $1.500000000e+00, v6  }
0x2df: {  	v10 =	vld.idx.msk [tilespmem:v0+s14+$0x100 ss:$0x1], $0xffff;
	v19 =	vsub.f32 $1.500000000e+00, v3;
	v59 =	vsub.f32 $1.500000000e+00, v4  }
0x2e0: {  	v11 =	vld.idx.msk [tilespmem:v1+s14+$0xFFFFFE00 ss:$0x1], $0xffff;
	v3 =	vmul.f32 v6, v7  }
0x2e1: {  	v6 =	vld.idx.msk [tilespmem:v2+s14+$0x80 ss:$0x1], $0xffff;
	v4 =	vmul.f32 v19, v5;
	v5 =	vmul.f32 v59, v8  }
0x2e2: {  	v7 =	vld.idx.msk [tilespmem:v1+s14+$0xFFFFFD80 ss:$0x1], $0xffff;
	v19 =	vmul.f32 v12, v3;
	v60 =	vmul.f32 v9, v3  }
0x2e3: {  	v8 =	vld.idx.msk [tilespmem:v2+s14+$0x100 ss:$0x1], $0xffff;
	v14 =	vmul.f32 v14, v3;
	v9 =	vmul.f32 v17, v4  }
0x2e4: {  	v12 =	vld.idx.msk [tilespmem:v2+s14+$0x180 ss:$0x1], $0xffff;
	v16 =	vmul.f32 v16, v3;
	v17 =	vmul.f32 v18, v5  }
0x2e5: {  	v24 =	vld.idx.msk [tilespmem:v2+s14+$0x300 ss:$0x1], $0xffff;
	v10 =	vmul.f32 v10, v3;
	v15 =	vmul.f32 v15, v3  }
0x2e6: {  	v18 =	vld.idx.msk [tilespmem:v1+s14+$0xFFFFFE80 ss:$0x1], $0xffff;
	v6 =	vmul.f32 v6, v5;
	v9 =	vadd.f32 v17, v9;
	v17 =	vmul.f32 v20, v4  }
0x2e7: {  	v61 =	vld.idx.msk [tilespmem:v2+s14+$0x380 ss:$0x1], $0xffff;
	v11 =	vmul.f32 v11, v4;
	v7 =	vmul.f32 v7, v4  }
0x2e8: {  	v20 =	vld.idx.msk [tilespmem:v1+s14+$0xFFFFFF00 ss:$0x1], $0xffff;
	v8 =	vmul.f32 v8, v5;
	v9 =	vsub.f32 v9, v16;
	v6 =	vadd.f32 v6, v17  }
0x2e9: {  	v25 =	vld.idx.msk [tilespmem:v0+s14+$0x380 ss:$0x1], $0xffff;
	v23 =	vmul.f32 v23, v5;
	v12 =	vmul.f32 v12, v5;
	v17 =	vimm.f32 $0.0e+00  }
0x2ea: {  	v16 =	vld.idx.msk [tilespmem:v1+s14+$0xFFFFFF80 ss:$0x1], $0xffff;
	v7 =	vadd.f32 v8, v7;
	v9 =	vand.u32 $0x7FFFFFFF, v9;
	v6 =	vsub.f32 v6, v15  }
0x2eb: {  	s29 =	simm.s32 $0x400;
	v13 =	vld.idx.msk [tilespmem:v0+s14+$0x300 ss:$0x1], $0xffff;
	v11 =	vadd.f32 v12, v11;
	v8 =	vadd.f32 v9, v17;
	v17 =	vmul.f32 v18, v4  }
0x2ec: {  	v12 =	vld.idx.msk [tilespmem:v0+s29+$0x180 ss:$0x1], $0xffff;
	v18 =	vmul.f32 v22, v5;
	v10 =	vsub.f32 v7, v10;
	v6 =	vand.u32 $0x7FFFFFFF, v6  }
0x2ed: {  	v62 =	vmul.f32 v61, v5;
	v15 =	vld.idx.msk [tilespmem:v1+s14+$0x0 ss:$0x1], $0xffff;
	v20 =	vmul.f32 v20, v4;
	v6 =	vadd.f32 v6, v8  }
0x2ee: {  	v7 =	vld.idx.msk [tilespmem:v0+s29+$0x300 ss:$0x1], $0xffff;
	v11 =	vsub.f32 v11, v60;
	v10 =	vand.u32 $0x7FFFFFFF, v10;
	v17 =	vadd.f32 v18, v17  }
0x2ef: {  	v9 =	vld.idx.msk [tilespmem:v0+s29+$0x280 ss:$0x1], $0xffff;
	v16 =	vmul.f32 v16, v4;
	v18 =	vmul.f32 v24, v5;
	v6 =	vadd.f32 v10, v6  }
0x2f0: {  	v8 =	vld.idx.msk [tilespmem:v0+s29+$0x200 ss:$0x1], $0xffff;
	v11 =	vand.u32 $0x7FFFFFFF, v11;
	v14 =	vsub.f32 v17, v14;
	v17 =	vadd.f32 v23, v20  }
0x2f1: {  	v20 =	vmul.f32 v13, v3;
	v10 =	vld.idx.msk [tilespmem:v0+s29+$0x100 ss:$0x1], $0xffff;
	v16 =	vadd.f32 v18, v16;
	v13 =	vadd.f32 v11, v6  }
0x2f2: {  	v6 =	vld.idx.msk [tilespmem:v1+s29+$0xFFFFFE00 ss:$0x1], $0xffff;
	v14 =	vand.u32 $0x7FFFFFFF, v14;
	v17 =	vsub.f32 v17, v19;
	v19 =	vmul.f32 v15, v4  }
0x2f3: {  	v11 =	vld.idx.msk [tilespmem:v0+s29+$0x80 ss:$0x1], $0xffff;
	v18 =	vsub.f32 v16, v20;
	v63 =	vadd.f32 v14, v13  }
0x2f4: {  	v15 =	vmul.f32 v25, v3;
	v13 =	vld.idx.msk [tilespmem:v0+s29+$0x0 ss:$0x1], $0xffff;
	v17 =	vand.u32 $0x7FFFFFFF, v17;
	v16 =	vadd.f32 v62, v19  }
0x2f5: {  	s14 =	simm.s32 $0x2000;
	v14 =	vld.idx.msk [tilespmem:v1+s29+$0xFFFFFC80 ss:$0x1], $0xffff;
	v17 =	vadd.f32 v17, v63  }
.LBB2_39:
0x2f6: {  	p0 =	sne.s32 s14, $0x7000;
	v19 =	vld.idx.msk [tilespmem:v2+s29+$0x0 ss:$0x1], $0xffff;
	v18 =	vand.u32 $0x7FFFFFFF, v18;
	v15 =	vsub.f32 v16, v15  }
0x2f7: {  	v16 =	vld.idx.msk [tilespmem:v1+s29+$0xFFFFFD00 ss:$0x1], $0xffff;
	v17 =	vadd.f32 v18, v17  }
0x2f8: {  	v18 =	vld.idx.msk [tilespmem:v2+s29+$0x80 ss:$0x1], $0xffff;
	v15 =	vand.u32 $0x7FFFFFFF, v15  }
0x2f9: {  	v20 =	vld.idx.msk [tilespmem:v1+s29+$0xFFFFFD80 ss:$0x1], $0xffff;
	v15 =	vadd.f32 v15, v17  }
0x2fa: {  	v21 =	vmul.f32 v9, v3;
	v22 =	vmul.f32 v7, v3;
	v17 =	vld.idx.msk [tilespmem:v2+s29+$0x100 ss:$0x1], $0xffff  }
0x2fb: {  	v12 =	vmul.f32 v12, v3;
	v23 =	vmul.f32 v8, v3;
	v7 =	vld.idx.msk [tilespmem:v2+s29+$0x180 ss:$0x1], $0xffff  }
0x2fc: {  	v8 =	vmul.f32 v14, v4;
	v9 =	vmul.f32 v19, v5;
	v14 =	vld.idx.msk [tilespmem:v1+s29+$0xFFFFFE80 ss:$0x1], $0xffff  }
0x2fd: {  	v10 =	vmul.f32 v10, v3;
	v13 =	vmul.f32 v13, v3;
	v19 =	vld.idx.msk [tilespmem:v2+s29+$0x200 ss:$0x1], $0xffff  }
0x2fe: {  	v8 =	vadd.f32 v9, v8;
	v9 =	vmul.f32 v16, v4;
	v16 =	vmul.f32 v18, v5;
	v18 =	vld.idx.msk [tilespmem:v1+s29+$0xFFFFFF00 ss:$0x1], $0xffff  }
0x2ff: {  	v11 =	vmul.f32 v11, v3;
	v20 =	vmul.f32 v20, v4;
	v24 =	vld.idx.msk [tilespmem:v2+s29+$0x280 ss:$0x1], $0xffff  }
0x300: {  	v8 =	vsub.f32 v8, v13;
	v9 =	vadd.f32 v16, v9;
	v13 =	vmul.f32 v17, v5;
	v16 =	vld.idx.msk [tilespmem:v1+s29+$0xFFFFFF80 ss:$0x1], $0xffff  }
0x301: {  	v6 =	vmul.f32 v6, v4;
	v7 =	vmul.f32 v7, v5;
	v17 =	vld.idx.msk [tilespmem:v2+s29+$0x300 ss:$0x1], $0xffff  }
0x302: {  	v8 =	vand.u32 $0x7FFFFFFF, v8;
	v9 =	vsub.f32 v9, v11;
	v11 =	vadd.f32 v13, v20;
	v13 =	vld.idx.msk [tilespmem:v1+s29+$0x0 ss:$0x1], $0xffff  }
0x303: {  	v14 =	vmul.f32 v14, v4;
	v8 =	vadd.f32 v8, v15;
	v15 =	vmul.f32 v19, v5;
	v19 =	vld.idx.msk [tilespmem:v2+s29+$0x380 ss:$0x1], $0xffff  }
0x304: {  	v6 =	vadd.f32 v7, v6;
	v9 =	vand.u32 $0x7FFFFFFF, v9;
	v10 =	vsub.f32 v11, v10;
	v20 =	vld.idx.msk [tilespmem:v0+s29+$0x380 ss:$0x1], $0xffff;
	s29 =	sshra.s32 s14, $0x2  }
0x305: {  	v18 =	vmul.f32 v18, v4;
	v11 =	vadd.f32 v9, v8;
	v24 =	vmul.f32 v24, v5;
	v7 =	vld.idx.msk [tilespmem:v0+s29+$0x300 ss:$0x1], $0xffff  }
0x306: {  	v6 =	vsub.f32 v6, v12;
	v14 =	vadd.f32 v15, v14;
	v10 =	vand.u32 $0x7FFFFFFF, v10;
	v9 =	vld.idx.msk [tilespmem:v0+s29+$0x280 ss:$0x1], $0xffff  }
0x307: {  	v15 =	vmul.f32 v16, v4;
	v11 =	vadd.f32 v10, v11;
	v16 =	vmul.f32 v17, v5;
	v8 =	vld.idx.msk [tilespmem:v0+s29+$0x200 ss:$0x1], $0xffff  }
0x308: {  	v6 =	vand.u32 $0x7FFFFFFF, v6;
	v14 =	vsub.f32 v14, v23;
	v17 =	vadd.f32 v24, v18;
	v12 =	vld.idx.msk [tilespmem:v0+s29+$0x180 ss:$0x1], $0xffff  }
.Ltmp18:
0x309: {  	v23 =	vmul.f32 v13, v4;
	v18 =	vadd.f32 v6, v11;
	v19 =	vmul.f32 v19, v5;
	v10 =	vld.idx.msk [tilespmem:v0+s29+$0x100 ss:$0x1], $0xffff;
	(pc) =	sbr.rel @p0 .LBB2_39-.Ltmp18, $4  }
0x30a: {  	v13 =	vand.u32 $0x7FFFFFFF, v14;
	v14 =	vsub.f32 v17, v21;
	v16 =	vadd.f32 v16, v15;
	v6 =	vld.idx.msk [tilespmem:v1+s29+$0xFFFFFE00 ss:$0x1], $0xffff  }
0x30b: {  	v15 =	vmul.f32 v20, v3;
	v17 =	vadd.f32 v13, v18;
	v11 =	vld.idx.msk [tilespmem:v0+s29+$0x80 ss:$0x1], $0xffff  }
0x30c: {  	v20 =	vand.u32 $0x7FFFFFFF, v14;
	v18 =	vsub.f32 v16, v22;
	v16 =	vadd.f32 v19, v23;
	v13 =	vld.idx.msk [tilespmem:v0+s29+$0x0 ss:$0x1], $0xffff  }
0x30d: {  	s14 =	sadd.s32 $0x1000, s14;
	v17 =	vadd.f32 v20, v17;
	v14 =	vld.idx.msk [tilespmem:v1+s29+$0xFFFFFC80 ss:$0x1], $0xffff  }
0x30e: {  	_ =	sdelay $0x3  }
0x30f: {  	v19 =	vld.idx.msk [tilespmem:v2+s29+$0x0 ss:$0x1], $0xffff  }
0x310: {  	v20 =	vld.idx.msk [tilespmem:v1+s29+$0xFFFFFD00 ss:$0x1], $0xffff  }
0x311: {  	v21 =	vld.idx.msk [tilespmem:v2+s29+$0x80 ss:$0x1], $0xffff  }
0x312: {  	v22 =	vld.idx.msk [tilespmem:v1+s29+$0xFFFFFD80 ss:$0x1], $0xffff;
	v9 =	vmul.f32 v9, v3;
	v7 =	vmul.f32 v7, v3  }
0x313: {  	v18 =	vand.u32 $0x7FFFFFFF, v18;
	v23 =	vld.idx.msk [tilespmem:v2+s29+$0x100 ss:$0x1], $0xffff;
	v12 =	vmul.f32 v12, v3;
	v8 =	vmul.f32 v8, v3  }
0x314: {  	v15 =	vsub.f32 v16, v15;
	v37 =	vld.idx.msk [tilespmem:v2+s29+$0x180 ss:$0x1], $0xffff;
	v14 =	vmul.f32 v14, v4;
	v19 =	vmul.f32 v19, v5  }
0x315: {  	v38 =	vld.idx.msk [tilespmem:v1+s29+$0xFFFFFE80 ss:$0x1], $0xffff;
	v10 =	vmul.f32 v10, v3;
	v17 =	vadd.f32 v18, v17;
	v13 =	vmul.f32 v13, v3  }
0x316: {  	v24 =	vld.idx.msk [tilespmem:v2+s29+$0x200 ss:$0x1], $0xffff;
	v39 =	vmul.f32 v20, v4;
	v40 =	vmul.f32 v21, v5;
	v14 =	vadd.f32 v19, v14  }
0x317: {  	v41 =	vld.idx.msk [tilespmem:v1+s29+$0xFFFFFF00 ss:$0x1], $0xffff;
	v15 =	vand.u32 $0x7FFFFFFF, v15;
	v11 =	vmul.f32 v11, v3;
	v22 =	vmul.f32 v22, v4  }
0x318: {  	v42 =	vld.idx.msk [tilespmem:v2+s29+$0x280 ss:$0x1], $0xffff;
	v43 =	vmul.f32 v23, v5;
	v19 =	vadd.f32 v40, v39;
	v13 =	vsub.f32 v14, v13  }
0x319: {  	v44 =	vld.idx.msk [tilespmem:v1+s29+$0xFFFFFF80 ss:$0x1], $0xffff;
	v6 =	vmul.f32 v6, v4;
	v15 =	vadd.f32 v15, v17;
	v16 =	vmul.f32 v37, v5  }
0x31a: {  	v45 =	vld.idx.msk [tilespmem:v2+s29+$0x300 ss:$0x1], $0xffff;
	v46 =	vadd.f32 v43, v22;
	v11 =	vsub.f32 v19, v11;
	v13 =	vand.u32 $0x7FFFFFFF, v13  }
0x31b: {  	v47 =	vld.idx.msk [tilespmem:v1+s29+$0x0 ss:$0x1], $0xffff;
	v48 =	vmul.f32 v38, v4;
	v49 =	vmul.f32 v24, v5;
	v13 =	vadd.f32 v13, v15  }
0x31c: {  	v50 =	vld.idx.msk [tilespmem:v2+s29+$0x380 ss:$0x1], $0xffff;
	v6 =	vadd.f32 v16, v6;
	v10 =	vsub.f32 v46, v10;
	v11 =	vand.u32 $0x7FFFFFFF, v11  }
0x31d: {  	v51 =	vmul.f32 v41, v4;
	v52 =	vadd.f32 v49, v48;
	v11 =	vadd.f32 v11, v13  }
0x31e: {  	v0 =	vld.idx.msk [tilespmem:v0+s29+$0x380 ss:$0x1], $0xffff;
	v14 =	vmul.f32 v42, v5;
	v6 =	vsub.f32 v6, v12;
	v10 =	vand.u32 $0x7FFFFFFF, v10  }
0x31f: {  	v53 =	vmul.f32 v44, v4;
	v54 =	vmul.f32 v45, v5;
	v10 =	vadd.f32 v10, v11  }
0x320: {  	v8 =	vsub.f32 v52, v8;
	v6 =	vand.u32 $0x7FFFFFFF, v6;
	v55 =	vadd.f32 v14, v51  }
0x321: {  	v1 =	vmul.f32 v47, v4;
	v2 =	vmul.f32 v50, v5;
	v6 =	vadd.f32 v6, v10  }
0x322: {  	v58 =	vadd.f32 v54, v53;
	v56 =	vand.u32 $0x7FFFFFFF, v8;
	v57 =	vsub.f32 v55, v9  }
0x323: {  	v0 =	vmul.f32 v0, v3;
	v4 =	vadd.f32 v56, v6  }
0x324: {  	v1 =	vadd.f32 v2, v1;
	v60 =	vsub.f32 v58, v7;
	v59 =	vand.u32 $0x7FFFFFFF, v57  }
0x325: {  	s14 =	sshll.u32 s0, $0x4;
	s0 =	sadd.s32 $0x1, s0;
	v61 =	vadd.f32 v59, v4  }
0x326: {  	p0 =	sne.s32 s0, $0x8;
	v0 =	vsub.f32 v1, v0;
	v62 =	vand.u32 $0x7FFFFFFF, v60  }
.Ltmp19:
0x327: {  	v63 =	vadd.f32 v62, v61;
	(pc) =	sbr.rel @p0 .LBB2_36-.Ltmp19, $4  }
0x328: {  	v0 =	vand.u32 $0x7FFFFFFF, v0  }
0x329: {  	v0 =	vadd.f32 v0, v63  }
0x32a: {  	s14 =	sand.u32 $0x3FFFFFF0, s14  }
0x32b: {  	s2 =	sadd.s32 $0x10, s2;
	s10 =	sadd.s32 $0x10, s10;
	s11 =	sadd.s32 $0x10, s11;
	[tilespmem:s14+$0x18780] =	vst v0  }
0x32c: {  	s31 =	sadd.s32 $0x1, s31  }
0x32d: {  	p0 =	sne.s32 s31, s9  }
.Ltmp20:
0x32e: {  	s0 =	simm.s32 $0x18600;
	(pc) =	sbr.rel @p0 .LBB2_1-.Ltmp20, $4  }
0x32f: {  	[hbm4b:s8+s1] =	stream.linear.scatter [tilespmem:s0], [sflag:$0x4], $0x200, $0x38;
	[tilespmem:$0x18800] =	vst v63  }
0x330: {  	_ =	swait.ge [sflag:s30], $0x200  }
0x331: {  	[sflag:s30] =	ssyncset.done $0x0  }
0x332: {  	[sflag:s30] =	ssyncadd.s32 $0xFFFFFE00  }
0x333: {  	_ =	sfence.sel $0x180000  }
0x334: {  	[bflag:$0x0] =	sbarrier.arrive $0xFFFF  }
0x335: {  	_ =	strace $0x90000047  }
0x336: {  	s0 =	stileid.u32;
	[bflag:$0x2] =	sbarrier.arrive $0xFFFF  }
0x337: {  	p0 =	sne.s32 s0, $0x0;
	s0 =	rddreg [dreg:$0x5]  }
0x338: {  	s0 =	sadd.s32 @!p0 $0x100000, s0  }
0x339: {  	[sflag:s0] =	ssyncadd.tile.s32 @!p0 $0x1;
	_ =	shalt  }
.Lfunc_end2:
_tile_overlayer_lowered:
.L_overlay_start_2:
0x33a: {  	(tag) =	ssettag $0x2  }
0x33b: {  	s0 =	rddreg [dreg:$0x0];
	s2 =	stileid.u32  }
0x33c: {  	s1 =	rddreg [dreg:$0x1];
	p0 =	sne.s32 s2, $0x0  }
0x33d: {  	s3 =	rddreg [dreg:$0x2];
	[bflag:$0x3] =	sbarrier.arrive $0xFFFF;
	s2 =	simm.s32 @!p0 $0x1C04  }
0x33e: {  	[timem:s3], [sflag:s2] =	dma.local @!p0 [hbm:s0], s1  }
0x33f: {  	s0 =	simm.s32 @!p0 $0x4  }
0x340: {  	_ =	swait.ge @!p0 [sflag:s0], s1  }
0x341: {  	s1 =	ssub.s32 @!p0 $0x0, s1;
	[sflag:s0] =	ssyncset.done @!p0 $0x0  }
0x342: {  	[sflag:s0] =	ssyncadd.s32 @!p0 s1  }
0x343: {  	[bflag:$0x3] =	sbarrier.arrive $0xFFFF  }
0x344: {  	_ =	shalt  }

</sc_bundles>
